<compile_context>
chip_gen: v7x
topology: tpu7x:2x2x1
jax: 0.10.2.dev20260603
libtpu: 0.0.44.dev20260713+nightly
codegen_flags: <defaults>
</compile_context>

<pallas_src>
import functools

import jax
import jax.numpy as jnp
from jax import lax
from jax.experimental import pallas as pl
from jax.experimental.pallas import tpu as pltpu
from jax.experimental.pallas import tpu_sc as plsc

_N = 10000
_E = 320000
_D = 128
_L = 5
_G = 64
_C = 10

_NC = 2
_NS = 16
_NW = _NC * _NS
_EPW = _E // _NW
_K = 80
_NCHUNK = _EPW // _K
_NPAD = 10240
_RPT = _NPAD // _NS


def _agg_body(h_hbm, src_hbm, dst_hbm,
              out0_hbm, out1_hbm,
              acc, src_v, dst_v, rows0, rows1, gsem0, gsem1, zsem, dsem):
    c = lax.axis_index("c")
    s = lax.axis_index("s")
    wid = c * _NS + s

    zv = jnp.zeros((16,), jnp.float32)

    def zstore(j, carry):
        rows0[j // 8, pl.ds((j % 8) * 16, 16)] = zv
        return carry

    lax.fori_loop(0, _K * 8, zstore, 0)
    for j in range(_RPT // _K):
        pltpu.async_copy(rows0, acc.at[pl.ds(s * _RPT + j * _K, _K)], zsem)
    cp_src = pltpu.async_copy(src_hbm.at[pl.ds(wid * _EPW, _EPW)], src_v, gsem0)
    for t in range(4):
        pltpu.async_copy(dst_hbm.at[pl.ds(wid * _EPW + t * _K, _K)],
                         dst_v.at[t], dsem)
    cp_src.wait()
    for j in range(_RPT // _K):
        pltpu.make_async_copy(rows0, acc.at[pl.ds(s * _RPT + j * _K, _K)],
                              zsem).wait()
    pltpu.async_copy(h_hbm.at[src_v.at[pl.ds(0, _K)]], rows0, gsem0)
    plsc.subcore_barrier()

    def _stage_dst(t):
        tc = jnp.minimum(t, _NCHUNK - 1)
        pltpu.async_copy(dst_hbm.at[pl.ds(wid * _EPW + tc * _K, _K)],
                         dst_v.at[tc], dsem)

    def _wait_dst(t):
        pltpu.make_async_copy(dst_hbm.at[pl.ds(wid * _EPW + t * _K, _K)],
                              dst_v.at[t], dsem).wait()

    def pair(i, carry):
        t = 2 * i
        _stage_dst(t + 4)
        _stage_dst(t + 5)
        pltpu.async_copy(h_hbm.at[src_v.at[pl.ds((t + 1) * _K, _K)]], rows1, gsem1)
        pltpu.make_async_copy(h_hbm.at[src_v.at[pl.ds(t * _K, _K)]], rows0, gsem0).wait()
        _wait_dst(t)
        pltpu.sync_copy(rows0, acc.at[dst_v.at[t]], add=True)
        pltpu.async_copy(h_hbm.at[src_v.at[pl.ds((t + 2) * _K, _K)]], rows0, gsem0)
        pltpu.make_async_copy(h_hbm.at[src_v.at[pl.ds((t + 1) * _K, _K)]], rows1, gsem1).wait()
        _wait_dst(t + 1)
        pltpu.sync_copy(rows1, acc.at[dst_v.at[t + 1]], add=True)
        return carry

    lax.fori_loop(0, (_NCHUNK - 1) // 2, pair, 0)
    pltpu.make_async_copy(h_hbm.at[src_v.at[pl.ds((_NCHUNK - 1) * _K, _K)]], rows0, gsem0).wait()
    for _ in range(4):
        _wait_dst(_NCHUNK - 1)
    pltpu.sync_copy(rows0, acc.at[dst_v.at[_NCHUNK - 1]], add=True)
    plsc.subcore_barrier()

    @pl.when(c == 0)
    def _():
        pltpu.sync_copy(acc.at[pl.ds(s * _RPT, _RPT)],
                        out0_hbm.at[pl.ds(s * _RPT, _RPT)])

    @pl.when(c == 1)
    def _():
        pltpu.sync_copy(acc.at[pl.ds(s * _RPT, _RPT)],
                        out1_hbm.at[pl.ds(s * _RPT, _RPT)])


@functools.cache
def _make_agg():
    return pl.kernel(
        _agg_body,
        out_type=(jax.ShapeDtypeStruct((_NPAD, _D), jnp.float32),
                  jax.ShapeDtypeStruct((_NPAD, _D), jnp.float32)),
        mesh=plsc.VectorSubcoreMesh(core_axis_name="c", subcore_axis_name="s",
                                    num_cores=_NC, num_subcores=_NS),
        scratch_types=[
            pltpu.VMEM_SHARED((_NPAD, _D), jnp.float32),
            pltpu.VMEM((_EPW,), jnp.int32),
            pltpu.VMEM((_NCHUNK, _K), jnp.int32),
            pltpu.VMEM((_K, _D), jnp.float32),
            pltpu.VMEM((_K, _D), jnp.float32),
            pltpu.SemaphoreType.DMA,
            pltpu.SemaphoreType.DMA,
            pltpu.SemaphoreType.DMA,
            pltpu.SemaphoreType.DMA,
        ],
    )


def _layer_body(h_ref, p0_ref, p1_ref, w1_ref, b1_ref, g1_ref, be1_ref,
                w2_ref, b2_ref, eps_ref, batch_ref, h_out_ref, pooled_ref):
    h = h_ref[...]
    z = (1.0 + eps_ref[0, 0]) * h + p0_ref[...][:_N] + p1_ref[...][:_N]
    t = jnp.dot(z, w1_ref[...], preferred_element_type=jnp.float32) + b1_ref[...]
    mu = jnp.mean(t, axis=0, keepdims=True)
    var = jnp.mean((t - mu) ** 2, axis=0, keepdims=True)
    t = (t - mu) * lax.rsqrt(var + 1e-5) * g1_ref[...] + be1_ref[...]
    t = jnp.maximum(t, 0.0)
    u = jnp.dot(t, w2_ref[...], preferred_element_type=jnp.float32) + b2_ref[...]
    u = jnp.maximum(u, 0.0)
    h_out_ref[...] = u
    onehot = (batch_ref[...] ==
              lax.broadcasted_iota(jnp.int32, (_G, _N), 0)).astype(jnp.float32)
    pooled_ref[...] = jnp.dot(onehot, u, preferred_element_type=jnp.float32)


_layer = pl.pallas_call(
    _layer_body,
    out_shape=(jax.ShapeDtypeStruct((_N, _D), jnp.float32),
               jax.ShapeDtypeStruct((_G, _D), jnp.float32)),
)


def _head_body(pc_ref, w1_ref, b1_ref, g_ref, b_ref, w2_ref, b2_ref, out_ref):
    o = jnp.dot(pc_ref[...], w1_ref[...], preferred_element_type=jnp.float32) + b1_ref[...]
    mu = jnp.mean(o, axis=0, keepdims=True)
    var = jnp.mean((o - mu) ** 2, axis=0, keepdims=True)
    o = (o - mu) * lax.rsqrt(var + 1e-5) * g_ref[...] + b_ref[...]
    o = jnp.maximum(o, 0.0)
    o = jnp.dot(o, w2_ref[...], preferred_element_type=jnp.float32) + b2_ref[...]
    m = jnp.max(o, axis=-1, keepdims=True)
    e = jnp.exp(o - m)
    out_ref[...] = o - (m + jnp.log(jnp.sum(e, axis=-1, keepdims=True)))


_head = pl.pallas_call(
    _head_body,
    out_shape=jax.ShapeDtypeStruct((_G, _C), jnp.float32),
)


def kernel(x, edge_index, batch, W1, b1, g1, be1, W2, b2, eps,
           lin1_W, lin1_b, bn_g, bn_b, lin2_W, lin2_b):
    src = edge_index[0]
    dst = edge_index[1]
    batch2d = batch.reshape(1, _N)
    h = x
    pooled = []
    for i in range(_L):
        p0, p1 = _make_agg()(h, src, dst)
        h, pi = _layer(h, p0, p1, W1[i], b1[i].reshape(1, _D),
                       g1[i].reshape(1, _D), be1[i].reshape(1, _D), W2[i],
                       b2[i].reshape(1, _D), eps[i].reshape(1, 1), batch2d)
        pooled.append(pi)
    pc = jnp.concatenate(pooled, axis=1)
    return _head(pc, lin1_W, lin1_b.reshape(1, _D), bn_g.reshape(1, _D),
                 bn_b.reshape(1, _D), lin2_W, lin2_b.reshape(1, _C))

# --- scband reference (transcript-rebuilt; emitter-appended) ---
"""Pipeline reference for scband-my-gin-51221779972720 (READ-ONLY COPY).

The authoritative reference and input builder live on the scoring server;
editing this copy changes nothing except your own understanding.
"""

import jax, jax.numpy as jnp
import numpy as np

N = 10000
E = 320000
D = 128
L = 5
G = 64
C = 10

def _bn(h, gamma, beta):
    mu = jnp.mean(h, axis=0, keepdims=True)
    var = jnp.var(h, axis=0, keepdims=True)
    return (h - mu) / jnp.sqrt(var + 1e-5) * gamma + beta

def setup_inputs(seed: int = 0):
    key = jax.random.key(seed)
    ks = jax.random.split(key, 8)
    s = 0.05
    x = jax.random.normal(ks[0], (N, D), dtype=jnp.float32)
    edge_index = jax.random.randint(ks[1], (2, E), 0, N, dtype=jnp.int32)
    batch = jnp.sort(jax.random.randint(ks[2], (N,), 0, G, dtype=jnp.int32))
    W1 = jax.random.normal(ks[3], (L, D, D), dtype=jnp.float32) * s
    b1 = jnp.zeros((L, D), dtype=jnp.float32)
    g1 = jnp.ones((L, D), dtype=jnp.float32)
    be1 = jnp.zeros((L, D), dtype=jnp.float32)
    W2 = jax.random.normal(ks[4], (L, D, D), dtype=jnp.float32) * s
    b2 = jnp.zeros((L, D), dtype=jnp.float32)
    eps = jnp.zeros((L,), dtype=jnp.float32)
    lin1_W = jax.random.normal(ks[5], (L * D, D), dtype=jnp.float32) * s
    lin1_b = jnp.zeros((D,), dtype=jnp.float32)
    bn_g = jnp.ones((D,), dtype=jnp.float32)
    bn_b = jnp.zeros((D,), dtype=jnp.float32)
    lin2_W = jax.random.normal(ks[6], (D, C), dtype=jnp.float32) * s
    lin2_b = jnp.zeros((C,), dtype=jnp.float32)
    return {"x": x, "edge_index": edge_index, "batch": batch, "W1": W1, "b1": b1, "g1": g1, "be1": be1, "W2": W2, "b2": b2, "eps": eps, "lin1_W": lin1_W, "lin1_b": lin1_b, "bn_g": bn_g, "bn_b": bn_b, "lin2_W": lin2_W, "lin2_b": lin2_b}

def reference(x, edge_index, batch, W1, b1, g1, be1, W2, b2, eps, lin1_W, lin1_b, bn_g, bn_b, lin2_W, lin2_b):
    src = edge_index[0]
    dst = edge_index[1]
    h = x
    xs = []
    for i in range(L):
        agg = jax.ops.segment_sum(h[src], dst, num_segments=N)
        z = (1.0 + eps[i]) * h + agg
        z = z @ W1[i] + b1[i]
        z = _bn(z, g1[i], be1[i])
        z = jax.nn.relu(z)
        z = z @ W2[i] + b2[i]
        z = jax.nn.relu(z)
        h = z
        xs.append(h)
    xcat = jnp.concatenate(xs, axis=1)
    pooled = jax.ops.segment_sum(xcat, batch, num_segments=G)
    o = pooled @ lin1_W + lin1_b
    o = _bn(o, bn_g, bn_b)
    o = jax.nn.relu(o)
    o = o @ lin2_W + lin2_b
    return jax.nn.log_softmax(o, axis=-1)

if __name__ == "__main__":
    import jax
    _d = setup_inputs()
    print(jax.jit(kernel)(*tuple(_d.values())))

</pallas_src>

<mosaic_0001>
#map = affine_map<(d0, d1) -> (0, 0)>
#map1 = affine_map<(d0, d1) -> (0)>
module attributes {stable_mosaic.version = 14 : i64} {
  func.func @_agg_body(%arg0: i32, %arg1: i32, %arg2: memref<10000x128xf32, #tpu.memory_space<hbm>>, %arg3: memref<320000xi32, #tpu.memory_space<hbm>>, %arg4: memref<320000xi32, #tpu.memory_space<hbm>>, %arg5: memref<10240x128xf32, #tpu.memory_space<hbm>>, %arg6: memref<10240x128xf32, #tpu.memory_space<hbm>>, %arg7: memref<10240x128xf32, #tpu.memory_space<vmem_shared>>, %arg8: memref<10000xi32, #tpu.memory_space<vmem>>, %arg9: memref<125x80xi32, #tpu.memory_space<vmem>>, %arg10: memref<80x128xf32, #tpu.memory_space<vmem>>, %arg11: memref<80x128xf32, #tpu.memory_space<vmem>>, %arg12: memref<!tpu.dma_semaphore, #tpu.memory_space<semaphore_mem>>, %arg13: memref<!tpu.dma_semaphore, #tpu.memory_space<semaphore_mem>>, %arg14: memref<!tpu.dma_semaphore, #tpu.memory_space<semaphore_mem>>, %arg15: memref<!tpu.dma_semaphore, #tpu.memory_space<semaphore_mem>>) attributes {dimension_semantics = [#tpu.dimension_semantics<core_parallel>, #tpu.dimension_semantics<subcore_parallel>], iteration_bounds = array<i64: 2, 16>, scalar_prefetch = 0 : i64, scratch_operands = 9 : i64, tpu.core_type = #tpu.core_type<sc_vector_subcore>, window_params = [{transform_indices = #map}, {transform_indices = #map1}, {transform_indices = #map1}, {transform_indices = #map}, {transform_indices = #map}]} {
    %mul3A = arith.constant 16 : i32
    %mul3A_0 = arith.muli %arg0, %mul3A : i32
    %add3A = arith.addi %mul3A_0, %arg1 : i32
    %broadcast_in_dim3A = arith.constant 0.000000e+00 : f32
    %broadcast_in_dim3A_1 = vector.broadcast %broadcast_in_dim3A : f32 to vector<16xf32>
    %scan3A = arith.constant 0 : i32
    %scan3A_2 = arith.constant 0 : i32
    %scan3A_3 = arith.constant 640 : i32
    %scan3A_4 = arith.addi %scan3A_2, %scan3A_3 : i32
    %scan3A_5 = arith.constant 1 : i32
    scf.for %scan3A_267 = %scan3A_2 to %scan3A_4 step %scan3A_5  : i32 {
      %jit3A = arith.constant 8 : i32
      %div3A = arith.divsi %scan3A_267, %jit3A : i32
      %sign3A = arith.constant 0 : i32
      %sign3A_268 = arith.cmpi sgt, %scan3A_267, %sign3A : i32
      %sign3A_269 = arith.extui %sign3A_268 : i1 to i32
      %sign3A_270 = arith.constant 0 : i32
      %sign3A_271 = arith.cmpi slt, %scan3A_267, %sign3A_270 : i32
      %sign3A_272 = arith.extui %sign3A_271 : i1 to i32
      %sign3A_273 = arith.subi %sign3A_269, %sign3A_272 : i32
      %sign3A_274 = arith.constant 0 : i32
      %sign3A_275 = arith.cmpi sgt, %jit3A, %sign3A_274 : i32
      %sign3A_276 = arith.extui %sign3A_275 : i1 to i32
      %sign3A_277 = arith.constant 0 : i32
      %sign3A_278 = arith.cmpi slt, %jit3A, %sign3A_277 : i32
      %sign3A_279 = arith.extui %sign3A_278 : i1 to i32
      %sign3A_280 = arith.subi %sign3A_276, %sign3A_279 : i32
      %ne3A = arith.cmpi ne, %sign3A_273, %sign3A_280 : i32
      %rem3A = arith.remsi %scan3A_267, %jit3A : i32
      %ne3A_281 = arith.constant 0 : i32
      %ne3A_282 = arith.cmpi ne, %rem3A, %ne3A_281 : i32
      %and3A = arith.andi %ne3A, %ne3A_282 : i1
      %sub3A = arith.constant 1 : i32
      %sub3A_283 = arith.subi %div3A, %sub3A : i32
      %select_n3A = arith.select %and3A, %sub3A_283, %div3A : i32
      %jit3A_284 = arith.constant 8 : i32
      %eq3A_285 = arith.constant 0 : i32
      %eq3A_286 = arith.cmpi eq, %jit3A_284, %eq3A_285 : i32
      %jit3A_287 = arith.constant 1 : i32
      %select_n3A_288 = arith.select %eq3A_286, %jit3A_287, %jit3A_284 : i32
      %rem3A_289 = arith.remsi %scan3A_267, %select_n3A_288 : i32
      %ne3A_290 = arith.constant 0 : i32
      %ne3A_291 = arith.cmpi ne, %rem3A_289, %ne3A_290 : i32
      %lt3A = arith.constant 0 : i32
      %lt3A_292 = arith.cmpi slt, %rem3A_289, %lt3A : i32
      %lt3A_293 = arith.constant 0 : i32
      %lt3A_294 = arith.cmpi slt, %select_n3A_288, %lt3A_293 : i32
      %ne3A_295 = arith.xori %lt3A_292, %lt3A_294 : i1
      %and3A_296 = arith.andi %ne3A_295, %ne3A_291 : i1
      %add3A_297 = arith.addi %rem3A_289, %select_n3A_288 : i32
      %select_n3A_298 = arith.select %and3A_296, %add3A_297, %rem3A_289 : i32
      %mul3A_299 = arith.constant 16 : i32
      %mul3A_300 = arith.muli %select_n3A_298, %mul3A_299 : i32
      %swap3A = arith.index_cast %select_n3A : i32 to index
      %swap3A_301 = arith.index_cast %mul3A_300 : i32 to index
      %swap3A_302 = tpu.vector_load %arg10[%swap3A, %swap3A_301] {strides = array<i32>} : memref<80x128xf32, #tpu.memory_space<vmem>>, vector<1x16xf32>,
      %swap3A_303 = vector.shape_cast %swap3A_302 : vector<1x16xf32> to vector<16xf32>
      %swap3A_304 = vector.shape_cast %broadcast_in_dim3A_1 : vector<16xf32> to vector<1x16xf32>
      tpu.vector_store %arg10[%swap3A, %swap3A_301], %swap3A_304 {strides = array<i32>} : memref<80x128xf32, #tpu.memory_space<vmem>>, vector<1x16xf32>,
    }
    %scan3A_6 = arith.constant 640 : i32
    %mul3A_7 = arith.constant 640 : i32
    %mul3A_8 = arith.muli %arg1, %mul3A_7 : i32
    %add3A_9 = arith.constant 0 : i32
    %add3A_10 = arith.addi %mul3A_8, %add3A_9 : i32
    %dma_start3A = arith.constant 0 : i32
    %dma_start3A_11 = tpu.memref_slice %arg7[%add3A_10, %dma_start3A] : memref<10240x128xf32, #tpu.memory_space<vmem_shared>> -> memref<80x128xf32, #tpu.memory_space<vmem_shared>>
    %dma_start3A_12 = arith.constant 0 : i32
    %dma_start3A_13 = tpu.memref_slice %arg7[%add3A_10, %dma_start3A_12] : memref<10240x128xf32, #tpu.memory_space<vmem_shared>> -> memref<80x128xf32, #tpu.memory_space<vmem_shared>>
    tpu.enqueue_dma source(%arg10 : memref<80x128xf32, #tpu.memory_space<vmem>>) target(%dma_start3A_13 : memref<80x128xf32, #tpu.memory_space<vmem_shared>>) target_semaphore(%arg14 : memref<!tpu.dma_semaphore, #tpu.memory_space<semaphore_mem>>)
    %mul3A_14 = arith.constant 640 : i32
    %mul3A_15 = arith.muli %arg1, %mul3A_14 : i32
    %add3A_16 = arith.constant 80 : i32
    %add3A_17 = arith.addi %mul3A_15, %add3A_16 : i32
    %dma_start3A_18 = arith.constant 0 : i32
    %dma_start3A_19 = tpu.memref_slice %arg7[%add3A_17, %dma_start3A_18] : memref<10240x128xf32, #tpu.memory_space<vmem_shared>> -> memref<80x128xf32, #tpu.memory_space<vmem_shared>>
    %dma_start3A_20 = arith.constant 0 : i32
    %dma_start3A_21 = tpu.memref_slice %arg7[%add3A_17, %dma_start3A_20] : memref<10240x128xf32, #tpu.memory_space<vmem_shared>> -> memref<80x128xf32, #tpu.memory_space<vmem_shared>>
    tpu.enqueue_dma source(%arg10 : memref<80x128xf32, #tpu.memory_space<vmem>>) target(%dma_start3A_21 : memref<80x128xf32, #tpu.memory_space<vmem_shared>>) target_semaphore(%arg14 : memref<!tpu.dma_semaphore, #tpu.memory_space<semaphore_mem>>)
    %mul3A_22 = arith.constant 640 : i32
    %mul3A_23 = arith.muli %arg1, %mul3A_22 : i32
    %add3A_24 = arith.constant 160 : i32
    %add3A_25 = arith.addi %mul3A_23, %add3A_24 : i32
    %dma_start3A_26 = arith.constant 0 : i32
    %dma_start3A_27 = tpu.memref_slice %arg7[%add3A_25, %dma_start3A_26] : memref<10240x128xf32, #tpu.memory_space<vmem_shared>> -> memref<80x128xf32, #tpu.memory_space<vmem_shared>>
    %dma_start3A_28 = arith.constant 0 : i32
    %dma_start3A_29 = tpu.memref_slice %arg7[%add3A_25, %dma_start3A_28] : memref<10240x128xf32, #tpu.memory_space<vmem_shared>> -> memref<80x128xf32, #tpu.memory_space<vmem_shared>>
    tpu.enqueue_dma source(%arg10 : memref<80x128xf32, #tpu.memory_space<vmem>>) target(%dma_start3A_29 : memref<80x128xf32, #tpu.memory_space<vmem_shared>>) target_semaphore(%arg14 : memref<!tpu.dma_semaphore, #tpu.memory_space<semaphore_mem>>)
    %mul3A_30 = arith.constant 640 : i32
    %mul3A_31 = arith.muli %arg1, %mul3A_30 : i32
    %add3A_32 = arith.constant 240 : i32
    %add3A_33 = arith.addi %mul3A_31, %add3A_32 : i32
    %dma_start3A_34 = arith.constant 0 : i32
    %dma_start3A_35 = tpu.memref_slice %arg7[%add3A_33, %dma_start3A_34] : memref<10240x128xf32, #tpu.memory_space<vmem_shared>> -> memref<80x128xf32, #tpu.memory_space<vmem_shared>>
    %dma_start3A_36 = arith.constant 0 : i32
    %dma_start3A_37 = tpu.memref_slice %arg7[%add3A_33, %dma_start3A_36] : memref<10240x128xf32, #tpu.memory_space<vmem_shared>> -> memref<80x128xf32, #tpu.memory_space<vmem_shared>>
    tpu.enqueue_dma source(%arg10 : memref<80x128xf32, #tpu.memory_space<vmem>>) target(%dma_start3A_37 : memref<80x128xf32, #tpu.memory_space<vmem_shared>>) target_semaphore(%arg14 : memref<!tpu.dma_semaphore, #tpu.memory_space<semaphore_mem>>)
    %mul3A_38 = arith.constant 640 : i32
    %mul3A_39 = arith.muli %arg1, %mul3A_38 : i32
    %add3A_40 = arith.constant 320 : i32
    %add3A_41 = arith.addi %mul3A_39, %add3A_40 : i32
    %dma_start3A_42 = arith.constant 0 : i32
    %dma_start3A_43 = tpu.memref_slice %arg7[%add3A_41, %dma_start3A_42] : memref<10240x128xf32, #tpu.memory_space<vmem_shared>> -> memref<80x128xf32, #tpu.memory_space<vmem_shared>>
    %dma_start3A_44 = arith.constant 0 : i32
    %dma_start3A_45 = tpu.memref_slice %arg7[%add3A_41, %dma_start3A_44] : memref<10240x128xf32, #tpu.memory_space<vmem_shared>> -> memref<80x128xf32, #tpu.memory_space<vmem_shared>>
    tpu.enqueue_dma source(%arg10 : memref<80x128xf32, #tpu.memory_space<vmem>>) target(%dma_start3A_45 : memref<80x128xf32, #tpu.memory_space<vmem_shared>>) target_semaphore(%arg14 : memref<!tpu.dma_semaphore, #tpu.memory_space<semaphore_mem>>)
    %mul3A_46 = arith.constant 640 : i32
    %mul3A_47 = arith.muli %arg1, %mul3A_46 : i32
    %add3A_48 = arith.constant 400 : i32
    %add3A_49 = arith.addi %mul3A_47, %add3A_48 : i32
    %dma_start3A_50 = arith.constant 0 : i32
    %dma_start3A_51 = tpu.memref_slice %arg7[%add3A_49, %dma_start3A_50] : memref<10240x128xf32, #tpu.memory_space<vmem_shared>> -> memref<80x128xf32, #tpu.memory_space<vmem_shared>>
    %dma_start3A_52 = arith.constant 0 : i32
    %dma_start3A_53 = tpu.memref_slice %arg7[%add3A_49, %dma_start3A_52] : memref<10240x128xf32, #tpu.memory_space<vmem_shared>> -> memref<80x128xf32, #tpu.memory_space<vmem_shared>>
    tpu.enqueue_dma source(%arg10 : memref<80x128xf32, #tpu.memory_space<vmem>>) target(%dma_start3A_53 : memref<80x128xf32, #tpu.memory_space<vmem_shared>>) target_semaphore(%arg14 : memref<!tpu.dma_semaphore, #tpu.memory_space<semaphore_mem>>)
    %mul3A_54 = arith.constant 640 : i32
    %mul3A_55 = arith.muli %arg1, %mul3A_54 : i32
    %add3A_56 = arith.constant 480 : i32
    %add3A_57 = arith.addi %mul3A_55, %add3A_56 : i32
    %dma_start3A_58 = arith.constant 0 : i32
    %dma_start3A_59 = tpu.memref_slice %arg7[%add3A_57, %dma_start3A_58] : memref<10240x128xf32, #tpu.memory_space<vmem_shared>> -> memref<80x128xf32, #tpu.memory_space<vmem_shared>>
    %dma_start3A_60 = arith.constant 0 : i32
    %dma_start3A_61 = tpu.memref_slice %arg7[%add3A_57, %dma_start3A_60] : memref<10240x128xf32, #tpu.memory_space<vmem_shared>> -> memref<80x128xf32, #tpu.memory_space<vmem_shared>>
    tpu.enqueue_dma source(%arg10 : memref<80x128xf32, #tpu.memory_space<vmem>>) target(%dma_start3A_61 : memref<80x128xf32, #tpu.memory_space<vmem_shared>>) target_semaphore(%arg14 : memref<!tpu.dma_semaphore, #tpu.memory_space<semaphore_mem>>)
    %mul3A_62 = arith.constant 640 : i32
    %mul3A_63 = arith.muli %arg1, %mul3A_62 : i32
    %add3A_64 = arith.constant 560 : i32
    %add3A_65 = arith.addi %mul3A_63, %add3A_64 : i32
    %dma_start3A_66 = arith.constant 0 : i32
    %dma_start3A_67 = tpu.memref_slice %arg7[%add3A_65, %dma_start3A_66] : memref<10240x128xf32, #tpu.memory_space<vmem_shared>> -> memref<80x128xf32, #tpu.memory_space<vmem_shared>>
    %dma_start3A_68 = arith.constant 0 : i32
    %dma_start3A_69 = tpu.memref_slice %arg7[%add3A_65, %dma_start3A_68] : memref<10240x128xf32, #tpu.memory_space<vmem_shared>> -> memref<80x128xf32, #tpu.memory_space<vmem_shared>>
    tpu.enqueue_dma source(%arg10 : memref<80x128xf32, #tpu.memory_space<vmem>>) target(%dma_start3A_69 : memref<80x128xf32, #tpu.memory_space<vmem_shared>>) target_semaphore(%arg14 : memref<!tpu.dma_semaphore, #tpu.memory_space<semaphore_mem>>)
    %mul3A_70 = arith.constant 10000 : i32
    %mul3A_71 = arith.muli %add3A, %mul3A_70 : i32
    %dma_start3A_72 = tpu.memref_slice %arg3[%mul3A_71] : memref<320000xi32, #tpu.memory_space<hbm>> -> memref<10000xi32, #tpu.memory_space<hbm>>
    %dma_start3A_73 = tpu.memref_slice %arg3[%mul3A_71] : memref<320000xi32, #tpu.memory_space<hbm>> -> memref<10000xi32, #tpu.memory_space<hbm>>
    tpu.enqueue_dma source(%dma_start3A_73 : memref<10000xi32, #tpu.memory_space<hbm>>) target(%arg8 : memref<10000xi32, #tpu.memory_space<vmem>>) target_semaphore(%arg12 : memref<!tpu.dma_semaphore, #tpu.memory_space<semaphore_mem>>)
    %mul3A_74 = arith.constant 10000 : i32
    %mul3A_75 = arith.muli %add3A, %mul3A_74 : i32
    %add3A_76 = arith.constant 0 : i32
    %add3A_77 = arith.addi %mul3A_75, %add3A_76 : i32
    %dma_start3A_78 = arith.constant 0 : i32
    %dma_start3A_79 = arith.constant 0 : i32
    %dma_start3A_80 = tpu.memref_slice %arg9[%dma_start3A_78, %dma_start3A_79] : memref<125x80xi32, #tpu.memory_space<vmem>> -> memref<1x80xi32, #tpu.memory_space<vmem>>
    %dma_start3A_81 = tpu.memref_squeeze %dma_start3A_80 : memref<1x80xi32, #tpu.memory_space<vmem>> -> memref<80xi32, #tpu.memory_space<vmem>>
    %dma_start3A_82 = tpu.memref_slice %arg4[%add3A_77] : memref<320000xi32, #tpu.memory_space<hbm>> -> memref<80xi32, #tpu.memory_space<hbm>>
    %dma_start3A_83 = arith.constant 0 : i32
    %dma_start3A_84 = tpu.memref_slice %arg9[%dma_start3A_78, %dma_start3A_83] : memref<125x80xi32, #tpu.memory_space<vmem>> -> memref<1x80xi32, #tpu.memory_space<vmem>>
    %dma_start3A_85 = tpu.memref_squeeze %dma_start3A_84 : memref<1x80xi32, #tpu.memory_space<vmem>> -> memref<80xi32, #tpu.memory_space<vmem>>
    %dma_start3A_86 = tpu.memref_slice %arg4[%add3A_77] : memref<320000xi32, #tpu.memory_space<hbm>> -> memref<80xi32, #tpu.memory_space<hbm>>
    tpu.enqueue_dma source(%dma_start3A_86 : memref<80xi32, #tpu.memory_space<hbm>>) target(%dma_start3A_85 : memref<80xi32, #tpu.memory_space<vmem>>) target_semaphore(%arg15 : memref<!tpu.dma_semaphore, #tpu.memory_space<semaphore_mem>>)
    %mul3A_87 = arith.constant 10000 : i32
    %mul3A_88 = arith.muli %add3A, %mul3A_87 : i32
    %add3A_89 = arith.constant 80 : i32
    %add3A_90 = arith.addi %mul3A_88, %add3A_89 : i32
    %dma_start3A_91 = arith.constant 1 : i32
    %dma_start3A_92 = arith.constant 0 : i32
    %dma_start3A_93 = tpu.memref_slice %arg9[%dma_start3A_91, %dma_start3A_92] : memref<125x80xi32, #tpu.memory_space<vmem>> -> memref<1x80xi32, #tpu.memory_space<vmem>>
    %dma_start3A_94 = tpu.memref_squeeze %dma_start3A_93 : memref<1x80xi32, #tpu.memory_space<vmem>> -> memref<80xi32, #tpu.memory_space<vmem>>
    %dma_start3A_95 = tpu.memref_slice %arg4[%add3A_90] : memref<320000xi32, #tpu.memory_space<hbm>> -> memref<80xi32, #tpu.memory_space<hbm>>
    %dma_start3A_96 = arith.constant 0 : i32
    %dma_start3A_97 = tpu.memref_slice %arg9[%dma_start3A_91, %dma_start3A_96] : memref<125x80xi32, #tpu.memory_space<vmem>> -> memref<1x80xi32, #tpu.memory_space<vmem>>
    %dma_start3A_98 = tpu.memref_squeeze %dma_start3A_97 : memref<1x80xi32, #tpu.memory_space<vmem>> -> memref<80xi32, #tpu.memory_space<vmem>>
    %dma_start3A_99 = tpu.memref_slice %arg4[%add3A_90] : memref<320000xi32, #tpu.memory_space<hbm>> -> memref<80xi32, #tpu.memory_space<hbm>>
    tpu.enqueue_dma source(%dma_start3A_99 : memref<80xi32, #tpu.memory_space<hbm>>) target(%dma_start3A_98 : memref<80xi32, #tpu.memory_space<vmem>>) target_semaphore(%arg15 : memref<!tpu.dma_semaphore, #tpu.memory_space<semaphore_mem>>)
    %mul3A_100 = arith.constant 10000 : i32
    %mul3A_101 = arith.muli %add3A, %mul3A_100 : i32
    %add3A_102 = arith.constant 160 : i32
    %add3A_103 = arith.addi %mul3A_101, %add3A_102 : i32
    %dma_start3A_104 = arith.constant 2 : i32
    %dma_start3A_105 = arith.constant 0 : i32
    %dma_start3A_106 = tpu.memref_slice %arg9[%dma_start3A_104, %dma_start3A_105] : memref<125x80xi32, #tpu.memory_space<vmem>> -> memref<1x80xi32, #tpu.memory_space<vmem>>
    %dma_start3A_107 = tpu.memref_squeeze %dma_start3A_106 : memref<1x80xi32, #tpu.memory_space<vmem>> -> memref<80xi32, #tpu.memory_space<vmem>>
    %dma_start3A_108 = tpu.memref_slice %arg4[%add3A_103] : memref<320000xi32, #tpu.memory_space<hbm>> -> memref<80xi32, #tpu.memory_space<hbm>>
    %dma_start3A_109 = arith.constant 0 : i32
    %dma_start3A_110 = tpu.memref_slice %arg9[%dma_start3A_104, %dma_start3A_109] : memref<125x80xi32, #tpu.memory_space<vmem>> -> memref<1x80xi32, #tpu.memory_space<vmem>>
    %dma_start3A_111 = tpu.memref_squeeze %dma_start3A_110 : memref<1x80xi32, #tpu.memory_space<vmem>> -> memref<80xi32, #tpu.memory_space<vmem>>
    %dma_start3A_112 = tpu.memref_slice %arg4[%add3A_103] : memref<320000xi32, #tpu.memory_space<hbm>> -> memref<80xi32, #tpu.memory_space<hbm>>
    tpu.enqueue_dma source(%dma_start3A_112 : memref<80xi32, #tpu.memory_space<hbm>>) target(%dma_start3A_111 : memref<80xi32, #tpu.memory_space<vmem>>) target_semaphore(%arg15 : memref<!tpu.dma_semaphore, #tpu.memory_space<semaphore_mem>>)
    %mul3A_113 = arith.constant 10000 : i32
    %mul3A_114 = arith.muli %add3A, %mul3A_113 : i32
    %add3A_115 = arith.constant 240 : i32
    %add3A_116 = arith.addi %mul3A_114, %add3A_115 : i32
    %dma_start3A_117 = arith.constant 3 : i32
    %dma_start3A_118 = arith.constant 0 : i32
    %dma_start3A_119 = tpu.memref_slice %arg9[%dma_start3A_117, %dma_start3A_118] : memref<125x80xi32, #tpu.memory_space<vmem>> -> memref<1x80xi32, #tpu.memory_space<vmem>>
    %dma_start3A_120 = tpu.memref_squeeze %dma_start3A_119 : memref<1x80xi32, #tpu.memory_space<vmem>> -> memref<80xi32, #tpu.memory_space<vmem>>
    %dma_start3A_121 = tpu.memref_slice %arg4[%add3A_116] : memref<320000xi32, #tpu.memory_space<hbm>> -> memref<80xi32, #tpu.memory_space<hbm>>
    %dma_start3A_122 = arith.constant 0 : i32
    %dma_start3A_123 = tpu.memref_slice %arg9[%dma_start3A_117, %dma_start3A_122] : memref<125x80xi32, #tpu.memory_space<vmem>> -> memref<1x80xi32, #tpu.memory_space<vmem>>
    %dma_start3A_124 = tpu.memref_squeeze %dma_start3A_123 : memref<1x80xi32, #tpu.memory_space<vmem>> -> memref<80xi32, #tpu.memory_space<vmem>>
    %dma_start3A_125 = tpu.memref_slice %arg4[%add3A_116] : memref<320000xi32, #tpu.memory_space<hbm>> -> memref<80xi32, #tpu.memory_space<hbm>>
    tpu.enqueue_dma source(%dma_start3A_125 : memref<80xi32, #tpu.memory_space<hbm>>) target(%dma_start3A_124 : memref<80xi32, #tpu.memory_space<vmem>>) target_semaphore(%arg15 : memref<!tpu.dma_semaphore, #tpu.memory_space<semaphore_mem>>)
    %dma_wait3A = tpu.memref_slice %arg3[%mul3A_71] : memref<320000xi32, #tpu.memory_space<hbm>> -> memref<10000xi32, #tpu.memory_space<hbm>>
    %dma_wait3A_126 = tpu.memref_slice %arg3[%mul3A_71] : memref<320000xi32, #tpu.memory_space<hbm>> -> memref<10000xi32, #tpu.memory_space<hbm>>
    tpu.wait_dma2 semaphore(%arg12 : memref<!tpu.dma_semaphore, #tpu.memory_space<semaphore_mem>>) src(%dma_wait3A_126 : memref<10000xi32, #tpu.memory_space<hbm>>) dst(%arg8 : memref<10000xi32, #tpu.memory_space<vmem>>)
    %mul3A_127 = arith.constant 640 : i32
    %mul3A_128 = arith.muli %arg1, %mul3A_127 : i32
    %add3A_129 = arith.constant 0 : i32
    %add3A_130 = arith.addi %mul3A_128, %add3A_129 : i32
    %dma_wait3A_131 = arith.constant 0 : i32
    %dma_wait3A_132 = tpu.memref_slice %arg7[%add3A_130, %dma_wait3A_131] : memref<10240x128xf32, #tpu.memory_space<vmem_shared>> -> memref<80x128xf32, #tpu.memory_space<vmem_shared>>
    %dma_wait3A_133 = arith.constant 0 : i32
    %dma_wait3A_134 = tpu.memref_slice %arg7[%add3A_130, %dma_wait3A_133] : memref<10240x128xf32, #tpu.memory_space<vmem_shared>> -> memref<80x128xf32, #tpu.memory_space<vmem_shared>>
    tpu.wait_dma2 semaphore(%arg14 : memref<!tpu.dma_semaphore, #tpu.memory_space<semaphore_mem>>) src(%arg10 : memref<80x128xf32, #tpu.memory_space<vmem>>) dst(%dma_wait3A_134 : memref<80x128xf32, #tpu.memory_space<vmem_shared>>)
    %mul3A_135 = arith.constant 640 : i32
    %mul3A_136 = arith.muli %arg1, %mul3A_135 : i32
    %add3A_137 = arith.constant 80 : i32
    %add3A_138 = arith.addi %mul3A_136, %add3A_137 : i32
    %dma_wait3A_139 = arith.constant 0 : i32
    %dma_wait3A_140 = tpu.memref_slice %arg7[%add3A_138, %dma_wait3A_139] : memref<10240x128xf32, #tpu.memory_space<vmem_shared>> -> memref<80x128xf32, #tpu.memory_space<vmem_shared>>
    %dma_wait3A_141 = arith.constant 0 : i32
    %dma_wait3A_142 = tpu.memref_slice %arg7[%add3A_138, %dma_wait3A_141] : memref<10240x128xf32, #tpu.memory_space<vmem_shared>> -> memref<80x128xf32, #tpu.memory_space<vmem_shared>>
    tpu.wait_dma2 semaphore(%arg14 : memref<!tpu.dma_semaphore, #tpu.memory_space<semaphore_mem>>) src(%arg10 : memref<80x128xf32, #tpu.memory_space<vmem>>) dst(%dma_wait3A_142 : memref<80x128xf32, #tpu.memory_space<vmem_shared>>)
    %mul3A_143 = arith.constant 640 : i32
    %mul3A_144 = arith.muli %arg1, %mul3A_143 : i32
    %add3A_145 = arith.constant 160 : i32
    %add3A_146 = arith.addi %mul3A_144, %add3A_145 : i32
    %dma_wait3A_147 = arith.constant 0 : i32
    %dma_wait3A_148 = tpu.memref_slice %arg7[%add3A_146, %dma_wait3A_147] : memref<10240x128xf32, #tpu.memory_space<vmem_shared>> -> memref<80x128xf32, #tpu.memory_space<vmem_shared>>
    %dma_wait3A_149 = arith.constant 0 : i32
    %dma_wait3A_150 = tpu.memref_slice %arg7[%add3A_146, %dma_wait3A_149] : memref<10240x128xf32, #tpu.memory_space<vmem_shared>> -> memref<80x128xf32, #tpu.memory_space<vmem_shared>>
    tpu.wait_dma2 semaphore(%arg14 : memref<!tpu.dma_semaphore, #tpu.memory_space<semaphore_mem>>) src(%arg10 : memref<80x128xf32, #tpu.memory_space<vmem>>) dst(%dma_wait3A_150 : memref<80x128xf32, #tpu.memory_space<vmem_shared>>)
    %mul3A_151 = arith.constant 640 : i32
    %mul3A_152 = arith.muli %arg1, %mul3A_151 : i32
    %add3A_153 = arith.constant 240 : i32
    %add3A_154 = arith.addi %mul3A_152, %add3A_153 : i32
    %dma_wait3A_155 = arith.constant 0 : i32
    %dma_wait3A_156 = tpu.memref_slice %arg7[%add3A_154, %dma_wait3A_155] : memref<10240x128xf32, #tpu.memory_space<vmem_shared>> -> memref<80x128xf32, #tpu.memory_space<vmem_shared>>
    %dma_wait3A_157 = arith.constant 0 : i32
    %dma_wait3A_158 = tpu.memref_slice %arg7[%add3A_154, %dma_wait3A_157] : memref<10240x128xf32, #tpu.memory_space<vmem_shared>> -> memref<80x128xf32, #tpu.memory_space<vmem_shared>>
    tpu.wait_dma2 semaphore(%arg14 : memref<!tpu.dma_semaphore, #tpu.memory_space<semaphore_mem>>) src(%arg10 : memref<80x128xf32, #tpu.memory_space<vmem>>) dst(%dma_wait3A_158 : memref<80x128xf32, #tpu.memory_space<vmem_shared>>)
    %mul3A_159 = arith.constant 640 : i32
    %mul3A_160 = arith.muli %arg1, %mul3A_159 : i32
    %add3A_161 = arith.constant 320 : i32
    %add3A_162 = arith.addi %mul3A_160, %add3A_161 : i32
    %dma_wait3A_163 = arith.constant 0 : i32
    %dma_wait3A_164 = tpu.memref_slice %arg7[%add3A_162, %dma_wait3A_163] : memref<10240x128xf32, #tpu.memory_space<vmem_shared>> -> memref<80x128xf32, #tpu.memory_space<vmem_shared>>
    %dma_wait3A_165 = arith.constant 0 : i32
    %dma_wait3A_166 = tpu.memref_slice %arg7[%add3A_162, %dma_wait3A_165] : memref<10240x128xf32, #tpu.memory_space<vmem_shared>> -> memref<80x128xf32, #tpu.memory_space<vmem_shared>>
    tpu.wait_dma2 semaphore(%arg14 : memref<!tpu.dma_semaphore, #tpu.memory_space<semaphore_mem>>) src(%arg10 : memref<80x128xf32, #tpu.memory_space<vmem>>) dst(%dma_wait3A_166 : memref<80x128xf32, #tpu.memory_space<vmem_shared>>)
    %mul3A_167 = arith.constant 640 : i32
    %mul3A_168 = arith.muli %arg1, %mul3A_167 : i32
    %add3A_169 = arith.constant 400 : i32
    %add3A_170 = arith.addi %mul3A_168, %add3A_169 : i32
    %dma_wait3A_171 = arith.constant 0 : i32
    %dma_wait3A_172 = tpu.memref_slice %arg7[%add3A_170, %dma_wait3A_171] : memref<10240x128xf32, #tpu.memory_space<vmem_shared>> -> memref<80x128xf32, #tpu.memory_space<vmem_shared>>
    %dma_wait3A_173 = arith.constant 0 : i32
    %dma_wait3A_174 = tpu.memref_slice %arg7[%add3A_170, %dma_wait3A_173] : memref<10240x128xf32, #tpu.memory_space<vmem_shared>> -> memref<80x128xf32, #tpu.memory_space<vmem_shared>>
    tpu.wait_dma2 semaphore(%arg14 : memref<!tpu.dma_semaphore, #tpu.memory_space<semaphore_mem>>) src(%arg10 : memref<80x128xf32, #tpu.memory_space<vmem>>) dst(%dma_wait3A_174 : memref<80x128xf32, #tpu.memory_space<vmem_shared>>)
    %mul3A_175 = arith.constant 640 : i32
    %mul3A_176 = arith.muli %arg1, %mul3A_175 : i32
    %add3A_177 = arith.constant 480 : i32
    %add3A_178 = arith.addi %mul3A_176, %add3A_177 : i32
    %dma_wait3A_179 = arith.constant 0 : i32
    %dma_wait3A_180 = tpu.memref_slice %arg7[%add3A_178, %dma_wait3A_179] : memref<10240x128xf32, #tpu.memory_space<vmem_shared>> -> memref<80x128xf32, #tpu.memory_space<vmem_shared>>
    %dma_wait3A_181 = arith.constant 0 : i32
    %dma_wait3A_182 = tpu.memref_slice %arg7[%add3A_178, %dma_wait3A_181] : memref<10240x128xf32, #tpu.memory_space<vmem_shared>> -> memref<80x128xf32, #tpu.memory_space<vmem_shared>>
    tpu.wait_dma2 semaphore(%arg14 : memref<!tpu.dma_semaphore, #tpu.memory_space<semaphore_mem>>) src(%arg10 : memref<80x128xf32, #tpu.memory_space<vmem>>) dst(%dma_wait3A_182 : memref<80x128xf32, #tpu.memory_space<vmem_shared>>)
    %mul3A_183 = arith.constant 640 : i32
    %mul3A_184 = arith.muli %arg1, %mul3A_183 : i32
    %add3A_185 = arith.constant 560 : i32
    %add3A_186 = arith.addi %mul3A_184, %add3A_185 : i32
    %dma_wait3A_187 = arith.constant 0 : i32
    %dma_wait3A_188 = tpu.memref_slice %arg7[%add3A_186, %dma_wait3A_187] : memref<10240x128xf32, #tpu.memory_space<vmem_shared>> -> memref<80x128xf32, #tpu.memory_space<vmem_shared>>
    %dma_wait3A_189 = arith.constant 0 : i32
    %dma_wait3A_190 = tpu.memref_slice %arg7[%add3A_186, %dma_wait3A_189] : memref<10240x128xf32, #tpu.memory_space<vmem_shared>> -> memref<80x128xf32, #tpu.memory_space<vmem_shared>>
    tpu.wait_dma2 semaphore(%arg14 : memref<!tpu.dma_semaphore, #tpu.memory_space<semaphore_mem>>) src(%arg10 : memref<80x128xf32, #tpu.memory_space<vmem>>) dst(%dma_wait3A_190 : memref<80x128xf32, #tpu.memory_space<vmem_shared>>)
    %dma_start3A_191 = arith.constant 0 : i32
    %dma_start3A_192 = tpu.memref_slice %arg8[%dma_start3A_191] : memref<10000xi32, #tpu.memory_space<vmem>> -> memref<80xi32, #tpu.memory_space<vmem>>
    %dma_start3A_193 = arith.constant 0 : i32
    %dma_start3A_194 = arith.constant 0 : i32
    %dma_start3A_195 = tpu.memref_slice %arg2[%dma_start3A_193, %dma_start3A_194] : memref<10000x128xf32, #tpu.memory_space<hbm>> -> memref<10000x128xf32, #tpu.memory_space<hbm>>
    tpu.enqueue_indirect_dma source(%dma_start3A_195 : memref<10000x128xf32, #tpu.memory_space<hbm>>) target(%arg10 : memref<80x128xf32, #tpu.memory_space<vmem>>) offsets(%dma_start3A_192 : memref<80xi32, #tpu.memory_space<vmem>>) semaphore(%arg12 : memref<!tpu.dma_semaphore, #tpu.memory_space<semaphore_mem>>)
    %barrier3A = arith.constant 0 : index
    tpu.barrier barrier_id(%barrier3A)
    %scan3A_196 = arith.constant 0 : i32
    %scan3A_197 = arith.constant 0 : i32
    %scan3A_198 = arith.constant 62 : i32
    %scan3A_199 = arith.addi %scan3A_197, %scan3A_198 : i32
    %scan3A_200 = arith.constant 1 : i32
    scf.for %scan3A_267 = %scan3A_197 to %scan3A_199 step %scan3A_200  : i32 {
      %mul3A_268 = arith.constant 2 : i32
      %mul3A_269 = arith.muli %mul3A_268, %scan3A_267 : i32
      %add3A_270 = arith.constant 4 : i32
      %add3A_271 = arith.addi %mul3A_269, %add3A_270 : i32
      %min3A = arith.constant 124 : i32
      %min3A_272 = arith.minsi %add3A_271, %min3A : i32
      %mul3A_273 = arith.constant 10000 : i32
      %mul3A_274 = arith.muli %add3A, %mul3A_273 : i32
      %mul3A_275 = arith.constant 80 : i32
      %mul3A_276 = arith.muli %min3A_272, %mul3A_275 : i32
      %add3A_277 = arith.addi %mul3A_274, %mul3A_276 : i32
      %dma_start3A_278 = arith.constant 0 : i32
      %dma_start3A_279 = tpu.memref_slice %arg9[%min3A_272, %dma_start3A_278] : memref<125x80xi32, #tpu.memory_space<vmem>> -> memref<1x80xi32, #tpu.memory_space<vmem>>
      %dma_start3A_280 = tpu.memref_squeeze %dma_start3A_279 : memref<1x80xi32, #tpu.memory_space<vmem>> -> memref<80xi32, #tpu.memory_space<vmem>>
      %dma_start3A_281 = tpu.memref_slice %arg4[%add3A_277] : memref<320000xi32, #tpu.memory_space<hbm>> -> memref<80xi32, #tpu.memory_space<hbm>>
      %dma_start3A_282 = arith.constant 0 : i32
      %dma_start3A_283 = tpu.memref_slice %arg9[%min3A_272, %dma_start3A_282] : memref<125x80xi32, #tpu.memory_space<vmem>> -> memref<1x80xi32, #tpu.memory_space<vmem>>
      %dma_start3A_284 = tpu.memref_squeeze %dma_start3A_283 : memref<1x80xi32, #tpu.memory_space<vmem>> -> memref<80xi32, #tpu.memory_space<vmem>>
      %dma_start3A_285 = tpu.memref_slice %arg4[%add3A_277] : memref<320000xi32, #tpu.memory_space<hbm>> -> memref<80xi32, #tpu.memory_space<hbm>>
      tpu.enqueue_dma source(%dma_start3A_285 : memref<80xi32, #tpu.memory_space<hbm>>) target(%dma_start3A_284 : memref<80xi32, #tpu.memory_space<vmem>>) target_semaphore(%arg15 : memref<!tpu.dma_semaphore, #tpu.memory_space<semaphore_mem>>)
      %add3A_286 = arith.constant 5 : i32
      %add3A_287 = arith.addi %mul3A_269, %add3A_286 : i32
      %min3A_288 = arith.constant 124 : i32
      %min3A_289 = arith.minsi %add3A_287, %min3A_288 : i32
      %mul3A_290 = arith.constant 10000 : i32
      %mul3A_291 = arith.muli %add3A, %mul3A_290 : i32
      %mul3A_292 = arith.constant 80 : i32
      %mul3A_293 = arith.muli %min3A_289, %mul3A_292 : i32
      %add3A_294 = arith.addi %mul3A_291, %mul3A_293 : i32
      %dma_start3A_295 = arith.constant 0 : i32
      %dma_start3A_296 = tpu.memref_slice %arg9[%min3A_289, %dma_start3A_295] : memref<125x80xi32, #tpu.memory_space<vmem>> -> memref<1x80xi32, #tpu.memory_space<vmem>>
      %dma_start3A_297 = tpu.memref_squeeze %dma_start3A_296 : memref<1x80xi32, #tpu.memory_space<vmem>> -> memref<80xi32, #tpu.memory_space<vmem>>
      %dma_start3A_298 = tpu.memref_slice %arg4[%add3A_294] : memref<320000xi32, #tpu.memory_space<hbm>> -> memref<80xi32, #tpu.memory_space<hbm>>
      %dma_start3A_299 = arith.constant 0 : i32
      %dma_start3A_300 = tpu.memref_slice %arg9[%min3A_289, %dma_start3A_299] : memref<125x80xi32, #tpu.memory_space<vmem>> -> memref<1x80xi32, #tpu.memory_space<vmem>>
      %dma_start3A_301 = tpu.memref_squeeze %dma_start3A_300 : memref<1x80xi32, #tpu.memory_space<vmem>> -> memref<80xi32, #tpu.memory_space<vmem>>
      %dma_start3A_302 = tpu.memref_slice %arg4[%add3A_294] : memref<320000xi32, #tpu.memory_space<hbm>> -> memref<80xi32, #tpu.memory_space<hbm>>
      tpu.enqueue_dma source(%dma_start3A_302 : memref<80xi32, #tpu.memory_space<hbm>>) target(%dma_start3A_301 : memref<80xi32, #tpu.memory_space<vmem>>) target_semaphore(%arg15 : memref<!tpu.dma_semaphore, #tpu.memory_space<semaphore_mem>>)
      %add3A_303 = arith.constant 1 : i32
      %add3A_304 = arith.addi %mul3A_269, %add3A_303 : i32
      %mul3A_305 = arith.constant 80 : i32
      %mul3A_306 = arith.muli %add3A_304, %mul3A_305 : i32
      %dma_start3A_307 = tpu.memref_slice %arg8[%mul3A_306] : memref<10000xi32, #tpu.memory_space<vmem>> -> memref<80xi32, #tpu.memory_space<vmem>>
      %dma_start3A_308 = arith.constant 0 : i32
      %dma_start3A_309 = arith.constant 0 : i32
      %dma_start3A_310 = tpu.memref_slice %arg2[%dma_start3A_308, %dma_start3A_309] : memref<10000x128xf32, #tpu.memory_space<hbm>> -> memref<10000x128xf32, #tpu.memory_space<hbm>>
      tpu.enqueue_indirect_dma source(%dma_start3A_310 : memref<10000x128xf32, #tpu.memory_space<hbm>>) target(%arg11 : memref<80x128xf32, #tpu.memory_space<vmem>>) offsets(%dma_start3A_307 : memref<80xi32, #tpu.memory_space<vmem>>) semaphore(%arg13 : memref<!tpu.dma_semaphore, #tpu.memory_space<semaphore_mem>>)
      %mul3A_311 = arith.constant 80 : i32
      %mul3A_312 = arith.muli %mul3A_269, %mul3A_311 : i32
      %dma_wait3A_313 = tpu.memref_slice %arg8[%mul3A_312] : memref<10000xi32, #tpu.memory_space<vmem>> -> memref<80xi32, #tpu.memory_space<vmem>>
      %dma_wait3A_314 = arith.constant 0 : i32
      %dma_wait3A_315 = arith.constant 0 : i32
      %dma_wait3A_316 = tpu.memref_slice %arg2[%dma_wait3A_314, %dma_wait3A_315] : memref<10000x128xf32, #tpu.memory_space<hbm>> -> memref<10000x128xf32, #tpu.memory_space<hbm>>
      tpu.wait_indirect_dma semaphore(%arg12 : memref<!tpu.dma_semaphore, #tpu.memory_space<semaphore_mem>>) src(%dma_wait3A_316 : memref<10000x128xf32, #tpu.memory_space<hbm>>) dst(%arg10 : memref<80x128xf32, #tpu.memory_space<vmem>>)
      %mul3A_317 = arith.constant 10000 : i32
      %mul3A_318 = arith.muli %add3A, %mul3A_317 : i32
      %mul3A_319 = arith.constant 80 : i32
      %mul3A_320 = arith.muli %mul3A_269, %mul3A_319 : i32
      %add3A_321 = arith.addi %mul3A_318, %mul3A_320 : i32
      %dma_wait3A_322 = arith.constant 0 : i32
      %dma_wait3A_323 = tpu.memref_slice %arg9[%mul3A_269, %dma_wait3A_322] : memref<125x80xi32, #tpu.memory_space<vmem>> -> memref<1x80xi32, #tpu.memory_space<vmem>>
      %dma_wait3A_324 = tpu.memref_squeeze %dma_wait3A_323 : memref<1x80xi32, #tpu.memory_space<vmem>> -> memref<80xi32, #tpu.memory_space<vmem>>
      %dma_wait3A_325 = tpu.memref_slice %arg4[%add3A_321] : memref<320000xi32, #tpu.memory_space<hbm>> -> memref<80xi32, #tpu.memory_space<hbm>>
      %dma_wait3A_326 = arith.constant 0 : i32
      %dma_wait3A_327 = tpu.memref_slice %arg9[%mul3A_269, %dma_wait3A_326] : memref<125x80xi32, #tpu.memory_space<vmem>> -> memref<1x80xi32, #tpu.memory_space<vmem>>
      %dma_wait3A_328 = tpu.memref_squeeze %dma_wait3A_327 : memref<1x80xi32, #tpu.memory_space<vmem>> -> memref<80xi32, #tpu.memory_space<vmem>>
      %dma_wait3A_329 = tpu.memref_slice %arg4[%add3A_321] : memref<320000xi32, #tpu.memory_space<hbm>> -> memref<80xi32, #tpu.memory_space<hbm>>
      tpu.wait_dma2 semaphore(%arg15 : memref<!tpu.dma_semaphore, #tpu.memory_space<semaphore_mem>>) src(%dma_wait3A_329 : memref<80xi32, #tpu.memory_space<hbm>>) dst(%dma_wait3A_328 : memref<80xi32, #tpu.memory_space<vmem>>)
      "tpu.region"() ({
        %run_scoped3A_363 = tpu.sem_alloc : memref<!tpu.dma_semaphore, #tpu.memory_space<semaphore_mem>>
        %dma_start3A_364 = arith.constant 0 : i32
        %dma_start3A_365 = tpu.memref_slice %arg9[%mul3A_269, %dma_start3A_364] : memref<125x80xi32, #tpu.memory_space<vmem>> -> memref<1x80xi32, #tpu.memory_space<vmem>>
        %dma_start3A_366 = tpu.memref_squeeze %dma_start3A_365 : memref<1x80xi32, #tpu.memory_space<vmem>> -> memref<80xi32, #tpu.memory_space<vmem>>
        %dma_start3A_367 = arith.constant 0 : i32
        %dma_start3A_368 = arith.constant 0 : i32
        %dma_start3A_369 = tpu.memref_slice %arg7[%dma_start3A_367, %dma_start3A_368] : memref<10240x128xf32, #tpu.memory_space<vmem_shared>> -> memref<10240x128xf32, #tpu.memory_space<vmem_shared>>
        tpu.enqueue_indirect_dma source(%arg10 : memref<80x128xf32, #tpu.memory_space<vmem>>) target(%dma_start3A_369 : memref<10240x128xf32, #tpu.memory_space<vmem_shared>>) offsets(%dma_start3A_366 : memref<80xi32, #tpu.memory_space<vmem>>) semaphore(%run_scoped3A_363 : memref<!tpu.dma_semaphore, #tpu.memory_space<semaphore_mem>>) {add = true}
        %dma_wait3A_370 = arith.constant 0 : i32
        %dma_wait3A_371 = tpu.memref_slice %arg9[%mul3A_269, %dma_wait3A_370] : memref<125x80xi32, #tpu.memory_space<vmem>> -> memref<1x80xi32, #tpu.memory_space<vmem>>
        %dma_wait3A_372 = tpu.memref_squeeze %dma_wait3A_371 : memref<1x80xi32, #tpu.memory_space<vmem>> -> memref<80xi32, #tpu.memory_space<vmem>>
        %dma_wait3A_373 = arith.constant 0 : i32
        %dma_wait3A_374 = arith.constant 0 : i32
        %dma_wait3A_375 = tpu.memref_slice %arg7[%dma_wait3A_373, %dma_wait3A_374] : memref<10240x128xf32, #tpu.memory_space<vmem_shared>> -> memref<10240x128xf32, #tpu.memory_space<vmem_shared>>
        tpu.wait_indirect_dma semaphore(%run_scoped3A_363 : memref<!tpu.dma_semaphore, #tpu.memory_space<semaphore_mem>>) src(%arg10 : memref<80x128xf32, #tpu.memory_space<vmem>>) dst(%dma_wait3A_375 : memref<10240x128xf32, #tpu.memory_space<vmem_shared>>)
        tpu.yield
      }) : () -> ()
      %add3A_330 = arith.constant 2 : i32
      %add3A_331 = arith.addi %mul3A_269, %add3A_330 : i32
      %mul3A_332 = arith.constant 80 : i32
      %mul3A_333 = arith.muli %add3A_331, %mul3A_332 : i32
      %dma_start3A_334 = tpu.memref_slice %arg8[%mul3A_333] : memref<10000xi32, #tpu.memory_space<vmem>> -> memref<80xi32, #tpu.memory_space<vmem>>
      %dma_start3A_335 = arith.constant 0 : i32
      %dma_start3A_336 = arith.constant 0 : i32
      %dma_start3A_337 = tpu.memref_slice %arg2[%dma_start3A_335, %dma_start3A_336] : memref<10000x128xf32, #tpu.memory_space<hbm>> -> memref<10000x128xf32, #tpu.memory_space<hbm>>
      tpu.enqueue_indirect_dma source(%dma_start3A_337 : memref<10000x128xf32, #tpu.memory_space<hbm>>) target(%arg10 : memref<80x128xf32, #tpu.memory_space<vmem>>) offsets(%dma_start3A_334 : memref<80xi32, #tpu.memory_space<vmem>>) semaphore(%arg12 : memref<!tpu.dma_semaphore, #tpu.memory_space<semaphore_mem>>)
      %add3A_338 = arith.constant 1 : i32
      %add3A_339 = arith.addi %mul3A_269, %add3A_338 : i32
      %mul3A_340 = arith.constant 80 : i32
      %mul3A_341 = arith.muli %add3A_339, %mul3A_340 : i32
      %dma_wait3A_342 = tpu.memref_slice %arg8[%mul3A_341] : memref<10000xi32, #tpu.memory_space<vmem>> -> memref<80xi32, #tpu.memory_space<vmem>>
      %dma_wait3A_343 = arith.constant 0 : i32
      %dma_wait3A_344 = arith.constant 0 : i32
      %dma_wait3A_345 = tpu.memref_slice %arg2[%dma_wait3A_343, %dma_wait3A_344] : memref<10000x128xf32, #tpu.memory_space<hbm>> -> memref<10000x128xf32, #tpu.memory_space<hbm>>
      tpu.wait_indirect_dma semaphore(%arg13 : memref<!tpu.dma_semaphore, #tpu.memory_space<semaphore_mem>>) src(%dma_wait3A_345 : memref<10000x128xf32, #tpu.memory_space<hbm>>) dst(%arg11 : memref<80x128xf32, #tpu.memory_space<vmem>>)
      %add3A_346 = arith.constant 1 : i32
      %add3A_347 = arith.addi %mul3A_269, %add3A_346 : i32
      %mul3A_348 = arith.constant 10000 : i32
      %mul3A_349 = arith.muli %add3A, %mul3A_348 : i32
      %mul3A_350 = arith.constant 80 : i32
      %mul3A_351 = arith.muli %add3A_347, %mul3A_350 : i32
      %add3A_352 = arith.addi %mul3A_349, %mul3A_351 : i32
      %dma_wait3A_353 = arith.constant 0 : i32
      %dma_wait3A_354 = tpu.memref_slice %arg9[%add3A_347, %dma_wait3A_353] : memref<125x80xi32, #tpu.memory_space<vmem>> -> memref<1x80xi32, #tpu.memory_space<vmem>>
      %dma_wait3A_355 = tpu.memref_squeeze %dma_wait3A_354 : memref<1x80xi32, #tpu.memory_space<vmem>> -> memref<80xi32, #tpu.memory_space<vmem>>
      %dma_wait3A_356 = tpu.memref_slice %arg4[%add3A_352] : memref<320000xi32, #tpu.memory_space<hbm>> -> memref<80xi32, #tpu.memory_space<hbm>>
      %dma_wait3A_357 = arith.constant 0 : i32
      %dma_wait3A_358 = tpu.memref_slice %arg9[%add3A_347, %dma_wait3A_357] : memref<125x80xi32, #tpu.memory_space<vmem>> -> memref<1x80xi32, #tpu.memory_space<vmem>>
      %dma_wait3A_359 = tpu.memref_squeeze %dma_wait3A_358 : memref<1x80xi32, #tpu.memory_space<vmem>> -> memref<80xi32, #tpu.memory_space<vmem>>
      %dma_wait3A_360 = tpu.memref_slice %arg4[%add3A_352] : memref<320000xi32, #tpu.memory_space<hbm>> -> memref<80xi32, #tpu.memory_space<hbm>>
      tpu.wait_dma2 semaphore(%arg15 : memref<!tpu.dma_semaphore, #tpu.memory_space<semaphore_mem>>) src(%dma_wait3A_360 : memref<80xi32, #tpu.memory_space<hbm>>) dst(%dma_wait3A_359 : memref<80xi32, #tpu.memory_space<vmem>>)
      %add3A_361 = arith.constant 1 : i32
      %add3A_362 = arith.addi %mul3A_269, %add3A_361 : i32
      "tpu.region"() ({
        %run_scoped3A_363 = tpu.sem_alloc : memref<!tpu.dma_semaphore, #tpu.memory_space<semaphore_mem>>
        %dma_start3A_364 = arith.constant 0 : i32
        %dma_start3A_365 = tpu.memref_slice %arg9[%add3A_362, %dma_start3A_364] : memref<125x80xi32, #tpu.memory_space<vmem>> -> memref<1x80xi32, #tpu.memory_space<vmem>>
        %dma_start3A_366 = tpu.memref_squeeze %dma_start3A_365 : memref<1x80xi32, #tpu.memory_space<vmem>> -> memref<80xi32, #tpu.memory_space<vmem>>
        %dma_start3A_367 = arith.constant 0 : i32
        %dma_start3A_368 = arith.constant 0 : i32
        %dma_start3A_369 = tpu.memref_slice %arg7[%dma_start3A_367, %dma_start3A_368] : memref<10240x128xf32, #tpu.memory_space<vmem_shared>> -> memref<10240x128xf32, #tpu.memory_space<vmem_shared>>
        tpu.enqueue_indirect_dma source(%arg11 : memref<80x128xf32, #tpu.memory_space<vmem>>) target(%dma_start3A_369 : memref<10240x128xf32, #tpu.memory_space<vmem_shared>>) offsets(%dma_start3A_366 : memref<80xi32, #tpu.memory_space<vmem>>) semaphore(%run_scoped3A_363 : memref<!tpu.dma_semaphore, #tpu.memory_space<semaphore_mem>>) {add = true}
        %dma_wait3A_370 = arith.constant 0 : i32
        %dma_wait3A_371 = tpu.memref_slice %arg9[%add3A_362, %dma_wait3A_370] : memref<125x80xi32, #tpu.memory_space<vmem>> -> memref<1x80xi32, #tpu.memory_space<vmem>>
        %dma_wait3A_372 = tpu.memref_squeeze %dma_wait3A_371 : memref<1x80xi32, #tpu.memory_space<vmem>> -> memref<80xi32, #tpu.memory_space<vmem>>
        %dma_wait3A_373 = arith.constant 0 : i32
        %dma_wait3A_374 = arith.constant 0 : i32
        %dma_wait3A_375 = tpu.memref_slice %arg7[%dma_wait3A_373, %dma_wait3A_374] : memref<10240x128xf32, #tpu.memory_space<vmem_shared>> -> memref<10240x128xf32, #tpu.memory_space<vmem_shared>>
        tpu.wait_indirect_dma semaphore(%run_scoped3A_363 : memref<!tpu.dma_semaphore, #tpu.memory_space<semaphore_mem>>) src(%arg11 : memref<80x128xf32, #tpu.memory_space<vmem>>) dst(%dma_wait3A_375 : memref<10240x128xf32, #tpu.memory_space<vmem_shared>>)
        tpu.yield
      }) : () -> ()
    }
    %scan3A_201 = arith.constant 62 : i32
    %dma_wait3A_202 = arith.constant 9920 : i32
    %dma_wait3A_203 = tpu.memref_slice %arg8[%dma_wait3A_202] : memref<10000xi32, #tpu.memory_space<vmem>> -> memref<80xi32, #tpu.memory_space<vmem>>
    %dma_wait3A_204 = arith.constant 0 : i32
    %dma_wait3A_205 = arith.constant 0 : i32
    %dma_wait3A_206 = tpu.memref_slice %arg2[%dma_wait3A_204, %dma_wait3A_205] : memref<10000x128xf32, #tpu.memory_space<hbm>> -> memref<10000x128xf32, #tpu.memory_space<hbm>>
    tpu.wait_indirect_dma semaphore(%arg12 : memref<!tpu.dma_semaphore, #tpu.memory_space<semaphore_mem>>) src(%dma_wait3A_206 : memref<10000x128xf32, #tpu.memory_space<hbm>>) dst(%arg10 : memref<80x128xf32, #tpu.memory_space<vmem>>)
    %mul3A_207 = arith.constant 10000 : i32
    %mul3A_208 = arith.muli %add3A, %mul3A_207 : i32
    %add3A_209 = arith.constant 9920 : i32
    %add3A_210 = arith.addi %mul3A_208, %add3A_209 : i32
    %dma_wait3A_211 = arith.constant 124 : i32
    %dma_wait3A_212 = arith.constant 0 : i32
    %dma_wait3A_213 = tpu.memref_slice %arg9[%dma_wait3A_211, %dma_wait3A_212] : memref<125x80xi32, #tpu.memory_space<vmem>> -> memref<1x80xi32, #tpu.memory_space<vmem>>
    %dma_wait3A_214 = tpu.memref_squeeze %dma_wait3A_213 : memref<1x80xi32, #tpu.memory_space<vmem>> -> memref<80xi32, #tpu.memory_space<vmem>>
    %dma_wait3A_215 = tpu.memref_slice %arg4[%add3A_210] : memref<320000xi32, #tpu.memory_space<hbm>> -> memref<80xi32, #tpu.memory_space<hbm>>
    %dma_wait3A_216 = arith.constant 0 : i32
    %dma_wait3A_217 = tpu.memref_slice %arg9[%dma_wait3A_211, %dma_wait3A_216] : memref<125x80xi32, #tpu.memory_space<vmem>> -> memref<1x80xi32, #tpu.memory_space<vmem>>
    %dma_wait3A_218 = tpu.memref_squeeze %dma_wait3A_217 : memref<1x80xi32, #tpu.memory_space<vmem>> -> memref<80xi32, #tpu.memory_space<vmem>>
    %dma_wait3A_219 = tpu.memref_slice %arg4[%add3A_210] : memref<320000xi32, #tpu.memory_space<hbm>> -> memref<80xi32, #tpu.memory_space<hbm>>
    tpu.wait_dma2 semaphore(%arg15 : memref<!tpu.dma_semaphore, #tpu.memory_space<semaphore_mem>>) src(%dma_wait3A_219 : memref<80xi32, #tpu.memory_space<hbm>>) dst(%dma_wait3A_218 : memref<80xi32, #tpu.memory_space<vmem>>)
    %mul3A_220 = arith.constant 10000 : i32
    %mul3A_221 = arith.muli %add3A, %mul3A_220 : i32
    %add3A_222 = arith.constant 9920 : i32
    %add3A_223 = arith.addi %mul3A_221, %add3A_222 : i32
    %dma_wait3A_224 = arith.constant 124 : i32
    %dma_wait3A_225 = arith.constant 0 : i32
    %dma_wait3A_226 = tpu.memref_slice %arg9[%dma_wait3A_224, %dma_wait3A_225] : memref<125x80xi32, #tpu.memory_space<vmem>> -> memref<1x80xi32, #tpu.memory_space<vmem>>
    %dma_wait3A_227 = tpu.memref_squeeze %dma_wait3A_226 : memref<1x80xi32, #tpu.memory_space<vmem>> -> memref<80xi32, #tpu.memory_space<vmem>>
    %dma_wait3A_228 = tpu.memref_slice %arg4[%add3A_223] : memref<320000xi32, #tpu.memory_space<hbm>> -> memref<80xi32, #tpu.memory_space<hbm>>
    %dma_wait3A_229 = arith.constant 0 : i32
    %dma_wait3A_230 = tpu.memref_slice %arg9[%dma_wait3A_224, %dma_wait3A_229] : memref<125x80xi32, #tpu.memory_space<vmem>> -> memref<1x80xi32, #tpu.memory_space<vmem>>
    %dma_wait3A_231 = tpu.memref_squeeze %dma_wait3A_230 : memref<1x80xi32, #tpu.memory_space<vmem>> -> memref<80xi32, #tpu.memory_space<vmem>>
    %dma_wait3A_232 = tpu.memref_slice %arg4[%add3A_223] : memref<320000xi32, #tpu.memory_space<hbm>> -> memref<80xi32, #tpu.memory_space<hbm>>
    tpu.wait_dma2 semaphore(%arg15 : memref<!tpu.dma_semaphore, #tpu.memory_space<semaphore_mem>>) src(%dma_wait3A_232 : memref<80xi32, #tpu.memory_space<hbm>>) dst(%dma_wait3A_231 : memref<80xi32, #tpu.memory_space<vmem>>)
    %mul3A_233 = arith.constant 10000 : i32
    %mul3A_234 = arith.muli %add3A, %mul3A_233 : i32
    %add3A_235 = arith.constant 9920 : i32
    %add3A_236 = arith.addi %mul3A_234, %add3A_235 : i32
    %dma_wait3A_237 = arith.constant 124 : i32
    %dma_wait3A_238 = arith.constant 0 : i32
    %dma_wait3A_239 = tpu.memref_slice %arg9[%dma_wait3A_237, %dma_wait3A_238] : memref<125x80xi32, #tpu.memory_space<vmem>> -> memref<1x80xi32, #tpu.memory_space<vmem>>
    %dma_wait3A_240 = tpu.memref_squeeze %dma_wait3A_239 : memref<1x80xi32, #tpu.memory_space<vmem>> -> memref<80xi32, #tpu.memory_space<vmem>>
    %dma_wait3A_241 = tpu.memref_slice %arg4[%add3A_236] : memref<320000xi32, #tpu.memory_space<hbm>> -> memref<80xi32, #tpu.memory_space<hbm>>
    %dma_wait3A_242 = arith.constant 0 : i32
    %dma_wait3A_243 = tpu.memref_slice %arg9[%dma_wait3A_237, %dma_wait3A_242] : memref<125x80xi32, #tpu.memory_space<vmem>> -> memref<1x80xi32, #tpu.memory_space<vmem>>
    %dma_wait3A_244 = tpu.memref_squeeze %dma_wait3A_243 : memref<1x80xi32, #tpu.memory_space<vmem>> -> memref<80xi32, #tpu.memory_space<vmem>>
    %dma_wait3A_245 = tpu.memref_slice %arg4[%add3A_236] : memref<320000xi32, #tpu.memory_space<hbm>> -> memref<80xi32, #tpu.memory_space<hbm>>
    tpu.wait_dma2 semaphore(%arg15 : memref<!tpu.dma_semaphore, #tpu.memory_space<semaphore_mem>>) src(%dma_wait3A_245 : memref<80xi32, #tpu.memory_space<hbm>>) dst(%dma_wait3A_244 : memref<80xi32, #tpu.memory_space<vmem>>)
    %mul3A_246 = arith.constant 10000 : i32
    %mul3A_247 = arith.muli %add3A, %mul3A_246 : i32
    %add3A_248 = arith.constant 9920 : i32
    %add3A_249 = arith.addi %mul3A_247, %add3A_248 : i32
    %dma_wait3A_250 = arith.constant 124 : i32
    %dma_wait3A_251 = arith.constant 0 : i32
    %dma_wait3A_252 = tpu.memref_slice %arg9[%dma_wait3A_250, %dma_wait3A_251] : memref<125x80xi32, #tpu.memory_space<vmem>> -> memref<1x80xi32, #tpu.memory_space<vmem>>
    %dma_wait3A_253 = tpu.memref_squeeze %dma_wait3A_252 : memref<1x80xi32, #tpu.memory_space<vmem>> -> memref<80xi32, #tpu.memory_space<vmem>>
    %dma_wait3A_254 = tpu.memref_slice %arg4[%add3A_249] : memref<320000xi32, #tpu.memory_space<hbm>> -> memref<80xi32, #tpu.memory_space<hbm>>
    %dma_wait3A_255 = arith.constant 0 : i32
    %dma_wait3A_256 = tpu.memref_slice %arg9[%dma_wait3A_250, %dma_wait3A_255] : memref<125x80xi32, #tpu.memory_space<vmem>> -> memref<1x80xi32, #tpu.memory_space<vmem>>
    %dma_wait3A_257 = tpu.memref_squeeze %dma_wait3A_256 : memref<1x80xi32, #tpu.memory_space<vmem>> -> memref<80xi32, #tpu.memory_space<vmem>>
    %dma_wait3A_258 = tpu.memref_slice %arg4[%add3A_249] : memref<320000xi32, #tpu.memory_space<hbm>> -> memref<80xi32, #tpu.memory_space<hbm>>
    tpu.wait_dma2 semaphore(%arg15 : memref<!tpu.dma_semaphore, #tpu.memory_space<semaphore_mem>>) src(%dma_wait3A_258 : memref<80xi32, #tpu.memory_space<hbm>>) dst(%dma_wait3A_257 : memref<80xi32, #tpu.memory_space<vmem>>)
    %run_scoped3A = arith.constant 124 : i32
    "tpu.region"() ({
      %run_scoped3A_267 = tpu.sem_alloc : memref<!tpu.dma_semaphore, #tpu.memory_space<semaphore_mem>>
      %dma_start3A_268 = arith.constant 0 : i32
      %dma_start3A_269 = tpu.memref_slice %arg9[%run_scoped3A, %dma_start3A_268] : memref<125x80xi32, #tpu.memory_space<vmem>> -> memref<1x80xi32, #tpu.memory_space<vmem>>
      %dma_start3A_270 = tpu.memref_squeeze %dma_start3A_269 : memref<1x80xi32, #tpu.memory_space<vmem>> -> memref<80xi32, #tpu.memory_space<vmem>>
      %dma_start3A_271 = arith.constant 0 : i32
      %dma_start3A_272 = arith.constant 0 : i32
      %dma_start3A_273 = tpu.memref_slice %arg7[%dma_start3A_271, %dma_start3A_272] : memref<10240x128xf32, #tpu.memory_space<vmem_shared>> -> memref<10240x128xf32, #tpu.memory_space<vmem_shared>>
      tpu.enqueue_indirect_dma source(%arg10 : memref<80x128xf32, #tpu.memory_space<vmem>>) target(%dma_start3A_273 : memref<10240x128xf32, #tpu.memory_space<vmem_shared>>) offsets(%dma_start3A_270 : memref<80xi32, #tpu.memory_space<vmem>>) semaphore(%run_scoped3A_267 : memref<!tpu.dma_semaphore, #tpu.memory_space<semaphore_mem>>) {add = true}
      %dma_wait3A_274 = arith.constant 0 : i32
      %dma_wait3A_275 = tpu.memref_slice %arg9[%run_scoped3A, %dma_wait3A_274] : memref<125x80xi32, #tpu.memory_space<vmem>> -> memref<1x80xi32, #tpu.memory_space<vmem>>
      %dma_wait3A_276 = tpu.memref_squeeze %dma_wait3A_275 : memref<1x80xi32, #tpu.memory_space<vmem>> -> memref<80xi32, #tpu.memory_space<vmem>>
      %dma_wait3A_277 = arith.constant 0 : i32
      %dma_wait3A_278 = arith.constant 0 : i32
      %dma_wait3A_279 = tpu.memref_slice %arg7[%dma_wait3A_277, %dma_wait3A_278] : memref<10240x128xf32, #tpu.memory_space<vmem_shared>> -> memref<10240x128xf32, #tpu.memory_space<vmem_shared>>
      tpu.wait_indirect_dma semaphore(%run_scoped3A_267 : memref<!tpu.dma_semaphore, #tpu.memory_space<semaphore_mem>>) src(%arg10 : memref<80x128xf32, #tpu.memory_space<vmem>>) dst(%dma_wait3A_279 : memref<10240x128xf32, #tpu.memory_space<vmem_shared>>)
      tpu.yield
    }) : () -> ()
    %barrier3A_259 = arith.constant 0 : index
    tpu.barrier barrier_id(%barrier3A_259)
    %eq3A = arith.constant 0 : i32
    %eq3A_260 = arith.cmpi eq, %arg0, %eq3A : i32
    %convert_element_type3A = arith.extui %eq3A_260 : i1 to i32
    %cond3A = arith.constant 0 : i32
    %cond3A_261 = arith.cmpi ne, %convert_element_type3A, %cond3A : i32
    scf.if %cond3A_261 {
      %mul3A_267 = arith.constant 640 : i32
      %mul3A_268 = arith.muli %arg1, %mul3A_267 : i32
      %mul3A_269 = arith.constant 640 : i32
      %mul3A_270 = arith.muli %arg1, %mul3A_269 : i32
      "tpu.region"() ({
        %run_scoped3A_271 = tpu.sem_alloc : memref<!tpu.dma_semaphore, #tpu.memory_space<semaphore_mem>>
        %dma_start3A_272 = arith.constant 0 : i32
        %dma_start3A_273 = tpu.memref_slice %arg5[%mul3A_270, %dma_start3A_272] : memref<10240x128xf32, #tpu.memory_space<hbm>> -> memref<640x128xf32, #tpu.memory_space<hbm>>
        %dma_start3A_274 = arith.constant 0 : i32
        %dma_start3A_275 = tpu.memref_slice %arg7[%mul3A_268, %dma_start3A_274] : memref<10240x128xf32, #tpu.memory_space<vmem_shared>> -> memref<640x128xf32, #tpu.memory_space<vmem_shared>>
        tpu.enqueue_dma source(%dma_start3A_275 : memref<640x128xf32, #tpu.memory_space<vmem_shared>>) target(%dma_start3A_273 : memref<640x128xf32, #tpu.memory_space<hbm>>) target_semaphore(%run_scoped3A_271 : memref<!tpu.dma_semaphore, #tpu.memory_space<semaphore_mem>>)
        %dma_wait3A_276 = arith.constant 0 : i32
        %dma_wait3A_277 = tpu.memref_slice %arg5[%mul3A_270, %dma_wait3A_276] : memref<10240x128xf32, #tpu.memory_space<hbm>> -> memref<640x128xf32, #tpu.memory_space<hbm>>
        %dma_wait3A_278 = arith.constant 0 : i32
        %dma_wait3A_279 = tpu.memref_slice %arg7[%mul3A_268, %dma_wait3A_278] : memref<10240x128xf32, #tpu.memory_space<vmem_shared>> -> memref<640x128xf32, #tpu.memory_space<vmem_shared>>
        tpu.wait_dma2 semaphore(%run_scoped3A_271 : memref<!tpu.dma_semaphore, #tpu.memory_space<semaphore_mem>>) src(%dma_wait3A_279 : memref<640x128xf32, #tpu.memory_space<vmem_shared>>) dst(%dma_wait3A_277 : memref<640x128xf32, #tpu.memory_space<hbm>>)
        tpu.yield
      }) : () -> ()
    } else {
    }
    %eq3A_262 = arith.constant 1 : i32
    %eq3A_263 = arith.cmpi eq, %arg0, %eq3A_262 : i32
    %convert_element_type3A_264 = arith.extui %eq3A_263 : i1 to i32
    %cond3A_265 = arith.constant 0 : i32
    %cond3A_266 = arith.cmpi ne, %convert_element_type3A_264, %cond3A_265 : i32
    scf.if %cond3A_266 {
      %mul3A_267 = arith.constant 640 : i32
      %mul3A_268 = arith.muli %arg1, %mul3A_267 : i32
      %mul3A_269 = arith.constant 640 : i32
      %mul3A_270 = arith.muli %arg1, %mul3A_269 : i32
      "tpu.region"() ({
        %run_scoped3A_271 = tpu.sem_alloc : memref<!tpu.dma_semaphore, #tpu.memory_space<semaphore_mem>>
        %dma_start3A_272 = arith.constant 0 : i32
        %dma_start3A_273 = tpu.memref_slice %arg6[%mul3A_270, %dma_start3A_272] : memref<10240x128xf32, #tpu.memory_space<hbm>> -> memref<640x128xf32, #tpu.memory_space<hbm>>
        %dma_start3A_274 = arith.constant 0 : i32
        %dma_start3A_275 = tpu.memref_slice %arg7[%mul3A_268, %dma_start3A_274] : memref<10240x128xf32, #tpu.memory_space<vmem_shared>> -> memref<640x128xf32, #tpu.memory_space<vmem_shared>>
        tpu.enqueue_dma source(%dma_start3A_275 : memref<640x128xf32, #tpu.memory_space<vmem_shared>>) target(%dma_start3A_273 : memref<640x128xf32, #tpu.memory_space<hbm>>) target_semaphore(%run_scoped3A_271 : memref<!tpu.dma_semaphore, #tpu.memory_space<semaphore_mem>>)
        %dma_wait3A_276 = arith.constant 0 : i32
        %dma_wait3A_277 = tpu.memref_slice %arg6[%mul3A_270, %dma_wait3A_276] : memref<10240x128xf32, #tpu.memory_space<hbm>> -> memref<640x128xf32, #tpu.memory_space<hbm>>
        %dma_wait3A_278 = arith.constant 0 : i32
        %dma_wait3A_279 = tpu.memref_slice %arg7[%mul3A_268, %dma_wait3A_278] : memref<10240x128xf32, #tpu.memory_space<vmem_shared>> -> memref<640x128xf32, #tpu.memory_space<vmem_shared>>
        tpu.wait_dma2 semaphore(%run_scoped3A_271 : memref<!tpu.dma_semaphore, #tpu.memory_space<semaphore_mem>>) src(%dma_wait3A_279 : memref<640x128xf32, #tpu.memory_space<vmem_shared>>) dst(%dma_wait3A_277 : memref<640x128xf32, #tpu.memory_space<hbm>>)
        tpu.yield
      }) : () -> ()
    } else {
    }
    return
  }
}

#map = affine_map<(d0, d1) -> (0, 0)>
#map1 = affine_map<(d0, d1) -> (0)>
module attributes {stable_mosaic.version = 14 : i64} {
  func.func @_agg_body(%arg0: i32, %arg1: i32, %arg2: memref<10000x128xf32, #tpu.memory_space<hbm>>, %arg3: memref<320000xi32, #tpu.memory_space<hbm>>, %arg4: memref<320000xi32, #tpu.memory_space<hbm>>, %arg5: memref<10240x128xf32, #tpu.memory_space<hbm>>, %arg6: memref<10240x128xf32, #tpu.memory_space<hbm>>, %arg7: memref<10240x128xf32, #tpu.memory_space<vmem_shared>>, %arg8: memref<10000xi32, #tpu.memory_space<vmem>>, %arg9: memref<125x80xi32, #tpu.memory_space<vmem>>, %arg10: memref<80x128xf32, #tpu.memory_space<vmem>>, %arg11: memref<80x128xf32, #tpu.memory_space<vmem>>, %arg12: memref<!tpu.dma_semaphore, #tpu.memory_space<semaphore_mem>>, %arg13: memref<!tpu.dma_semaphore, #tpu.memory_space<semaphore_mem>>, %arg14: memref<!tpu.dma_semaphore, #tpu.memory_space<semaphore_mem>>, %arg15: memref<!tpu.dma_semaphore, #tpu.memory_space<semaphore_mem>>) attributes {dimension_semantics = [#tpu.dimension_semantics<core_parallel>, #tpu.dimension_semantics<subcore_parallel>], iteration_bounds = array<i64: 2, 16>, scalar_prefetch = 0 : i64, scratch_operands = 9 : i64, tpu.core_type = #tpu.core_type<sc_vector_subcore>, window_params = [{transform_indices = #map}, {transform_indices = #map1}, {transform_indices = #map1}, {transform_indices = #map}, {transform_indices = #map}]} {
    %mul3A = arith.constant 16 : i32
    %mul3A_0 = arith.muli %arg0, %mul3A : i32
    %add3A = arith.addi %mul3A_0, %arg1 : i32
    %broadcast_in_dim3A = arith.constant 0.000000e+00 : f32
    %broadcast_in_dim3A_1 = vector.broadcast %broadcast_in_dim3A : f32 to vector<16xf32>
    %scan3A = arith.constant 0 : i32
    %scan3A_2 = arith.constant 0 : i32
    %scan3A_3 = arith.constant 640 : i32
    %scan3A_4 = arith.addi %scan3A_2, %scan3A_3 : i32
    %scan3A_5 = arith.constant 1 : i32
    scf.for %scan3A_267 = %scan3A_2 to %scan3A_4 step %scan3A_5  : i32 {
      %jit3A = arith.constant 8 : i32
      %div3A = arith.divsi %scan3A_267, %jit3A : i32
      %sign3A = arith.constant 0 : i32
      %sign3A_268 = arith.cmpi sgt, %scan3A_267, %sign3A : i32
      %sign3A_269 = arith.extui %sign3A_268 : i1 to i32
      %sign3A_270 = arith.constant 0 : i32
      %sign3A_271 = arith.cmpi slt, %scan3A_267, %sign3A_270 : i32
      %sign3A_272 = arith.extui %sign3A_271 : i1 to i32
      %sign3A_273 = arith.subi %sign3A_269, %sign3A_272 : i32
      %sign3A_274 = arith.constant 0 : i32
      %sign3A_275 = arith.cmpi sgt, %jit3A, %sign3A_274 : i32
      %sign3A_276 = arith.extui %sign3A_275 : i1 to i32
      %sign3A_277 = arith.constant 0 : i32
      %sign3A_278 = arith.cmpi slt, %jit3A, %sign3A_277 : i32
      %sign3A_279 = arith.extui %sign3A_278 : i1 to i32
      %sign3A_280 = arith.subi %sign3A_276, %sign3A_279 : i32
      %ne3A = arith.cmpi ne, %sign3A_273, %sign3A_280 : i32
      %rem3A = arith.remsi %scan3A_267, %jit3A : i32
      %ne3A_281 = arith.constant 0 : i32
      %ne3A_282 = arith.cmpi ne, %rem3A, %ne3A_281 : i32
      %and3A = arith.andi %ne3A, %ne3A_282 : i1
      %sub3A = arith.constant 1 : i32
      %sub3A_283 = arith.subi %div3A, %sub3A : i32
      %select_n3A = arith.select %and3A, %sub3A_283, %div3A : i32
      %jit3A_284 = arith.constant 8 : i32
      %eq3A_285 = arith.constant 0 : i32
      %eq3A_286 = arith.cmpi eq, %jit3A_284, %eq3A_285 : i32
      %jit3A_287 = arith.constant 1 : i32
      %select_n3A_288 = arith.select %eq3A_286, %jit3A_287, %jit3A_284 : i32
      %rem3A_289 = arith.remsi %scan3A_267, %select_n3A_288 : i32
      %ne3A_290 = arith.constant 0 : i32
      %ne3A_291 = arith.cmpi ne, %rem3A_289, %ne3A_290 : i32
      %lt3A = arith.constant 0 : i32
      %lt3A_292 = arith.cmpi slt, %rem3A_289, %lt3A : i32
      %lt3A_293 = arith.constant 0 : i32
      %lt3A_294 = arith.cmpi slt, %select_n3A_288, %lt3A_293 : i32
      %ne3A_295 = arith.xori %lt3A_292, %lt3A_294 : i1
      %and3A_296 = arith.andi %ne3A_295, %ne3A_291 : i1
      %add3A_297 = arith.addi %rem3A_289, %select_n3A_288 : i32
      %select_n3A_298 = arith.select %and3A_296, %add3A_297, %rem3A_289 : i32
      %mul3A_299 = arith.constant 16 : i32
      %mul3A_300 = arith.muli %select_n3A_298, %mul3A_299 : i32
      %swap3A = arith.index_cast %select_n3A : i32 to index
      %swap3A_301 = arith.index_cast %mul3A_300 : i32 to index
      %swap3A_302 = tpu.vector_load %arg10[%swap3A, %swap3A_301] {strides = array<i32>} : memref<80x128xf32, #tpu.memory_space<vmem>>, vector<1x16xf32>,
      %swap3A_303 = vector.shape_cast %swap3A_302 : vector<1x16xf32> to vector<16xf32>
      %swap3A_304 = vector.shape_cast %broadcast_in_dim3A_1 : vector<16xf32> to vector<1x16xf32>
      tpu.vector_store %arg10[%swap3A, %swap3A_301], %swap3A_304 {strides = array<i32>} : memref<80x128xf32, #tpu.memory_space<vmem>>, vector<1x16xf32>,
    }
    %scan3A_6 = arith.constant 640 : i32
    %mul3A_7 = arith.constant 640 : i32
    %mul3A_8 = arith.muli %arg1, %mul3A_7 : i32
    %add3A_9 = arith.constant 0 : i32
    %add3A_10 = arith.addi %mul3A_8, %add3A_9 : i32
    %dma_start3A = arith.constant 0 : i32
    %dma_start3A_11 = tpu.memref_slice %arg7[%add3A_10, %dma_start3A] : memref<10240x128xf32, #tpu.memory_space<vmem_shared>> -> memref<80x128xf32, #tpu.memory_space<vmem_shared>>
    %dma_start3A_12 = arith.constant 0 : i32
    %dma_start3A_13 = tpu.memref_slice %arg7[%add3A_10, %dma_start3A_12] : memref<10240x128xf32, #tpu.memory_space<vmem_shared>> -> memref<80x128xf32, #tpu.memory_space<vmem_shared>>
    tpu.enqueue_dma source(%arg10 : memref<80x128xf32, #tpu.memory_space<vmem>>) target(%dma_start3A_13 : memref<80x128xf32, #tpu.memory_space<vmem_shared>>) target_semaphore(%arg14 : memref<!tpu.dma_semaphore, #tpu.memory_space<semaphore_mem>>)
    %mul3A_14 = arith.constant 640 : i32
    %mul3A_15 = arith.muli %arg1, %mul3A_14 : i32
    %add3A_16 = arith.constant 80 : i32
    %add3A_17 = arith.addi %mul3A_15, %add3A_16 : i32
    %dma_start3A_18 = arith.constant 0 : i32
    %dma_start3A_19 = tpu.memref_slice %arg7[%add3A_17, %dma_start3A_18] : memref<10240x128xf32, #tpu.memory_space<vmem_shared>> -> memref<80x128xf32, #tpu.memory_space<vmem_shared>>
    %dma_start3A_20 = arith.constant 0 : i32
    %dma_start3A_21 = tpu.memref_slice %arg7[%add3A_17, %dma_start3A_20] : memref<10240x128xf32, #tpu.memory_space<vmem_shared>> -> memref<80x128xf32, #tpu.memory_space<vmem_shared>>
    tpu.enqueue_dma source(%arg10 : memref<80x128xf32, #tpu.memory_space<vmem>>) target(%dma_start3A_21 : memref<80x128xf32, #tpu.memory_space<vmem_shared>>) target_semaphore(%arg14 : memref<!tpu.dma_semaphore, #tpu.memory_space<semaphore_mem>>)
    %mul3A_22 = arith.constant 640 : i32
    %mul3A_23 = arith.muli %arg1, %mul3A_22 : i32
    %add3A_24 = arith.constant 160 : i32
    %add3A_25 = arith.addi %mul3A_23, %add3A_24 : i32
    %dma_start3A_26 = arith.constant 0 : i32
    %dma_start3A_27 = tpu.memref_slice %arg7[%add3A_25, %dma_start3A_26] : memref<10240x128xf32, #tpu.memory_space<vmem_shared>> -> memref<80x128xf32, #tpu.memory_space<vmem_shared>>
    %dma_start3A_28 = arith.constant 0 : i32
    %dma_start3A_29 = tpu.memref_slice %arg7[%add3A_25, %dma_start3A_28] : memref<10240x128xf32, #tpu.memory_space<vmem_shared>> -> memref<80x128xf32, #tpu.memory_space<vmem_shared>>
    tpu.enqueue_dma source(%arg10 : memref<80x128xf32, #tpu.memory_space<vmem>>) target(%dma_start3A_29 : memref<80x128xf32, #tpu.memory_space<vmem_shared>>) target_semaphore(%arg14 : memref<!tpu.dma_semaphore, #tpu.memory_space<semaphore_mem>>)
    %mul3A_30 = arith.constant 640 : i32
    %mul3A_31 = arith.muli %arg1, %mul3A_30 : i32
    %add3A_32 = arith.constant 240 : i32
    %add3A_33 = arith.addi %mul3A_31, %add3A_32 : i32
    %dma_start3A_34 = arith.constant 0 : i32
    %dma_start3A_35 = tpu.memref_slice %arg7[%add3A_33, %dma_start3A_34] : memref<10240x128xf32, #tpu.memory_space<vmem_shared>> -> memref<80x128xf32, #tpu.memory_space<vmem_shared>>
    %dma_start3A_36 = arith.constant 0 : i32
    %dma_start3A_37 = tpu.memref_slice %arg7[%add3A_33, %dma_start3A_36] : memref<10240x128xf32, #tpu.memory_space<vmem_shared>> -> memref<80x128xf32, #tpu.memory_space<vmem_shared>>
    tpu.enqueue_dma source(%arg10 : memref<80x128xf32, #tpu.memory_space<vmem>>) target(%dma_start3A_37 : memref<80x128xf32, #tpu.memory_space<vmem_shared>>) target_semaphore(%arg14 : memref<!tpu.dma_semaphore, #tpu.memory_space<semaphore_mem>>)
    %mul3A_38 = arith.constant 640 : i32
    %mul3A_39 = arith.muli %arg1, %mul3A_38 : i32
    %add3A_40 = arith.constant 320 : i32
    %add3A_41 = arith.addi %mul3A_39, %add3A_40 : i32
    %dma_start3A_42 = arith.constant 0 : i32
    %dma_start3A_43 = tpu.memref_slice %arg7[%add3A_41, %dma_start3A_42] : memref<10240x128xf32, #tpu.memory_space<vmem_shared>> -> memref<80x128xf32, #tpu.memory_space<vmem_shared>>
    %dma_start3A_44 = arith.constant 0 : i32
    %dma_start3A_45 = tpu.memref_slice %arg7[%add3A_41, %dma_start3A_44] : memref<10240x128xf32, #tpu.memory_space<vmem_shared>> -> memref<80x128xf32, #tpu.memory_space<vmem_shared>>
    tpu.enqueue_dma source(%arg10 : memref<80x128xf32, #tpu.memory_space<vmem>>) target(%dma_start3A_45 : memref<80x128xf32, #tpu.memory_space<vmem_shared>>) target_semaphore(%arg14 : memref<!tpu.dma_semaphore, #tpu.memory_space<semaphore_mem>>)
    %mul3A_46 = arith.constant 640 : i32
    %mul3A_47 = arith.muli %arg1, %mul3A_46 : i32
    %add3A_48 = arith.constant 400 : i32
    %add3A_49 = arith.addi %mul3A_47, %add3A_48 : i32
    %dma_start3A_50 = arith.constant 0 : i32
    %dma_start3A_51 = tpu.memref_slice %arg7[%add3A_49, %dma_start3A_50] : memref<10240x128xf32, #tpu.memory_space<vmem_shared>> -> memref<80x128xf32, #tpu.memory_space<vmem_shared>>
    %dma_start3A_52 = arith.constant 0 : i32
    %dma_start3A_53 = tpu.memref_slice %arg7[%add3A_49, %dma_start3A_52] : memref<10240x128xf32, #tpu.memory_space<vmem_shared>> -> memref<80x128xf32, #tpu.memory_space<vmem_shared>>
    tpu.enqueue_dma source(%arg10 : memref<80x128xf32, #tpu.memory_space<vmem>>) target(%dma_start3A_53 : memref<80x128xf32, #tpu.memory_space<vmem_shared>>) target_semaphore(%arg14 : memref<!tpu.dma_semaphore, #tpu.memory_space<semaphore_mem>>)
    %mul3A_54 = arith.constant 640 : i32
    %mul3A_55 = arith.muli %arg1, %mul3A_54 : i32
    %add3A_56 = arith.constant 480 : i32
    %add3A_57 = arith.addi %mul3A_55, %add3A_56 : i32
    %dma_start3A_58 = arith.constant 0 : i32
    %dma_start3A_59 = tpu.memref_slice %arg7[%add3A_57, %dma_start3A_58] : memref<10240x128xf32, #tpu.memory_space<vmem_shared>> -> memref<80x128xf32, #tpu.memory_space<vmem_shared>>
    %dma_start3A_60 = arith.constant 0 : i32
    %dma_start3A_61 = tpu.memref_slice %arg7[%add3A_57, %dma_start3A_60] : memref<10240x128xf32, #tpu.memory_space<vmem_shared>> -> memref<80x128xf32, #tpu.memory_space<vmem_shared>>
    tpu.enqueue_dma source(%arg10 : memref<80x128xf32, #tpu.memory_space<vmem>>) target(%dma_start3A_61 : memref<80x128xf32, #tpu.memory_space<vmem_shared>>) target_semaphore(%arg14 : memref<!tpu.dma_semaphore, #tpu.memory_space<semaphore_mem>>)
    %mul3A_62 = arith.constant 640 : i32
    %mul3A_63 = arith.muli %arg1, %mul3A_62 : i32
    %add3A_64 = arith.constant 560 : i32
    %add3A_65 = arith.addi %mul3A_63, %add3A_64 : i32
    %dma_start3A_66 = arith.constant 0 : i32
    %dma_start3A_67 = tpu.memref_slice %arg7[%add3A_65, %dma_start3A_66] : memref<10240x128xf32, #tpu.memory_space<vmem_shared>> -> memref<80x128xf32, #tpu.memory_space<vmem_shared>>
    %dma_start3A_68 = arith.constant 0 : i32
    %dma_start3A_69 = tpu.memref_slice %arg7[%add3A_65, %dma_start3A_68] : memref<10240x128xf32, #tpu.memory_space<vmem_shared>> -> memref<80x128xf32, #tpu.memory_space<vmem_shared>>
    tpu.enqueue_dma source(%arg10 : memref<80x128xf32, #tpu.memory_space<vmem>>) target(%dma_start3A_69 : memref<80x128xf32, #tpu.memory_space<vmem_shared>>) target_semaphore(%arg14 : memref<!tpu.dma_semaphore, #tpu.memory_space<semaphore_mem>>)
    %mul3A_70 = arith.constant 10000 : i32
    %mul3A_71 = arith.muli %add3A, %mul3A_70 : i32
    %dma_start3A_72 = tpu.memref_slice %arg3[%mul3A_71] : memref<320000xi32, #tpu.memory_space<hbm>> -> memref<10000xi32, #tpu.memory_space<hbm>>
    %dma_start3A_73 = tpu.memref_slice %arg3[%mul3A_71] : memref<320000xi32, #tpu.memory_space<hbm>> -> memref<10000xi32, #tpu.memory_space<hbm>>
    tpu.enqueue_dma source(%dma_start3A_73 : memref<10000xi32, #tpu.memory_space<hbm>>) target(%arg8 : memref<10000xi32, #tpu.memory_space<vmem>>) target_semaphore(%arg12 : memref<!tpu.dma_semaphore, #tpu.memory_space<semaphore_mem>>)
    %mul3A_74 = arith.constant 10000 : i32
    %mul3A_75 = arith.muli %add3A, %mul3A_74 : i32
    %add3A_76 = arith.constant 0 : i32
    %add3A_77 = arith.addi %mul3A_75, %add3A_76 : i32
    %dma_start3A_78 = arith.constant 0 : i32
    %dma_start3A_79 = arith.constant 0 : i32
    %dma_start3A_80 = tpu.memref_slice %arg9[%dma_start3A_78, %dma_start3A_79] : memref<125x80xi32, #tpu.memory_space<vmem>> -> memref<1x80xi32, #tpu.memory_space<vmem>>
    %dma_start3A_81 = tpu.memref_squeeze %dma_start3A_80 : memref<1x80xi32, #tpu.memory_space<vmem>> -> memref<80xi32, #tpu.memory_space<vmem>>
    %dma_start3A_82 = tpu.memref_slice %arg4[%add3A_77] : memref<320000xi32, #tpu.memory_space<hbm>> -> memref<80xi32, #tpu.memory_space<hbm>>
    %dma_start3A_83 = arith.constant 0 : i32
    %dma_start3A_84 = tpu.memref_slice %arg9[%dma_start3A_78, %dma_start3A_83] : memref<125x80xi32, #tpu.memory_space<vmem>> -> memref<1x80xi32, #tpu.memory_space<vmem>>
    %dma_start3A_85 = tpu.memref_squeeze %dma_start3A_84 : memref<1x80xi32, #tpu.memory_space<vmem>> -> memref<80xi32, #tpu.memory_space<vmem>>
    %dma_start3A_86 = tpu.memref_slice %arg4[%add3A_77] : memref<320000xi32, #tpu.memory_space<hbm>> -> memref<80xi32, #tpu.memory_space<hbm>>
    tpu.enqueue_dma source(%dma_start3A_86 : memref<80xi32, #tpu.memory_space<hbm>>) target(%dma_start3A_85 : memref<80xi32, #tpu.memory_space<vmem>>) target_semaphore(%arg15 : memref<!tpu.dma_semaphore, #tpu.memory_space<semaphore_mem>>)
    %mul3A_87 = arith.constant 10000 : i32
    %mul3A_88 = arith.muli %add3A, %mul3A_87 : i32
    %add3A_89 = arith.constant 80 : i32
    %add3A_90 = arith.addi %mul3A_88, %add3A_89 : i32
    %dma_start3A_91 = arith.constant 1 : i32
    %dma_start3A_92 = arith.constant 0 : i32
    %dma_start3A_93 = tpu.memref_slice %arg9[%dma_start3A_91, %dma_start3A_92] : memref<125x80xi32, #tpu.memory_space<vmem>> -> memref<1x80xi32, #tpu.memory_space<vmem>>
    %dma_start3A_94 = tpu.memref_squeeze %dma_start3A_93 : memref<1x80xi32, #tpu.memory_space<vmem>> -> memref<80xi32, #tpu.memory_space<vmem>>
    %dma_start3A_95 = tpu.memref_slice %arg4[%add3A_90] : memref<320000xi32, #tpu.memory_space<hbm>> -> memref<80xi32, #tpu.memory_space<hbm>>
    %dma_start3A_96 = arith.constant 0 : i32
    %dma_start3A_97 = tpu.memref_slice %arg9[%dma_start3A_91, %dma_start3A_96] : memref<125x80xi32, #tpu.memory_space<vmem>> -> memref<1x80xi32, #tpu.memory_space<vmem>>
    %dma_start3A_98 = tpu.memref_squeeze %dma_start3A_97 : memref<1x80xi32, #tpu.memory_space<vmem>> -> memref<80xi32, #tpu.memory_space<vmem>>
    %dma_start3A_99 = tpu.memref_slice %arg4[%add3A_90] : memref<320000xi32, #tpu.memory_space<hbm>> -> memref<80xi32, #tpu.memory_space<hbm>>
    tpu.enqueue_dma source(%dma_start3A_99 : memref<80xi32, #tpu.memory_space<hbm>>) target(%dma_start3A_98 : memref<80xi32, #tpu.memory_space<vmem>>) target_semaphore(%arg15 : memref<!tpu.dma_semaphore, #tpu.memory_space<semaphore_mem>>)
    %mul3A_100 = arith.constant 10000 : i32
    %mul3A_101 = arith.muli %add3A, %mul3A_100 : i32
    %add3A_102 = arith.constant 160 : i32
    %add3A_103 = arith.addi %mul3A_101, %add3A_102 : i32
    %dma_start3A_104 = arith.constant 2 : i32
    %dma_start3A_105 = arith.constant 0 : i32
    %dma_start3A_106 = tpu.memref_slice %arg9[%dma_start3A_104, %dma_start3A_105] : memref<125x80xi32, #tpu.memory_space<vmem>> -> memref<1x80xi32, #tpu.memory_space<vmem>>
    %dma_start3A_107 = tpu.memref_squeeze %dma_start3A_106 : memref<1x80xi32, #tpu.memory_space<vmem>> -> memref<80xi32, #tpu.memory_space<vmem>>
    %dma_start3A_108 = tpu.memref_slice %arg4[%add3A_103] : memref<320000xi32, #tpu.memory_space<hbm>> -> memref<80xi32, #tpu.memory_space<hbm>>
    %dma_start3A_109 = arith.constant 0 : i32
    %dma_start3A_110 = tpu.memref_slice %arg9[%dma_start3A_104, %dma_start3A_109] : memref<125x80xi32, #tpu.memory_space<vmem>> -> memref<1x80xi32, #tpu.memory_space<vmem>>
    %dma_start3A_111 = tpu.memref_squeeze %dma_start3A_110 : memref<1x80xi32, #tpu.memory_space<vmem>> -> memref<80xi32, #tpu.memory_space<vmem>>
    %dma_start3A_112 = tpu.memref_slice %arg4[%add3A_103] : memref<320000xi32, #tpu.memory_space<hbm>> -> memref<80xi32, #tpu.memory_space<hbm>>
    tpu.enqueue_dma source(%dma_start3A_112 : memref<80xi32, #tpu.memory_space<hbm>>) target(%dma_start3A_111 : memref<80xi32, #tpu.memory_space<vmem>>) target_semaphore(%arg15 : memref<!tpu.dma_semaphore, #tpu.memory_space<semaphore_mem>>)
    %mul3A_113 = arith.constant 10000 : i32
    %mul3A_114 = arith.muli %add3A, %mul3A_113 : i32
    %add3A_115 = arith.constant 240 : i32
    %add3A_116 = arith.addi %mul3A_114, %add3A_115 : i32
    %dma_start3A_117 = arith.constant 3 : i32
    %dma_start3A_118 = arith.constant 0 : i32
    %dma_start3A_119 = tpu.memref_slice %arg9[%dma_start3A_117, %dma_start3A_118] : memref<125x80xi32, #tpu.memory_space<vmem>> -> memref<1x80xi32, #tpu.memory_space<vmem>>
    %dma_start3A_120 = tpu.memref_squeeze %dma_start3A_119 : memref<1x80xi32, #tpu.memory_space<vmem>> -> memref<80xi32, #tpu.memory_space<vmem>>
    %dma_start3A_121 = tpu.memref_slice %arg4[%add3A_116] : memref<320000xi32, #tpu.memory_space<hbm>> -> memref<80xi32, #tpu.memory_space<hbm>>
    %dma_start3A_122 = arith.constant 0 : i32
    %dma_start3A_123 = tpu.memref_slice %arg9[%dma_start3A_117, %dma_start3A_122] : memref<125x80xi32, #tpu.memory_space<vmem>> -> memref<1x80xi32, #tpu.memory_space<vmem>>
    %dma_start3A_124 = tpu.memref_squeeze %dma_start3A_123 : memref<1x80xi32, #tpu.memory_space<vmem>> -> memref<80xi32, #tpu.memory_space<vmem>>
    %dma_start3A_125 = tpu.memref_slice %arg4[%add3A_116] : memref<320000xi32, #tpu.memory_space<hbm>> -> memref<80xi32, #tpu.memory_space<hbm>>
    tpu.enqueue_dma source(%dma_start3A_125 : memref<80xi32, #tpu.memory_space<hbm>>) target(%dma_start3A_124 : memref<80xi32, #tpu.memory_space<vmem>>) target_semaphore(%arg15 : memref<!tpu.dma_semaphore, #tpu.memory_space<semaphore_mem>>)
    %dma_wait3A = tpu.memref_slice %arg3[%mul3A_71] : memref<320000xi32, #tpu.memory_space<hbm>> -> memref<10000xi32, #tpu.memory_space<hbm>>
    %dma_wait3A_126 = tpu.memref_slice %arg3[%mul3A_71] : memref<320000xi32, #tpu.memory_space<hbm>> -> memref<10000xi32, #tpu.memory_space<hbm>>
    tpu.wait_dma2 semaphore(%arg12 : memref<!tpu.dma_semaphore, #tpu.memory_space<semaphore_mem>>) src(%dma_wait3A_126 : memref<10000xi32, #tpu.memory_space<hbm>>) dst(%arg8 : memref<10000xi32, #tpu.memory_space<vmem>>)
    %mul3A_127 = arith.constant 640 : i32
    %mul3A_128 = arith.muli %arg1, %mul3A_127 : i32
    %add3A_129 = arith.constant 0 : i32
    %add3A_130 = arith.addi %mul3A_128, %add3A_129 : i32
    %dma_wait3A_131 = arith.constant 0 : i32
    %dma_wait3A_132 = tpu.memref_slice %arg7[%add3A_130, %dma_wait3A_131] : memref<10240x128xf32, #tpu.memory_space<vmem_shared>> -> memref<80x128xf32, #tpu.memory_space<vmem_shared>>
    %dma_wait3A_133 = arith.constant 0 : i32
    %dma_wait3A_134 = tpu.memref_slice %arg7[%add3A_130, %dma_wait3A_133] : memref<10240x128xf32, #tpu.memory_space<vmem_shared>> -> memref<80x128xf32, #tpu.memory_space<vmem_shared>>
    tpu.wait_dma2 semaphore(%arg14 : memref<!tpu.dma_semaphore, #tpu.memory_space<semaphore_mem>>) src(%arg10 : memref<80x128xf32, #tpu.memory_space<vmem>>) dst(%dma_wait3A_134 : memref<80x128xf32, #tpu.memory_space<vmem_shared>>)
    %mul3A_135 = arith.constant 640 : i32
    %mul3A_136 = arith.muli %arg1, %mul3A_135 : i32
    %add3A_137 = arith.constant 80 : i32
    %add3A_138 = arith.addi %mul3A_136, %add3A_137 : i32
    %dma_wait3A_139 = arith.constant 0 : i32
    %dma_wait3A_140 = tpu.memref_slice %arg7[%add3A_138, %dma_wait3A_139] : memref<10240x128xf32, #tpu.memory_space<vmem_shared>> -> memref<80x128xf32, #tpu.memory_space<vmem_shared>>
    %dma_wait3A_141 = arith.constant 0 : i32
    %dma_wait3A_142 = tpu.memref_slice %arg7[%add3A_138, %dma_wait3A_141] : memref<10240x128xf32, #tpu.memory_space<vmem_shared>> -> memref<80x128xf32, #tpu.memory_space<vmem_shared>>
    tpu.wait_dma2 semaphore(%arg14 : memref<!tpu.dma_semaphore, #tpu.memory_space<semaphore_mem>>) src(%arg10 : memref<80x128xf32, #tpu.memory_space<vmem>>) dst(%dma_wait3A_142 : memref<80x128xf32, #tpu.memory_space<vmem_shared>>)
    %mul3A_143 = arith.constant 640 : i32
    %mul3A_144 = arith.muli %arg1, %mul3A_143 : i32
    %add3A_145 = arith.constant 160 : i32
    %add3A_146 = arith.addi %mul3A_144, %add3A_145 : i32
    %dma_wait3A_147 = arith.constant 0 : i32
    %dma_wait3A_148 = tpu.memref_slice %arg7[%add3A_146, %dma_wait3A_147] : memref<10240x128xf32, #tpu.memory_space<vmem_shared>> -> memref<80x128xf32, #tpu.memory_space<vmem_shared>>
    %dma_wait3A_149 = arith.constant 0 : i32
    %dma_wait3A_150 = tpu.memref_slice %arg7[%add3A_146, %dma_wait3A_149] : memref<10240x128xf32, #tpu.memory_space<vmem_shared>> -> memref<80x128xf32, #tpu.memory_space<vmem_shared>>
    tpu.wait_dma2 semaphore(%arg14 : memref<!tpu.dma_semaphore, #tpu.memory_space<semaphore_mem>>) src(%arg10 : memref<80x128xf32, #tpu.memory_space<vmem>>) dst(%dma_wait3A_150 : memref<80x128xf32, #tpu.memory_space<vmem_shared>>)
    %mul3A_151 = arith.constant 640 : i32
    %mul3A_152 = arith.muli %arg1, %mul3A_151 : i32
    %add3A_153 = arith.constant 240 : i32
    %add3A_154 = arith.addi %mul3A_152, %add3A_153 : i32
    %dma_wait3A_155 = arith.constant 0 : i32
    %dma_wait3A_156 = tpu.memref_slice %arg7[%add3A_154, %dma_wait3A_155] : memref<10240x128xf32, #tpu.memory_space<vmem_shared>> -> memref<80x128xf32, #tpu.memory_space<vmem_shared>>
    %dma_wait3A_157 = arith.constant 0 : i32
    %dma_wait3A_158 = tpu.memref_slice %arg7[%add3A_154, %dma_wait3A_157] : memref<10240x128xf32, #tpu.memory_space<vmem_shared>> -> memref<80x128xf32, #tpu.memory_space<vmem_shared>>
    tpu.wait_dma2 semaphore(%arg14 : memref<!tpu.dma_semaphore, #tpu.memory_space<semaphore_mem>>) src(%arg10 : memref<80x128xf32, #tpu.memory_space<vmem>>) dst(%dma_wait3A_158 : memref<80x128xf32, #tpu.memory_space<vmem_shared>>)
    %mul3A_159 = arith.constant 640 : i32
    %mul3A_160 = arith.muli %arg1, %mul3A_159 : i32
    %add3A_161 = arith.constant 320 : i32
    %add3A_162 = arith.addi %mul3A_160, %add3A_161 : i32
    %dma_wait3A_163 = arith.constant 0 : i32
    %dma_wait3A_164 = tpu.memref_slice %arg7[%add3A_162, %dma_wait3A_163] : memref<10240x128xf32, #tpu.memory_space<vmem_shared>> -> memref<80x128xf32, #tpu.memory_space<vmem_shared>>
    %dma_wait3A_165 = arith.constant 0 : i32
    %dma_wait3A_166 = tpu.memref_slice %arg7[%add3A_162, %dma_wait3A_165] : memref<10240x128xf32, #tpu.memory_space<vmem_shared>> -> memref<80x128xf32, #tpu.memory_space<vmem_shared>>
    tpu.wait_dma2 semaphore(%arg14 : memref<!tpu.dma_semaphore, #tpu.memory_space<semaphore_mem>>) src(%arg10 : memref<80x128xf32, #tpu.memory_space<vmem>>) dst(%dma_wait3A_166 : memref<80x128xf32, #tpu.memory_space<vmem_shared>>)
    %mul3A_167 = arith.constant 640 : i32
    %mul3A_168 = arith.muli %arg1, %mul3A_167 : i32
    %add3A_169 = arith.constant 400 : i32
    %add3A_170 = arith.addi %mul3A_168, %add3A_169 : i32
    %dma_wait3A_171 = arith.constant 0 : i32
    %dma_wait3A_172 = tpu.memref_slice %arg7[%add3A_170, %dma_wait3A_171] : memref<10240x128xf32, #tpu.memory_space<vmem_shared>> -> memref<80x128xf32, #tpu.memory_space<vmem_shared>>
    %dma_wait3A_173 = arith.constant 0 : i32
    %dma_wait3A_174 = tpu.memref_slice %arg7[%add3A_170, %dma_wait3A_173] : memref<10240x128xf32, #tpu.memory_space<vmem_shared>> -> memref<80x128xf32, #tpu.memory_space<vmem_shared>>
    tpu.wait_dma2 semaphore(%arg14 : memref<!tpu.dma_semaphore, #tpu.memory_space<semaphore_mem>>) src(%arg10 : memref<80x128xf32, #tpu.memory_space<vmem>>) dst(%dma_wait3A_174 : memref<80x128xf32, #tpu.memory_space<vmem_shared>>)
    %mul3A_175 = arith.constant 640 : i32
    %mul3A_176 = arith.muli %arg1, %mul3A_175 : i32
    %add3A_177 = arith.constant 480 : i32
    %add3A_178 = arith.addi %mul3A_176, %add3A_177 : i32
    %dma_wait3A_179 = arith.constant 0 : i32
    %dma_wait3A_180 = tpu.memref_slice %arg7[%add3A_178, %dma_wait3A_179] : memref<10240x128xf32, #tpu.memory_space<vmem_shared>> -> memref<80x128xf32, #tpu.memory_space<vmem_shared>>
    %dma_wait3A_181 = arith.constant 0 : i32
    %dma_wait3A_182 = tpu.memref_slice %arg7[%add3A_178, %dma_wait3A_181] : memref<10240x128xf32, #tpu.memory_space<vmem_shared>> -> memref<80x128xf32, #tpu.memory_space<vmem_shared>>
    tpu.wait_dma2 semaphore(%arg14 : memref<!tpu.dma_semaphore, #tpu.memory_space<semaphore_mem>>) src(%arg10 : memref<80x128xf32, #tpu.memory_space<vmem>>) dst(%dma_wait3A_182 : memref<80x128xf32, #tpu.memory_space<vmem_shared>>)
    %mul3A_183 = arith.constant 640 : i32
    %mul3A_184 = arith.muli %arg1, %mul3A_183 : i32
    %add3A_185 = arith.constant 560 : i32
    %add3A_186 = arith.addi %mul3A_184, %add3A_185 : i32
    %dma_wait3A_187 = arith.constant 0 : i32
    %dma_wait3A_188 = tpu.memref_slice %arg7[%add3A_186, %dma_wait3A_187] : memref<10240x128xf32, #tpu.memory_space<vmem_shared>> -> memref<80x128xf32, #tpu.memory_space<vmem_shared>>
    %dma_wait3A_189 = arith.constant 0 : i32
    %dma_wait3A_190 = tpu.memref_slice %arg7[%add3A_186, %dma_wait3A_189] : memref<10240x128xf32, #tpu.memory_space<vmem_shared>> -> memref<80x128xf32, #tpu.memory_space<vmem_shared>>
    tpu.wait_dma2 semaphore(%arg14 : memref<!tpu.dma_semaphore, #tpu.memory_space<semaphore_mem>>) src(%arg10 : memref<80x128xf32, #tpu.memory_space<vmem>>) dst(%dma_wait3A_190 : memref<80x128xf32, #tpu.memory_space<vmem_shared>>)
    %dma_start3A_191 = arith.constant 0 : i32
    %dma_start3A_192 = tpu.memref_slice %arg8[%dma_start3A_191] : memref<10000xi32, #tpu.memory_space<vmem>> -> memref<80xi32, #tpu.memory_space<vmem>>
    %dma_start3A_193 = arith.constant 0 : i32
    %dma_start3A_194 = arith.constant 0 : i32
    %dma_start3A_195 = tpu.memref_slice %arg2[%dma_start3A_193, %dma_start3A_194] : memref<10000x128xf32, #tpu.memory_space<hbm>> -> memref<10000x128xf32, #tpu.memory_space<hbm>>
    tpu.enqueue_indirect_dma source(%dma_start3A_195 : memref<10000x128xf32, #tpu.memory_space<hbm>>) target(%arg10 : memref<80x128xf32, #tpu.memory_space<vmem>>) offsets(%dma_start3A_192 : memref<80xi32, #tpu.memory_space<vmem>>) semaphore(%arg12 : memref<!tpu.dma_semaphore, #tpu.memory_space<semaphore_mem>>)
    %barrier3A = arith.constant 0 : index
    tpu.barrier barrier_id(%barrier3A)
    %scan3A_196 = arith.constant 0 : i32
    %scan3A_197 = arith.constant 0 : i32
    %scan3A_198 = arith.constant 62 : i32
    %scan3A_199 = arith.addi %scan3A_197, %scan3A_198 : i32
    %scan3A_200 = arith.constant 1 : i32
    scf.for %scan3A_267 = %scan3A_197 to %scan3A_199 step %scan3A_200  : i32 {
      %mul3A_268 = arith.constant 2 : i32
      %mul3A_269 = arith.muli %mul3A_268, %scan3A_267 : i32
      %add3A_270 = arith.constant 4 : i32
      %add3A_271 = arith.addi %mul3A_269, %add3A_270 : i32
      %min3A = arith.constant 124 : i32
      %min3A_272 = arith.minsi %add3A_271, %min3A : i32
      %mul3A_273 = arith.constant 10000 : i32
      %mul3A_274 = arith.muli %add3A, %mul3A_273 : i32
      %mul3A_275 = arith.constant 80 : i32
      %mul3A_276 = arith.muli %min3A_272, %mul3A_275 : i32
      %add3A_277 = arith.addi %mul3A_274, %mul3A_276 : i32
      %dma_start3A_278 = arith.constant 0 : i32
      %dma_start3A_279 = tpu.memref_slice %arg9[%min3A_272, %dma_start3A_278] : memref<125x80xi32, #tpu.memory_space<vmem>> -> memref<1x80xi32, #tpu.memory_space<vmem>>
      %dma_start3A_280 = tpu.memref_squeeze %dma_start3A_279 : memref<1x80xi32, #tpu.memory_space<vmem>> -> memref<80xi32, #tpu.memory_space<vmem>>
      %dma_start3A_281 = tpu.memref_slice %arg4[%add3A_277] : memref<320000xi32, #tpu.memory_space<hbm>> -> memref<80xi32, #tpu.memory_space<hbm>>
      %dma_start3A_282 = arith.constant 0 : i32
      %dma_start3A_283 = tpu.memref_slice %arg9[%min3A_272, %dma_start3A_282] : memref<125x80xi32, #tpu.memory_space<vmem>> -> memref<1x80xi32, #tpu.memory_space<vmem>>
      %dma_start3A_284 = tpu.memref_squeeze %dma_start3A_283 : memref<1x80xi32, #tpu.memory_space<vmem>> -> memref<80xi32, #tpu.memory_space<vmem>>
      %dma_start3A_285 = tpu.memref_slice %arg4[%add3A_277] : memref<320000xi32, #tpu.memory_space<hbm>> -> memref<80xi32, #tpu.memory_space<hbm>>
      tpu.enqueue_dma source(%dma_start3A_285 : memref<80xi32, #tpu.memory_space<hbm>>) target(%dma_start3A_284 : memref<80xi32, #tpu.memory_space<vmem>>) target_semaphore(%arg15 : memref<!tpu.dma_semaphore, #tpu.memory_space<semaphore_mem>>)
      %add3A_286 = arith.constant 5 : i32
      %add3A_287 = arith.addi %mul3A_269, %add3A_286 : i32
      %min3A_288 = arith.constant 124 : i32
      %min3A_289 = arith.minsi %add3A_287, %min3A_288 : i32
      %mul3A_290 = arith.constant 10000 : i32
      %mul3A_291 = arith.muli %add3A, %mul3A_290 : i32
      %mul3A_292 = arith.constant 80 : i32
      %mul3A_293 = arith.muli %min3A_289, %mul3A_292 : i32
      %add3A_294 = arith.addi %mul3A_291, %mul3A_293 : i32
      %dma_start3A_295 = arith.constant 0 : i32
      %dma_start3A_296 = tpu.memref_slice %arg9[%min3A_289, %dma_start3A_295] : memref<125x80xi32, #tpu.memory_space<vmem>> -> memref<1x80xi32, #tpu.memory_space<vmem>>
      %dma_start3A_297 = tpu.memref_squeeze %dma_start3A_296 : memref<1x80xi32, #tpu.memory_space<vmem>> -> memref<80xi32, #tpu.memory_space<vmem>>
      %dma_start3A_298 = tpu.memref_slice %arg4[%add3A_294] : memref<320000xi32, #tpu.memory_space<hbm>> -> memref<80xi32, #tpu.memory_space<hbm>>
      %dma_start3A_299 = arith.constant 0 : i32
      %dma_start3A_300 = tpu.memref_slice %arg9[%min3A_289, %dma_start3A_299] : memref<125x80xi32, #tpu.memory_space<vmem>> -> memref<1x80xi32, #tpu.memory_space<vmem>>
      %dma_start3A_301 = tpu.memref_squeeze %dma_start3A_300 : memref<1x80xi32, #tpu.memory_space<vmem>> -> memref<80xi32, #tpu.memory_space<vmem>>
      %dma_start3A_302 = tpu.memref_slice %arg4[%add3A_294] : memref<320000xi32, #tpu.memory_space<hbm>> -> memref<80xi32, #tpu.memory_space<hbm>>
      tpu.enqueue_dma source(%dma_start3A_302 : memref<80xi32, #tpu.memory_space<hbm>>) target(%dma_start3A_301 : memref<80xi32, #tpu.memory_space<vmem>>) target_semaphore(%arg15 : memref<!tpu.dma_semaphore, #tpu.memory_space<semaphore_mem>>)
      %add3A_303 = arith.constant 1 : i32
      %add3A_304 = arith.addi %mul3A_269, %add3A_303 : i32
      %mul3A_305 = arith.constant 80 : i32
      %mul3A_306 = arith.muli %add3A_304, %mul3A_305 : i32
      %dma_start3A_307 = tpu.memref_slice %arg8[%mul3A_306] : memref<10000xi32, #tpu.memory_space<vmem>> -> memref<80xi32, #tpu.memory_space<vmem>>
      %dma_start3A_308 = arith.constant 0 : i32
      %dma_start3A_309 = arith.constant 0 : i32
      %dma_start3A_310 = tpu.memref_slice %arg2[%dma_start3A_308, %dma_start3A_309] : memref<10000x128xf32, #tpu.memory_space<hbm>> -> memref<10000x128xf32, #tpu.memory_space<hbm>>
      tpu.enqueue_indirect_dma source(%dma_start3A_310 : memref<10000x128xf32, #tpu.memory_space<hbm>>) target(%arg11 : memref<80x128xf32, #tpu.memory_space<vmem>>) offsets(%dma_start3A_307 : memref<80xi32, #tpu.memory_space<vmem>>) semaphore(%arg13 : memref<!tpu.dma_semaphore, #tpu.memory_space<semaphore_mem>>)
      %mul3A_311 = arith.constant 80 : i32
      %mul3A_312 = arith.muli %mul3A_269, %mul3A_311 : i32
      %dma_wait3A_313 = tpu.memref_slice %arg8[%mul3A_312] : memref<10000xi32, #tpu.memory_space<vmem>> -> memref<80xi32, #tpu.memory_space<vmem>>
      %dma_wait3A_314 = arith.constant 0 : i32
      %dma_wait3A_315 = arith.constant 0 : i32
      %dma_wait3A_316 = tpu.memref_slice %arg2[%dma_wait3A_314, %dma_wait3A_315] : memref<10000x128xf32, #tpu.memory_space<hbm>> -> memref<10000x128xf32, #tpu.memory_space<hbm>>
      tpu.wait_indirect_dma semaphore(%arg12 : memref<!tpu.dma_semaphore, #tpu.memory_space<semaphore_mem>>) src(%dma_wait3A_316 : memref<10000x128xf32, #tpu.memory_space<hbm>>) dst(%arg10 : memref<80x128xf32, #tpu.memory_space<vmem>>)
      %mul3A_317 = arith.constant 10000 : i32
      %mul3A_318 = arith.muli %add3A, %mul3A_317 : i32
      %mul3A_319 = arith.constant 80 : i32
      %mul3A_320 = arith.muli %mul3A_269, %mul3A_319 : i32
      %add3A_321 = arith.addi %mul3A_318, %mul3A_320 : i32
      %dma_wait3A_322 = arith.constant 0 : i32
      %dma_wait3A_323 = tpu.memref_slice %arg9[%mul3A_269, %dma_wait3A_322] : memref<125x80xi32, #tpu.memory_space<vmem>> -> memref<1x80xi32, #tpu.memory_space<vmem>>
      %dma_wait3A_324 = tpu.memref_squeeze %dma_wait3A_323 : memref<1x80xi32, #tpu.memory_space<vmem>> -> memref<80xi32, #tpu.memory_space<vmem>>
      %dma_wait3A_325 = tpu.memref_slice %arg4[%add3A_321] : memref<320000xi32, #tpu.memory_space<hbm>> -> memref<80xi32, #tpu.memory_space<hbm>>
      %dma_wait3A_326 = arith.constant 0 : i32
      %dma_wait3A_327 = tpu.memref_slice %arg9[%mul3A_269, %dma_wait3A_326] : memref<125x80xi32, #tpu.memory_space<vmem>> -> memref<1x80xi32, #tpu.memory_space<vmem>>
      %dma_wait3A_328 = tpu.memref_squeeze %dma_wait3A_327 : memref<1x80xi32, #tpu.memory_space<vmem>> -> memref<80xi32, #tpu.memory_space<vmem>>
      %dma_wait3A_329 = tpu.memref_slice %arg4[%add3A_321] : memref<320000xi32, #tpu.memory_space<hbm>> -> memref<80xi32, #tpu.memory_space<hbm>>
      tpu.wait_dma2 semaphore(%arg15 : memref<!tpu.dma_semaphore, #tpu.memory_space<semaphore_mem>>) src(%dma_wait3A_329 : memref<80xi32, #tpu.memory_space<hbm>>) dst(%dma_wait3A_328 : memref<80xi32, #tpu.memory_space<vmem>>)
      "tpu.region"() ({
        %run_scoped3A_363 = tpu.sem_alloc : memref<!tpu.dma_semaphore, #tpu.memory_space<semaphore_mem>>
        %dma_start3A_364 = arith.constant 0 : i32
        %dma_start3A_365 = tpu.memref_slice %arg9[%mul3A_269, %dma_start3A_364] : memref<125x80xi32, #tpu.memory_space<vmem>> -> memref<1x80xi32, #tpu.memory_space<vmem>>
        %dma_start3A_366 = tpu.memref_squeeze %dma_start3A_365 : memref<1x80xi32, #tpu.memory_space<vmem>> -> memref<80xi32, #tpu.memory_space<vmem>>
        %dma_start3A_367 = arith.constant 0 : i32
        %dma_start3A_368 = arith.constant 0 : i32
        %dma_start3A_369 = tpu.memref_slice %arg7[%dma_start3A_367, %dma_start3A_368] : memref<10240x128xf32, #tpu.memory_space<vmem_shared>> -> memref<10240x128xf32, #tpu.memory_space<vmem_shared>>
        tpu.enqueue_indirect_dma source(%arg10 : memref<80x128xf32, #tpu.memory_space<vmem>>) target(%dma_start3A_369 : memref<10240x128xf32, #tpu.memory_space<vmem_shared>>) offsets(%dma_start3A_366 : memref<80xi32, #tpu.memory_space<vmem>>) semaphore(%run_scoped3A_363 : memref<!tpu.dma_semaphore, #tpu.memory_space<semaphore_mem>>) {add = true}
        %dma_wait3A_370 = arith.constant 0 : i32
        %dma_wait3A_371 = tpu.memref_slice %arg9[%mul3A_269, %dma_wait3A_370] : memref<125x80xi32, #tpu.memory_space<vmem>> -> memref<1x80xi32, #tpu.memory_space<vmem>>
        %dma_wait3A_372 = tpu.memref_squeeze %dma_wait3A_371 : memref<1x80xi32, #tpu.memory_space<vmem>> -> memref<80xi32, #tpu.memory_space<vmem>>
        %dma_wait3A_373 = arith.constant 0 : i32
        %dma_wait3A_374 = arith.constant 0 : i32
        %dma_wait3A_375 = tpu.memref_slice %arg7[%dma_wait3A_373, %dma_wait3A_374] : memref<10240x128xf32, #tpu.memory_space<vmem_shared>> -> memref<10240x128xf32, #tpu.memory_space<vmem_shared>>
        tpu.wait_indirect_dma semaphore(%run_scoped3A_363 : memref<!tpu.dma_semaphore, #tpu.memory_space<semaphore_mem>>) src(%arg10 : memref<80x128xf32, #tpu.memory_space<vmem>>) dst(%dma_wait3A_375 : memref<10240x128xf32, #tpu.memory_space<vmem_shared>>)
        tpu.yield
      }) : () -> ()
      %add3A_330 = arith.constant 2 : i32
      %add3A_331 = arith.addi %mul3A_269, %add3A_330 : i32
      %mul3A_332 = arith.constant 80 : i32
      %mul3A_333 = arith.muli %add3A_331, %mul3A_332 : i32
      %dma_start3A_334 = tpu.memref_slice %arg8[%mul3A_333] : memref<10000xi32, #tpu.memory_space<vmem>> -> memref<80xi32, #tpu.memory_space<vmem>>
      %dma_start3A_335 = arith.constant 0 : i32
      %dma_start3A_336 = arith.constant 0 : i32
      %dma_start3A_337 = tpu.memref_slice %arg2[%dma_start3A_335, %dma_start3A_336] : memref<10000x128xf32, #tpu.memory_space<hbm>> -> memref<10000x128xf32, #tpu.memory_space<hbm>>
      tpu.enqueue_indirect_dma source(%dma_start3A_337 : memref<10000x128xf32, #tpu.memory_space<hbm>>) target(%arg10 : memref<80x128xf32, #tpu.memory_space<vmem>>) offsets(%dma_start3A_334 : memref<80xi32, #tpu.memory_space<vmem>>) semaphore(%arg12 : memref<!tpu.dma_semaphore, #tpu.memory_space<semaphore_mem>>)
      %add3A_338 = arith.constant 1 : i32
      %add3A_339 = arith.addi %mul3A_269, %add3A_338 : i32
      %mul3A_340 = arith.constant 80 : i32
      %mul3A_341 = arith.muli %add3A_339, %mul3A_340 : i32
      %dma_wait3A_342 = tpu.memref_slice %arg8[%mul3A_341] : memref<10000xi32, #tpu.memory_space<vmem>> -> memref<80xi32, #tpu.memory_space<vmem>>
      %dma_wait3A_343 = arith.constant 0 : i32
      %dma_wait3A_344 = arith.constant 0 : i32
      %dma_wait3A_345 = tpu.memref_slice %arg2[%dma_wait3A_343, %dma_wait3A_344] : memref<10000x128xf32, #tpu.memory_space<hbm>> -> memref<10000x128xf32, #tpu.memory_space<hbm>>
      tpu.wait_indirect_dma semaphore(%arg13 : memref<!tpu.dma_semaphore, #tpu.memory_space<semaphore_mem>>) src(%dma_wait3A_345 : memref<10000x128xf32, #tpu.memory_space<hbm>>) dst(%arg11 : memref<80x128xf32, #tpu.memory_space<vmem>>)
      %add3A_346 = arith.constant 1 : i32
      %add3A_347 = arith.addi %mul3A_269, %add3A_346 : i32
      %mul3A_348 = arith.constant 10000 : i32
      %mul3A_349 = arith.muli %add3A, %mul3A_348 : i32
      %mul3A_350 = arith.constant 80 : i32
      %mul3A_351 = arith.muli %add3A_347, %mul3A_350 : i32
      %add3A_352 = arith.addi %mul3A_349, %mul3A_351 : i32
      %dma_wait3A_353 = arith.constant 0 : i32
      %dma_wait3A_354 = tpu.memref_slice %arg9[%add3A_347, %dma_wait3A_353] : memref<125x80xi32, #tpu.memory_space<vmem>> -> memref<1x80xi32, #tpu.memory_space<vmem>>
      %dma_wait3A_355 = tpu.memref_squeeze %dma_wait3A_354 : memref<1x80xi32, #tpu.memory_space<vmem>> -> memref<80xi32, #tpu.memory_space<vmem>>
      %dma_wait3A_356 = tpu.memref_slice %arg4[%add3A_352] : memref<320000xi32, #tpu.memory_space<hbm>> -> memref<80xi32, #tpu.memory_space<hbm>>
      %dma_wait3A_357 = arith.constant 0 : i32
      %dma_wait3A_358 = tpu.memref_slice %arg9[%add3A_347, %dma_wait3A_357] : memref<125x80xi32, #tpu.memory_space<vmem>> -> memref<1x80xi32, #tpu.memory_space<vmem>>
      %dma_wait3A_359 = tpu.memref_squeeze %dma_wait3A_358 : memref<1x80xi32, #tpu.memory_space<vmem>> -> memref<80xi32, #tpu.memory_space<vmem>>
      %dma_wait3A_360 = tpu.memref_slice %arg4[%add3A_352] : memref<320000xi32, #tpu.memory_space<hbm>> -> memref<80xi32, #tpu.memory_space<hbm>>
      tpu.wait_dma2 semaphore(%arg15 : memref<!tpu.dma_semaphore, #tpu.memory_space<semaphore_mem>>) src(%dma_wait3A_360 : memref<80xi32, #tpu.memory_space<hbm>>) dst(%dma_wait3A_359 : memref<80xi32, #tpu.memory_space<vmem>>)
      %add3A_361 = arith.constant 1 : i32
      %add3A_362 = arith.addi %mul3A_269, %add3A_361 : i32
      "tpu.region"() ({
        %run_scoped3A_363 = tpu.sem_alloc : memref<!tpu.dma_semaphore, #tpu.memory_space<semaphore_mem>>
        %dma_start3A_364 = arith.constant 0 : i32
        %dma_start3A_365 = tpu.memref_slice %arg9[%add3A_362, %dma_start3A_364] : memref<125x80xi32, #tpu.memory_space<vmem>> -> memref<1x80xi32, #tpu.memory_space<vmem>>
        %dma_start3A_366 = tpu.memref_squeeze %dma_start3A_365 : memref<1x80xi32, #tpu.memory_space<vmem>> -> memref<80xi32, #tpu.memory_space<vmem>>
        %dma_start3A_367 = arith.constant 0 : i32
        %dma_start3A_368 = arith.constant 0 : i32
        %dma_start3A_369 = tpu.memref_slice %arg7[%dma_start3A_367, %dma_start3A_368] : memref<10240x128xf32, #tpu.memory_space<vmem_shared>> -> memref<10240x128xf32, #tpu.memory_space<vmem_shared>>
        tpu.enqueue_indirect_dma source(%arg11 : memref<80x128xf32, #tpu.memory_space<vmem>>) target(%dma_start3A_369 : memref<10240x128xf32, #tpu.memory_space<vmem_shared>>) offsets(%dma_start3A_366 : memref<80xi32, #tpu.memory_space<vmem>>) semaphore(%run_scoped3A_363 : memref<!tpu.dma_semaphore, #tpu.memory_space<semaphore_mem>>) {add = true}
        %dma_wait3A_370 = arith.constant 0 : i32
        %dma_wait3A_371 = tpu.memref_slice %arg9[%add3A_362, %dma_wait3A_370] : memref<125x80xi32, #tpu.memory_space<vmem>> -> memref<1x80xi32, #tpu.memory_space<vmem>>
        %dma_wait3A_372 = tpu.memref_squeeze %dma_wait3A_371 : memref<1x80xi32, #tpu.memory_space<vmem>> -> memref<80xi32, #tpu.memory_space<vmem>>
        %dma_wait3A_373 = arith.constant 0 : i32
        %dma_wait3A_374 = arith.constant 0 : i32
        %dma_wait3A_375 = tpu.memref_slice %arg7[%dma_wait3A_373, %dma_wait3A_374] : memref<10240x128xf32, #tpu.memory_space<vmem_shared>> -> memref<10240x128xf32, #tpu.memory_space<vmem_shared>>
        tpu.wait_indirect_dma semaphore(%run_scoped3A_363 : memref<!tpu.dma_semaphore, #tpu.memory_space<semaphore_mem>>) src(%arg11 : memref<80x128xf32, #tpu.memory_space<vmem>>) dst(%dma_wait3A_375 : memref<10240x128xf32, #tpu.memory_space<vmem_shared>>)
        tpu.yield
      }) : () -> ()
    }
    %scan3A_201 = arith.constant 62 : i32
    %dma_wait3A_202 = arith.constant 9920 : i32
    %dma_wait3A_203 = tpu.memref_slice %arg8[%dma_wait3A_202] : memref<10000xi32, #tpu.memory_space<vmem>> -> memref<80xi32, #tpu.memory_space<vmem>>
    %dma_wait3A_204 = arith.constant 0 : i32
    %dma_wait3A_205 = arith.constant 0 : i32
    %dma_wait3A_206 = tpu.memref_slice %arg2[%dma_wait3A_204, %dma_wait3A_205] : memref<10000x128xf32, #tpu.memory_space<hbm>> -> memref<10000x128xf32, #tpu.memory_space<hbm>>
    tpu.wait_indirect_dma semaphore(%arg12 : memref<!tpu.dma_semaphore, #tpu.memory_space<semaphore_mem>>) src(%dma_wait3A_206 : memref<10000x128xf32, #tpu.memory_space<hbm>>) dst(%arg10 : memref<80x128xf32, #tpu.memory_space<vmem>>)
    %mul3A_207 = arith.constant 10000 : i32
    %mul3A_208 = arith.muli %add3A, %mul3A_207 : i32
    %add3A_209 = arith.constant 9920 : i32
    %add3A_210 = arith.addi %mul3A_208, %add3A_209 : i32
    %dma_wait3A_211 = arith.constant 124 : i32
    %dma_wait3A_212 = arith.constant 0 : i32
    %dma_wait3A_213 = tpu.memref_slice %arg9[%dma_wait3A_211, %dma_wait3A_212] : memref<125x80xi32, #tpu.memory_space<vmem>> -> memref<1x80xi32, #tpu.memory_space<vmem>>
    %dma_wait3A_214 = tpu.memref_squeeze %dma_wait3A_213 : memref<1x80xi32, #tpu.memory_space<vmem>> -> memref<80xi32, #tpu.memory_space<vmem>>
    %dma_wait3A_215 = tpu.memref_slice %arg4[%add3A_210] : memref<320000xi32, #tpu.memory_space<hbm>> -> memref<80xi32, #tpu.memory_space<hbm>>
    %dma_wait3A_216 = arith.constant 0 : i32
    %dma_wait3A_217 = tpu.memref_slice %arg9[%dma_wait3A_211, %dma_wait3A_216] : memref<125x80xi32, #tpu.memory_space<vmem>> -> memref<1x80xi32, #tpu.memory_space<vmem>>
    %dma_wait3A_218 = tpu.memref_squeeze %dma_wait3A_217 : memref<1x80xi32, #tpu.memory_space<vmem>> -> memref<80xi32, #tpu.memory_space<vmem>>
    %dma_wait3A_219 = tpu.memref_slice %arg4[%add3A_210] : memref<320000xi32, #tpu.memory_space<hbm>> -> memref<80xi32, #tpu.memory_space<hbm>>
    tpu.wait_dma2 semaphore(%arg15 : memref<!tpu.dma_semaphore, #tpu.memory_space<semaphore_mem>>) src(%dma_wait3A_219 : memref<80xi32, #tpu.memory_space<hbm>>) dst(%dma_wait3A_218 : memref<80xi32, #tpu.memory_space<vmem>>)
    %mul3A_220 = arith.constant 10000 : i32
    %mul3A_221 = arith.muli %add3A, %mul3A_220 : i32
    %add3A_222 = arith.constant 9920 : i32
    %add3A_223 = arith.addi %mul3A_221, %add3A_222 : i32
    %dma_wait3A_224 = arith.constant 124 : i32
    %dma_wait3A_225 = arith.constant 0 : i32
    %dma_wait3A_226 = tpu.memref_slice %arg9[%dma_wait3A_224, %dma_wait3A_225] : memref<125x80xi32, #tpu.memory_space<vmem>> -> memref<1x80xi32, #tpu.memory_space<vmem>>
    %dma_wait3A_227 = tpu.memref_squeeze %dma_wait3A_226 : memref<1x80xi32, #tpu.memory_space<vmem>> -> memref<80xi32, #tpu.memory_space<vmem>>
    %dma_wait3A_228 = tpu.memref_slice %arg4[%add3A_223] : memref<320000xi32, #tpu.memory_space<hbm>> -> memref<80xi32, #tpu.memory_space<hbm>>
    %dma_wait3A_229 = arith.constant 0 : i32
    %dma_wait3A_230 = tpu.memref_slice %arg9[%dma_wait3A_224, %dma_wait3A_229] : memref<125x80xi32, #tpu.memory_space<vmem>> -> memref<1x80xi32, #tpu.memory_space<vmem>>
    %dma_wait3A_231 = tpu.memref_squeeze %dma_wait3A_230 : memref<1x80xi32, #tpu.memory_space<vmem>> -> memref<80xi32, #tpu.memory_space<vmem>>
    %dma_wait3A_232 = tpu.memref_slice %arg4[%add3A_223] : memref<320000xi32, #tpu.memory_space<hbm>> -> memref<80xi32, #tpu.memory_space<hbm>>
    tpu.wait_dma2 semaphore(%arg15 : memref<!tpu.dma_semaphore, #tpu.memory_space<semaphore_mem>>) src(%dma_wait3A_232 : memref<80xi32, #tpu.memory_space<hbm>>) dst(%dma_wait3A_231 : memref<80xi32, #tpu.memory_space<vmem>>)
    %mul3A_233 = arith.constant 10000 : i32
    %mul3A_234 = arith.muli %add3A, %mul3A_233 : i32
    %add3A_235 = arith.constant 9920 : i32
    %add3A_236 = arith.addi %mul3A_234, %add3A_235 : i32
    %dma_wait3A_237 = arith.constant 124 : i32
    %dma_wait3A_238 = arith.constant 0 : i32
    %dma_wait3A_239 = tpu.memref_slice %arg9[%dma_wait3A_237, %dma_wait3A_238] : memref<125x80xi32, #tpu.memory_space<vmem>> -> memref<1x80xi32, #tpu.memory_space<vmem>>
    %dma_wait3A_240 = tpu.memref_squeeze %dma_wait3A_239 : memref<1x80xi32, #tpu.memory_space<vmem>> -> memref<80xi32, #tpu.memory_space<vmem>>
    %dma_wait3A_241 = tpu.memref_slice %arg4[%add3A_236] : memref<320000xi32, #tpu.memory_space<hbm>> -> memref<80xi32, #tpu.memory_space<hbm>>
    %dma_wait3A_242 = arith.constant 0 : i32
    %dma_wait3A_243 = tpu.memref_slice %arg9[%dma_wait3A_237, %dma_wait3A_242] : memref<125x80xi32, #tpu.memory_space<vmem>> -> memref<1x80xi32, #tpu.memory_space<vmem>>
    %dma_wait3A_244 = tpu.memref_squeeze %dma_wait3A_243 : memref<1x80xi32, #tpu.memory_space<vmem>> -> memref<80xi32, #tpu.memory_space<vmem>>
    %dma_wait3A_245 = tpu.memref_slice %arg4[%add3A_236] : memref<320000xi32, #tpu.memory_space<hbm>> -> memref<80xi32, #tpu.memory_space<hbm>>
    tpu.wait_dma2 semaphore(%arg15 : memref<!tpu.dma_semaphore, #tpu.memory_space<semaphore_mem>>) src(%dma_wait3A_245 : memref<80xi32, #tpu.memory_space<hbm>>) dst(%dma_wait3A_244 : memref<80xi32, #tpu.memory_space<vmem>>)
    %mul3A_246 = arith.constant 10000 : i32
    %mul3A_247 = arith.muli %add3A, %mul3A_246 : i32
    %add3A_248 = arith.constant 9920 : i32
    %add3A_249 = arith.addi %mul3A_247, %add3A_248 : i32
    %dma_wait3A_250 = arith.constant 124 : i32
    %dma_wait3A_251 = arith.constant 0 : i32
    %dma_wait3A_252 = tpu.memref_slice %arg9[%dma_wait3A_250, %dma_wait3A_251] : memref<125x80xi32, #tpu.memory_space<vmem>> -> memref<1x80xi32, #tpu.memory_space<vmem>>
    %dma_wait3A_253 = tpu.memref_squeeze %dma_wait3A_252 : memref<1x80xi32, #tpu.memory_space<vmem>> -> memref<80xi32, #tpu.memory_space<vmem>>
    %dma_wait3A_254 = tpu.memref_slice %arg4[%add3A_249] : memref<320000xi32, #tpu.memory_space<hbm>> -> memref<80xi32, #tpu.memory_space<hbm>>
    %dma_wait3A_255 = arith.constant 0 : i32
    %dma_wait3A_256 = tpu.memref_slice %arg9[%dma_wait3A_250, %dma_wait3A_255] : memref<125x80xi32, #tpu.memory_space<vmem>> -> memref<1x80xi32, #tpu.memory_space<vmem>>
    %dma_wait3A_257 = tpu.memref_squeeze %dma_wait3A_256 : memref<1x80xi32, #tpu.memory_space<vmem>> -> memref<80xi32, #tpu.memory_space<vmem>>
    %dma_wait3A_258 = tpu.memref_slice %arg4[%add3A_249] : memref<320000xi32, #tpu.memory_space<hbm>> -> memref<80xi32, #tpu.memory_space<hbm>>
    tpu.wait_dma2 semaphore(%arg15 : memref<!tpu.dma_semaphore, #tpu.memory_space<semaphore_mem>>) src(%dma_wait3A_258 : memref<80xi32, #tpu.memory_space<hbm>>) dst(%dma_wait3A_257 : memref<80xi32, #tpu.memory_space<vmem>>)
    %run_scoped3A = arith.constant 124 : i32
    "tpu.region"() ({
      %run_scoped3A_267 = tpu.sem_alloc : memref<!tpu.dma_semaphore, #tpu.memory_space<semaphore_mem>>
      %dma_start3A_268 = arith.constant 0 : i32
      %dma_start3A_269 = tpu.memref_slice %arg9[%run_scoped3A, %dma_start3A_268] : memref<125x80xi32, #tpu.memory_space<vmem>> -> memref<1x80xi32, #tpu.memory_space<vmem>>
      %dma_start3A_270 = tpu.memref_squeeze %dma_start3A_269 : memref<1x80xi32, #tpu.memory_space<vmem>> -> memref<80xi32, #tpu.memory_space<vmem>>
      %dma_start3A_271 = arith.constant 0 : i32
      %dma_start3A_272 = arith.constant 0 : i32
      %dma_start3A_273 = tpu.memref_slice %arg7[%dma_start3A_271, %dma_start3A_272] : memref<10240x128xf32, #tpu.memory_space<vmem_shared>> -> memref<10240x128xf32, #tpu.memory_space<vmem_shared>>
      tpu.enqueue_indirect_dma source(%arg10 : memref<80x128xf32, #tpu.memory_space<vmem>>) target(%dma_start3A_273 : memref<10240x128xf32, #tpu.memory_space<vmem_shared>>) offsets(%dma_start3A_270 : memref<80xi32, #tpu.memory_space<vmem>>) semaphore(%run_scoped3A_267 : memref<!tpu.dma_semaphore, #tpu.memory_space<semaphore_mem>>) {add = true}
      %dma_wait3A_274 = arith.constant 0 : i32
      %dma_wait3A_275 = tpu.memref_slice %arg9[%run_scoped3A, %dma_wait3A_274] : memref<125x80xi32, #tpu.memory_space<vmem>> -> memref<1x80xi32, #tpu.memory_space<vmem>>
      %dma_wait3A_276 = tpu.memref_squeeze %dma_wait3A_275 : memref<1x80xi32, #tpu.memory_space<vmem>> -> memref<80xi32, #tpu.memory_space<vmem>>
      %dma_wait3A_277 = arith.constant 0 : i32
      %dma_wait3A_278 = arith.constant 0 : i32
      %dma_wait3A_279 = tpu.memref_slice %arg7[%dma_wait3A_277, %dma_wait3A_278] : memref<10240x128xf32, #tpu.memory_space<vmem_shared>> -> memref<10240x128xf32, #tpu.memory_space<vmem_shared>>
      tpu.wait_indirect_dma semaphore(%run_scoped3A_267 : memref<!tpu.dma_semaphore, #tpu.memory_space<semaphore_mem>>) src(%arg10 : memref<80x128xf32, #tpu.memory_space<vmem>>) dst(%dma_wait3A_279 : memref<10240x128xf32, #tpu.memory_space<vmem_shared>>)
      tpu.yield
    }) : () -> ()
    %barrier3A_259 = arith.constant 0 : index
    tpu.barrier barrier_id(%barrier3A_259)
    %eq3A = arith.constant 0 : i32
    %eq3A_260 = arith.cmpi eq, %arg0, %eq3A : i32
    %convert_element_type3A = arith.extui %eq3A_260 : i1 to i32
    %cond3A = arith.constant 0 : i32
    %cond3A_261 = arith.cmpi ne, %convert_element_type3A, %cond3A : i32
    scf.if %cond3A_261 {
      %mul3A_267 = arith.constant 640 : i32
      %mul3A_268 = arith.muli %arg1, %mul3A_267 : i32
      %mul3A_269 = arith.constant 640 : i32
      %mul3A_270 = arith.muli %arg1, %mul3A_269 : i32
      "tpu.region"() ({
        %run_scoped3A_271 = tpu.sem_alloc : memref<!tpu.dma_semaphore, #tpu.memory_space<semaphore_mem>>
        %dma_start3A_272 = arith.constant 0 : i32
        %dma_start3A_273 = tpu.memref_slice %arg5[%mul3A_270, %dma_start3A_272] : memref<10240x128xf32, #tpu.memory_space<hbm>> -> memref<640x128xf32, #tpu.memory_space<hbm>>
        %dma_start3A_274 = arith.constant 0 : i32
        %dma_start3A_275 = tpu.memref_slice %arg7[%mul3A_268, %dma_start3A_274] : memref<10240x128xf32, #tpu.memory_space<vmem_shared>> -> memref<640x128xf32, #tpu.memory_space<vmem_shared>>
        tpu.enqueue_dma source(%dma_start3A_275 : memref<640x128xf32, #tpu.memory_space<vmem_shared>>) target(%dma_start3A_273 : memref<640x128xf32, #tpu.memory_space<hbm>>) target_semaphore(%run_scoped3A_271 : memref<!tpu.dma_semaphore, #tpu.memory_space<semaphore_mem>>)
        %dma_wait3A_276 = arith.constant 0 : i32
        %dma_wait3A_277 = tpu.memref_slice %arg5[%mul3A_270, %dma_wait3A_276] : memref<10240x128xf32, #tpu.memory_space<hbm>> -> memref<640x128xf32, #tpu.memory_space<hbm>>
        %dma_wait3A_278 = arith.constant 0 : i32
        %dma_wait3A_279 = tpu.memref_slice %arg7[%mul3A_268, %dma_wait3A_278] : memref<10240x128xf32, #tpu.memory_space<vmem_shared>> -> memref<640x128xf32, #tpu.memory_space<vmem_shared>>
        tpu.wait_dma2 semaphore(%run_scoped3A_271 : memref<!tpu.dma_semaphore, #tpu.memory_space<semaphore_mem>>) src(%dma_wait3A_279 : memref<640x128xf32, #tpu.memory_space<vmem_shared>>) dst(%dma_wait3A_277 : memref<640x128xf32, #tpu.memory_space<hbm>>)
        tpu.yield
      }) : () -> ()
    } else {
    }
    %eq3A_262 = arith.constant 1 : i32
    %eq3A_263 = arith.cmpi eq, %arg0, %eq3A_262 : i32
    %convert_element_type3A_264 = arith.extui %eq3A_263 : i1 to i32
    %cond3A_265 = arith.constant 0 : i32
    %cond3A_266 = arith.cmpi ne, %convert_element_type3A_264, %cond3A_265 : i32
    scf.if %cond3A_266 {
      %mul3A_267 = arith.constant 640 : i32
      %mul3A_268 = arith.muli %arg1, %mul3A_267 : i32
      %mul3A_269 = arith.constant 640 : i32
      %mul3A_270 = arith.muli %arg1, %mul3A_269 : i32
      "tpu.region"() ({
        %run_scoped3A_271 = tpu.sem_alloc : memref<!tpu.dma_semaphore, #tpu.memory_space<semaphore_mem>>
        %dma_start3A_272 = arith.constant 0 : i32
        %dma_start3A_273 = tpu.memref_slice %arg6[%mul3A_270, %dma_start3A_272] : memref<10240x128xf32, #tpu.memory_space<hbm>> -> memref<640x128xf32, #tpu.memory_space<hbm>>
        %dma_start3A_274 = arith.constant 0 : i32
        %dma_start3A_275 = tpu.memref_slice %arg7[%mul3A_268, %dma_start3A_274] : memref<10240x128xf32, #tpu.memory_space<vmem_shared>> -> memref<640x128xf32, #tpu.memory_space<vmem_shared>>
        tpu.enqueue_dma source(%dma_start3A_275 : memref<640x128xf32, #tpu.memory_space<vmem_shared>>) target(%dma_start3A_273 : memref<640x128xf32, #tpu.memory_space<hbm>>) target_semaphore(%run_scoped3A_271 : memref<!tpu.dma_semaphore, #tpu.memory_space<semaphore_mem>>)
        %dma_wait3A_276 = arith.constant 0 : i32
        %dma_wait3A_277 = tpu.memref_slice %arg6[%mul3A_270, %dma_wait3A_276] : memref<10240x128xf32, #tpu.memory_space<hbm>> -> memref<640x128xf32, #tpu.memory_space<hbm>>
        %dma_wait3A_278 = arith.constant 0 : i32
        %dma_wait3A_279 = tpu.memref_slice %arg7[%mul3A_268, %dma_wait3A_278] : memref<10240x128xf32, #tpu.memory_space<vmem_shared>> -> memref<640x128xf32, #tpu.memory_space<vmem_shared>>
        tpu.wait_dma2 semaphore(%run_scoped3A_271 : memref<!tpu.dma_semaphore, #tpu.memory_space<semaphore_mem>>) src(%dma_wait3A_279 : memref<640x128xf32, #tpu.memory_space<vmem_shared>>) dst(%dma_wait3A_277 : memref<640x128xf32, #tpu.memory_space<hbm>>)
        tpu.yield
      }) : () -> ()
    } else {
    }
    return
  }
}

#map = affine_map<(d0, d1) -> (0, 0)>
#map1 = affine_map<(d0, d1) -> (0)>
module attributes {stable_mosaic.version = 14 : i64} {
  func.func @_agg_body(%arg0: i32, %arg1: i32, %arg2: memref<10000x128xf32, #tpu.memory_space<hbm>>, %arg3: memref<320000xi32, #tpu.memory_space<hbm>>, %arg4: memref<320000xi32, #tpu.memory_space<hbm>>, %arg5: memref<10240x128xf32, #tpu.memory_space<hbm>>, %arg6: memref<10240x128xf32, #tpu.memory_space<hbm>>, %arg7: memref<10240x128xf32, #tpu.memory_space<vmem_shared>>, %arg8: memref<10000xi32, #tpu.memory_space<vmem>>, %arg9: memref<125x80xi32, #tpu.memory_space<vmem>>, %arg10: memref<80x128xf32, #tpu.memory_space<vmem>>, %arg11: memref<80x128xf32, #tpu.memory_space<vmem>>, %arg12: memref<!tpu.dma_semaphore, #tpu.memory_space<semaphore_mem>>, %arg13: memref<!tpu.dma_semaphore, #tpu.memory_space<semaphore_mem>>, %arg14: memref<!tpu.dma_semaphore, #tpu.memory_space<semaphore_mem>>, %arg15: memref<!tpu.dma_semaphore, #tpu.memory_space<semaphore_mem>>) attributes {dimension_semantics = [#tpu.dimension_semantics<core_parallel>, #tpu.dimension_semantics<subcore_parallel>], iteration_bounds = array<i64: 2, 16>, scalar_prefetch = 0 : i64, scratch_operands = 9 : i64, tpu.core_type = #tpu.core_type<sc_vector_subcore>, window_params = [{transform_indices = #map}, {transform_indices = #map1}, {transform_indices = #map1}, {transform_indices = #map}, {transform_indices = #map}]} {
    %mul3A = arith.constant 16 : i32
    %mul3A_0 = arith.muli %arg0, %mul3A : i32
    %add3A = arith.addi %mul3A_0, %arg1 : i32
    %broadcast_in_dim3A = arith.constant 0.000000e+00 : f32
    %broadcast_in_dim3A_1 = vector.broadcast %broadcast_in_dim3A : f32 to vector<16xf32>
    %scan3A = arith.constant 0 : i32
    %scan3A_2 = arith.constant 0 : i32
    %scan3A_3 = arith.constant 640 : i32
    %scan3A_4 = arith.addi %scan3A_2, %scan3A_3 : i32
    %scan3A_5 = arith.constant 1 : i32
    scf.for %scan3A_267 = %scan3A_2 to %scan3A_4 step %scan3A_5  : i32 {
      %jit3A = arith.constant 8 : i32
      %div3A = arith.divsi %scan3A_267, %jit3A : i32
      %sign3A = arith.constant 0 : i32
      %sign3A_268 = arith.cmpi sgt, %scan3A_267, %sign3A : i32
      %sign3A_269 = arith.extui %sign3A_268 : i1 to i32
      %sign3A_270 = arith.constant 0 : i32
      %sign3A_271 = arith.cmpi slt, %scan3A_267, %sign3A_270 : i32
      %sign3A_272 = arith.extui %sign3A_271 : i1 to i32
      %sign3A_273 = arith.subi %sign3A_269, %sign3A_272 : i32
      %sign3A_274 = arith.constant 0 : i32
      %sign3A_275 = arith.cmpi sgt, %jit3A, %sign3A_274 : i32
      %sign3A_276 = arith.extui %sign3A_275 : i1 to i32
      %sign3A_277 = arith.constant 0 : i32
      %sign3A_278 = arith.cmpi slt, %jit3A, %sign3A_277 : i32
      %sign3A_279 = arith.extui %sign3A_278 : i1 to i32
      %sign3A_280 = arith.subi %sign3A_276, %sign3A_279 : i32
      %ne3A = arith.cmpi ne, %sign3A_273, %sign3A_280 : i32
      %rem3A = arith.remsi %scan3A_267, %jit3A : i32
      %ne3A_281 = arith.constant 0 : i32
      %ne3A_282 = arith.cmpi ne, %rem3A, %ne3A_281 : i32
      %and3A = arith.andi %ne3A, %ne3A_282 : i1
      %sub3A = arith.constant 1 : i32
      %sub3A_283 = arith.subi %div3A, %sub3A : i32
      %select_n3A = arith.select %and3A, %sub3A_283, %div3A : i32
      %jit3A_284 = arith.constant 8 : i32
      %eq3A_285 = arith.constant 0 : i32
      %eq3A_286 = arith.cmpi eq, %jit3A_284, %eq3A_285 : i32
      %jit3A_287 = arith.constant 1 : i32
      %select_n3A_288 = arith.select %eq3A_286, %jit3A_287, %jit3A_284 : i32
      %rem3A_289 = arith.remsi %scan3A_267, %select_n3A_288 : i32
      %ne3A_290 = arith.constant 0 : i32
      %ne3A_291 = arith.cmpi ne, %rem3A_289, %ne3A_290 : i32
      %lt3A = arith.constant 0 : i32
      %lt3A_292 = arith.cmpi slt, %rem3A_289, %lt3A : i32
      %lt3A_293 = arith.constant 0 : i32
      %lt3A_294 = arith.cmpi slt, %select_n3A_288, %lt3A_293 : i32
      %ne3A_295 = arith.xori %lt3A_292, %lt3A_294 : i1
      %and3A_296 = arith.andi %ne3A_295, %ne3A_291 : i1
      %add3A_297 = arith.addi %rem3A_289, %select_n3A_288 : i32
      %select_n3A_298 = arith.select %and3A_296, %add3A_297, %rem3A_289 : i32
      %mul3A_299 = arith.constant 16 : i32
      %mul3A_300 = arith.muli %select_n3A_298, %mul3A_299 : i32
      %swap3A = arith.index_cast %select_n3A : i32 to index
      %swap3A_301 = arith.index_cast %mul3A_300 : i32 to index
      %swap3A_302 = tpu.vector_load %arg10[%swap3A, %swap3A_301] {strides = array<i32>} : memref<80x128xf32, #tpu.memory_space<vmem>>, vector<1x16xf32>,
      %swap3A_303 = vector.shape_cast %swap3A_302 : vector<1x16xf32> to vector<16xf32>
      %swap3A_304 = vector.shape_cast %broadcast_in_dim3A_1 : vector<16xf32> to vector<1x16xf32>
      tpu.vector_store %arg10[%swap3A, %swap3A_301], %swap3A_304 {strides = array<i32>} : memref<80x128xf32, #tpu.memory_space<vmem>>, vector<1x16xf32>,
    }
    %scan3A_6 = arith.constant 640 : i32
    %mul3A_7 = arith.constant 640 : i32
    %mul3A_8 = arith.muli %arg1, %mul3A_7 : i32
    %add3A_9 = arith.constant 0 : i32
    %add3A_10 = arith.addi %mul3A_8, %add3A_9 : i32
    %dma_start3A = arith.constant 0 : i32
    %dma_start3A_11 = tpu.memref_slice %arg7[%add3A_10, %dma_start3A] : memref<10240x128xf32, #tpu.memory_space<vmem_shared>> -> memref<80x128xf32, #tpu.memory_space<vmem_shared>>
    %dma_start3A_12 = arith.constant 0 : i32
    %dma_start3A_13 = tpu.memref_slice %arg7[%add3A_10, %dma_start3A_12] : memref<10240x128xf32, #tpu.memory_space<vmem_shared>> -> memref<80x128xf32, #tpu.memory_space<vmem_shared>>
    tpu.enqueue_dma source(%arg10 : memref<80x128xf32, #tpu.memory_space<vmem>>) target(%dma_start3A_13 : memref<80x128xf32, #tpu.memory_space<vmem_shared>>) target_semaphore(%arg14 : memref<!tpu.dma_semaphore, #tpu.memory_space<semaphore_mem>>)
    %mul3A_14 = arith.constant 640 : i32
    %mul3A_15 = arith.muli %arg1, %mul3A_14 : i32
    %add3A_16 = arith.constant 80 : i32
    %add3A_17 = arith.addi %mul3A_15, %add3A_16 : i32
    %dma_start3A_18 = arith.constant 0 : i32
    %dma_start3A_19 = tpu.memref_slice %arg7[%add3A_17, %dma_start3A_18] : memref<10240x128xf32, #tpu.memory_space<vmem_shared>> -> memref<80x128xf32, #tpu.memory_space<vmem_shared>>
    %dma_start3A_20 = arith.constant 0 : i32
    %dma_start3A_21 = tpu.memref_slice %arg7[%add3A_17, %dma_start3A_20] : memref<10240x128xf32, #tpu.memory_space<vmem_shared>> -> memref<80x128xf32, #tpu.memory_space<vmem_shared>>
    tpu.enqueue_dma source(%arg10 : memref<80x128xf32, #tpu.memory_space<vmem>>) target(%dma_start3A_21 : memref<80x128xf32, #tpu.memory_space<vmem_shared>>) target_semaphore(%arg14 : memref<!tpu.dma_semaphore, #tpu.memory_space<semaphore_mem>>)
    %mul3A_22 = arith.constant 640 : i32
    %mul3A_23 = arith.muli %arg1, %mul3A_22 : i32
    %add3A_24 = arith.constant 160 : i32
    %add3A_25 = arith.addi %mul3A_23, %add3A_24 : i32
    %dma_start3A_26 = arith.constant 0 : i32
    %dma_start3A_27 = tpu.memref_slice %arg7[%add3A_25, %dma_start3A_26] : memref<10240x128xf32, #tpu.memory_space<vmem_shared>> -> memref<80x128xf32, #tpu.memory_space<vmem_shared>>
    %dma_start3A_28 = arith.constant 0 : i32
    %dma_start3A_29 = tpu.memref_slice %arg7[%add3A_25, %dma_start3A_28] : memref<10240x128xf32, #tpu.memory_space<vmem_shared>> -> memref<80x128xf32, #tpu.memory_space<vmem_shared>>
    tpu.enqueue_dma source(%arg10 : memref<80x128xf32, #tpu.memory_space<vmem>>) target(%dma_start3A_29 : memref<80x128xf32, #tpu.memory_space<vmem_shared>>) target_semaphore(%arg14 : memref<!tpu.dma_semaphore, #tpu.memory_space<semaphore_mem>>)
    %mul3A_30 = arith.constant 640 : i32
    %mul3A_31 = arith.muli %arg1, %mul3A_30 : i32
    %add3A_32 = arith.constant 240 : i32
    %add3A_33 = arith.addi %mul3A_31, %add3A_32 : i32
    %dma_start3A_34 = arith.constant 0 : i32
    %dma_start3A_35 = tpu.memref_slice %arg7[%add3A_33, %dma_start3A_34] : memref<10240x128xf32, #tpu.memory_space<vmem_shared>> -> memref<80x128xf32, #tpu.memory_space<vmem_shared>>
    %dma_start3A_36 = arith.constant 0 : i32
    %dma_start3A_37 = tpu.memref_slice %arg7[%add3A_33, %dma_start3A_36] : memref<10240x128xf32, #tpu.memory_space<vmem_shared>> -> memref<80x128xf32, #tpu.memory_space<vmem_shared>>
    tpu.enqueue_dma source(%arg10 : memref<80x128xf32, #tpu.memory_space<vmem>>) target(%dma_start3A_37 : memref<80x128xf32, #tpu.memory_space<vmem_shared>>) target_semaphore(%arg14 : memref<!tpu.dma_semaphore, #tpu.memory_space<semaphore_mem>>)
    %mul3A_38 = arith.constant 640 : i32
    %mul3A_39 = arith.muli %arg1, %mul3A_38 : i32
    %add3A_40 = arith.constant 320 : i32
    %add3A_41 = arith.addi %mul3A_39, %add3A_40 : i32
    %dma_start3A_42 = arith.constant 0 : i32
    %dma_start3A_43 = tpu.memref_slice %arg7[%add3A_41, %dma_start3A_42] : memref<10240x128xf32, #tpu.memory_space<vmem_shared>> -> memref<80x128xf32, #tpu.memory_space<vmem_shared>>
    %dma_start3A_44 = arith.constant 0 : i32
    %dma_start3A_45 = tpu.memref_slice %arg7[%add3A_41, %dma_start3A_44] : memref<10240x128xf32, #tpu.memory_space<vmem_shared>> -> memref<80x128xf32, #tpu.memory_space<vmem_shared>>
    tpu.enqueue_dma source(%arg10 : memref<80x128xf32, #tpu.memory_space<vmem>>) target(%dma_start3A_45 : memref<80x128xf32, #tpu.memory_space<vmem_shared>>) target_semaphore(%arg14 : memref<!tpu.dma_semaphore, #tpu.memory_space<semaphore_mem>>)
    %mul3A_46 = arith.constant 640 : i32
    %mul3A_47 = arith.muli %arg1, %mul3A_46 : i32
    %add3A_48 = arith.constant 400 : i32
    %add3A_49 = arith.addi %mul3A_47, %add3A_48 : i32
    %dma_start3A_50 = arith.constant 0 : i32
    %dma_start3A_51 = tpu.memref_slice %arg7[%add3A_49, %dma_start3A_50] : memref<10240x128xf32, #tpu.memory_space<vmem_shared>> -> memref<80x128xf32, #tpu.memory_space<vmem_shared>>
    %dma_start3A_52 = arith.constant 0 : i32
    %dma_start3A_53 = tpu.memref_slice %arg7[%add3A_49, %dma_start3A_52] : memref<10240x128xf32, #tpu.memory_space<vmem_shared>> -> memref<80x128xf32, #tpu.memory_space<vmem_shared>>
    tpu.enqueue_dma source(%arg10 : memref<80x128xf32, #tpu.memory_space<vmem>>) target(%dma_start3A_53 : memref<80x128xf32, #tpu.memory_space<vmem_shared>>) target_semaphore(%arg14 : memref<!tpu.dma_semaphore, #tpu.memory_space<semaphore_mem>>)
    %mul3A_54 = arith.constant 640 : i32
    %mul3A_55 = arith.muli %arg1, %mul3A_54 : i32
    %add3A_56 = arith.constant 480 : i32
    %add3A_57 = arith.addi %mul3A_55, %add3A_56 : i32
    %dma_start3A_58 = arith.constant 0 : i32
    %dma_start3A_59 = tpu.memref_slice %arg7[%add3A_57, %dma_start3A_58] : memref<10240x128xf32, #tpu.memory_space<vmem_shared>> -> memref<80x128xf32, #tpu.memory_space<vmem_shared>>
    %dma_start3A_60 = arith.constant 0 : i32
    %dma_start3A_61 = tpu.memref_slice %arg7[%add3A_57, %dma_start3A_60] : memref<10240x128xf32, #tpu.memory_space<vmem_shared>> -> memref<80x128xf32, #tpu.memory_space<vmem_shared>>
    tpu.enqueue_dma source(%arg10 : memref<80x128xf32, #tpu.memory_space<vmem>>) target(%dma_start3A_61 : memref<80x128xf32, #tpu.memory_space<vmem_shared>>) target_semaphore(%arg14 : memref<!tpu.dma_semaphore, #tpu.memory_space<semaphore_mem>>)
    %mul3A_62 = arith.constant 640 : i32
    %mul3A_63 = arith.muli %arg1, %mul3A_62 : i32
    %add3A_64 = arith.constant 560 : i32
    %add3A_65 = arith.addi %mul3A_63, %add3A_64 : i32
    %dma_start3A_66 = arith.constant 0 : i32
    %dma_start3A_67 = tpu.memref_slice %arg7[%add3A_65, %dma_start3A_66] : memref<10240x128xf32, #tpu.memory_space<vmem_shared>> -> memref<80x128xf32, #tpu.memory_space<vmem_shared>>
    %dma_start3A_68 = arith.constant 0 : i32
    %dma_start3A_69 = tpu.memref_slice %arg7[%add3A_65, %dma_start3A_68] : memref<10240x128xf32, #tpu.memory_space<vmem_shared>> -> memref<80x128xf32, #tpu.memory_space<vmem_shared>>
    tpu.enqueue_dma source(%arg10 : memref<80x128xf32, #tpu.memory_space<vmem>>) target(%dma_start3A_69 : memref<80x128xf32, #tpu.memory_space<vmem_shared>>) target_semaphore(%arg14 : memref<!tpu.dma_semaphore, #tpu.memory_space<semaphore_mem>>)
    %mul3A_70 = arith.constant 10000 : i32
    %mul3A_71 = arith.muli %add3A, %mul3A_70 : i32
    %dma_start3A_72 = tpu.memref_slice %arg3[%mul3A_71] : memref<320000xi32, #tpu.memory_space<hbm>> -> memref<10000xi32, #tpu.memory_space<hbm>>
    %dma_start3A_73 = tpu.memref_slice %arg3[%mul3A_71] : memref<320000xi32, #tpu.memory_space<hbm>> -> memref<10000xi32, #tpu.memory_space<hbm>>
    tpu.enqueue_dma source(%dma_start3A_73 : memref<10000xi32, #tpu.memory_space<hbm>>) target(%arg8 : memref<10000xi32, #tpu.memory_space<vmem>>) target_semaphore(%arg12 : memref<!tpu.dma_semaphore, #tpu.memory_space<semaphore_mem>>)
    %mul3A_74 = arith.constant 10000 : i32
    %mul3A_75 = arith.muli %add3A, %mul3A_74 : i32
    %add3A_76 = arith.constant 0 : i32
    %add3A_77 = arith.addi %mul3A_75, %add3A_76 : i32
    %dma_start3A_78 = arith.constant 0 : i32
    %dma_start3A_79 = arith.constant 0 : i32
    %dma_start3A_80 = tpu.memref_slice %arg9[%dma_start3A_78, %dma_start3A_79] : memref<125x80xi32, #tpu.memory_space<vmem>> -> memref<1x80xi32, #tpu.memory_space<vmem>>
    %dma_start3A_81 = tpu.memref_squeeze %dma_start3A_80 : memref<1x80xi32, #tpu.memory_space<vmem>> -> memref<80xi32, #tpu.memory_space<vmem>>
    %dma_start3A_82 = tpu.memref_slice %arg4[%add3A_77] : memref<320000xi32, #tpu.memory_space<hbm>> -> memref<80xi32, #tpu.memory_space<hbm>>
    %dma_start3A_83 = arith.constant 0 : i32
    %dma_start3A_84 = tpu.memref_slice %arg9[%dma_start3A_78, %dma_start3A_83] : memref<125x80xi32, #tpu.memory_space<vmem>> -> memref<1x80xi32, #tpu.memory_space<vmem>>
    %dma_start3A_85 = tpu.memref_squeeze %dma_start3A_84 : memref<1x80xi32, #tpu.memory_space<vmem>> -> memref<80xi32, #tpu.memory_space<vmem>>
    %dma_start3A_86 = tpu.memref_slice %arg4[%add3A_77] : memref<320000xi32, #tpu.memory_space<hbm>> -> memref<80xi32, #tpu.memory_space<hbm>>
    tpu.enqueue_dma source(%dma_start3A_86 : memref<80xi32, #tpu.memory_space<hbm>>) target(%dma_start3A_85 : memref<80xi32, #tpu.memory_space<vmem>>) target_semaphore(%arg15 : memref<!tpu.dma_semaphore, #tpu.memory_space<semaphore_mem>>)
    %mul3A_87 = arith.constant 10000 : i32
    %mul3A_88 = arith.muli %add3A, %mul3A_87 : i32
    %add3A_89 = arith.constant 80 : i32
    %add3A_90 = arith.addi %mul3A_88, %add3A_89 : i32
    %dma_start3A_91 = arith.constant 1 : i32
    %dma_start3A_92 = arith.constant 0 : i32
    %dma_start3A_93 = tpu.memref_slice %arg9[%dma_start3A_91, %dma_start3A_92] : memref<125x80xi32, #tpu.memory_space<vmem>> -> memref<1x80xi32, #tpu.memory_space<vmem>>
    %dma_start3A_94 = tpu.memref_squeeze %dma_start3A_93 : memref<1x80xi32, #tpu.memory_space<vmem>> -> memref<80xi32, #tpu.memory_space<vmem>>
    %dma_start3A_95 = tpu.memref_slice %arg4[%add3A_90] : memref<320000xi32, #tpu.memory_space<hbm>> -> memref<80xi32, #tpu.memory_space<hbm>>
    %dma_start3A_96 = arith.constant 0 : i32
    %dma_start3A_97 = tpu.memref_slice %arg9[%dma_start3A_91, %dma_start3A_96] : memref<125x80xi32, #tpu.memory_space<vmem>> -> memref<1x80xi32, #tpu.memory_space<vmem>>
    %dma_start3A_98 = tpu.memref_squeeze %dma_start3A_97 : memref<1x80xi32, #tpu.memory_space<vmem>> -> memref<80xi32, #tpu.memory_space<vmem>>
    %dma_start3A_99 = tpu.memref_slice %arg4[%add3A_90] : memref<320000xi32, #tpu.memory_space<hbm>> -> memref<80xi32, #tpu.memory_space<hbm>>
    tpu.enqueue_dma source(%dma_start3A_99 : memref<80xi32, #tpu.memory_space<hbm>>) target(%dma_start3A_98 : memref<80xi32, #tpu.memory_space<vmem>>) target_semaphore(%arg15 : memref<!tpu.dma_semaphore, #tpu.memory_space<semaphore_mem>>)
    %mul3A_100 = arith.constant 10000 : i32
    %mul3A_101 = arith.muli %add3A, %mul3A_100 : i32
    %add3A_102 = arith.constant 160 : i32
    %add3A_103 = arith.addi %mul3A_101, %add3A_102 : i32
    %dma_start3A_104 = arith.constant 2 : i32
    %dma_start3A_105 = arith.constant 0 : i32
    %dma_start3A_106 = tpu.memref_slice %arg9[%dma_start3A_104, %dma_start3A_105] : memref<125x80xi32, #tpu.memory_space<vmem>> -> memref<1x80xi32, #tpu.memory_space<vmem>>
    %dma_start3A_107 = tpu.memref_squeeze %dma_start3A_106 : memref<1x80xi32, #tpu.memory_space<vmem>> -> memref<80xi32, #tpu.memory_space<vmem>>
    %dma_start3A_108 = tpu.memref_slice %arg4[%add3A_103] : memref<320000xi32, #tpu.memory_space<hbm>> -> memref<80xi32, #tpu.memory_space<hbm>>
    %dma_start3A_109 = arith.constant 0 : i32
    %dma_start3A_110 = tpu.memref_slice %arg9[%dma_start3A_104, %dma_start3A_109] : memref<125x80xi32, #tpu.memory_space<vmem>> -> memref<1x80xi32, #tpu.memory_space<vmem>>
    %dma_start3A_111 = tpu.memref_squeeze %dma_start3A_110 : memref<1x80xi32, #tpu.memory_space<vmem>> -> memref<80xi32, #tpu.memory_space<vmem>>
    %dma_start3A_112 = tpu.memref_slice %arg4[%add3A_103] : memref<320000xi32, #tpu.memory_space<hbm>> -> memref<80xi32, #tpu.memory_space<hbm>>
    tpu.enqueue_dma source(%dma_start3A_112 : memref<80xi32, #tpu.memory_space<hbm>>) target(%dma_start3A_111 : memref<80xi32, #tpu.memory_space<vmem>>) target_semaphore(%arg15 : memref<!tpu.dma_semaphore, #tpu.memory_space<semaphore_mem>>)
    %mul3A_113 = arith.constant 10000 : i32
    %mul3A_114 = arith.muli %add3A, %mul3A_113 : i32
    %add3A_115 = arith.constant 240 : i32
    %add3A_116 = arith.addi %mul3A_114, %add3A_115 : i32
    %dma_start3A_117 = arith.constant 3 : i32
    %dma_start3A_118 = arith.constant 0 : i32
    %dma_start3A_119 = tpu.memref_slice %arg9[%dma_start3A_117, %dma_start3A_118] : memref<125x80xi32, #tpu.memory_space<vmem>> -> memref<1x80xi32, #tpu.memory_space<vmem>>
    %dma_start3A_120 = tpu.memref_squeeze %dma_start3A_119 : memref<1x80xi32, #tpu.memory_space<vmem>> -> memref<80xi32, #tpu.memory_space<vmem>>
    %dma_start3A_121 = tpu.memref_slice %arg4[%add3A_116] : memref<320000xi32, #tpu.memory_space<hbm>> -> memref<80xi32, #tpu.memory_space<hbm>>
    %dma_start3A_122 = arith.constant 0 : i32
    %dma_start3A_123 = tpu.memref_slice %arg9[%dma_start3A_117, %dma_start3A_122] : memref<125x80xi32, #tpu.memory_space<vmem>> -> memref<1x80xi32, #tpu.memory_space<vmem>>
    %dma_start3A_124 = tpu.memref_squeeze %dma_start3A_123 : memref<1x80xi32, #tpu.memory_space<vmem>> -> memref<80xi32, #tpu.memory_space<vmem>>
    %dma_start3A_125 = tpu.memref_slice %arg4[%add3A_116] : memref<320000xi32, #tpu.memory_space<hbm>> -> memref<80xi32, #tpu.memory_space<hbm>>
    tpu.enqueue_dma source(%dma_start3A_125 : memref<80xi32, #tpu.memory_space<hbm>>) target(%dma_start3A_124 : memref<80xi32, #tpu.memory_space<vmem>>) target_semaphore(%arg15 : memref<!tpu.dma_semaphore, #tpu.memory_space<semaphore_mem>>)
    %dma_wait3A = tpu.memref_slice %arg3[%mul3A_71] : memref<320000xi32, #tpu.memory_space<hbm>> -> memref<10000xi32, #tpu.memory_space<hbm>>
    %dma_wait3A_126 = tpu.memref_slice %arg3[%mul3A_71] : memref<320000xi32, #tpu.memory_space<hbm>> -> memref<10000xi32, #tpu.memory_space<hbm>>
    tpu.wait_dma2 semaphore(%arg12 : memref<!tpu.dma_semaphore, #tpu.memory_space<semaphore_mem>>) src(%dma_wait3A_126 : memref<10000xi32, #tpu.memory_space<hbm>>) dst(%arg8 : memref<10000xi32, #tpu.memory_space<vmem>>)
    %mul3A_127 = arith.constant 640 : i32
    %mul3A_128 = arith.muli %arg1, %mul3A_127 : i32
    %add3A_129 = arith.constant 0 : i32
    %add3A_130 = arith.addi %mul3A_128, %add3A_129 : i32
    %dma_wait3A_131 = arith.constant 0 : i32
    %dma_wait3A_132 = tpu.memref_slice %arg7[%add3A_130, %dma_wait3A_131] : memref<10240x128xf32, #tpu.memory_space<vmem_shared>> -> memref<80x128xf32, #tpu.memory_space<vmem_shared>>
    %dma_wait3A_133 = arith.constant 0 : i32
    %dma_wait3A_134 = tpu.memref_slice %arg7[%add3A_130, %dma_wait3A_133] : memref<10240x128xf32, #tpu.memory_space<vmem_shared>> -> memref<80x128xf32, #tpu.memory_space<vmem_shared>>
    tpu.wait_dma2 semaphore(%arg14 : memref<!tpu.dma_semaphore, #tpu.memory_space<semaphore_mem>>) src(%arg10 : memref<80x128xf32, #tpu.memory_space<vmem>>) dst(%dma_wait3A_134 : memref<80x128xf32, #tpu.memory_space<vmem_shared>>)
    %mul3A_135 = arith.constant 640 : i32
    %mul3A_136 = arith.muli %arg1, %mul3A_135 : i32
    %add3A_137 = arith.constant 80 : i32
    %add3A_138 = arith.addi %mul3A_136, %add3A_137 : i32
    %dma_wait3A_139 = arith.constant 0 : i32
    %dma_wait3A_140 = tpu.memref_slice %arg7[%add3A_138, %dma_wait3A_139] : memref<10240x128xf32, #tpu.memory_space<vmem_shared>> -> memref<80x128xf32, #tpu.memory_space<vmem_shared>>
    %dma_wait3A_141 = arith.constant 0 : i32
    %dma_wait3A_142 = tpu.memref_slice %arg7[%add3A_138, %dma_wait3A_141] : memref<10240x128xf32, #tpu.memory_space<vmem_shared>> -> memref<80x128xf32, #tpu.memory_space<vmem_shared>>
    tpu.wait_dma2 semaphore(%arg14 : memref<!tpu.dma_semaphore, #tpu.memory_space<semaphore_mem>>) src(%arg10 : memref<80x128xf32, #tpu.memory_space<vmem>>) dst(%dma_wait3A_142 : memref<80x128xf32, #tpu.memory_space<vmem_shared>>)
    %mul3A_143 = arith.constant 640 : i32
    %mul3A_144 = arith.muli %arg1, %mul3A_143 : i32
    %add3A_145 = arith.constant 160 : i32
    %add3A_146 = arith.addi %mul3A_144, %add3A_145 : i32
    %dma_wait3A_147 = arith.constant 0 : i32
    %dma_wait3A_148 = tpu.memref_slice %arg7[%add3A_146, %dma_wait3A_147] : memref<10240x128xf32, #tpu.memory_space<vmem_shared>> -> memref<80x128xf32, #tpu.memory_space<vmem_shared>>
    %dma_wait3A_149 = arith.constant 0 : i32
    %dma_wait3A_150 = tpu.memref_slice %arg7[%add3A_146, %dma_wait3A_149] : memref<10240x128xf32, #tpu.memory_space<vmem_shared>> -> memref<80x128xf32, #tpu.memory_space<vmem_shared>>
    tpu.wait_dma2 semaphore(%arg14 : memref<!tpu.dma_semaphore, #tpu.memory_space<semaphore_mem>>) src(%arg10 : memref<80x128xf32, #tpu.memory_space<vmem>>) dst(%dma_wait3A_150 : memref<80x128xf32, #tpu.memory_space<vmem_shared>>)
    %mul3A_151 = arith.constant 640 : i32
    %mul3A_152 = arith.muli %arg1, %mul3A_151 : i32
    %add3A_153 = arith.constant 240 : i32
    %add3A_154 = arith.addi %mul3A_152, %add3A_153 : i32
    %dma_wait3A_155 = arith.constant 0 : i32
    %dma_wait3A_156 = tpu.memref_slice %arg7[%add3A_154, %dma_wait3A_155] : memref<10240x128xf32, #tpu.memory_space<vmem_shared>> -> memref<80x128xf32, #tpu.memory_space<vmem_shared>>
    %dma_wait3A_157 = arith.constant 0 : i32
    %dma_wait3A_158 = tpu.memref_slice %arg7[%add3A_154, %dma_wait3A_157] : memref<10240x128xf32, #tpu.memory_space<vmem_shared>> -> memref<80x128xf32, #tpu.memory_space<vmem_shared>>
    tpu.wait_dma2 semaphore(%arg14 : memref<!tpu.dma_semaphore, #tpu.memory_space<semaphore_mem>>) src(%arg10 : memref<80x128xf32, #tpu.memory_space<vmem>>) dst(%dma_wait3A_158 : memref<80x128xf32, #tpu.memory_space<vmem_shared>>)
    %mul3A_159 = arith.constant 640 : i32
    %mul3A_160 = arith.muli %arg1, %mul3A_159 : i32
    %add3A_161 = arith.constant 320 : i32
    %add3A_162 = arith.addi %mul3A_160, %add3A_161 : i32
    %dma_wait3A_163 = arith.constant 0 : i32
    %dma_wait3A_164 = tpu.memref_slice %arg7[%add3A_162, %dma_wait3A_163] : memref<10240x128xf32, #tpu.memory_space<vmem_shared>> -> memref<80x128xf32, #tpu.memory_space<vmem_shared>>
    %dma_wait3A_165 = arith.constant 0 : i32
    %dma_wait3A_166 = tpu.memref_slice %arg7[%add3A_162, %dma_wait3A_165] : memref<10240x128xf32, #tpu.memory_space<vmem_shared>> -> memref<80x128xf32, #tpu.memory_space<vmem_shared>>
    tpu.wait_dma2 semaphore(%arg14 : memref<!tpu.dma_semaphore, #tpu.memory_space<semaphore_mem>>) src(%arg10 : memref<80x128xf32, #tpu.memory_space<vmem>>) dst(%dma_wait3A_166 : memref<80x128xf32, #tpu.memory_space<vmem_shared>>)
    %mul3A_167 = arith.constant 640 : i32
    %mul3A_168 = arith.muli %arg1, %mul3A_167 : i32
    %add3A_169 = arith.constant 400 : i32
    %add3A_170 = arith.addi %mul3A_168, %add3A_169 : i32
    %dma_wait3A_171 = arith.constant 0 : i32
    %dma_wait3A_172 = tpu.memref_slice %arg7[%add3A_170, %dma_wait3A_171] : memref<10240x128xf32, #tpu.memory_space<vmem_shared>> -> memref<80x128xf32, #tpu.memory_space<vmem_shared>>
    %dma_wait3A_173 = arith.constant 0 : i32
    %dma_wait3A_174 = tpu.memref_slice %arg7[%add3A_170, %dma_wait3A_173] : memref<10240x128xf32, #tpu.memory_space<vmem_shared>> -> memref<80x128xf32, #tpu.memory_space<vmem_shared>>
    tpu.wait_dma2 semaphore(%arg14 : memref<!tpu.dma_semaphore, #tpu.memory_space<semaphore_mem>>) src(%arg10 : memref<80x128xf32, #tpu.memory_space<vmem>>) dst(%dma_wait3A_174 : memref<80x128xf32, #tpu.memory_space<vmem_shared>>)
    %mul3A_175 = arith.constant 640 : i32
    %mul3A_176 = arith.muli %arg1, %mul3A_175 : i32
    %add3A_177 = arith.constant 480 : i32
    %add3A_178 = arith.addi %mul3A_176, %add3A_177 : i32
    %dma_wait3A_179 = arith.constant 0 : i32
    %dma_wait3A_180 = tpu.memref_slice %arg7[%add3A_178, %dma_wait3A_179] : memref<10240x128xf32, #tpu.memory_space<vmem_shared>> -> memref<80x128xf32, #tpu.memory_space<vmem_shared>>
    %dma_wait3A_181 = arith.constant 0 : i32
    %dma_wait3A_182 = tpu.memref_slice %arg7[%add3A_178, %dma_wait3A_181] : memref<10240x128xf32, #tpu.memory_space<vmem_shared>> -> memref<80x128xf32, #tpu.memory_space<vmem_shared>>
    tpu.wait_dma2 semaphore(%arg14 : memref<!tpu.dma_semaphore, #tpu.memory_space<semaphore_mem>>) src(%arg10 : memref<80x128xf32, #tpu.memory_space<vmem>>) dst(%dma_wait3A_182 : memref<80x128xf32, #tpu.memory_space<vmem_shared>>)
    %mul3A_183 = arith.constant 640 : i32
    %mul3A_184 = arith.muli %arg1, %mul3A_183 : i32
    %add3A_185 = arith.constant 560 : i32
    %add3A_186 = arith.addi %mul3A_184, %add3A_185 : i32
    %dma_wait3A_187 = arith.constant 0 : i32
    %dma_wait3A_188 = tpu.memref_slice %arg7[%add3A_186, %dma_wait3A_187] : memref<10240x128xf32, #tpu.memory_space<vmem_shared>> -> memref<80x128xf32, #tpu.memory_space<vmem_shared>>
    %dma_wait3A_189 = arith.constant 0 : i32
    %dma_wait3A_190 = tpu.memref_slice %arg7[%add3A_186, %dma_wait3A_189] : memref<10240x128xf32, #tpu.memory_space<vmem_shared>> -> memref<80x128xf32, #tpu.memory_space<vmem_shared>>
    tpu.wait_dma2 semaphore(%arg14 : memref<!tpu.dma_semaphore, #tpu.memory_space<semaphore_mem>>) src(%arg10 : memref<80x128xf32, #tpu.memory_space<vmem>>) dst(%dma_wait3A_190 : memref<80x128xf32, #tpu.memory_space<vmem_shared>>)
    %dma_start3A_191 = arith.constant 0 : i32
    %dma_start3A_192 = tpu.memref_slice %arg8[%dma_start3A_191] : memref<10000xi32, #tpu.memory_space<vmem>> -> memref<80xi32, #tpu.memory_space<vmem>>
    %dma_start3A_193 = arith.constant 0 : i32
    %dma_start3A_194 = arith.constant 0 : i32
    %dma_start3A_195 = tpu.memref_slice %arg2[%dma_start3A_193, %dma_start3A_194] : memref<10000x128xf32, #tpu.memory_space<hbm>> -> memref<10000x128xf32, #tpu.memory_space<hbm>>
    tpu.enqueue_indirect_dma source(%dma_start3A_195 : memref<10000x128xf32, #tpu.memory_space<hbm>>) target(%arg10 : memref<80x128xf32, #tpu.memory_space<vmem>>) offsets(%dma_start3A_192 : memref<80xi32, #tpu.memory_space<vmem>>) semaphore(%arg12 : memref<!tpu.dma_semaphore, #tpu.memory_space<semaphore_mem>>)
    %barrier3A = arith.constant 0 : index
    tpu.barrier barrier_id(%barrier3A)
    %scan3A_196 = arith.constant 0 : i32
    %scan3A_197 = arith.constant 0 : i32
    %scan3A_198 = arith.constant 62 : i32
    %scan3A_199 = arith.addi %scan3A_197, %scan3A_198 : i32
    %scan3A_200 = arith.constant 1 : i32
    scf.for %scan3A_267 = %scan3A_197 to %scan3A_199 step %scan3A_200  : i32 {
      %mul3A_268 = arith.constant 2 : i32
      %mul3A_269 = arith.muli %mul3A_268, %scan3A_267 : i32
      %add3A_270 = arith.constant 4 : i32
      %add3A_271 = arith.addi %mul3A_269, %add3A_270 : i32
      %min3A = arith.constant 124 : i32
      %min3A_272 = arith.minsi %add3A_271, %min3A : i32
      %mul3A_273 = arith.constant 10000 : i32
      %mul3A_274 = arith.muli %add3A, %mul3A_273 : i32
      %mul3A_275 = arith.constant 80 : i32
      %mul3A_276 = arith.muli %min3A_272, %mul3A_275 : i32
      %add3A_277 = arith.addi %mul3A_274, %mul3A_276 : i32
      %dma_start3A_278 = arith.constant 0 : i32
      %dma_start3A_279 = tpu.memref_slice %arg9[%min3A_272, %dma_start3A_278] : memref<125x80xi32, #tpu.memory_space<vmem>> -> memref<1x80xi32, #tpu.memory_space<vmem>>
      %dma_start3A_280 = tpu.memref_squeeze %dma_start3A_279 : memref<1x80xi32, #tpu.memory_space<vmem>> -> memref<80xi32, #tpu.memory_space<vmem>>
      %dma_start3A_281 = tpu.memref_slice %arg4[%add3A_277] : memref<320000xi32, #tpu.memory_space<hbm>> -> memref<80xi32, #tpu.memory_space<hbm>>
      %dma_start3A_282 = arith.constant 0 : i32
      %dma_start3A_283 = tpu.memref_slice %arg9[%min3A_272, %dma_start3A_282] : memref<125x80xi32, #tpu.memory_space<vmem>> -> memref<1x80xi32, #tpu.memory_space<vmem>>
      %dma_start3A_284 = tpu.memref_squeeze %dma_start3A_283 : memref<1x80xi32, #tpu.memory_space<vmem>> -> memref<80xi32, #tpu.memory_space<vmem>>
      %dma_start3A_285 = tpu.memref_slice %arg4[%add3A_277] : memref<320000xi32, #tpu.memory_space<hbm>> -> memref<80xi32, #tpu.memory_space<hbm>>
      tpu.enqueue_dma source(%dma_start3A_285 : memref<80xi32, #tpu.memory_space<hbm>>) target(%dma_start3A_284 : memref<80xi32, #tpu.memory_space<vmem>>) target_semaphore(%arg15 : memref<!tpu.dma_semaphore, #tpu.memory_space<semaphore_mem>>)
      %add3A_286 = arith.constant 5 : i32
      %add3A_287 = arith.addi %mul3A_269, %add3A_286 : i32
      %min3A_288 = arith.constant 124 : i32
      %min3A_289 = arith.minsi %add3A_287, %min3A_288 : i32
      %mul3A_290 = arith.constant 10000 : i32
      %mul3A_291 = arith.muli %add3A, %mul3A_290 : i32
      %mul3A_292 = arith.constant 80 : i32
      %mul3A_293 = arith.muli %min3A_289, %mul3A_292 : i32
      %add3A_294 = arith.addi %mul3A_291, %mul3A_293 : i32
      %dma_start3A_295 = arith.constant 0 : i32
      %dma_start3A_296 = tpu.memref_slice %arg9[%min3A_289, %dma_start3A_295] : memref<125x80xi32, #tpu.memory_space<vmem>> -> memref<1x80xi32, #tpu.memory_space<vmem>>
      %dma_start3A_297 = tpu.memref_squeeze %dma_start3A_296 : memref<1x80xi32, #tpu.memory_space<vmem>> -> memref<80xi32, #tpu.memory_space<vmem>>
      %dma_start3A_298 = tpu.memref_slice %arg4[%add3A_294] : memref<320000xi32, #tpu.memory_space<hbm>> -> memref<80xi32, #tpu.memory_space<hbm>>
      %dma_start3A_299 = arith.constant 0 : i32
      %dma_start3A_300 = tpu.memref_slice %arg9[%min3A_289, %dma_start3A_299] : memref<125x80xi32, #tpu.memory_space<vmem>> -> memref<1x80xi32, #tpu.memory_space<vmem>>
      %dma_start3A_301 = tpu.memref_squeeze %dma_start3A_300 : memref<1x80xi32, #tpu.memory_space<vmem>> -> memref<80xi32, #tpu.memory_space<vmem>>
      %dma_start3A_302 = tpu.memref_slice %arg4[%add3A_294] : memref<320000xi32, #tpu.memory_space<hbm>> -> memref<80xi32, #tpu.memory_space<hbm>>
      tpu.enqueue_dma source(%dma_start3A_302 : memref<80xi32, #tpu.memory_space<hbm>>) target(%dma_start3A_301 : memref<80xi32, #tpu.memory_space<vmem>>) target_semaphore(%arg15 : memref<!tpu.dma_semaphore, #tpu.memory_space<semaphore_mem>>)
      %add3A_303 = arith.constant 1 : i32
      %add3A_304 = arith.addi %mul3A_269, %add3A_303 : i32
      %mul3A_305 = arith.constant 80 : i32
      %mul3A_306 = arith.muli %add3A_304, %mul3A_305 : i32
      %dma_start3A_307 = tpu.memref_slice %arg8[%mul3A_306] : memref<10000xi32, #tpu.memory_space<vmem>> -> memref<80xi32, #tpu.memory_space<vmem>>
      %dma_start3A_308 = arith.constant 0 : i32
      %dma_start3A_309 = arith.constant 0 : i32
      %dma_start3A_310 = tpu.memref_slice %arg2[%dma_start3A_308, %dma_start3A_309] : memref<10000x128xf32, #tpu.memory_space<hbm>> -> memref<10000x128xf32, #tpu.memory_space<hbm>>
      tpu.enqueue_indirect_dma source(%dma_start3A_310 : memref<10000x128xf32, #tpu.memory_space<hbm>>) target(%arg11 : memref<80x128xf32, #tpu.memory_space<vmem>>) offsets(%dma_start3A_307 : memref<80xi32, #tpu.memory_space<vmem>>) semaphore(%arg13 : memref<!tpu.dma_semaphore, #tpu.memory_space<semaphore_mem>>)
      %mul3A_311 = arith.constant 80 : i32
      %mul3A_312 = arith.muli %mul3A_269, %mul3A_311 : i32
      %dma_wait3A_313 = tpu.memref_slice %arg8[%mul3A_312] : memref<10000xi32, #tpu.memory_space<vmem>> -> memref<80xi32, #tpu.memory_space<vmem>>
      %dma_wait3A_314 = arith.constant 0 : i32
      %dma_wait3A_315 = arith.constant 0 : i32
      %dma_wait3A_316 = tpu.memref_slice %arg2[%dma_wait3A_314, %dma_wait3A_315] : memref<10000x128xf32, #tpu.memory_space<hbm>> -> memref<10000x128xf32, #tpu.memory_space<hbm>>
      tpu.wait_indirect_dma semaphore(%arg12 : memref<!tpu.dma_semaphore, #tpu.memory_space<semaphore_mem>>) src(%dma_wait3A_316 : memref<10000x128xf32, #tpu.memory_space<hbm>>) dst(%arg10 : memref<80x128xf32, #tpu.memory_space<vmem>>)
      %mul3A_317 = arith.constant 10000 : i32
      %mul3A_318 = arith.muli %add3A, %mul3A_317 : i32
      %mul3A_319 = arith.constant 80 : i32
      %mul3A_320 = arith.muli %mul3A_269, %mul3A_319 : i32
      %add3A_321 = arith.addi %mul3A_318, %mul3A_320 : i32
      %dma_wait3A_322 = arith.constant 0 : i32
      %dma_wait3A_323 = tpu.memref_slice %arg9[%mul3A_269, %dma_wait3A_322] : memref<125x80xi32, #tpu.memory_space<vmem>> -> memref<1x80xi32, #tpu.memory_space<vmem>>
      %dma_wait3A_324 = tpu.memref_squeeze %dma_wait3A_323 : memref<1x80xi32, #tpu.memory_space<vmem>> -> memref<80xi32, #tpu.memory_space<vmem>>
      %dma_wait3A_325 = tpu.memref_slice %arg4[%add3A_321] : memref<320000xi32, #tpu.memory_space<hbm>> -> memref<80xi32, #tpu.memory_space<hbm>>
      %dma_wait3A_326 = arith.constant 0 : i32
      %dma_wait3A_327 = tpu.memref_slice %arg9[%mul3A_269, %dma_wait3A_326] : memref<125x80xi32, #tpu.memory_space<vmem>> -> memref<1x80xi32, #tpu.memory_space<vmem>>
      %dma_wait3A_328 = tpu.memref_squeeze %dma_wait3A_327 : memref<1x80xi32, #tpu.memory_space<vmem>> -> memref<80xi32, #tpu.memory_space<vmem>>
      %dma_wait3A_329 = tpu.memref_slice %arg4[%add3A_321] : memref<320000xi32, #tpu.memory_space<hbm>> -> memref<80xi32, #tpu.memory_space<hbm>>
      tpu.wait_dma2 semaphore(%arg15 : memref<!tpu.dma_semaphore, #tpu.memory_space<semaphore_mem>>) src(%dma_wait3A_329 : memref<80xi32, #tpu.memory_space<hbm>>) dst(%dma_wait3A_328 : memref<80xi32, #tpu.memory_space<vmem>>)
      "tpu.region"() ({
        %run_scoped3A_363 = tpu.sem_alloc : memref<!tpu.dma_semaphore, #tpu.memory_space<semaphore_mem>>
        %dma_start3A_364 = arith.constant 0 : i32
        %dma_start3A_365 = tpu.memref_slice %arg9[%mul3A_269, %dma_start3A_364] : memref<125x80xi32, #tpu.memory_space<vmem>> -> memref<1x80xi32, #tpu.memory_space<vmem>>
        %dma_start3A_366 = tpu.memref_squeeze %dma_start3A_365 : memref<1x80xi32, #tpu.memory_space<vmem>> -> memref<80xi32, #tpu.memory_space<vmem>>
        %dma_start3A_367 = arith.constant 0 : i32
        %dma_start3A_368 = arith.constant 0 : i32
        %dma_start3A_369 = tpu.memref_slice %arg7[%dma_start3A_367, %dma_start3A_368] : memref<10240x128xf32, #tpu.memory_space<vmem_shared>> -> memref<10240x128xf32, #tpu.memory_space<vmem_shared>>
        tpu.enqueue_indirect_dma source(%arg10 : memref<80x128xf32, #tpu.memory_space<vmem>>) target(%dma_start3A_369 : memref<10240x128xf32, #tpu.memory_space<vmem_shared>>) offsets(%dma_start3A_366 : memref<80xi32, #tpu.memory_space<vmem>>) semaphore(%run_scoped3A_363 : memref<!tpu.dma_semaphore, #tpu.memory_space<semaphore_mem>>) {add = true}
        %dma_wait3A_370 = arith.constant 0 : i32
        %dma_wait3A_371 = tpu.memref_slice %arg9[%mul3A_269, %dma_wait3A_370] : memref<125x80xi32, #tpu.memory_space<vmem>> -> memref<1x80xi32, #tpu.memory_space<vmem>>
        %dma_wait3A_372 = tpu.memref_squeeze %dma_wait3A_371 : memref<1x80xi32, #tpu.memory_space<vmem>> -> memref<80xi32, #tpu.memory_space<vmem>>
        %dma_wait3A_373 = arith.constant 0 : i32
        %dma_wait3A_374 = arith.constant 0 : i32
        %dma_wait3A_375 = tpu.memref_slice %arg7[%dma_wait3A_373, %dma_wait3A_374] : memref<10240x128xf32, #tpu.memory_space<vmem_shared>> -> memref<10240x128xf32, #tpu.memory_space<vmem_shared>>
        tpu.wait_indirect_dma semaphore(%run_scoped3A_363 : memref<!tpu.dma_semaphore, #tpu.memory_space<semaphore_mem>>) src(%arg10 : memref<80x128xf32, #tpu.memory_space<vmem>>) dst(%dma_wait3A_375 : memref<10240x128xf32, #tpu.memory_space<vmem_shared>>)
        tpu.yield
      }) : () -> ()
      %add3A_330 = arith.constant 2 : i32
      %add3A_331 = arith.addi %mul3A_269, %add3A_330 : i32
      %mul3A_332 = arith.constant 80 : i32
      %mul3A_333 = arith.muli %add3A_331, %mul3A_332 : i32
      %dma_start3A_334 = tpu.memref_slice %arg8[%mul3A_333] : memref<10000xi32, #tpu.memory_space<vmem>> -> memref<80xi32, #tpu.memory_space<vmem>>
      %dma_start3A_335 = arith.constant 0 : i32
      %dma_start3A_336 = arith.constant 0 : i32
      %dma_start3A_337 = tpu.memref_slice %arg2[%dma_start3A_335, %dma_start3A_336] : memref<10000x128xf32, #tpu.memory_space<hbm>> -> memref<10000x128xf32, #tpu.memory_space<hbm>>
      tpu.enqueue_indirect_dma source(%dma_start3A_337 : memref<10000x128xf32, #tpu.memory_space<hbm>>) target(%arg10 : memref<80x128xf32, #tpu.memory_space<vmem>>) offsets(%dma_start3A_334 : memref<80xi32, #tpu.memory_space<vmem>>) semaphore(%arg12 : memref<!tpu.dma_semaphore, #tpu.memory_space<semaphore_mem>>)
      %add3A_338 = arith.constant 1 : i32
      %add3A_339 = arith.addi %mul3A_269, %add3A_338 : i32
      %mul3A_340 = arith.constant 80 : i32
      %mul3A_341 = arith.muli %add3A_339, %mul3A_340 : i32
      %dma_wait3A_342 = tpu.memref_slice %arg8[%mul3A_341] : memref<10000xi32, #tpu.memory_space<vmem>> -> memref<80xi32, #tpu.memory_space<vmem>>
      %dma_wait3A_343 = arith.constant 0 : i32
      %dma_wait3A_344 = arith.constant 0 : i32
      %dma_wait3A_345 = tpu.memref_slice %arg2[%dma_wait3A_343, %dma_wait3A_344] : memref<10000x128xf32, #tpu.memory_space<hbm>> -> memref<10000x128xf32, #tpu.memory_space<hbm>>
      tpu.wait_indirect_dma semaphore(%arg13 : memref<!tpu.dma_semaphore, #tpu.memory_space<semaphore_mem>>) src(%dma_wait3A_345 : memref<10000x128xf32, #tpu.memory_space<hbm>>) dst(%arg11 : memref<80x128xf32, #tpu.memory_space<vmem>>)
      %add3A_346 = arith.constant 1 : i32
      %add3A_347 = arith.addi %mul3A_269, %add3A_346 : i32
      %mul3A_348 = arith.constant 10000 : i32
      %mul3A_349 = arith.muli %add3A, %mul3A_348 : i32
      %mul3A_350 = arith.constant 80 : i32
      %mul3A_351 = arith.muli %add3A_347, %mul3A_350 : i32
      %add3A_352 = arith.addi %mul3A_349, %mul3A_351 : i32
      %dma_wait3A_353 = arith.constant 0 : i32
      %dma_wait3A_354 = tpu.memref_slice %arg9[%add3A_347, %dma_wait3A_353] : memref<125x80xi32, #tpu.memory_space<vmem>> -> memref<1x80xi32, #tpu.memory_space<vmem>>
      %dma_wait3A_355 = tpu.memref_squeeze %dma_wait3A_354 : memref<1x80xi32, #tpu.memory_space<vmem>> -> memref<80xi32, #tpu.memory_space<vmem>>
      %dma_wait3A_356 = tpu.memref_slice %arg4[%add3A_352] : memref<320000xi32, #tpu.memory_space<hbm>> -> memref<80xi32, #tpu.memory_space<hbm>>
      %dma_wait3A_357 = arith.constant 0 : i32
      %dma_wait3A_358 = tpu.memref_slice %arg9[%add3A_347, %dma_wait3A_357] : memref<125x80xi32, #tpu.memory_space<vmem>> -> memref<1x80xi32, #tpu.memory_space<vmem>>
      %dma_wait3A_359 = tpu.memref_squeeze %dma_wait3A_358 : memref<1x80xi32, #tpu.memory_space<vmem>> -> memref<80xi32, #tpu.memory_space<vmem>>
      %dma_wait3A_360 = tpu.memref_slice %arg4[%add3A_352] : memref<320000xi32, #tpu.memory_space<hbm>> -> memref<80xi32, #tpu.memory_space<hbm>>
      tpu.wait_dma2 semaphore(%arg15 : memref<!tpu.dma_semaphore, #tpu.memory_space<semaphore_mem>>) src(%dma_wait3A_360 : memref<80xi32, #tpu.memory_space<hbm>>) dst(%dma_wait3A_359 : memref<80xi32, #tpu.memory_space<vmem>>)
      %add3A_361 = arith.constant 1 : i32
      %add3A_362 = arith.addi %mul3A_269, %add3A_361 : i32
      "tpu.region"() ({
        %run_scoped3A_363 = tpu.sem_alloc : memref<!tpu.dma_semaphore, #tpu.memory_space<semaphore_mem>>
        %dma_start3A_364 = arith.constant 0 : i32
        %dma_start3A_365 = tpu.memref_slice %arg9[%add3A_362, %dma_start3A_364] : memref<125x80xi32, #tpu.memory_space<vmem>> -> memref<1x80xi32, #tpu.memory_space<vmem>>
        %dma_start3A_366 = tpu.memref_squeeze %dma_start3A_365 : memref<1x80xi32, #tpu.memory_space<vmem>> -> memref<80xi32, #tpu.memory_space<vmem>>
        %dma_start3A_367 = arith.constant 0 : i32
        %dma_start3A_368 = arith.constant 0 : i32
        %dma_start3A_369 = tpu.memref_slice %arg7[%dma_start3A_367, %dma_start3A_368] : memref<10240x128xf32, #tpu.memory_space<vmem_shared>> -> memref<10240x128xf32, #tpu.memory_space<vmem_shared>>
        tpu.enqueue_indirect_dma source(%arg11 : memref<80x128xf32, #tpu.memory_space<vmem>>) target(%dma_start3A_369 : memref<10240x128xf32, #tpu.memory_space<vmem_shared>>) offsets(%dma_start3A_366 : memref<80xi32, #tpu.memory_space<vmem>>) semaphore(%run_scoped3A_363 : memref<!tpu.dma_semaphore, #tpu.memory_space<semaphore_mem>>) {add = true}
        %dma_wait3A_370 = arith.constant 0 : i32
        %dma_wait3A_371 = tpu.memref_slice %arg9[%add3A_362, %dma_wait3A_370] : memref<125x80xi32, #tpu.memory_space<vmem>> -> memref<1x80xi32, #tpu.memory_space<vmem>>
        %dma_wait3A_372 = tpu.memref_squeeze %dma_wait3A_371 : memref<1x80xi32, #tpu.memory_space<vmem>> -> memref<80xi32, #tpu.memory_space<vmem>>
        %dma_wait3A_373 = arith.constant 0 : i32
        %dma_wait3A_374 = arith.constant 0 : i32
        %dma_wait3A_375 = tpu.memref_slice %arg7[%dma_wait3A_373, %dma_wait3A_374] : memref<10240x128xf32, #tpu.memory_space<vmem_shared>> -> memref<10240x128xf32, #tpu.memory_space<vmem_shared>>
        tpu.wait_indirect_dma semaphore(%run_scoped3A_363 : memref<!tpu.dma_semaphore, #tpu.memory_space<semaphore_mem>>) src(%arg11 : memref<80x128xf32, #tpu.memory_space<vmem>>) dst(%dma_wait3A_375 : memref<10240x128xf32, #tpu.memory_space<vmem_shared>>)
        tpu.yield
      }) : () -> ()
    }
    %scan3A_201 = arith.constant 62 : i32
    %dma_wait3A_202 = arith.constant 9920 : i32
    %dma_wait3A_203 = tpu.memref_slice %arg8[%dma_wait3A_202] : memref<10000xi32, #tpu.memory_space<vmem>> -> memref<80xi32, #tpu.memory_space<vmem>>
    %dma_wait3A_204 = arith.constant 0 : i32
    %dma_wait3A_205 = arith.constant 0 : i32
    %dma_wait3A_206 = tpu.memref_slice %arg2[%dma_wait3A_204, %dma_wait3A_205] : memref<10000x128xf32, #tpu.memory_space<hbm>> -> memref<10000x128xf32, #tpu.memory_space<hbm>>
    tpu.wait_indirect_dma semaphore(%arg12 : memref<!tpu.dma_semaphore, #tpu.memory_space<semaphore_mem>>) src(%dma_wait3A_206 : memref<10000x128xf32, #tpu.memory_space<hbm>>) dst(%arg10 : memref<80x128xf32, #tpu.memory_space<vmem>>)
    %mul3A_207 = arith.constant 10000 : i32
    %mul3A_208 = arith.muli %add3A, %mul3A_207 : i32
    %add3A_209 = arith.constant 9920 : i32
    %add3A_210 = arith.addi %mul3A_208, %add3A_209 : i32
    %dma_wait3A_211 = arith.constant 124 : i32
    %dma_wait3A_212 = arith.constant 0 : i32
    %dma_wait3A_213 = tpu.memref_slice %arg9[%dma_wait3A_211, %dma_wait3A_212] : memref<125x80xi32, #tpu.memory_space<vmem>> -> memref<1x80xi32, #tpu.memory_space<vmem>>
    %dma_wait3A_214 = tpu.memref_squeeze %dma_wait3A_213 : memref<1x80xi32, #tpu.memory_space<vmem>> -> memref<80xi32, #tpu.memory_space<vmem>>
    %dma_wait3A_215 = tpu.memref_slice %arg4[%add3A_210] : memref<320000xi32, #tpu.memory_space<hbm>> -> memref<80xi32, #tpu.memory_space<hbm>>
    %dma_wait3A_216 = arith.constant 0 : i32
    %dma_wait3A_217 = tpu.memref_slice %arg9[%dma_wait3A_211, %dma_wait3A_216] : memref<125x80xi32, #tpu.memory_space<vmem>> -> memref<1x80xi32, #tpu.memory_space<vmem>>
    %dma_wait3A_218 = tpu.memref_squeeze %dma_wait3A_217 : memref<1x80xi32, #tpu.memory_space<vmem>> -> memref<80xi32, #tpu.memory_space<vmem>>
    %dma_wait3A_219 = tpu.memref_slice %arg4[%add3A_210] : memref<320000xi32, #tpu.memory_space<hbm>> -> memref<80xi32, #tpu.memory_space<hbm>>
    tpu.wait_dma2 semaphore(%arg15 : memref<!tpu.dma_semaphore, #tpu.memory_space<semaphore_mem>>) src(%dma_wait3A_219 : memref<80xi32, #tpu.memory_space<hbm>>) dst(%dma_wait3A_218 : memref<80xi32, #tpu.memory_space<vmem>>)
    %mul3A_220 = arith.constant 10000 : i32
    %mul3A_221 = arith.muli %add3A, %mul3A_220 : i32
    %add3A_222 = arith.constant 9920 : i32
    %add3A_223 = arith.addi %mul3A_221, %add3A_222 : i32
    %dma_wait3A_224 = arith.constant 124 : i32
    %dma_wait3A_225 = arith.constant 0 : i32
    %dma_wait3A_226 = tpu.memref_slice %arg9[%dma_wait3A_224, %dma_wait3A_225] : memref<125x80xi32, #tpu.memory_space<vmem>> -> memref<1x80xi32, #tpu.memory_space<vmem>>
    %dma_wait3A_227 = tpu.memref_squeeze %dma_wait3A_226 : memref<1x80xi32, #tpu.memory_space<vmem>> -> memref<80xi32, #tpu.memory_space<vmem>>
    %dma_wait3A_228 = tpu.memref_slice %arg4[%add3A_223] : memref<320000xi32, #tpu.memory_space<hbm>> -> memref<80xi32, #tpu.memory_space<hbm>>
    %dma_wait3A_229 = arith.constant 0 : i32
    %dma_wait3A_230 = tpu.memref_slice %arg9[%dma_wait3A_224, %dma_wait3A_229] : memref<125x80xi32, #tpu.memory_space<vmem>> -> memref<1x80xi32, #tpu.memory_space<vmem>>
    %dma_wait3A_231 = tpu.memref_squeeze %dma_wait3A_230 : memref<1x80xi32, #tpu.memory_space<vmem>> -> memref<80xi32, #tpu.memory_space<vmem>>
    %dma_wait3A_232 = tpu.memref_slice %arg4[%add3A_223] : memref<320000xi32, #tpu.memory_space<hbm>> -> memref<80xi32, #tpu.memory_space<hbm>>
    tpu.wait_dma2 semaphore(%arg15 : memref<!tpu.dma_semaphore, #tpu.memory_space<semaphore_mem>>) src(%dma_wait3A_232 : memref<80xi32, #tpu.memory_space<hbm>>) dst(%dma_wait3A_231 : memref<80xi32, #tpu.memory_space<vmem>>)
    %mul3A_233 = arith.constant 10000 : i32
    %mul3A_234 = arith.muli %add3A, %mul3A_233 : i32
    %add3A_235 = arith.constant 9920 : i32
    %add3A_236 = arith.addi %mul3A_234, %add3A_235 : i32
    %dma_wait3A_237 = arith.constant 124 : i32
    %dma_wait3A_238 = arith.constant 0 : i32
    %dma_wait3A_239 = tpu.memref_slice %arg9[%dma_wait3A_237, %dma_wait3A_238] : memref<125x80xi32, #tpu.memory_space<vmem>> -> memref<1x80xi32, #tpu.memory_space<vmem>>
    %dma_wait3A_240 = tpu.memref_squeeze %dma_wait3A_239 : memref<1x80xi32, #tpu.memory_space<vmem>> -> memref<80xi32, #tpu.memory_space<vmem>>
    %dma_wait3A_241 = tpu.memref_slice %arg4[%add3A_236] : memref<320000xi32, #tpu.memory_space<hbm>> -> memref<80xi32, #tpu.memory_space<hbm>>
    %dma_wait3A_242 = arith.constant 0 : i32
    %dma_wait3A_243 = tpu.memref_slice %arg9[%dma_wait3A_237, %dma_wait3A_242] : memref<125x80xi32, #tpu.memory_space<vmem>> -> memref<1x80xi32, #tpu.memory_space<vmem>>
    %dma_wait3A_244 = tpu.memref_squeeze %dma_wait3A_243 : memref<1x80xi32, #tpu.memory_space<vmem>> -> memref<80xi32, #tpu.memory_space<vmem>>
    %dma_wait3A_245 = tpu.memref_slice %arg4[%add3A_236] : memref<320000xi32, #tpu.memory_space<hbm>> -> memref<80xi32, #tpu.memory_space<hbm>>
    tpu.wait_dma2 semaphore(%arg15 : memref<!tpu.dma_semaphore, #tpu.memory_space<semaphore_mem>>) src(%dma_wait3A_245 : memref<80xi32, #tpu.memory_space<hbm>>) dst(%dma_wait3A_244 : memref<80xi32, #tpu.memory_space<vmem>>)
    %mul3A_246 = arith.constant 10000 : i32
    %mul3A_247 = arith.muli %add3A, %mul3A_246 : i32
    %add3A_248 = arith.constant 9920 : i32
    %add3A_249 = arith.addi %mul3A_247, %add3A_248 : i32
    %dma_wait3A_250 = arith.constant 124 : i32
    %dma_wait3A_251 = arith.constant 0 : i32
    %dma_wait3A_252 = tpu.memref_slice %arg9[%dma_wait3A_250, %dma_wait3A_251] : memref<125x80xi32, #tpu.memory_space<vmem>> -> memref<1x80xi32, #tpu.memory_space<vmem>>
    %dma_wait3A_253 = tpu.memref_squeeze %dma_wait3A_252 : memref<1x80xi32, #tpu.memory_space<vmem>> -> memref<80xi32, #tpu.memory_space<vmem>>
    %dma_wait3A_254 = tpu.memref_slice %arg4[%add3A_249] : memref<320000xi32, #tpu.memory_space<hbm>> -> memref<80xi32, #tpu.memory_space<hbm>>
    %dma_wait3A_255 = arith.constant 0 : i32
    %dma_wait3A_256 = tpu.memref_slice %arg9[%dma_wait3A_250, %dma_wait3A_255] : memref<125x80xi32, #tpu.memory_space<vmem>> -> memref<1x80xi32, #tpu.memory_space<vmem>>
    %dma_wait3A_257 = tpu.memref_squeeze %dma_wait3A_256 : memref<1x80xi32, #tpu.memory_space<vmem>> -> memref<80xi32, #tpu.memory_space<vmem>>
    %dma_wait3A_258 = tpu.memref_slice %arg4[%add3A_249] : memref<320000xi32, #tpu.memory_space<hbm>> -> memref<80xi32, #tpu.memory_space<hbm>>
    tpu.wait_dma2 semaphore(%arg15 : memref<!tpu.dma_semaphore, #tpu.memory_space<semaphore_mem>>) src(%dma_wait3A_258 : memref<80xi32, #tpu.memory_space<hbm>>) dst(%dma_wait3A_257 : memref<80xi32, #tpu.memory_space<vmem>>)
    %run_scoped3A = arith.constant 124 : i32
    "tpu.region"() ({
      %run_scoped3A_267 = tpu.sem_alloc : memref<!tpu.dma_semaphore, #tpu.memory_space<semaphore_mem>>
      %dma_start3A_268 = arith.constant 0 : i32
      %dma_start3A_269 = tpu.memref_slice %arg9[%run_scoped3A, %dma_start3A_268] : memref<125x80xi32, #tpu.memory_space<vmem>> -> memref<1x80xi32, #tpu.memory_space<vmem>>
      %dma_start3A_270 = tpu.memref_squeeze %dma_start3A_269 : memref<1x80xi32, #tpu.memory_space<vmem>> -> memref<80xi32, #tpu.memory_space<vmem>>
      %dma_start3A_271 = arith.constant 0 : i32
      %dma_start3A_272 = arith.constant 0 : i32
      %dma_start3A_273 = tpu.memref_slice %arg7[%dma_start3A_271, %dma_start3A_272] : memref<10240x128xf32, #tpu.memory_space<vmem_shared>> -> memref<10240x128xf32, #tpu.memory_space<vmem_shared>>
      tpu.enqueue_indirect_dma source(%arg10 : memref<80x128xf32, #tpu.memory_space<vmem>>) target(%dma_start3A_273 : memref<10240x128xf32, #tpu.memory_space<vmem_shared>>) offsets(%dma_start3A_270 : memref<80xi32, #tpu.memory_space<vmem>>) semaphore(%run_scoped3A_267 : memref<!tpu.dma_semaphore, #tpu.memory_space<semaphore_mem>>) {add = true}
      %dma_wait3A_274 = arith.constant 0 : i32
      %dma_wait3A_275 = tpu.memref_slice %arg9[%run_scoped3A, %dma_wait3A_274] : memref<125x80xi32, #tpu.memory_space<vmem>> -> memref<1x80xi32, #tpu.memory_space<vmem>>
      %dma_wait3A_276 = tpu.memref_squeeze %dma_wait3A_275 : memref<1x80xi32, #tpu.memory_space<vmem>> -> memref<80xi32, #tpu.memory_space<vmem>>
      %dma_wait3A_277 = arith.constant 0 : i32
      %dma_wait3A_278 = arith.constant 0 : i32
      %dma_wait3A_279 = tpu.memref_slice %arg7[%dma_wait3A_277, %dma_wait3A_278] : memref<10240x128xf32, #tpu.memory_space<vmem_shared>> -> memref<10240x128xf32, #tpu.memory_space<vmem_shared>>
      tpu.wait_indirect_dma semaphore(%run_scoped3A_267 : memref<!tpu.dma_semaphore, #tpu.memory_space<semaphore_mem>>) src(%arg10 : memref<80x128xf32, #tpu.memory_space<vmem>>) dst(%dma_wait3A_279 : memref<10240x128xf32, #tpu.memory_space<vmem_shared>>)
      tpu.yield
    }) : () -> ()
    %barrier3A_259 = arith.constant 0 : index
    tpu.barrier barrier_id(%barrier3A_259)
    %eq3A = arith.constant 0 : i32
    %eq3A_260 = arith.cmpi eq, %arg0, %eq3A : i32
    %convert_element_type3A = arith.extui %eq3A_260 : i1 to i32
    %cond3A = arith.constant 0 : i32
    %cond3A_261 = arith.cmpi ne, %convert_element_type3A, %cond3A : i32
    scf.if %cond3A_261 {
      %mul3A_267 = arith.constant 640 : i32
      %mul3A_268 = arith.muli %arg1, %mul3A_267 : i32
      %mul3A_269 = arith.constant 640 : i32
      %mul3A_270 = arith.muli %arg1, %mul3A_269 : i32
      "tpu.region"() ({
        %run_scoped3A_271 = tpu.sem_alloc : memref<!tpu.dma_semaphore, #tpu.memory_space<semaphore_mem>>
        %dma_start3A_272 = arith.constant 0 : i32
        %dma_start3A_273 = tpu.memref_slice %arg5[%mul3A_270, %dma_start3A_272] : memref<10240x128xf32, #tpu.memory_space<hbm>> -> memref<640x128xf32, #tpu.memory_space<hbm>>
        %dma_start3A_274 = arith.constant 0 : i32
        %dma_start3A_275 = tpu.memref_slice %arg7[%mul3A_268, %dma_start3A_274] : memref<10240x128xf32, #tpu.memory_space<vmem_shared>> -> memref<640x128xf32, #tpu.memory_space<vmem_shared>>
        tpu.enqueue_dma source(%dma_start3A_275 : memref<640x128xf32, #tpu.memory_space<vmem_shared>>) target(%dma_start3A_273 : memref<640x128xf32, #tpu.memory_space<hbm>>) target_semaphore(%run_scoped3A_271 : memref<!tpu.dma_semaphore, #tpu.memory_space<semaphore_mem>>)
        %dma_wait3A_276 = arith.constant 0 : i32
        %dma_wait3A_277 = tpu.memref_slice %arg5[%mul3A_270, %dma_wait3A_276] : memref<10240x128xf32, #tpu.memory_space<hbm>> -> memref<640x128xf32, #tpu.memory_space<hbm>>
        %dma_wait3A_278 = arith.constant 0 : i32
        %dma_wait3A_279 = tpu.memref_slice %arg7[%mul3A_268, %dma_wait3A_278] : memref<10240x128xf32, #tpu.memory_space<vmem_shared>> -> memref<640x128xf32, #tpu.memory_space<vmem_shared>>
        tpu.wait_dma2 semaphore(%run_scoped3A_271 : memref<!tpu.dma_semaphore, #tpu.memory_space<semaphore_mem>>) src(%dma_wait3A_279 : memref<640x128xf32, #tpu.memory_space<vmem_shared>>) dst(%dma_wait3A_277 : memref<640x128xf32, #tpu.memory_space<hbm>>)
        tpu.yield
      }) : () -> ()
    } else {
    }
    %eq3A_262 = arith.constant 1 : i32
    %eq3A_263 = arith.cmpi eq, %arg0, %eq3A_262 : i32
    %convert_element_type3A_264 = arith.extui %eq3A_263 : i1 to i32
    %cond3A_265 = arith.constant 0 : i32
    %cond3A_266 = arith.cmpi ne, %convert_element_type3A_264, %cond3A_265 : i32
    scf.if %cond3A_266 {
      %mul3A_267 = arith.constant 640 : i32
      %mul3A_268 = arith.muli %arg1, %mul3A_267 : i32
      %mul3A_269 = arith.constant 640 : i32
      %mul3A_270 = arith.muli %arg1, %mul3A_269 : i32
      "tpu.region"() ({
        %run_scoped3A_271 = tpu.sem_alloc : memref<!tpu.dma_semaphore, #tpu.memory_space<semaphore_mem>>
        %dma_start3A_272 = arith.constant 0 : i32
        %dma_start3A_273 = tpu.memref_slice %arg6[%mul3A_270, %dma_start3A_272] : memref<10240x128xf32, #tpu.memory_space<hbm>> -> memref<640x128xf32, #tpu.memory_space<hbm>>
        %dma_start3A_274 = arith.constant 0 : i32
        %dma_start3A_275 = tpu.memref_slice %arg7[%mul3A_268, %dma_start3A_274] : memref<10240x128xf32, #tpu.memory_space<vmem_shared>> -> memref<640x128xf32, #tpu.memory_space<vmem_shared>>
        tpu.enqueue_dma source(%dma_start3A_275 : memref<640x128xf32, #tpu.memory_space<vmem_shared>>) target(%dma_start3A_273 : memref<640x128xf32, #tpu.memory_space<hbm>>) target_semaphore(%run_scoped3A_271 : memref<!tpu.dma_semaphore, #tpu.memory_space<semaphore_mem>>)
        %dma_wait3A_276 = arith.constant 0 : i32
        %dma_wait3A_277 = tpu.memref_slice %arg6[%mul3A_270, %dma_wait3A_276] : memref<10240x128xf32, #tpu.memory_space<hbm>> -> memref<640x128xf32, #tpu.memory_space<hbm>>
        %dma_wait3A_278 = arith.constant 0 : i32
        %dma_wait3A_279 = tpu.memref_slice %arg7[%mul3A_268, %dma_wait3A_278] : memref<10240x128xf32, #tpu.memory_space<vmem_shared>> -> memref<640x128xf32, #tpu.memory_space<vmem_shared>>
        tpu.wait_dma2 semaphore(%run_scoped3A_271 : memref<!tpu.dma_semaphore, #tpu.memory_space<semaphore_mem>>) src(%dma_wait3A_279 : memref<640x128xf32, #tpu.memory_space<vmem_shared>>) dst(%dma_wait3A_277 : memref<640x128xf32, #tpu.memory_space<hbm>>)
        tpu.yield
      }) : () -> ()
    } else {
    }
    return
  }
}

#map = affine_map<(d0, d1) -> (0, 0)>
#map1 = affine_map<(d0, d1) -> (0)>
module attributes {stable_mosaic.version = 14 : i64} {
  func.func @_agg_body(%arg0: i32, %arg1: i32, %arg2: memref<10000x128xf32, #tpu.memory_space<hbm>>, %arg3: memref<320000xi32, #tpu.memory_space<hbm>>, %arg4: memref<320000xi32, #tpu.memory_space<hbm>>, %arg5: memref<10240x128xf32, #tpu.memory_space<hbm>>, %arg6: memref<10240x128xf32, #tpu.memory_space<hbm>>, %arg7: memref<10240x128xf32, #tpu.memory_space<vmem_shared>>, %arg8: memref<10000xi32, #tpu.memory_space<vmem>>, %arg9: memref<125x80xi32, #tpu.memory_space<vmem>>, %arg10: memref<80x128xf32, #tpu.memory_space<vmem>>, %arg11: memref<80x128xf32, #tpu.memory_space<vmem>>, %arg12: memref<!tpu.dma_semaphore, #tpu.memory_space<semaphore_mem>>, %arg13: memref<!tpu.dma_semaphore, #tpu.memory_space<semaphore_mem>>, %arg14: memref<!tpu.dma_semaphore, #tpu.memory_space<semaphore_mem>>, %arg15: memref<!tpu.dma_semaphore, #tpu.memory_space<semaphore_mem>>) attributes {dimension_semantics = [#tpu.dimension_semantics<core_parallel>, #tpu.dimension_semantics<subcore_parallel>], iteration_bounds = array<i64: 2, 16>, scalar_prefetch = 0 : i64, scratch_operands = 9 : i64, tpu.core_type = #tpu.core_type<sc_vector_subcore>, window_params = [{transform_indices = #map}, {transform_indices = #map1}, {transform_indices = #map1}, {transform_indices = #map}, {transform_indices = #map}]} {
    %mul3A = arith.constant 16 : i32
    %mul3A_0 = arith.muli %arg0, %mul3A : i32
    %add3A = arith.addi %mul3A_0, %arg1 : i32
    %broadcast_in_dim3A = arith.constant 0.000000e+00 : f32
    %broadcast_in_dim3A_1 = vector.broadcast %broadcast_in_dim3A : f32 to vector<16xf32>
    %scan3A = arith.constant 0 : i32
    %scan3A_2 = arith.constant 0 : i32
    %scan3A_3 = arith.constant 640 : i32
    %scan3A_4 = arith.addi %scan3A_2, %scan3A_3 : i32
    %scan3A_5 = arith.constant 1 : i32
    scf.for %scan3A_267 = %scan3A_2 to %scan3A_4 step %scan3A_5  : i32 {
      %jit3A = arith.constant 8 : i32
      %div3A = arith.divsi %scan3A_267, %jit3A : i32
      %sign3A = arith.constant 0 : i32
      %sign3A_268 = arith.cmpi sgt, %scan3A_267, %sign3A : i32
      %sign3A_269 = arith.extui %sign3A_268 : i1 to i32
      %sign3A_270 = arith.constant 0 : i32
      %sign3A_271 = arith.cmpi slt, %scan3A_267, %sign3A_270 : i32
      %sign3A_272 = arith.extui %sign3A_271 : i1 to i32
      %sign3A_273 = arith.subi %sign3A_269, %sign3A_272 : i32
      %sign3A_274 = arith.constant 0 : i32
      %sign3A_275 = arith.cmpi sgt, %jit3A, %sign3A_274 : i32
      %sign3A_276 = arith.extui %sign3A_275 : i1 to i32
      %sign3A_277 = arith.constant 0 : i32
      %sign3A_278 = arith.cmpi slt, %jit3A, %sign3A_277 : i32
      %sign3A_279 = arith.extui %sign3A_278 : i1 to i32
      %sign3A_280 = arith.subi %sign3A_276, %sign3A_279 : i32
      %ne3A = arith.cmpi ne, %sign3A_273, %sign3A_280 : i32
      %rem3A = arith.remsi %scan3A_267, %jit3A : i32
      %ne3A_281 = arith.constant 0 : i32
      %ne3A_282 = arith.cmpi ne, %rem3A, %ne3A_281 : i32
      %and3A = arith.andi %ne3A, %ne3A_282 : i1
      %sub3A = arith.constant 1 : i32
      %sub3A_283 = arith.subi %div3A, %sub3A : i32
      %select_n3A = arith.select %and3A, %sub3A_283, %div3A : i32
      %jit3A_284 = arith.constant 8 : i32
      %eq3A_285 = arith.constant 0 : i32
      %eq3A_286 = arith.cmpi eq, %jit3A_284, %eq3A_285 : i32
      %jit3A_287 = arith.constant 1 : i32
      %select_n3A_288 = arith.select %eq3A_286, %jit3A_287, %jit3A_284 : i32
      %rem3A_289 = arith.remsi %scan3A_267, %select_n3A_288 : i32
      %ne3A_290 = arith.constant 0 : i32
      %ne3A_291 = arith.cmpi ne, %rem3A_289, %ne3A_290 : i32
      %lt3A = arith.constant 0 : i32
      %lt3A_292 = arith.cmpi slt, %rem3A_289, %lt3A : i32
      %lt3A_293 = arith.constant 0 : i32
      %lt3A_294 = arith.cmpi slt, %select_n3A_288, %lt3A_293 : i32
      %ne3A_295 = arith.xori %lt3A_292, %lt3A_294 : i1
      %and3A_296 = arith.andi %ne3A_295, %ne3A_291 : i1
      %add3A_297 = arith.addi %rem3A_289, %select_n3A_288 : i32
      %select_n3A_298 = arith.select %and3A_296, %add3A_297, %rem3A_289 : i32
      %mul3A_299 = arith.constant 16 : i32
      %mul3A_300 = arith.muli %select_n3A_298, %mul3A_299 : i32
      %swap3A = arith.index_cast %select_n3A : i32 to index
      %swap3A_301 = arith.index_cast %mul3A_300 : i32 to index
      %swap3A_302 = tpu.vector_load %arg10[%swap3A, %swap3A_301] {strides = array<i32>} : memref<80x128xf32, #tpu.memory_space<vmem>>, vector<1x16xf32>,
      %swap3A_303 = vector.shape_cast %swap3A_302 : vector<1x16xf32> to vector<16xf32>
      %swap3A_304 = vector.shape_cast %broadcast_in_dim3A_1 : vector<16xf32> to vector<1x16xf32>
      tpu.vector_store %arg10[%swap3A, %swap3A_301], %swap3A_304 {strides = array<i32>} : memref<80x128xf32, #tpu.memory_space<vmem>>, vector<1x16xf32>,
    }
    %scan3A_6 = arith.constant 640 : i32
    %mul3A_7 = arith.constant 640 : i32
    %mul3A_8 = arith.muli %arg1, %mul3A_7 : i32
    %add3A_9 = arith.constant 0 : i32
    %add3A_10 = arith.addi %mul3A_8, %add3A_9 : i32
    %dma_start3A = arith.constant 0 : i32
    %dma_start3A_11 = tpu.memref_slice %arg7[%add3A_10, %dma_start3A] : memref<10240x128xf32, #tpu.memory_space<vmem_shared>> -> memref<80x128xf32, #tpu.memory_space<vmem_shared>>
    %dma_start3A_12 = arith.constant 0 : i32
    %dma_start3A_13 = tpu.memref_slice %arg7[%add3A_10, %dma_start3A_12] : memref<10240x128xf32, #tpu.memory_space<vmem_shared>> -> memref<80x128xf32, #tpu.memory_space<vmem_shared>>
    tpu.enqueue_dma source(%arg10 : memref<80x128xf32, #tpu.memory_space<vmem>>) target(%dma_start3A_13 : memref<80x128xf32, #tpu.memory_space<vmem_shared>>) target_semaphore(%arg14 : memref<!tpu.dma_semaphore, #tpu.memory_space<semaphore_mem>>)
    %mul3A_14 = arith.constant 640 : i32
    %mul3A_15 = arith.muli %arg1, %mul3A_14 : i32
    %add3A_16 = arith.constant 80 : i32
    %add3A_17 = arith.addi %mul3A_15, %add3A_16 : i32
    %dma_start3A_18 = arith.constant 0 : i32
    %dma_start3A_19 = tpu.memref_slice %arg7[%add3A_17, %dma_start3A_18] : memref<10240x128xf32, #tpu.memory_space<vmem_shared>> -> memref<80x128xf32, #tpu.memory_space<vmem_shared>>
    %dma_start3A_20 = arith.constant 0 : i32
    %dma_start3A_21 = tpu.memref_slice %arg7[%add3A_17, %dma_start3A_20] : memref<10240x128xf32, #tpu.memory_space<vmem_shared>> -> memref<80x128xf32, #tpu.memory_space<vmem_shared>>
    tpu.enqueue_dma source(%arg10 : memref<80x128xf32, #tpu.memory_space<vmem>>) target(%dma_start3A_21 : memref<80x128xf32, #tpu.memory_space<vmem_shared>>) target_semaphore(%arg14 : memref<!tpu.dma_semaphore, #tpu.memory_space<semaphore_mem>>)
    %mul3A_22 = arith.constant 640 : i32
    %mul3A_23 = arith.muli %arg1, %mul3A_22 : i32
    %add3A_24 = arith.constant 160 : i32
    %add3A_25 = arith.addi %mul3A_23, %add3A_24 : i32
    %dma_start3A_26 = arith.constant 0 : i32
    %dma_start3A_27 = tpu.memref_slice %arg7[%add3A_25, %dma_start3A_26] : memref<10240x128xf32, #tpu.memory_space<vmem_shared>> -> memref<80x128xf32, #tpu.memory_space<vmem_shared>>
    %dma_start3A_28 = arith.constant 0 : i32
    %dma_start3A_29 = tpu.memref_slice %arg7[%add3A_25, %dma_start3A_28] : memref<10240x128xf32, #tpu.memory_space<vmem_shared>> -> memref<80x128xf32, #tpu.memory_space<vmem_shared>>
    tpu.enqueue_dma source(%arg10 : memref<80x128xf32, #tpu.memory_space<vmem>>) target(%dma_start3A_29 : memref<80x128xf32, #tpu.memory_space<vmem_shared>>) target_semaphore(%arg14 : memref<!tpu.dma_semaphore, #tpu.memory_space<semaphore_mem>>)
    %mul3A_30 = arith.constant 640 : i32
    %mul3A_31 = arith.muli %arg1, %mul3A_30 : i32
    %add3A_32 = arith.constant 240 : i32
    %add3A_33 = arith.addi %mul3A_31, %add3A_32 : i32
    %dma_start3A_34 = arith.constant 0 : i32
    %dma_start3A_35 = tpu.memref_slice %arg7[%add3A_33, %dma_start3A_34] : memref<10240x128xf32, #tpu.memory_space<vmem_shared>> -> memref<80x128xf32, #tpu.memory_space<vmem_shared>>
    %dma_start3A_36 = arith.constant 0 : i32
    %dma_start3A_37 = tpu.memref_slice %arg7[%add3A_33, %dma_start3A_36] : memref<10240x128xf32, #tpu.memory_space<vmem_shared>> -> memref<80x128xf32, #tpu.memory_space<vmem_shared>>
    tpu.enqueue_dma source(%arg10 : memref<80x128xf32, #tpu.memory_space<vmem>>) target(%dma_start3A_37 : memref<80x128xf32, #tpu.memory_space<vmem_shared>>) target_semaphore(%arg14 : memref<!tpu.dma_semaphore, #tpu.memory_space<semaphore_mem>>)
    %mul3A_38 = arith.constant 640 : i32
    %mul3A_39 = arith.muli %arg1, %mul3A_38 : i32
    %add3A_40 = arith.constant 320 : i32
    %add3A_41 = arith.addi %mul3A_39, %add3A_40 : i32
    %dma_start3A_42 = arith.constant 0 : i32
    %dma_start3A_43 = tpu.memref_slice %arg7[%add3A_41, %dma_start3A_42] : memref<10240x128xf32, #tpu.memory_space<vmem_shared>> -> memref<80x128xf32, #tpu.memory_space<vmem_shared>>
    %dma_start3A_44 = arith.constant 0 : i32
    %dma_start3A_45 = tpu.memref_slice %arg7[%add3A_41, %dma_start3A_44] : memref<10240x128xf32, #tpu.memory_space<vmem_shared>> -> memref<80x128xf32, #tpu.memory_space<vmem_shared>>
    tpu.enqueue_dma source(%arg10 : memref<80x128xf32, #tpu.memory_space<vmem>>) target(%dma_start3A_45 : memref<80x128xf32, #tpu.memory_space<vmem_shared>>) target_semaphore(%arg14 : memref<!tpu.dma_semaphore, #tpu.memory_space<semaphore_mem>>)
    %mul3A_46 = arith.constant 640 : i32
    %mul3A_47 = arith.muli %arg1, %mul3A_46 : i32
    %add3A_48 = arith.constant 400 : i32
    %add3A_49 = arith.addi %mul3A_47, %add3A_48 : i32
    %dma_start3A_50 = arith.constant 0 : i32
    %dma_start3A_51 = tpu.memref_slice %arg7[%add3A_49, %dma_start3A_50] : memref<10240x128xf32, #tpu.memory_space<vmem_shared>> -> memref<80x128xf32, #tpu.memory_space<vmem_shared>>
    %dma_start3A_52 = arith.constant 0 : i32
    %dma_start3A_53 = tpu.memref_slice %arg7[%add3A_49, %dma_start3A_52] : memref<10240x128xf32, #tpu.memory_space<vmem_shared>> -> memref<80x128xf32, #tpu.memory_space<vmem_shared>>
    tpu.enqueue_dma source(%arg10 : memref<80x128xf32, #tpu.memory_space<vmem>>) target(%dma_start3A_53 : memref<80x128xf32, #tpu.memory_space<vmem_shared>>) target_semaphore(%arg14 : memref<!tpu.dma_semaphore, #tpu.memory_space<semaphore_mem>>)
    %mul3A_54 = arith.constant 640 : i32
    %mul3A_55 = arith.muli %arg1, %mul3A_54 : i32
    %add3A_56 = arith.constant 480 : i32
    %add3A_57 = arith.addi %mul3A_55, %add3A_56 : i32
    %dma_start3A_58 = arith.constant 0 : i32
    %dma_start3A_59 = tpu.memref_slice %arg7[%add3A_57, %dma_start3A_58] : memref<10240x128xf32, #tpu.memory_space<vmem_shared>> -> memref<80x128xf32, #tpu.memory_space<vmem_shared>>
    %dma_start3A_60 = arith.constant 0 : i32
    %dma_start3A_61 = tpu.memref_slice %arg7[%add3A_57, %dma_start3A_60] : memref<10240x128xf32, #tpu.memory_space<vmem_shared>> -> memref<80x128xf32, #tpu.memory_space<vmem_shared>>
    tpu.enqueue_dma source(%arg10 : memref<80x128xf32, #tpu.memory_space<vmem>>) target(%dma_start3A_61 : memref<80x128xf32, #tpu.memory_space<vmem_shared>>) target_semaphore(%arg14 : memref<!tpu.dma_semaphore, #tpu.memory_space<semaphore_mem>>)
    %mul3A_62 = arith.constant 640 : i32
    %mul3A_63 = arith.muli %arg1, %mul3A_62 : i32
    %add3A_64 = arith.constant 560 : i32
    %add3A_65 = arith.addi %mul3A_63, %add3A_64 : i32
    %dma_start3A_66 = arith.constant 0 : i32
    %dma_start3A_67 = tpu.memref_slice %arg7[%add3A_65, %dma_start3A_66] : memref<10240x128xf32, #tpu.memory_space<vmem_shared>> -> memref<80x128xf32, #tpu.memory_space<vmem_shared>>
    %dma_start3A_68 = arith.constant 0 : i32
    %dma_start3A_69 = tpu.memref_slice %arg7[%add3A_65, %dma_start3A_68] : memref<10240x128xf32, #tpu.memory_space<vmem_shared>> -> memref<80x128xf32, #tpu.memory_space<vmem_shared>>
    tpu.enqueue_dma source(%arg10 : memref<80x128xf32, #tpu.memory_space<vmem>>) target(%dma_start3A_69 : memref<80x128xf32, #tpu.memory_space<vmem_shared>>) target_semaphore(%arg14 : memref<!tpu.dma_semaphore, #tpu.memory_space<semaphore_mem>>)
    %mul3A_70 = arith.constant 10000 : i32
    %mul3A_71 = arith.muli %add3A, %mul3A_70 : i32
    %dma_start3A_72 = tpu.memref_slice %arg3[%mul3A_71] : memref<320000xi32, #tpu.memory_space<hbm>> -> memref<10000xi32, #tpu.memory_space<hbm>>
    %dma_start3A_73 = tpu.memref_slice %arg3[%mul3A_71] : memref<320000xi32, #tpu.memory_space<hbm>> -> memref<10000xi32, #tpu.memory_space<hbm>>
    tpu.enqueue_dma source(%dma_start3A_73 : memref<10000xi32, #tpu.memory_space<hbm>>) target(%arg8 : memref<10000xi32, #tpu.memory_space<vmem>>) target_semaphore(%arg12 : memref<!tpu.dma_semaphore, #tpu.memory_space<semaphore_mem>>)
    %mul3A_74 = arith.constant 10000 : i32
    %mul3A_75 = arith.muli %add3A, %mul3A_74 : i32
    %add3A_76 = arith.constant 0 : i32
    %add3A_77 = arith.addi %mul3A_75, %add3A_76 : i32
    %dma_start3A_78 = arith.constant 0 : i32
    %dma_start3A_79 = arith.constant 0 : i32
    %dma_start3A_80 = tpu.memref_slice %arg9[%dma_start3A_78, %dma_start3A_79] : memref<125x80xi32, #tpu.memory_space<vmem>> -> memref<1x80xi32, #tpu.memory_space<vmem>>
    %dma_start3A_81 = tpu.memref_squeeze %dma_start3A_80 : memref<1x80xi32, #tpu.memory_space<vmem>> -> memref<80xi32, #tpu.memory_space<vmem>>
    %dma_start3A_82 = tpu.memref_slice %arg4[%add3A_77] : memref<320000xi32, #tpu.memory_space<hbm>> -> memref<80xi32, #tpu.memory_space<hbm>>
    %dma_start3A_83 = arith.constant 0 : i32
    %dma_start3A_84 = tpu.memref_slice %arg9[%dma_start3A_78, %dma_start3A_83] : memref<125x80xi32, #tpu.memory_space<vmem>> -> memref<1x80xi32, #tpu.memory_space<vmem>>
    %dma_start3A_85 = tpu.memref_squeeze %dma_start3A_84 : memref<1x80xi32, #tpu.memory_space<vmem>> -> memref<80xi32, #tpu.memory_space<vmem>>
    %dma_start3A_86 = tpu.memref_slice %arg4[%add3A_77] : memref<320000xi32, #tpu.memory_space<hbm>> -> memref<80xi32, #tpu.memory_space<hbm>>
    tpu.enqueue_dma source(%dma_start3A_86 : memref<80xi32, #tpu.memory_space<hbm>>) target(%dma_start3A_85 : memref<80xi32, #tpu.memory_space<vmem>>) target_semaphore(%arg15 : memref<!tpu.dma_semaphore, #tpu.memory_space<semaphore_mem>>)
    %mul3A_87 = arith.constant 10000 : i32
    %mul3A_88 = arith.muli %add3A, %mul3A_87 : i32
    %add3A_89 = arith.constant 80 : i32
    %add3A_90 = arith.addi %mul3A_88, %add3A_89 : i32
    %dma_start3A_91 = arith.constant 1 : i32
    %dma_start3A_92 = arith.constant 0 : i32
    %dma_start3A_93 = tpu.memref_slice %arg9[%dma_start3A_91, %dma_start3A_92] : memref<125x80xi32, #tpu.memory_space<vmem>> -> memref<1x80xi32, #tpu.memory_space<vmem>>
    %dma_start3A_94 = tpu.memref_squeeze %dma_start3A_93 : memref<1x80xi32, #tpu.memory_space<vmem>> -> memref<80xi32, #tpu.memory_space<vmem>>
    %dma_start3A_95 = tpu.memref_slice %arg4[%add3A_90] : memref<320000xi32, #tpu.memory_space<hbm>> -> memref<80xi32, #tpu.memory_space<hbm>>
    %dma_start3A_96 = arith.constant 0 : i32
    %dma_start3A_97 = tpu.memref_slice %arg9[%dma_start3A_91, %dma_start3A_96] : memref<125x80xi32, #tpu.memory_space<vmem>> -> memref<1x80xi32, #tpu.memory_space<vmem>>
    %dma_start3A_98 = tpu.memref_squeeze %dma_start3A_97 : memref<1x80xi32, #tpu.memory_space<vmem>> -> memref<80xi32, #tpu.memory_space<vmem>>
    %dma_start3A_99 = tpu.memref_slice %arg4[%add3A_90] : memref<320000xi32, #tpu.memory_space<hbm>> -> memref<80xi32, #tpu.memory_space<hbm>>
    tpu.enqueue_dma source(%dma_start3A_99 : memref<80xi32, #tpu.memory_space<hbm>>) target(%dma_start3A_98 : memref<80xi32, #tpu.memory_space<vmem>>) target_semaphore(%arg15 : memref<!tpu.dma_semaphore, #tpu.memory_space<semaphore_mem>>)
    %mul3A_100 = arith.constant 10000 : i32
    %mul3A_101 = arith.muli %add3A, %mul3A_100 : i32
    %add3A_102 = arith.constant 160 : i32
    %add3A_103 = arith.addi %mul3A_101, %add3A_102 : i32
    %dma_start3A_104 = arith.constant 2 : i32
    %dma_start3A_105 = arith.constant 0 : i32
    %dma_start3A_106 = tpu.memref_slice %arg9[%dma_start3A_104, %dma_start3A_105] : memref<125x80xi32, #tpu.memory_space<vmem>> -> memref<1x80xi32, #tpu.memory_space<vmem>>
    %dma_start3A_107 = tpu.memref_squeeze %dma_start3A_106 : memref<1x80xi32, #tpu.memory_space<vmem>> -> memref<80xi32, #tpu.memory_space<vmem>>
    %dma_start3A_108 = tpu.memref_slice %arg4[%add3A_103] : memref<320000xi32, #tpu.memory_space<hbm>> -> memref<80xi32, #tpu.memory_space<hbm>>
    %dma_start3A_109 = arith.constant 0 : i32
    %dma_start3A_110 = tpu.memref_slice %arg9[%dma_start3A_104, %dma_start3A_109] : memref<125x80xi32, #tpu.memory_space<vmem>> -> memref<1x80xi32, #tpu.memory_space<vmem>>
    %dma_start3A_111 = tpu.memref_squeeze %dma_start3A_110 : memref<1x80xi32, #tpu.memory_space<vmem>> -> memref<80xi32, #tpu.memory_space<vmem>>
    %dma_start3A_112 = tpu.memref_slice %arg4[%add3A_103] : memref<320000xi32, #tpu.memory_space<hbm>> -> memref<80xi32, #tpu.memory_space<hbm>>
    tpu.enqueue_dma source(%dma_start3A_112 : memref<80xi32, #tpu.memory_space<hbm>>) target(%dma_start3A_111 : memref<80xi32, #tpu.memory_space<vmem>>) target_semaphore(%arg15 : memref<!tpu.dma_semaphore, #tpu.memory_space<semaphore_mem>>)
    %mul3A_113 = arith.constant 10000 : i32
    %mul3A_114 = arith.muli %add3A, %mul3A_113 : i32
    %add3A_115 = arith.constant 240 : i32
    %add3A_116 = arith.addi %mul3A_114, %add3A_115 : i32
    %dma_start3A_117 = arith.constant 3 : i32
    %dma_start3A_118 = arith.constant 0 : i32
    %dma_start3A_119 = tpu.memref_slice %arg9[%dma_start3A_117, %dma_start3A_118] : memref<125x80xi32, #tpu.memory_space<vmem>> -> memref<1x80xi32, #tpu.memory_space<vmem>>
    %dma_start3A_120 = tpu.memref_squeeze %dma_start3A_119 : memref<1x80xi32, #tpu.memory_space<vmem>> -> memref<80xi32, #tpu.memory_space<vmem>>
    %dma_start3A_121 = tpu.memref_slice %arg4[%add3A_116] : memref<320000xi32, #tpu.memory_space<hbm>> -> memref<80xi32, #tpu.memory_space<hbm>>
    %dma_start3A_122 = arith.constant 0 : i32
    %dma_start3A_123 = tpu.memref_slice %arg9[%dma_start3A_117, %dma_start3A_122] : memref<125x80xi32, #tpu.memory_space<vmem>> -> memref<1x80xi32, #tpu.memory_space<vmem>>
    %dma_start3A_124 = tpu.memref_squeeze %dma_start3A_123 : memref<1x80xi32, #tpu.memory_space<vmem>> -> memref<80xi32, #tpu.memory_space<vmem>>
    %dma_start3A_125 = tpu.memref_slice %arg4[%add3A_116] : memref<320000xi32, #tpu.memory_space<hbm>> -> memref<80xi32, #tpu.memory_space<hbm>>
    tpu.enqueue_dma source(%dma_start3A_125 : memref<80xi32, #tpu.memory_space<hbm>>) target(%dma_start3A_124 : memref<80xi32, #tpu.memory_space<vmem>>) target_semaphore(%arg15 : memref<!tpu.dma_semaphore, #tpu.memory_space<semaphore_mem>>)
    %dma_wait3A = tpu.memref_slice %arg3[%mul3A_71] : memref<320000xi32, #tpu.memory_space<hbm>> -> memref<10000xi32, #tpu.memory_space<hbm>>
    %dma_wait3A_126 = tpu.memref_slice %arg3[%mul3A_71] : memref<320000xi32, #tpu.memory_space<hbm>> -> memref<10000xi32, #tpu.memory_space<hbm>>
    tpu.wait_dma2 semaphore(%arg12 : memref<!tpu.dma_semaphore, #tpu.memory_space<semaphore_mem>>) src(%dma_wait3A_126 : memref<10000xi32, #tpu.memory_space<hbm>>) dst(%arg8 : memref<10000xi32, #tpu.memory_space<vmem>>)
    %mul3A_127 = arith.constant 640 : i32
    %mul3A_128 = arith.muli %arg1, %mul3A_127 : i32
    %add3A_129 = arith.constant 0 : i32
    %add3A_130 = arith.addi %mul3A_128, %add3A_129 : i32
    %dma_wait3A_131 = arith.constant 0 : i32
    %dma_wait3A_132 = tpu.memref_slice %arg7[%add3A_130, %dma_wait3A_131] : memref<10240x128xf32, #tpu.memory_space<vmem_shared>> -> memref<80x128xf32, #tpu.memory_space<vmem_shared>>
    %dma_wait3A_133 = arith.constant 0 : i32
    %dma_wait3A_134 = tpu.memref_slice %arg7[%add3A_130, %dma_wait3A_133] : memref<10240x128xf32, #tpu.memory_space<vmem_shared>> -> memref<80x128xf32, #tpu.memory_space<vmem_shared>>
    tpu.wait_dma2 semaphore(%arg14 : memref<!tpu.dma_semaphore, #tpu.memory_space<semaphore_mem>>) src(%arg10 : memref<80x128xf32, #tpu.memory_space<vmem>>) dst(%dma_wait3A_134 : memref<80x128xf32, #tpu.memory_space<vmem_shared>>)
    %mul3A_135 = arith.constant 640 : i32
    %mul3A_136 = arith.muli %arg1, %mul3A_135 : i32
    %add3A_137 = arith.constant 80 : i32
    %add3A_138 = arith.addi %mul3A_136, %add3A_137 : i32
    %dma_wait3A_139 = arith.constant 0 : i32
    %dma_wait3A_140 = tpu.memref_slice %arg7[%add3A_138, %dma_wait3A_139] : memref<10240x128xf32, #tpu.memory_space<vmem_shared>> -> memref<80x128xf32, #tpu.memory_space<vmem_shared>>
    %dma_wait3A_141 = arith.constant 0 : i32
    %dma_wait3A_142 = tpu.memref_slice %arg7[%add3A_138, %dma_wait3A_141] : memref<10240x128xf32, #tpu.memory_space<vmem_shared>> -> memref<80x128xf32, #tpu.memory_space<vmem_shared>>
    tpu.wait_dma2 semaphore(%arg14 : memref<!tpu.dma_semaphore, #tpu.memory_space<semaphore_mem>>) src(%arg10 : memref<80x128xf32, #tpu.memory_space<vmem>>) dst(%dma_wait3A_142 : memref<80x128xf32, #tpu.memory_space<vmem_shared>>)
    %mul3A_143 = arith.constant 640 : i32
    %mul3A_144 = arith.muli %arg1, %mul3A_143 : i32
    %add3A_145 = arith.constant 160 : i32
    %add3A_146 = arith.addi %mul3A_144, %add3A_145 : i32
    %dma_wait3A_147 = arith.constant 0 : i32
    %dma_wait3A_148 = tpu.memref_slice %arg7[%add3A_146, %dma_wait3A_147] : memref<10240x128xf32, #tpu.memory_space<vmem_shared>> -> memref<80x128xf32, #tpu.memory_space<vmem_shared>>
    %dma_wait3A_149 = arith.constant 0 : i32
    %dma_wait3A_150 = tpu.memref_slice %arg7[%add3A_146, %dma_wait3A_149] : memref<10240x128xf32, #tpu.memory_space<vmem_shared>> -> memref<80x128xf32, #tpu.memory_space<vmem_shared>>
    tpu.wait_dma2 semaphore(%arg14 : memref<!tpu.dma_semaphore, #tpu.memory_space<semaphore_mem>>) src(%arg10 : memref<80x128xf32, #tpu.memory_space<vmem>>) dst(%dma_wait3A_150 : memref<80x128xf32, #tpu.memory_space<vmem_shared>>)
    %mul3A_151 = arith.constant 640 : i32
    %mul3A_152 = arith.muli %arg1, %mul3A_151 : i32
    %add3A_153 = arith.constant 240 : i32
    %add3A_154 = arith.addi %mul3A_152, %add3A_153 : i32
    %dma_wait3A_155 = arith.constant 0 : i32
    %dma_wait3A_156 = tpu.memref_slice %arg7[%add3A_154, %dma_wait3A_155] : memref<10240x128xf32, #tpu.memory_space<vmem_shared>> -> memref<80x128xf32, #tpu.memory_space<vmem_shared>>
    %dma_wait3A_157 = arith.constant 0 : i32
    %dma_wait3A_158 = tpu.memref_slice %arg7[%add3A_154, %dma_wait3A_157] : memref<10240x128xf32, #tpu.memory_space<vmem_shared>> -> memref<80x128xf32, #tpu.memory_space<vmem_shared>>
    tpu.wait_dma2 semaphore(%arg14 : memref<!tpu.dma_semaphore, #tpu.memory_space<semaphore_mem>>) src(%arg10 : memref<80x128xf32, #tpu.memory_space<vmem>>) dst(%dma_wait3A_158 : memref<80x128xf32, #tpu.memory_space<vmem_shared>>)
    %mul3A_159 = arith.constant 640 : i32
    %mul3A_160 = arith.muli %arg1, %mul3A_159 : i32
    %add3A_161 = arith.constant 320 : i32
    %add3A_162 = arith.addi %mul3A_160, %add3A_161 : i32
    %dma_wait3A_163 = arith.constant 0 : i32
    %dma_wait3A_164 = tpu.memref_slice %arg7[%add3A_162, %dma_wait3A_163] : memref<10240x128xf32, #tpu.memory_space<vmem_shared>> -> memref<80x128xf32, #tpu.memory_space<vmem_shared>>
    %dma_wait3A_165 = arith.constant 0 : i32
    %dma_wait3A_166 = tpu.memref_slice %arg7[%add3A_162, %dma_wait3A_165] : memref<10240x128xf32, #tpu.memory_space<vmem_shared>> -> memref<80x128xf32, #tpu.memory_space<vmem_shared>>
    tpu.wait_dma2 semaphore(%arg14 : memref<!tpu.dma_semaphore, #tpu.memory_space<semaphore_mem>>) src(%arg10 : memref<80x128xf32, #tpu.memory_space<vmem>>) dst(%dma_wait3A_166 : memref<80x128xf32, #tpu.memory_space<vmem_shared>>)
    %mul3A_167 = arith.constant 640 : i32
    %mul3A_168 = arith.muli %arg1, %mul3A_167 : i32
    %add3A_169 = arith.constant 400 : i32
    %add3A_170 = arith.addi %mul3A_168, %add3A_169 : i32
    %dma_wait3A_171 = arith.constant 0 : i32
    %dma_wait3A_172 = tpu.memref_slice %arg7[%add3A_170, %dma_wait3A_171] : memref<10240x128xf32, #tpu.memory_space<vmem_shared>> -> memref<80x128xf32, #tpu.memory_space<vmem_shared>>
    %dma_wait3A_173 = arith.constant 0 : i32
    %dma_wait3A_174 = tpu.memref_slice %arg7[%add3A_170, %dma_wait3A_173] : memref<10240x128xf32, #tpu.memory_space<vmem_shared>> -> memref<80x128xf32, #tpu.memory_space<vmem_shared>>
    tpu.wait_dma2 semaphore(%arg14 : memref<!tpu.dma_semaphore, #tpu.memory_space<semaphore_mem>>) src(%arg10 : memref<80x128xf32, #tpu.memory_space<vmem>>) dst(%dma_wait3A_174 : memref<80x128xf32, #tpu.memory_space<vmem_shared>>)
    %mul3A_175 = arith.constant 640 : i32
    %mul3A_176 = arith.muli %arg1, %mul3A_175 : i32
    %add3A_177 = arith.constant 480 : i32
    %add3A_178 = arith.addi %mul3A_176, %add3A_177 : i32
    %dma_wait3A_179 = arith.constant 0 : i32
    %dma_wait3A_180 = tpu.memref_slice %arg7[%add3A_178, %dma_wait3A_179] : memref<10240x128xf32, #tpu.memory_space<vmem_shared>> -> memref<80x128xf32, #tpu.memory_space<vmem_shared>>
    %dma_wait3A_181 = arith.constant 0 : i32
    %dma_wait3A_182 = tpu.memref_slice %arg7[%add3A_178, %dma_wait3A_181] : memref<10240x128xf32, #tpu.memory_space<vmem_shared>> -> memref<80x128xf32, #tpu.memory_space<vmem_shared>>
    tpu.wait_dma2 semaphore(%arg14 : memref<!tpu.dma_semaphore, #tpu.memory_space<semaphore_mem>>) src(%arg10 : memref<80x128xf32, #tpu.memory_space<vmem>>) dst(%dma_wait3A_182 : memref<80x128xf32, #tpu.memory_space<vmem_shared>>)
    %mul3A_183 = arith.constant 640 : i32
    %mul3A_184 = arith.muli %arg1, %mul3A_183 : i32
    %add3A_185 = arith.constant 560 : i32
    %add3A_186 = arith.addi %mul3A_184, %add3A_185 : i32
    %dma_wait3A_187 = arith.constant 0 : i32
    %dma_wait3A_188 = tpu.memref_slice %arg7[%add3A_186, %dma_wait3A_187] : memref<10240x128xf32, #tpu.memory_space<vmem_shared>> -> memref<80x128xf32, #tpu.memory_space<vmem_shared>>
    %dma_wait3A_189 = arith.constant 0 : i32
    %dma_wait3A_190 = tpu.memref_slice %arg7[%add3A_186, %dma_wait3A_189] : memref<10240x128xf32, #tpu.memory_space<vmem_shared>> -> memref<80x128xf32, #tpu.memory_space<vmem_shared>>
    tpu.wait_dma2 semaphore(%arg14 : memref<!tpu.dma_semaphore, #tpu.memory_space<semaphore_mem>>) src(%arg10 : memref<80x128xf32, #tpu.memory_space<vmem>>) dst(%dma_wait3A_190 : memref<80x128xf32, #tpu.memory_space<vmem_shared>>)
    %dma_start3A_191 = arith.constant 0 : i32
    %dma_start3A_192 = tpu.memref_slice %arg8[%dma_start3A_191] : memref<10000xi32, #tpu.memory_space<vmem>> -> memref<80xi32, #tpu.memory_space<vmem>>
    %dma_start3A_193 = arith.constant 0 : i32
    %dma_start3A_194 = arith.constant 0 : i32
    %dma_start3A_195 = tpu.memref_slice %arg2[%dma_start3A_193, %dma_start3A_194] : memref<10000x128xf32, #tpu.memory_space<hbm>> -> memref<10000x128xf32, #tpu.memory_space<hbm>>
    tpu.enqueue_indirect_dma source(%dma_start3A_195 : memref<10000x128xf32, #tpu.memory_space<hbm>>) target(%arg10 : memref<80x128xf32, #tpu.memory_space<vmem>>) offsets(%dma_start3A_192 : memref<80xi32, #tpu.memory_space<vmem>>) semaphore(%arg12 : memref<!tpu.dma_semaphore, #tpu.memory_space<semaphore_mem>>)
    %barrier3A = arith.constant 0 : index
    tpu.barrier barrier_id(%barrier3A)
    %scan3A_196 = arith.constant 0 : i32
    %scan3A_197 = arith.constant 0 : i32
    %scan3A_198 = arith.constant 62 : i32
    %scan3A_199 = arith.addi %scan3A_197, %scan3A_198 : i32
    %scan3A_200 = arith.constant 1 : i32
    scf.for %scan3A_267 = %scan3A_197 to %scan3A_199 step %scan3A_200  : i32 {
      %mul3A_268 = arith.constant 2 : i32
      %mul3A_269 = arith.muli %mul3A_268, %scan3A_267 : i32
      %add3A_270 = arith.constant 4 : i32
      %add3A_271 = arith.addi %mul3A_269, %add3A_270 : i32
      %min3A = arith.constant 124 : i32
      %min3A_272 = arith.minsi %add3A_271, %min3A : i32
      %mul3A_273 = arith.constant 10000 : i32
      %mul3A_274 = arith.muli %add3A, %mul3A_273 : i32
      %mul3A_275 = arith.constant 80 : i32
      %mul3A_276 = arith.muli %min3A_272, %mul3A_275 : i32
      %add3A_277 = arith.addi %mul3A_274, %mul3A_276 : i32
      %dma_start3A_278 = arith.constant 0 : i32
      %dma_start3A_279 = tpu.memref_slice %arg9[%min3A_272, %dma_start3A_278] : memref<125x80xi32, #tpu.memory_space<vmem>> -> memref<1x80xi32, #tpu.memory_space<vmem>>
      %dma_start3A_280 = tpu.memref_squeeze %dma_start3A_279 : memref<1x80xi32, #tpu.memory_space<vmem>> -> memref<80xi32, #tpu.memory_space<vmem>>
      %dma_start3A_281 = tpu.memref_slice %arg4[%add3A_277] : memref<320000xi32, #tpu.memory_space<hbm>> -> memref<80xi32, #tpu.memory_space<hbm>>
      %dma_start3A_282 = arith.constant 0 : i32
      %dma_start3A_283 = tpu.memref_slice %arg9[%min3A_272, %dma_start3A_282] : memref<125x80xi32, #tpu.memory_space<vmem>> -> memref<1x80xi32, #tpu.memory_space<vmem>>
      %dma_start3A_284 = tpu.memref_squeeze %dma_start3A_283 : memref<1x80xi32, #tpu.memory_space<vmem>> -> memref<80xi32, #tpu.memory_space<vmem>>
      %dma_start3A_285 = tpu.memref_slice %arg4[%add3A_277] : memref<320000xi32, #tpu.memory_space<hbm>> -> memref<80xi32, #tpu.memory_space<hbm>>
      tpu.enqueue_dma source(%dma_start3A_285 : memref<80xi32, #tpu.memory_space<hbm>>) target(%dma_start3A_284 : memref<80xi32, #tpu.memory_space<vmem>>) target_semaphore(%arg15 : memref<!tpu.dma_semaphore, #tpu.memory_space<semaphore_mem>>)
      %add3A_286 = arith.constant 5 : i32
      %add3A_287 = arith.addi %mul3A_269, %add3A_286 : i32
      %min3A_288 = arith.constant 124 : i32
      %min3A_289 = arith.minsi %add3A_287, %min3A_288 : i32
      %mul3A_290 = arith.constant 10000 : i32
      %mul3A_291 = arith.muli %add3A, %mul3A_290 : i32
      %mul3A_292 = arith.constant 80 : i32
      %mul3A_293 = arith.muli %min3A_289, %mul3A_292 : i32
      %add3A_294 = arith.addi %mul3A_291, %mul3A_293 : i32
      %dma_start3A_295 = arith.constant 0 : i32
      %dma_start3A_296 = tpu.memref_slice %arg9[%min3A_289, %dma_start3A_295] : memref<125x80xi32, #tpu.memory_space<vmem>> -> memref<1x80xi32, #tpu.memory_space<vmem>>
      %dma_start3A_297 = tpu.memref_squeeze %dma_start3A_296 : memref<1x80xi32, #tpu.memory_space<vmem>> -> memref<80xi32, #tpu.memory_space<vmem>>
      %dma_start3A_298 = tpu.memref_slice %arg4[%add3A_294] : memref<320000xi32, #tpu.memory_space<hbm>> -> memref<80xi32, #tpu.memory_space<hbm>>
      %dma_start3A_299 = arith.constant 0 : i32
      %dma_start3A_300 = tpu.memref_slice %arg9[%min3A_289, %dma_start3A_299] : memref<125x80xi32, #tpu.memory_space<vmem>> -> memref<1x80xi32, #tpu.memory_space<vmem>>
      %dma_start3A_301 = tpu.memref_squeeze %dma_start3A_300 : memref<1x80xi32, #tpu.memory_space<vmem>> -> memref<80xi32, #tpu.memory_space<vmem>>
      %dma_start3A_302 = tpu.memref_slice %arg4[%add3A_294] : memref<320000xi32, #tpu.memory_space<hbm>> -> memref<80xi32, #tpu.memory_space<hbm>>
      tpu.enqueue_dma source(%dma_start3A_302 : memref<80xi32, #tpu.memory_space<hbm>>) target(%dma_start3A_301 : memref<80xi32, #tpu.memory_space<vmem>>) target_semaphore(%arg15 : memref<!tpu.dma_semaphore, #tpu.memory_space<semaphore_mem>>)
      %add3A_303 = arith.constant 1 : i32
      %add3A_304 = arith.addi %mul3A_269, %add3A_303 : i32
      %mul3A_305 = arith.constant 80 : i32
      %mul3A_306 = arith.muli %add3A_304, %mul3A_305 : i32
      %dma_start3A_307 = tpu.memref_slice %arg8[%mul3A_306] : memref<10000xi32, #tpu.memory_space<vmem>> -> memref<80xi32, #tpu.memory_space<vmem>>
      %dma_start3A_308 = arith.constant 0 : i32
      %dma_start3A_309 = arith.constant 0 : i32
      %dma_start3A_310 = tpu.memref_slice %arg2[%dma_start3A_308, %dma_start3A_309] : memref<10000x128xf32, #tpu.memory_space<hbm>> -> memref<10000x128xf32, #tpu.memory_space<hbm>>
      tpu.enqueue_indirect_dma source(%dma_start3A_310 : memref<10000x128xf32, #tpu.memory_space<hbm>>) target(%arg11 : memref<80x128xf32, #tpu.memory_space<vmem>>) offsets(%dma_start3A_307 : memref<80xi32, #tpu.memory_space<vmem>>) semaphore(%arg13 : memref<!tpu.dma_semaphore, #tpu.memory_space<semaphore_mem>>)
      %mul3A_311 = arith.constant 80 : i32
      %mul3A_312 = arith.muli %mul3A_269, %mul3A_311 : i32
      %dma_wait3A_313 = tpu.memref_slice %arg8[%mul3A_312] : memref<10000xi32, #tpu.memory_space<vmem>> -> memref<80xi32, #tpu.memory_space<vmem>>
      %dma_wait3A_314 = arith.constant 0 : i32
      %dma_wait3A_315 = arith.constant 0 : i32
      %dma_wait3A_316 = tpu.memref_slice %arg2[%dma_wait3A_314, %dma_wait3A_315] : memref<10000x128xf32, #tpu.memory_space<hbm>> -> memref<10000x128xf32, #tpu.memory_space<hbm>>
      tpu.wait_indirect_dma semaphore(%arg12 : memref<!tpu.dma_semaphore, #tpu.memory_space<semaphore_mem>>) src(%dma_wait3A_316 : memref<10000x128xf32, #tpu.memory_space<hbm>>) dst(%arg10 : memref<80x128xf32, #tpu.memory_space<vmem>>)
      %mul3A_317 = arith.constant 10000 : i32
      %mul3A_318 = arith.muli %add3A, %mul3A_317 : i32
      %mul3A_319 = arith.constant 80 : i32
      %mul3A_320 = arith.muli %mul3A_269, %mul3A_319 : i32
      %add3A_321 = arith.addi %mul3A_318, %mul3A_320 : i32
      %dma_wait3A_322 = arith.constant 0 : i32
      %dma_wait3A_323 = tpu.memref_slice %arg9[%mul3A_269, %dma_wait3A_322] : memref<125x80xi32, #tpu.memory_space<vmem>> -> memref<1x80xi32, #tpu.memory_space<vmem>>
      %dma_wait3A_324 = tpu.memref_squeeze %dma_wait3A_323 : memref<1x80xi32, #tpu.memory_space<vmem>> -> memref<80xi32, #tpu.memory_space<vmem>>
      %dma_wait3A_325 = tpu.memref_slice %arg4[%add3A_321] : memref<320000xi32, #tpu.memory_space<hbm>> -> memref<80xi32, #tpu.memory_space<hbm>>
      %dma_wait3A_326 = arith.constant 0 : i32
      %dma_wait3A_327 = tpu.memref_slice %arg9[%mul3A_269, %dma_wait3A_326] : memref<125x80xi32, #tpu.memory_space<vmem>> -> memref<1x80xi32, #tpu.memory_space<vmem>>
      %dma_wait3A_328 = tpu.memref_squeeze %dma_wait3A_327 : memref<1x80xi32, #tpu.memory_space<vmem>> -> memref<80xi32, #tpu.memory_space<vmem>>
      %dma_wait3A_329 = tpu.memref_slice %arg4[%add3A_321] : memref<320000xi32, #tpu.memory_space<hbm>> -> memref<80xi32, #tpu.memory_space<hbm>>
      tpu.wait_dma2 semaphore(%arg15 : memref<!tpu.dma_semaphore, #tpu.memory_space<semaphore_mem>>) src(%dma_wait3A_329 : memref<80xi32, #tpu.memory_space<hbm>>) dst(%dma_wait3A_328 : memref<80xi32, #tpu.memory_space<vmem>>)
      "tpu.region"() ({
        %run_scoped3A_363 = tpu.sem_alloc : memref<!tpu.dma_semaphore, #tpu.memory_space<semaphore_mem>>
        %dma_start3A_364 = arith.constant 0 : i32
        %dma_start3A_365 = tpu.memref_slice %arg9[%mul3A_269, %dma_start3A_364] : memref<125x80xi32, #tpu.memory_space<vmem>> -> memref<1x80xi32, #tpu.memory_space<vmem>>
        %dma_start3A_366 = tpu.memref_squeeze %dma_start3A_365 : memref<1x80xi32, #tpu.memory_space<vmem>> -> memref<80xi32, #tpu.memory_space<vmem>>
        %dma_start3A_367 = arith.constant 0 : i32
        %dma_start3A_368 = arith.constant 0 : i32
        %dma_start3A_369 = tpu.memref_slice %arg7[%dma_start3A_367, %dma_start3A_368] : memref<10240x128xf32, #tpu.memory_space<vmem_shared>> -> memref<10240x128xf32, #tpu.memory_space<vmem_shared>>
        tpu.enqueue_indirect_dma source(%arg10 : memref<80x128xf32, #tpu.memory_space<vmem>>) target(%dma_start3A_369 : memref<10240x128xf32, #tpu.memory_space<vmem_shared>>) offsets(%dma_start3A_366 : memref<80xi32, #tpu.memory_space<vmem>>) semaphore(%run_scoped3A_363 : memref<!tpu.dma_semaphore, #tpu.memory_space<semaphore_mem>>) {add = true}
        %dma_wait3A_370 = arith.constant 0 : i32
        %dma_wait3A_371 = tpu.memref_slice %arg9[%mul3A_269, %dma_wait3A_370] : memref<125x80xi32, #tpu.memory_space<vmem>> -> memref<1x80xi32, #tpu.memory_space<vmem>>
        %dma_wait3A_372 = tpu.memref_squeeze %dma_wait3A_371 : memref<1x80xi32, #tpu.memory_space<vmem>> -> memref<80xi32, #tpu.memory_space<vmem>>
        %dma_wait3A_373 = arith.constant 0 : i32
        %dma_wait3A_374 = arith.constant 0 : i32
        %dma_wait3A_375 = tpu.memref_slice %arg7[%dma_wait3A_373, %dma_wait3A_374] : memref<10240x128xf32, #tpu.memory_space<vmem_shared>> -> memref<10240x128xf32, #tpu.memory_space<vmem_shared>>
        tpu.wait_indirect_dma semaphore(%run_scoped3A_363 : memref<!tpu.dma_semaphore, #tpu.memory_space<semaphore_mem>>) src(%arg10 : memref<80x128xf32, #tpu.memory_space<vmem>>) dst(%dma_wait3A_375 : memref<10240x128xf32, #tpu.memory_space<vmem_shared>>)
        tpu.yield
      }) : () -> ()
      %add3A_330 = arith.constant 2 : i32
      %add3A_331 = arith.addi %mul3A_269, %add3A_330 : i32
      %mul3A_332 = arith.constant 80 : i32
      %mul3A_333 = arith.muli %add3A_331, %mul3A_332 : i32
      %dma_start3A_334 = tpu.memref_slice %arg8[%mul3A_333] : memref<10000xi32, #tpu.memory_space<vmem>> -> memref<80xi32, #tpu.memory_space<vmem>>
      %dma_start3A_335 = arith.constant 0 : i32
      %dma_start3A_336 = arith.constant 0 : i32
      %dma_start3A_337 = tpu.memref_slice %arg2[%dma_start3A_335, %dma_start3A_336] : memref<10000x128xf32, #tpu.memory_space<hbm>> -> memref<10000x128xf32, #tpu.memory_space<hbm>>
      tpu.enqueue_indirect_dma source(%dma_start3A_337 : memref<10000x128xf32, #tpu.memory_space<hbm>>) target(%arg10 : memref<80x128xf32, #tpu.memory_space<vmem>>) offsets(%dma_start3A_334 : memref<80xi32, #tpu.memory_space<vmem>>) semaphore(%arg12 : memref<!tpu.dma_semaphore, #tpu.memory_space<semaphore_mem>>)
      %add3A_338 = arith.constant 1 : i32
      %add3A_339 = arith.addi %mul3A_269, %add3A_338 : i32
      %mul3A_340 = arith.constant 80 : i32
      %mul3A_341 = arith.muli %add3A_339, %mul3A_340 : i32
      %dma_wait3A_342 = tpu.memref_slice %arg8[%mul3A_341] : memref<10000xi32, #tpu.memory_space<vmem>> -> memref<80xi32, #tpu.memory_space<vmem>>
      %dma_wait3A_343 = arith.constant 0 : i32
      %dma_wait3A_344 = arith.constant 0 : i32
      %dma_wait3A_345 = tpu.memref_slice %arg2[%dma_wait3A_343, %dma_wait3A_344] : memref<10000x128xf32, #tpu.memory_space<hbm>> -> memref<10000x128xf32, #tpu.memory_space<hbm>>
      tpu.wait_indirect_dma semaphore(%arg13 : memref<!tpu.dma_semaphore, #tpu.memory_space<semaphore_mem>>) src(%dma_wait3A_345 : memref<10000x128xf32, #tpu.memory_space<hbm>>) dst(%arg11 : memref<80x128xf32, #tpu.memory_space<vmem>>)
      %add3A_346 = arith.constant 1 : i32
      %add3A_347 = arith.addi %mul3A_269, %add3A_346 : i32
      %mul3A_348 = arith.constant 10000 : i32
      %mul3A_349 = arith.muli %add3A, %mul3A_348 : i32
      %mul3A_350 = arith.constant 80 : i32
      %mul3A_351 = arith.muli %add3A_347, %mul3A_350 : i32
      %add3A_352 = arith.addi %mul3A_349, %mul3A_351 : i32
      %dma_wait3A_353 = arith.constant 0 : i32
      %dma_wait3A_354 = tpu.memref_slice %arg9[%add3A_347, %dma_wait3A_353] : memref<125x80xi32, #tpu.memory_space<vmem>> -> memref<1x80xi32, #tpu.memory_space<vmem>>
      %dma_wait3A_355 = tpu.memref_squeeze %dma_wait3A_354 : memref<1x80xi32, #tpu.memory_space<vmem>> -> memref<80xi32, #tpu.memory_space<vmem>>
      %dma_wait3A_356 = tpu.memref_slice %arg4[%add3A_352] : memref<320000xi32, #tpu.memory_space<hbm>> -> memref<80xi32, #tpu.memory_space<hbm>>
      %dma_wait3A_357 = arith.constant 0 : i32
      %dma_wait3A_358 = tpu.memref_slice %arg9[%add3A_347, %dma_wait3A_357] : memref<125x80xi32, #tpu.memory_space<vmem>> -> memref<1x80xi32, #tpu.memory_space<vmem>>
      %dma_wait3A_359 = tpu.memref_squeeze %dma_wait3A_358 : memref<1x80xi32, #tpu.memory_space<vmem>> -> memref<80xi32, #tpu.memory_space<vmem>>
      %dma_wait3A_360 = tpu.memref_slice %arg4[%add3A_352] : memref<320000xi32, #tpu.memory_space<hbm>> -> memref<80xi32, #tpu.memory_space<hbm>>
      tpu.wait_dma2 semaphore(%arg15 : memref<!tpu.dma_semaphore, #tpu.memory_space<semaphore_mem>>) src(%dma_wait3A_360 : memref<80xi32, #tpu.memory_space<hbm>>) dst(%dma_wait3A_359 : memref<80xi32, #tpu.memory_space<vmem>>)
      %add3A_361 = arith.constant 1 : i32
      %add3A_362 = arith.addi %mul3A_269, %add3A_361 : i32
      "tpu.region"() ({
        %run_scoped3A_363 = tpu.sem_alloc : memref<!tpu.dma_semaphore, #tpu.memory_space<semaphore_mem>>
        %dma_start3A_364 = arith.constant 0 : i32
        %dma_start3A_365 = tpu.memref_slice %arg9[%add3A_362, %dma_start3A_364] : memref<125x80xi32, #tpu.memory_space<vmem>> -> memref<1x80xi32, #tpu.memory_space<vmem>>
        %dma_start3A_366 = tpu.memref_squeeze %dma_start3A_365 : memref<1x80xi32, #tpu.memory_space<vmem>> -> memref<80xi32, #tpu.memory_space<vmem>>
        %dma_start3A_367 = arith.constant 0 : i32
        %dma_start3A_368 = arith.constant 0 : i32
        %dma_start3A_369 = tpu.memref_slice %arg7[%dma_start3A_367, %dma_start3A_368] : memref<10240x128xf32, #tpu.memory_space<vmem_shared>> -> memref<10240x128xf32, #tpu.memory_space<vmem_shared>>
        tpu.enqueue_indirect_dma source(%arg11 : memref<80x128xf32, #tpu.memory_space<vmem>>) target(%dma_start3A_369 : memref<10240x128xf32, #tpu.memory_space<vmem_shared>>) offsets(%dma_start3A_366 : memref<80xi32, #tpu.memory_space<vmem>>) semaphore(%run_scoped3A_363 : memref<!tpu.dma_semaphore, #tpu.memory_space<semaphore_mem>>) {add = true}
        %dma_wait3A_370 = arith.constant 0 : i32
        %dma_wait3A_371 = tpu.memref_slice %arg9[%add3A_362, %dma_wait3A_370] : memref<125x80xi32, #tpu.memory_space<vmem>> -> memref<1x80xi32, #tpu.memory_space<vmem>>
        %dma_wait3A_372 = tpu.memref_squeeze %dma_wait3A_371 : memref<1x80xi32, #tpu.memory_space<vmem>> -> memref<80xi32, #tpu.memory_space<vmem>>
        %dma_wait3A_373 = arith.constant 0 : i32
        %dma_wait3A_374 = arith.constant 0 : i32
        %dma_wait3A_375 = tpu.memref_slice %arg7[%dma_wait3A_373, %dma_wait3A_374] : memref<10240x128xf32, #tpu.memory_space<vmem_shared>> -> memref<10240x128xf32, #tpu.memory_space<vmem_shared>>
        tpu.wait_indirect_dma semaphore(%run_scoped3A_363 : memref<!tpu.dma_semaphore, #tpu.memory_space<semaphore_mem>>) src(%arg11 : memref<80x128xf32, #tpu.memory_space<vmem>>) dst(%dma_wait3A_375 : memref<10240x128xf32, #tpu.memory_space<vmem_shared>>)
        tpu.yield
      }) : () -> ()
    }
    %scan3A_201 = arith.constant 62 : i32
    %dma_wait3A_202 = arith.constant 9920 : i32
    %dma_wait3A_203 = tpu.memref_slice %arg8[%dma_wait3A_202] : memref<10000xi32, #tpu.memory_space<vmem>> -> memref<80xi32, #tpu.memory_space<vmem>>
    %dma_wait3A_204 = arith.constant 0 : i32
    %dma_wait3A_205 = arith.constant 0 : i32
    %dma_wait3A_206 = tpu.memref_slice %arg2[%dma_wait3A_204, %dma_wait3A_205] : memref<10000x128xf32, #tpu.memory_space<hbm>> -> memref<10000x128xf32, #tpu.memory_space<hbm>>
    tpu.wait_indirect_dma semaphore(%arg12 : memref<!tpu.dma_semaphore, #tpu.memory_space<semaphore_mem>>) src(%dma_wait3A_206 : memref<10000x128xf32, #tpu.memory_space<hbm>>) dst(%arg10 : memref<80x128xf32, #tpu.memory_space<vmem>>)
    %mul3A_207 = arith.constant 10000 : i32
    %mul3A_208 = arith.muli %add3A, %mul3A_207 : i32
    %add3A_209 = arith.constant 9920 : i32
    %add3A_210 = arith.addi %mul3A_208, %add3A_209 : i32
    %dma_wait3A_211 = arith.constant 124 : i32
    %dma_wait3A_212 = arith.constant 0 : i32
    %dma_wait3A_213 = tpu.memref_slice %arg9[%dma_wait3A_211, %dma_wait3A_212] : memref<125x80xi32, #tpu.memory_space<vmem>> -> memref<1x80xi32, #tpu.memory_space<vmem>>
    %dma_wait3A_214 = tpu.memref_squeeze %dma_wait3A_213 : memref<1x80xi32, #tpu.memory_space<vmem>> -> memref<80xi32, #tpu.memory_space<vmem>>
    %dma_wait3A_215 = tpu.memref_slice %arg4[%add3A_210] : memref<320000xi32, #tpu.memory_space<hbm>> -> memref<80xi32, #tpu.memory_space<hbm>>
    %dma_wait3A_216 = arith.constant 0 : i32
    %dma_wait3A_217 = tpu.memref_slice %arg9[%dma_wait3A_211, %dma_wait3A_216] : memref<125x80xi32, #tpu.memory_space<vmem>> -> memref<1x80xi32, #tpu.memory_space<vmem>>
    %dma_wait3A_218 = tpu.memref_squeeze %dma_wait3A_217 : memref<1x80xi32, #tpu.memory_space<vmem>> -> memref<80xi32, #tpu.memory_space<vmem>>
    %dma_wait3A_219 = tpu.memref_slice %arg4[%add3A_210] : memref<320000xi32, #tpu.memory_space<hbm>> -> memref<80xi32, #tpu.memory_space<hbm>>
    tpu.wait_dma2 semaphore(%arg15 : memref<!tpu.dma_semaphore, #tpu.memory_space<semaphore_mem>>) src(%dma_wait3A_219 : memref<80xi32, #tpu.memory_space<hbm>>) dst(%dma_wait3A_218 : memref<80xi32, #tpu.memory_space<vmem>>)
    %mul3A_220 = arith.constant 10000 : i32
    %mul3A_221 = arith.muli %add3A, %mul3A_220 : i32
    %add3A_222 = arith.constant 9920 : i32
    %add3A_223 = arith.addi %mul3A_221, %add3A_222 : i32
    %dma_wait3A_224 = arith.constant 124 : i32
    %dma_wait3A_225 = arith.constant 0 : i32
    %dma_wait3A_226 = tpu.memref_slice %arg9[%dma_wait3A_224, %dma_wait3A_225] : memref<125x80xi32, #tpu.memory_space<vmem>> -> memref<1x80xi32, #tpu.memory_space<vmem>>
    %dma_wait3A_227 = tpu.memref_squeeze %dma_wait3A_226 : memref<1x80xi32, #tpu.memory_space<vmem>> -> memref<80xi32, #tpu.memory_space<vmem>>
    %dma_wait3A_228 = tpu.memref_slice %arg4[%add3A_223] : memref<320000xi32, #tpu.memory_space<hbm>> -> memref<80xi32, #tpu.memory_space<hbm>>
    %dma_wait3A_229 = arith.constant 0 : i32
    %dma_wait3A_230 = tpu.memref_slice %arg9[%dma_wait3A_224, %dma_wait3A_229] : memref<125x80xi32, #tpu.memory_space<vmem>> -> memref<1x80xi32, #tpu.memory_space<vmem>>
    %dma_wait3A_231 = tpu.memref_squeeze %dma_wait3A_230 : memref<1x80xi32, #tpu.memory_space<vmem>> -> memref<80xi32, #tpu.memory_space<vmem>>
    %dma_wait3A_232 = tpu.memref_slice %arg4[%add3A_223] : memref<320000xi32, #tpu.memory_space<hbm>> -> memref<80xi32, #tpu.memory_space<hbm>>
    tpu.wait_dma2 semaphore(%arg15 : memref<!tpu.dma_semaphore, #tpu.memory_space<semaphore_mem>>) src(%dma_wait3A_232 : memref<80xi32, #tpu.memory_space<hbm>>) dst(%dma_wait3A_231 : memref<80xi32, #tpu.memory_space<vmem>>)
    %mul3A_233 = arith.constant 10000 : i32
    %mul3A_234 = arith.muli %add3A, %mul3A_233 : i32
    %add3A_235 = arith.constant 9920 : i32
    %add3A_236 = arith.addi %mul3A_234, %add3A_235 : i32
    %dma_wait3A_237 = arith.constant 124 : i32
    %dma_wait3A_238 = arith.constant 0 : i32
    %dma_wait3A_239 = tpu.memref_slice %arg9[%dma_wait3A_237, %dma_wait3A_238] : memref<125x80xi32, #tpu.memory_space<vmem>> -> memref<1x80xi32, #tpu.memory_space<vmem>>
    %dma_wait3A_240 = tpu.memref_squeeze %dma_wait3A_239 : memref<1x80xi32, #tpu.memory_space<vmem>> -> memref<80xi32, #tpu.memory_space<vmem>>
    %dma_wait3A_241 = tpu.memref_slice %arg4[%add3A_236] : memref<320000xi32, #tpu.memory_space<hbm>> -> memref<80xi32, #tpu.memory_space<hbm>>
    %dma_wait3A_242 = arith.constant 0 : i32
    %dma_wait3A_243 = tpu.memref_slice %arg9[%dma_wait3A_237, %dma_wait3A_242] : memref<125x80xi32, #tpu.memory_space<vmem>> -> memref<1x80xi32, #tpu.memory_space<vmem>>
    %dma_wait3A_244 = tpu.memref_squeeze %dma_wait3A_243 : memref<1x80xi32, #tpu.memory_space<vmem>> -> memref<80xi32, #tpu.memory_space<vmem>>
    %dma_wait3A_245 = tpu.memref_slice %arg4[%add3A_236] : memref<320000xi32, #tpu.memory_space<hbm>> -> memref<80xi32, #tpu.memory_space<hbm>>
    tpu.wait_dma2 semaphore(%arg15 : memref<!tpu.dma_semaphore, #tpu.memory_space<semaphore_mem>>) src(%dma_wait3A_245 : memref<80xi32, #tpu.memory_space<hbm>>) dst(%dma_wait3A_244 : memref<80xi32, #tpu.memory_space<vmem>>)
    %mul3A_246 = arith.constant 10000 : i32
    %mul3A_247 = arith.muli %add3A, %mul3A_246 : i32
    %add3A_248 = arith.constant 9920 : i32
    %add3A_249 = arith.addi %mul3A_247, %add3A_248 : i32
    %dma_wait3A_250 = arith.constant 124 : i32
    %dma_wait3A_251 = arith.constant 0 : i32
    %dma_wait3A_252 = tpu.memref_slice %arg9[%dma_wait3A_250, %dma_wait3A_251] : memref<125x80xi32, #tpu.memory_space<vmem>> -> memref<1x80xi32, #tpu.memory_space<vmem>>
    %dma_wait3A_253 = tpu.memref_squeeze %dma_wait3A_252 : memref<1x80xi32, #tpu.memory_space<vmem>> -> memref<80xi32, #tpu.memory_space<vmem>>
    %dma_wait3A_254 = tpu.memref_slice %arg4[%add3A_249] : memref<320000xi32, #tpu.memory_space<hbm>> -> memref<80xi32, #tpu.memory_space<hbm>>
    %dma_wait3A_255 = arith.constant 0 : i32
    %dma_wait3A_256 = tpu.memref_slice %arg9[%dma_wait3A_250, %dma_wait3A_255] : memref<125x80xi32, #tpu.memory_space<vmem>> -> memref<1x80xi32, #tpu.memory_space<vmem>>
    %dma_wait3A_257 = tpu.memref_squeeze %dma_wait3A_256 : memref<1x80xi32, #tpu.memory_space<vmem>> -> memref<80xi32, #tpu.memory_space<vmem>>
    %dma_wait3A_258 = tpu.memref_slice %arg4[%add3A_249] : memref<320000xi32, #tpu.memory_space<hbm>> -> memref<80xi32, #tpu.memory_space<hbm>>
    tpu.wait_dma2 semaphore(%arg15 : memref<!tpu.dma_semaphore, #tpu.memory_space<semaphore_mem>>) src(%dma_wait3A_258 : memref<80xi32, #tpu.memory_space<hbm>>) dst(%dma_wait3A_257 : memref<80xi32, #tpu.memory_space<vmem>>)
    %run_scoped3A = arith.constant 124 : i32
    "tpu.region"() ({
      %run_scoped3A_267 = tpu.sem_alloc : memref<!tpu.dma_semaphore, #tpu.memory_space<semaphore_mem>>
      %dma_start3A_268 = arith.constant 0 : i32
      %dma_start3A_269 = tpu.memref_slice %arg9[%run_scoped3A, %dma_start3A_268] : memref<125x80xi32, #tpu.memory_space<vmem>> -> memref<1x80xi32, #tpu.memory_space<vmem>>
      %dma_start3A_270 = tpu.memref_squeeze %dma_start3A_269 : memref<1x80xi32, #tpu.memory_space<vmem>> -> memref<80xi32, #tpu.memory_space<vmem>>
      %dma_start3A_271 = arith.constant 0 : i32
      %dma_start3A_272 = arith.constant 0 : i32
      %dma_start3A_273 = tpu.memref_slice %arg7[%dma_start3A_271, %dma_start3A_272] : memref<10240x128xf32, #tpu.memory_space<vmem_shared>> -> memref<10240x128xf32, #tpu.memory_space<vmem_shared>>
      tpu.enqueue_indirect_dma source(%arg10 : memref<80x128xf32, #tpu.memory_space<vmem>>) target(%dma_start3A_273 : memref<10240x128xf32, #tpu.memory_space<vmem_shared>>) offsets(%dma_start3A_270 : memref<80xi32, #tpu.memory_space<vmem>>) semaphore(%run_scoped3A_267 : memref<!tpu.dma_semaphore, #tpu.memory_space<semaphore_mem>>) {add = true}
      %dma_wait3A_274 = arith.constant 0 : i32
      %dma_wait3A_275 = tpu.memref_slice %arg9[%run_scoped3A, %dma_wait3A_274] : memref<125x80xi32, #tpu.memory_space<vmem>> -> memref<1x80xi32, #tpu.memory_space<vmem>>
      %dma_wait3A_276 = tpu.memref_squeeze %dma_wait3A_275 : memref<1x80xi32, #tpu.memory_space<vmem>> -> memref<80xi32, #tpu.memory_space<vmem>>
      %dma_wait3A_277 = arith.constant 0 : i32
      %dma_wait3A_278 = arith.constant 0 : i32
      %dma_wait3A_279 = tpu.memref_slice %arg7[%dma_wait3A_277, %dma_wait3A_278] : memref<10240x128xf32, #tpu.memory_space<vmem_shared>> -> memref<10240x128xf32, #tpu.memory_space<vmem_shared>>
      tpu.wait_indirect_dma semaphore(%run_scoped3A_267 : memref<!tpu.dma_semaphore, #tpu.memory_space<semaphore_mem>>) src(%arg10 : memref<80x128xf32, #tpu.memory_space<vmem>>) dst(%dma_wait3A_279 : memref<10240x128xf32, #tpu.memory_space<vmem_shared>>)
      tpu.yield
    }) : () -> ()
    %barrier3A_259 = arith.constant 0 : index
    tpu.barrier barrier_id(%barrier3A_259)
    %eq3A = arith.constant 0 : i32
    %eq3A_260 = arith.cmpi eq, %arg0, %eq3A : i32
    %convert_element_type3A = arith.extui %eq3A_260 : i1 to i32
    %cond3A = arith.constant 0 : i32
    %cond3A_261 = arith.cmpi ne, %convert_element_type3A, %cond3A : i32
    scf.if %cond3A_261 {
      %mul3A_267 = arith.constant 640 : i32
      %mul3A_268 = arith.muli %arg1, %mul3A_267 : i32
      %mul3A_269 = arith.constant 640 : i32
      %mul3A_270 = arith.muli %arg1, %mul3A_269 : i32
      "tpu.region"() ({
        %run_scoped3A_271 = tpu.sem_alloc : memref<!tpu.dma_semaphore, #tpu.memory_space<semaphore_mem>>
        %dma_start3A_272 = arith.constant 0 : i32
        %dma_start3A_273 = tpu.memref_slice %arg5[%mul3A_270, %dma_start3A_272] : memref<10240x128xf32, #tpu.memory_space<hbm>> -> memref<640x128xf32, #tpu.memory_space<hbm>>
        %dma_start3A_274 = arith.constant 0 : i32
        %dma_start3A_275 = tpu.memref_slice %arg7[%mul3A_268, %dma_start3A_274] : memref<10240x128xf32, #tpu.memory_space<vmem_shared>> -> memref<640x128xf32, #tpu.memory_space<vmem_shared>>
        tpu.enqueue_dma source(%dma_start3A_275 : memref<640x128xf32, #tpu.memory_space<vmem_shared>>) target(%dma_start3A_273 : memref<640x128xf32, #tpu.memory_space<hbm>>) target_semaphore(%run_scoped3A_271 : memref<!tpu.dma_semaphore, #tpu.memory_space<semaphore_mem>>)
        %dma_wait3A_276 = arith.constant 0 : i32
        %dma_wait3A_277 = tpu.memref_slice %arg5[%mul3A_270, %dma_wait3A_276] : memref<10240x128xf32, #tpu.memory_space<hbm>> -> memref<640x128xf32, #tpu.memory_space<hbm>>
        %dma_wait3A_278 = arith.constant 0 : i32
        %dma_wait3A_279 = tpu.memref_slice %arg7[%mul3A_268, %dma_wait3A_278] : memref<10240x128xf32, #tpu.memory_space<vmem_shared>> -> memref<640x128xf32, #tpu.memory_space<vmem_shared>>
        tpu.wait_dma2 semaphore(%run_scoped3A_271 : memref<!tpu.dma_semaphore, #tpu.memory_space<semaphore_mem>>) src(%dma_wait3A_279 : memref<640x128xf32, #tpu.memory_space<vmem_shared>>) dst(%dma_wait3A_277 : memref<640x128xf32, #tpu.memory_space<hbm>>)
        tpu.yield
      }) : () -> ()
    } else {
    }
    %eq3A_262 = arith.constant 1 : i32
    %eq3A_263 = arith.cmpi eq, %arg0, %eq3A_262 : i32
    %convert_element_type3A_264 = arith.extui %eq3A_263 : i1 to i32
    %cond3A_265 = arith.constant 0 : i32
    %cond3A_266 = arith.cmpi ne, %convert_element_type3A_264, %cond3A_265 : i32
    scf.if %cond3A_266 {
      %mul3A_267 = arith.constant 640 : i32
      %mul3A_268 = arith.muli %arg1, %mul3A_267 : i32
      %mul3A_269 = arith.constant 640 : i32
      %mul3A_270 = arith.muli %arg1, %mul3A_269 : i32
      "tpu.region"() ({
        %run_scoped3A_271 = tpu.sem_alloc : memref<!tpu.dma_semaphore, #tpu.memory_space<semaphore_mem>>
        %dma_start3A_272 = arith.constant 0 : i32
        %dma_start3A_273 = tpu.memref_slice %arg6[%mul3A_270, %dma_start3A_272] : memref<10240x128xf32, #tpu.memory_space<hbm>> -> memref<640x128xf32, #tpu.memory_space<hbm>>
        %dma_start3A_274 = arith.constant 0 : i32
        %dma_start3A_275 = tpu.memref_slice %arg7[%mul3A_268, %dma_start3A_274] : memref<10240x128xf32, #tpu.memory_space<vmem_shared>> -> memref<640x128xf32, #tpu.memory_space<vmem_shared>>
        tpu.enqueue_dma source(%dma_start3A_275 : memref<640x128xf32, #tpu.memory_space<vmem_shared>>) target(%dma_start3A_273 : memref<640x128xf32, #tpu.memory_space<hbm>>) target_semaphore(%run_scoped3A_271 : memref<!tpu.dma_semaphore, #tpu.memory_space<semaphore_mem>>)
        %dma_wait3A_276 = arith.constant 0 : i32
        %dma_wait3A_277 = tpu.memref_slice %arg6[%mul3A_270, %dma_wait3A_276] : memref<10240x128xf32, #tpu.memory_space<hbm>> -> memref<640x128xf32, #tpu.memory_space<hbm>>
        %dma_wait3A_278 = arith.constant 0 : i32
        %dma_wait3A_279 = tpu.memref_slice %arg7[%mul3A_268, %dma_wait3A_278] : memref<10240x128xf32, #tpu.memory_space<vmem_shared>> -> memref<640x128xf32, #tpu.memory_space<vmem_shared>>
        tpu.wait_dma2 semaphore(%run_scoped3A_271 : memref<!tpu.dma_semaphore, #tpu.memory_space<semaphore_mem>>) src(%dma_wait3A_279 : memref<640x128xf32, #tpu.memory_space<vmem_shared>>) dst(%dma_wait3A_277 : memref<640x128xf32, #tpu.memory_space<hbm>>)
        tpu.yield
      }) : () -> ()
    } else {
    }
    return
  }
}

#map = affine_map<(d0, d1) -> (0, 0)>
#map1 = affine_map<(d0, d1) -> (0)>
module attributes {stable_mosaic.version = 14 : i64} {
  func.func @_agg_body(%arg0: i32, %arg1: i32, %arg2: memref<10000x128xf32, #tpu.memory_space<hbm>>, %arg3: memref<320000xi32, #tpu.memory_space<hbm>>, %arg4: memref<320000xi32, #tpu.memory_space<hbm>>, %arg5: memref<10240x128xf32, #tpu.memory_space<hbm>>, %arg6: memref<10240x128xf32, #tpu.memory_space<hbm>>, %arg7: memref<10240x128xf32, #tpu.memory_space<vmem_shared>>, %arg8: memref<10000xi32, #tpu.memory_space<vmem>>, %arg9: memref<125x80xi32, #tpu.memory_space<vmem>>, %arg10: memref<80x128xf32, #tpu.memory_space<vmem>>, %arg11: memref<80x128xf32, #tpu.memory_space<vmem>>, %arg12: memref<!tpu.dma_semaphore, #tpu.memory_space<semaphore_mem>>, %arg13: memref<!tpu.dma_semaphore, #tpu.memory_space<semaphore_mem>>, %arg14: memref<!tpu.dma_semaphore, #tpu.memory_space<semaphore_mem>>, %arg15: memref<!tpu.dma_semaphore, #tpu.memory_space<semaphore_mem>>) attributes {dimension_semantics = [#tpu.dimension_semantics<core_parallel>, #tpu.dimension_semantics<subcore_parallel>], iteration_bounds = array<i64: 2, 16>, scalar_prefetch = 0 : i64, scratch_operands = 9 : i64, tpu.core_type = #tpu.core_type<sc_vector_subcore>, window_params = [{transform_indices = #map}, {transform_indices = #map1}, {transform_indices = #map1}, {transform_indices = #map}, {transform_indices = #map}]} {
    %mul3A = arith.constant 16 : i32
    %mul3A_0 = arith.muli %arg0, %mul3A : i32
    %add3A = arith.addi %mul3A_0, %arg1 : i32
    %broadcast_in_dim3A = arith.constant 0.000000e+00 : f32
    %broadcast_in_dim3A_1 = vector.broadcast %broadcast_in_dim3A : f32 to vector<16xf32>
    %scan3A = arith.constant 0 : i32
    %scan3A_2 = arith.constant 0 : i32
    %scan3A_3 = arith.constant 640 : i32
    %scan3A_4 = arith.addi %scan3A_2, %scan3A_3 : i32
    %scan3A_5 = arith.constant 1 : i32
    scf.for %scan3A_267 = %scan3A_2 to %scan3A_4 step %scan3A_5  : i32 {
      %jit3A = arith.constant 8 : i32
      %div3A = arith.divsi %scan3A_267, %jit3A : i32
      %sign3A = arith.constant 0 : i32
      %sign3A_268 = arith.cmpi sgt, %scan3A_267, %sign3A : i32
      %sign3A_269 = arith.extui %sign3A_268 : i1 to i32
      %sign3A_270 = arith.constant 0 : i32
      %sign3A_271 = arith.cmpi slt, %scan3A_267, %sign3A_270 : i32
      %sign3A_272 = arith.extui %sign3A_271 : i1 to i32
      %sign3A_273 = arith.subi %sign3A_269, %sign3A_272 : i32
      %sign3A_274 = arith.constant 0 : i32
      %sign3A_275 = arith.cmpi sgt, %jit3A, %sign3A_274 : i32
      %sign3A_276 = arith.extui %sign3A_275 : i1 to i32
      %sign3A_277 = arith.constant 0 : i32
      %sign3A_278 = arith.cmpi slt, %jit3A, %sign3A_277 : i32
      %sign3A_279 = arith.extui %sign3A_278 : i1 to i32
      %sign3A_280 = arith.subi %sign3A_276, %sign3A_279 : i32
      %ne3A = arith.cmpi ne, %sign3A_273, %sign3A_280 : i32
      %rem3A = arith.remsi %scan3A_267, %jit3A : i32
      %ne3A_281 = arith.constant 0 : i32
      %ne3A_282 = arith.cmpi ne, %rem3A, %ne3A_281 : i32
      %and3A = arith.andi %ne3A, %ne3A_282 : i1
      %sub3A = arith.constant 1 : i32
      %sub3A_283 = arith.subi %div3A, %sub3A : i32
      %select_n3A = arith.select %and3A, %sub3A_283, %div3A : i32
      %jit3A_284 = arith.constant 8 : i32
      %eq3A_285 = arith.constant 0 : i32
      %eq3A_286 = arith.cmpi eq, %jit3A_284, %eq3A_285 : i32
      %jit3A_287 = arith.constant 1 : i32
      %select_n3A_288 = arith.select %eq3A_286, %jit3A_287, %jit3A_284 : i32
      %rem3A_289 = arith.remsi %scan3A_267, %select_n3A_288 : i32
      %ne3A_290 = arith.constant 0 : i32
      %ne3A_291 = arith.cmpi ne, %rem3A_289, %ne3A_290 : i32
      %lt3A = arith.constant 0 : i32
      %lt3A_292 = arith.cmpi slt, %rem3A_289, %lt3A : i32
      %lt3A_293 = arith.constant 0 : i32
      %lt3A_294 = arith.cmpi slt, %select_n3A_288, %lt3A_293 : i32
      %ne3A_295 = arith.xori %lt3A_292, %lt3A_294 : i1
      %and3A_296 = arith.andi %ne3A_295, %ne3A_291 : i1
      %add3A_297 = arith.addi %rem3A_289, %select_n3A_288 : i32
      %select_n3A_298 = arith.select %and3A_296, %add3A_297, %rem3A_289 : i32
      %mul3A_299 = arith.constant 16 : i32
      %mul3A_300 = arith.muli %select_n3A_298, %mul3A_299 : i32
      %swap3A = arith.index_cast %select_n3A : i32 to index
      %swap3A_301 = arith.index_cast %mul3A_300 : i32 to index
      %swap3A_302 = tpu.vector_load %arg10[%swap3A, %swap3A_301] {strides = array<i32>} : memref<80x128xf32, #tpu.memory_space<vmem>>, vector<1x16xf32>,
      %swap3A_303 = vector.shape_cast %swap3A_302 : vector<1x16xf32> to vector<16xf32>
      %swap3A_304 = vector.shape_cast %broadcast_in_dim3A_1 : vector<16xf32> to vector<1x16xf32>
      tpu.vector_store %arg10[%swap3A, %swap3A_301], %swap3A_304 {strides = array<i32>} : memref<80x128xf32, #tpu.memory_space<vmem>>, vector<1x16xf32>,
    }
    %scan3A_6 = arith.constant 640 : i32
    %mul3A_7 = arith.constant 640 : i32
    %mul3A_8 = arith.muli %arg1, %mul3A_7 : i32
    %add3A_9 = arith.constant 0 : i32
    %add3A_10 = arith.addi %mul3A_8, %add3A_9 : i32
    %dma_start3A = arith.constant 0 : i32
    %dma_start3A_11 = tpu.memref_slice %arg7[%add3A_10, %dma_start3A] : memref<10240x128xf32, #tpu.memory_space<vmem_shared>> -> memref<80x128xf32, #tpu.memory_space<vmem_shared>>
    %dma_start3A_12 = arith.constant 0 : i32
    %dma_start3A_13 = tpu.memref_slice %arg7[%add3A_10, %dma_start3A_12] : memref<10240x128xf32, #tpu.memory_space<vmem_shared>> -> memref<80x128xf32, #tpu.memory_space<vmem_shared>>
    tpu.enqueue_dma source(%arg10 : memref<80x128xf32, #tpu.memory_space<vmem>>) target(%dma_start3A_13 : memref<80x128xf32, #tpu.memory_space<vmem_shared>>) target_semaphore(%arg14 : memref<!tpu.dma_semaphore, #tpu.memory_space<semaphore_mem>>)
    %mul3A_14 = arith.constant 640 : i32
    %mul3A_15 = arith.muli %arg1, %mul3A_14 : i32
    %add3A_16 = arith.constant 80 : i32
    %add3A_17 = arith.addi %mul3A_15, %add3A_16 : i32
    %dma_start3A_18 = arith.constant 0 : i32
    %dma_start3A_19 = tpu.memref_slice %arg7[%add3A_17, %dma_start3A_18] : memref<10240x128xf32, #tpu.memory_space<vmem_shared>> -> memref<80x128xf32, #tpu.memory_space<vmem_shared>>
    %dma_start3A_20 = arith.constant 0 : i32
    %dma_start3A_21 = tpu.memref_slice %arg7[%add3A_17, %dma_start3A_20] : memref<10240x128xf32, #tpu.memory_space<vmem_shared>> -> memref<80x128xf32, #tpu.memory_space<vmem_shared>>
    tpu.enqueue_dma source(%arg10 : memref<80x128xf32, #tpu.memory_space<vmem>>) target(%dma_start3A_21 : memref<80x128xf32, #tpu.memory_space<vmem_shared>>) target_semaphore(%arg14 : memref<!tpu.dma_semaphore, #tpu.memory_space<semaphore_mem>>)
    %mul3A_22 = arith.constant 640 : i32
    %mul3A_23 = arith.muli %arg1, %mul3A_22 : i32
    %add3A_24 = arith.constant 160 : i32
    %add3A_25 = arith.addi %mul3A_23, %add3A_24 : i32
    %dma_start3A_26 = arith.constant 0 : i32
    %dma_start3A_27 = tpu.memref_slice %arg7[%add3A_25, %dma_start3A_26] : memref<10240x128xf32, #tpu.memory_space<vmem_shared>> -> memref<80x128xf32, #tpu.memory_space<vmem_shared>>
    %dma_start3A_28 = arith.constant 0 : i32
    %dma_start3A_29 = tpu.memref_slice %arg7[%add3A_25, %dma_start3A_28] : memref<10240x128xf32, #tpu.memory_space<vmem_shared>> -> memref<80x128xf32, #tpu.memory_space<vmem_shared>>
    tpu.enqueue_dma source(%arg10 : memref<80x128xf32, #tpu.memory_space<vmem>>) target(%dma_start3A_29 : memref<80x128xf32, #tpu.memory_space<vmem_shared>>) target_semaphore(%arg14 : memref<!tpu.dma_semaphore, #tpu.memory_space<semaphore_mem>>)
    %mul3A_30 = arith.constant 640 : i32
    %mul3A_31 = arith.muli %arg1, %mul3A_30 : i32
    %add3A_32 = arith.constant 240 : i32
    %add3A_33 = arith.addi %mul3A_31, %add3A_32 : i32
    %dma_start3A_34 = arith.constant 0 : i32
    %dma_start3A_35 = tpu.memref_slice %arg7[%add3A_33, %dma_start3A_34] : memref<10240x128xf32, #tpu.memory_space<vmem_shared>> -> memref<80x128xf32, #tpu.memory_space<vmem_shared>>
    %dma_start3A_36 = arith.constant 0 : i32
    %dma_start3A_37 = tpu.memref_slice %arg7[%add3A_33, %dma_start3A_36] : memref<10240x128xf32, #tpu.memory_space<vmem_shared>> -> memref<80x128xf32, #tpu.memory_space<vmem_shared>>
    tpu.enqueue_dma source(%arg10 : memref<80x128xf32, #tpu.memory_space<vmem>>) target(%dma_start3A_37 : memref<80x128xf32, #tpu.memory_space<vmem_shared>>) target_semaphore(%arg14 : memref<!tpu.dma_semaphore, #tpu.memory_space<semaphore_mem>>)
    %mul3A_38 = arith.constant 640 : i32
    %mul3A_39 = arith.muli %arg1, %mul3A_38 : i32
    %add3A_40 = arith.constant 320 : i32
    %add3A_41 = arith.addi %mul3A_39, %add3A_40 : i32
    %dma_start3A_42 = arith.constant 0 : i32
    %dma_start3A_43 = tpu.memref_slice %arg7[%add3A_41, %dma_start3A_42] : memref<10240x128xf32, #tpu.memory_space<vmem_shared>> -> memref<80x128xf32, #tpu.memory_space<vmem_shared>>
    %dma_start3A_44 = arith.constant 0 : i32
    %dma_start3A_45 = tpu.memref_slice %arg7[%add3A_41, %dma_start3A_44] : memref<10240x128xf32, #tpu.memory_space<vmem_shared>> -> memref<80x128xf32, #tpu.memory_space<vmem_shared>>
    tpu.enqueue_dma source(%arg10 : memref<80x128xf32, #tpu.memory_space<vmem>>) target(%dma_start3A_45 : memref<80x128xf32, #tpu.memory_space<vmem_shared>>) target_semaphore(%arg14 : memref<!tpu.dma_semaphore, #tpu.memory_space<semaphore_mem>>)
    %mul3A_46 = arith.constant 640 : i32
    %mul3A_47 = arith.muli %arg1, %mul3A_46 : i32
    %add3A_48 = arith.constant 400 : i32
    %add3A_49 = arith.addi %mul3A_47, %add3A_48 : i32
    %dma_start3A_50 = arith.constant 0 : i32
    %dma_start3A_51 = tpu.memref_slice %arg7[%add3A_49, %dma_start3A_50] : memref<10240x128xf32, #tpu.memory_space<vmem_shared>> -> memref<80x128xf32, #tpu.memory_space<vmem_shared>>
    %dma_start3A_52 = arith.constant 0 : i32
    %dma_start3A_53 = tpu.memref_slice %arg7[%add3A_49, %dma_start3A_52] : memref<10240x128xf32, #tpu.memory_space<vmem_shared>> -> memref<80x128xf32, #tpu.memory_space<vmem_shared>>
    tpu.enqueue_dma source(%arg10 : memref<80x128xf32, #tpu.memory_space<vmem>>) target(%dma_start3A_53 : memref<80x128xf32, #tpu.memory_space<vmem_shared>>) target_semaphore(%arg14 : memref<!tpu.dma_semaphore, #tpu.memory_space<semaphore_mem>>)
    %mul3A_54 = arith.constant 640 : i32
    %mul3A_55 = arith.muli %arg1, %mul3A_54 : i32
    %add3A_56 = arith.constant 480 : i32
    %add3A_57 = arith.addi %mul3A_55, %add3A_56 : i32
    %dma_start3A_58 = arith.constant 0 : i32
    %dma_start3A_59 = tpu.memref_slice %arg7[%add3A_57, %dma_start3A_58] : memref<10240x128xf32, #tpu.memory_space<vmem_shared>> -> memref<80x128xf32, #tpu.memory_space<vmem_shared>>
    %dma_start3A_60 = arith.constant 0 : i32
    %dma_start3A_61 = tpu.memref_slice %arg7[%add3A_57, %dma_start3A_60] : memref<10240x128xf32, #tpu.memory_space<vmem_shared>> -> memref<80x128xf32, #tpu.memory_space<vmem_shared>>
    tpu.enqueue_dma source(%arg10 : memref<80x128xf32, #tpu.memory_space<vmem>>) target(%dma_start3A_61 : memref<80x128xf32, #tpu.memory_space<vmem_shared>>) target_semaphore(%arg14 : memref<!tpu.dma_semaphore, #tpu.memory_space<semaphore_mem>>)
    %mul3A_62 = arith.constant 640 : i32
    %mul3A_63 = arith.muli %arg1, %mul3A_62 : i32
    %add3A_64 = arith.constant 560 : i32
    %add3A_65 = arith.addi %mul3A_63, %add3A_64 : i32
    %dma_start3A_66 = arith.constant 0 : i32
    %dma_start3A_67 = tpu.memref_slice %arg7[%add3A_65, %dma_start3A_66] : memref<10240x128xf32, #tpu.memory_space<vmem_shared>> -> memref<80x128xf32, #tpu.memory_space<vmem_shared>>
    %dma_start3A_68 = arith.constant 0 : i32
    %dma_start3A_69 = tpu.memref_slice %arg7[%add3A_65, %dma_start3A_68] : memref<10240x128xf32, #tpu.memory_space<vmem_shared>> -> memref<80x128xf32, #tpu.memory_space<vmem_shared>>
    tpu.enqueue_dma source(%arg10 : memref<80x128xf32, #tpu.memory_space<vmem>>) target(%dma_start3A_69 : memref<80x128xf32, #tpu.memory_space<vmem_shared>>) target_semaphore(%arg14 : memref<!tpu.dma_semaphore, #tpu.memory_space<semaphore_mem>>)
    %mul3A_70 = arith.constant 10000 : i32
    %mul3A_71 = arith.muli %add3A, %mul3A_70 : i32
    %dma_start3A_72 = tpu.memref_slice %arg3[%mul3A_71] : memref<320000xi32, #tpu.memory_space<hbm>> -> memref<10000xi32, #tpu.memory_space<hbm>>
    %dma_start3A_73 = tpu.memref_slice %arg3[%mul3A_71] : memref<320000xi32, #tpu.memory_space<hbm>> -> memref<10000xi32, #tpu.memory_space<hbm>>
    tpu.enqueue_dma source(%dma_start3A_73 : memref<10000xi32, #tpu.memory_space<hbm>>) target(%arg8 : memref<10000xi32, #tpu.memory_space<vmem>>) target_semaphore(%arg12 : memref<!tpu.dma_semaphore, #tpu.memory_space<semaphore_mem>>)
    %mul3A_74 = arith.constant 10000 : i32
    %mul3A_75 = arith.muli %add3A, %mul3A_74 : i32
    %add3A_76 = arith.constant 0 : i32
    %add3A_77 = arith.addi %mul3A_75, %add3A_76 : i32
    %dma_start3A_78 = arith.constant 0 : i32
    %dma_start3A_79 = arith.constant 0 : i32
    %dma_start3A_80 = tpu.memref_slice %arg9[%dma_start3A_78, %dma_start3A_79] : memref<125x80xi32, #tpu.memory_space<vmem>> -> memref<1x80xi32, #tpu.memory_space<vmem>>
    %dma_start3A_81 = tpu.memref_squeeze %dma_start3A_80 : memref<1x80xi32, #tpu.memory_space<vmem>> -> memref<80xi32, #tpu.memory_space<vmem>>
    %dma_start3A_82 = tpu.memref_slice %arg4[%add3A_77] : memref<320000xi32, #tpu.memory_space<hbm>> -> memref<80xi32, #tpu.memory_space<hbm>>
    %dma_start3A_83 = arith.constant 0 : i32
    %dma_start3A_84 = tpu.memref_slice %arg9[%dma_start3A_78, %dma_start3A_83] : memref<125x80xi32, #tpu.memory_space<vmem>> -> memref<1x80xi32, #tpu.memory_space<vmem>>
    %dma_start3A_85 = tpu.memref_squeeze %dma_start3A_84 : memref<1x80xi32, #tpu.memory_space<vmem>> -> memref<80xi32, #tpu.memory_space<vmem>>
    %dma_start3A_86 = tpu.memref_slice %arg4[%add3A_77] : memref<320000xi32, #tpu.memory_space<hbm>> -> memref<80xi32, #tpu.memory_space<hbm>>
    tpu.enqueue_dma source(%dma_start3A_86 : memref<80xi32, #tpu.memory_space<hbm>>) target(%dma_start3A_85 : memref<80xi32, #tpu.memory_space<vmem>>) target_semaphore(%arg15 : memref<!tpu.dma_semaphore, #tpu.memory_space<semaphore_mem>>)
    %mul3A_87 = arith.constant 10000 : i32
    %mul3A_88 = arith.muli %add3A, %mul3A_87 : i32
    %add3A_89 = arith.constant 80 : i32
    %add3A_90 = arith.addi %mul3A_88, %add3A_89 : i32
    %dma_start3A_91 = arith.constant 1 : i32
    %dma_start3A_92 = arith.constant 0 : i32
    %dma_start3A_93 = tpu.memref_slice %arg9[%dma_start3A_91, %dma_start3A_92] : memref<125x80xi32, #tpu.memory_space<vmem>> -> memref<1x80xi32, #tpu.memory_space<vmem>>
    %dma_start3A_94 = tpu.memref_squeeze %dma_start3A_93 : memref<1x80xi32, #tpu.memory_space<vmem>> -> memref<80xi32, #tpu.memory_space<vmem>>
    %dma_start3A_95 = tpu.memref_slice %arg4[%add3A_90] : memref<320000xi32, #tpu.memory_space<hbm>> -> memref<80xi32, #tpu.memory_space<hbm>>
    %dma_start3A_96 = arith.constant 0 : i32
    %dma_start3A_97 = tpu.memref_slice %arg9[%dma_start3A_91, %dma_start3A_96] : memref<125x80xi32, #tpu.memory_space<vmem>> -> memref<1x80xi32, #tpu.memory_space<vmem>>
    %dma_start3A_98 = tpu.memref_squeeze %dma_start3A_97 : memref<1x80xi32, #tpu.memory_space<vmem>> -> memref<80xi32, #tpu.memory_space<vmem>>
    %dma_start3A_99 = tpu.memref_slice %arg4[%add3A_90] : memref<320000xi32, #tpu.memory_space<hbm>> -> memref<80xi32, #tpu.memory_space<hbm>>
    tpu.enqueue_dma source(%dma_start3A_99 : memref<80xi32, #tpu.memory_space<hbm>>) target(%dma_start3A_98 : memref<80xi32, #tpu.memory_space<vmem>>) target_semaphore(%arg15 : memref<!tpu.dma_semaphore, #tpu.memory_space<semaphore_mem>>)
    %mul3A_100 = arith.constant 10000 : i32
    %mul3A_101 = arith.muli %add3A, %mul3A_100 : i32
    %add3A_102 = arith.constant 160 : i32
    %add3A_103 = arith.addi %mul3A_101, %add3A_102 : i32
    %dma_start3A_104 = arith.constant 2 : i32
    %dma_start3A_105 = arith.constant 0 : i32
    %dma_start3A_106 = tpu.memref_slice %arg9[%dma_start3A_104, %dma_start3A_105] : memref<125x80xi32, #tpu.memory_space<vmem>> -> memref<1x80xi32, #tpu.memory_space<vmem>>
    %dma_start3A_107 = tpu.memref_squeeze %dma_start3A_106 : memref<1x80xi32, #tpu.memory_space<vmem>> -> memref<80xi32, #tpu.memory_space<vmem>>
    %dma_start3A_108 = tpu.memref_slice %arg4[%add3A_103] : memref<320000xi32, #tpu.memory_space<hbm>> -> memref<80xi32, #tpu.memory_space<hbm>>
    %dma_start3A_109 = arith.constant 0 : i32
    %dma_start3A_110 = tpu.memref_slice %arg9[%dma_start3A_104, %dma_start3A_109] : memref<125x80xi32, #tpu.memory_space<vmem>> -> memref<1x80xi32, #tpu.memory_space<vmem>>
    %dma_start3A_111 = tpu.memref_squeeze %dma_start3A_110 : memref<1x80xi32, #tpu.memory_space<vmem>> -> memref<80xi32, #tpu.memory_space<vmem>>
    %dma_start3A_112 = tpu.memref_slice %arg4[%add3A_103] : memref<320000xi32, #tpu.memory_space<hbm>> -> memref<80xi32, #tpu.memory_space<hbm>>
    tpu.enqueue_dma source(%dma_start3A_112 : memref<80xi32, #tpu.memory_space<hbm>>) target(%dma_start3A_111 : memref<80xi32, #tpu.memory_space<vmem>>) target_semaphore(%arg15 : memref<!tpu.dma_semaphore, #tpu.memory_space<semaphore_mem>>)
    %mul3A_113 = arith.constant 10000 : i32
    %mul3A_114 = arith.muli %add3A, %mul3A_113 : i32
    %add3A_115 = arith.constant 240 : i32
    %add3A_116 = arith.addi %mul3A_114, %add3A_115 : i32
    %dma_start3A_117 = arith.constant 3 : i32
    %dma_start3A_118 = arith.constant 0 : i32
    %dma_start3A_119 = tpu.memref_slice %arg9[%dma_start3A_117, %dma_start3A_118] : memref<125x80xi32, #tpu.memory_space<vmem>> -> memref<1x80xi32, #tpu.memory_space<vmem>>
    %dma_start3A_120 = tpu.memref_squeeze %dma_start3A_119 : memref<1x80xi32, #tpu.memory_space<vmem>> -> memref<80xi32, #tpu.memory_space<vmem>>
    %dma_start3A_121 = tpu.memref_slice %arg4[%add3A_116] : memref<320000xi32, #tpu.memory_space<hbm>> -> memref<80xi32, #tpu.memory_space<hbm>>
    %dma_start3A_122 = arith.constant 0 : i32
    %dma_start3A_123 = tpu.memref_slice %arg9[%dma_start3A_117, %dma_start3A_122] : memref<125x80xi32, #tpu.memory_space<vmem>> -> memref<1x80xi32, #tpu.memory_space<vmem>>
    %dma_start3A_124 = tpu.memref_squeeze %dma_start3A_123 : memref<1x80xi32, #tpu.memory_space<vmem>> -> memref<80xi32, #tpu.memory_space<vmem>>
    %dma_start3A_125 = tpu.memref_slice %arg4[%add3A_116] : memref<320000xi32, #tpu.memory_space<hbm>> -> memref<80xi32, #tpu.memory_space<hbm>>
    tpu.enqueue_dma source(%dma_start3A_125 : memref<80xi32, #tpu.memory_space<hbm>>) target(%dma_start3A_124 : memref<80xi32, #tpu.memory_space<vmem>>) target_semaphore(%arg15 : memref<!tpu.dma_semaphore, #tpu.memory_space<semaphore_mem>>)
    %dma_wait3A = tpu.memref_slice %arg3[%mul3A_71] : memref<320000xi32, #tpu.memory_space<hbm>> -> memref<10000xi32, #tpu.memory_space<hbm>>
    %dma_wait3A_126 = tpu.memref_slice %arg3[%mul3A_71] : memref<320000xi32, #tpu.memory_space<hbm>> -> memref<10000xi32, #tpu.memory_space<hbm>>
    tpu.wait_dma2 semaphore(%arg12 : memref<!tpu.dma_semaphore, #tpu.memory_space<semaphore_mem>>) src(%dma_wait3A_126 : memref<10000xi32, #tpu.memory_space<hbm>>) dst(%arg8 : memref<10000xi32, #tpu.memory_space<vmem>>)
    %mul3A_127 = arith.constant 640 : i32
    %mul3A_128 = arith.muli %arg1, %mul3A_127 : i32
    %add3A_129 = arith.constant 0 : i32
    %add3A_130 = arith.addi %mul3A_128, %add3A_129 : i32
    %dma_wait3A_131 = arith.constant 0 : i32
    %dma_wait3A_132 = tpu.memref_slice %arg7[%add3A_130, %dma_wait3A_131] : memref<10240x128xf32, #tpu.memory_space<vmem_shared>> -> memref<80x128xf32, #tpu.memory_space<vmem_shared>>
    %dma_wait3A_133 = arith.constant 0 : i32
    %dma_wait3A_134 = tpu.memref_slice %arg7[%add3A_130, %dma_wait3A_133] : memref<10240x128xf32, #tpu.memory_space<vmem_shared>> -> memref<80x128xf32, #tpu.memory_space<vmem_shared>>
    tpu.wait_dma2 semaphore(%arg14 : memref<!tpu.dma_semaphore, #tpu.memory_space<semaphore_mem>>) src(%arg10 : memref<80x128xf32, #tpu.memory_space<vmem>>) dst(%dma_wait3A_134 : memref<80x128xf32, #tpu.memory_space<vmem_shared>>)
    %mul3A_135 = arith.constant 640 : i32
    %mul3A_136 = arith.muli %arg1, %mul3A_135 : i32
    %add3A_137 = arith.constant 80 : i32
    %add3A_138 = arith.addi %mul3A_136, %add3A_137 : i32
    %dma_wait3A_139 = arith.constant 0 : i32
    %dma_wait3A_140 = tpu.memref_slice %arg7[%add3A_138, %dma_wait3A_139] : memref<10240x128xf32, #tpu.memory_space<vmem_shared>> -> memref<80x128xf32, #tpu.memory_space<vmem_shared>>
    %dma_wait3A_141 = arith.constant 0 : i32
    %dma_wait3A_142 = tpu.memref_slice %arg7[%add3A_138, %dma_wait3A_141] : memref<10240x128xf32, #tpu.memory_space<vmem_shared>> -> memref<80x128xf32, #tpu.memory_space<vmem_shared>>
    tpu.wait_dma2 semaphore(%arg14 : memref<!tpu.dma_semaphore, #tpu.memory_space<semaphore_mem>>) src(%arg10 : memref<80x128xf32, #tpu.memory_space<vmem>>) dst(%dma_wait3A_142 : memref<80x128xf32, #tpu.memory_space<vmem_shared>>)
    %mul3A_143 = arith.constant 640 : i32
    %mul3A_144 = arith.muli %arg1, %mul3A_143 : i32
    %add3A_145 = arith.constant 160 : i32
    %add3A_146 = arith.addi %mul3A_144, %add3A_145 : i32
    %dma_wait3A_147 = arith.constant 0 : i32
    %dma_wait3A_148 = tpu.memref_slice %arg7[%add3A_146, %dma_wait3A_147] : memref<10240x128xf32, #tpu.memory_space<vmem_shared>> -> memref<80x128xf32, #tpu.memory_space<vmem_shared>>
    %dma_wait3A_149 = arith.constant 0 : i32
    %dma_wait3A_150 = tpu.memref_slice %arg7[%add3A_146, %dma_wait3A_149] : memref<10240x128xf32, #tpu.memory_space<vmem_shared>> -> memref<80x128xf32, #tpu.memory_space<vmem_shared>>
    tpu.wait_dma2 semaphore(%arg14 : memref<!tpu.dma_semaphore, #tpu.memory_space<semaphore_mem>>) src(%arg10 : memref<80x128xf32, #tpu.memory_space<vmem>>) dst(%dma_wait3A_150 : memref<80x128xf32, #tpu.memory_space<vmem_shared>>)
    %mul3A_151 = arith.constant 640 : i32
    %mul3A_152 = arith.muli %arg1, %mul3A_151 : i32
    %add3A_153 = arith.constant 240 : i32
    %add3A_154 = arith.addi %mul3A_152, %add3A_153 : i32
    %dma_wait3A_155 = arith.constant 0 : i32
    %dma_wait3A_156 = tpu.memref_slice %arg7[%add3A_154, %dma_wait3A_155] : memref<10240x128xf32, #tpu.memory_space<vmem_shared>> -> memref<80x128xf32, #tpu.memory_space<vmem_shared>>
    %dma_wait3A_157 = arith.constant 0 : i32
    %dma_wait3A_158 = tpu.memref_slice %arg7[%add3A_154, %dma_wait3A_157] : memref<10240x128xf32, #tpu.memory_space<vmem_shared>> -> memref<80x128xf32, #tpu.memory_space<vmem_shared>>
    tpu.wait_dma2 semaphore(%arg14 : memref<!tpu.dma_semaphore, #tpu.memory_space<semaphore_mem>>) src(%arg10 : memref<80x128xf32, #tpu.memory_space<vmem>>) dst(%dma_wait3A_158 : memref<80x128xf32, #tpu.memory_space<vmem_shared>>)
    %mul3A_159 = arith.constant 640 : i32
    %mul3A_160 = arith.muli %arg1, %mul3A_159 : i32
    %add3A_161 = arith.constant 320 : i32
    %add3A_162 = arith.addi %mul3A_160, %add3A_161 : i32
    %dma_wait3A_163 = arith.constant 0 : i32
    %dma_wait3A_164 = tpu.memref_slice %arg7[%add3A_162, %dma_wait3A_163] : memref<10240x128xf32, #tpu.memory_space<vmem_shared>> -> memref<80x128xf32, #tpu.memory_space<vmem_shared>>
    %dma_wait3A_165 = arith.constant 0 : i32
    %dma_wait3A_166 = tpu.memref_slice %arg7[%add3A_162, %dma_wait3A_165] : memref<10240x128xf32, #tpu.memory_space<vmem_shared>> -> memref<80x128xf32, #tpu.memory_space<vmem_shared>>
    tpu.wait_dma2 semaphore(%arg14 : memref<!tpu.dma_semaphore, #tpu.memory_space<semaphore_mem>>) src(%arg10 : memref<80x128xf32, #tpu.memory_space<vmem>>) dst(%dma_wait3A_166 : memref<80x128xf32, #tpu.memory_space<vmem_shared>>)
    %mul3A_167 = arith.constant 640 : i32
    %mul3A_168 = arith.muli %arg1, %mul3A_167 : i32
    %add3A_169 = arith.constant 400 : i32
    %add3A_170 = arith.addi %mul3A_168, %add3A_169 : i32
    %dma_wait3A_171 = arith.constant 0 : i32
    %dma_wait3A_172 = tpu.memref_slice %arg7[%add3A_170, %dma_wait3A_171] : memref<10240x128xf32, #tpu.memory_space<vmem_shared>> -> memref<80x128xf32, #tpu.memory_space<vmem_shared>>
    %dma_wait3A_173 = arith.constant 0 : i32
    %dma_wait3A_174 = tpu.memref_slice %arg7[%add3A_170, %dma_wait3A_173] : memref<10240x128xf32, #tpu.memory_space<vmem_shared>> -> memref<80x128xf32, #tpu.memory_space<vmem_shared>>
    tpu.wait_dma2 semaphore(%arg14 : memref<!tpu.dma_semaphore, #tpu.memory_space<semaphore_mem>>) src(%arg10 : memref<80x128xf32, #tpu.memory_space<vmem>>) dst(%dma_wait3A_174 : memref<80x128xf32, #tpu.memory_space<vmem_shared>>)
    %mul3A_175 = arith.constant 640 : i32
    %mul3A_176 = arith.muli %arg1, %mul3A_175 : i32
    %add3A_177 = arith.constant 480 : i32
    %add3A_178 = arith.addi %mul3A_176, %add3A_177 : i32
    %dma_wait3A_179 = arith.constant 0 : i32
    %dma_wait3A_180 = tpu.memref_slice %arg7[%add3A_178, %dma_wait3A_179] : memref<10240x128xf32, #tpu.memory_space<vmem_shared>> -> memref<80x128xf32, #tpu.memory_space<vmem_shared>>
    %dma_wait3A_181 = arith.constant 0 : i32
    %dma_wait3A_182 = tpu.memref_slice %arg7[%add3A_178, %dma_wait3A_181] : memref<10240x128xf32, #tpu.memory_space<vmem_shared>> -> memref<80x128xf32, #tpu.memory_space<vmem_shared>>
    tpu.wait_dma2 semaphore(%arg14 : memref<!tpu.dma_semaphore, #tpu.memory_space<semaphore_mem>>) src(%arg10 : memref<80x128xf32, #tpu.memory_space<vmem>>) dst(%dma_wait3A_182 : memref<80x128xf32, #tpu.memory_space<vmem_shared>>)
    %mul3A_183 = arith.constant 640 : i32
    %mul3A_184 = arith.muli %arg1, %mul3A_183 : i32
    %add3A_185 = arith.constant 560 : i32
    %add3A_186 = arith.addi %mul3A_184, %add3A_185 : i32
    %dma_wait3A_187 = arith.constant 0 : i32
    %dma_wait3A_188 = tpu.memref_slice %arg7[%add3A_186, %dma_wait3A_187] : memref<10240x128xf32, #tpu.memory_space<vmem_shared>> -> memref<80x128xf32, #tpu.memory_space<vmem_shared>>
    %dma_wait3A_189 = arith.constant 0 : i32
    %dma_wait3A_190 = tpu.memref_slice %arg7[%add3A_186, %dma_wait3A_189] : memref<10240x128xf32, #tpu.memory_space<vmem_shared>> -> memref<80x128xf32, #tpu.memory_space<vmem_shared>>
    tpu.wait_dma2 semaphore(%arg14 : memref<!tpu.dma_semaphore, #tpu.memory_space<semaphore_mem>>) src(%arg10 : memref<80x128xf32, #tpu.memory_space<vmem>>) dst(%dma_wait3A_190 : memref<80x128xf32, #tpu.memory_space<vmem_shared>>)
    %dma_start3A_191 = arith.constant 0 : i32
    %dma_start3A_192 = tpu.memref_slice %arg8[%dma_start3A_191] : memref<10000xi32, #tpu.memory_space<vmem>> -> memref<80xi32, #tpu.memory_space<vmem>>
    %dma_start3A_193 = arith.constant 0 : i32
    %dma_start3A_194 = arith.constant 0 : i32
    %dma_start3A_195 = tpu.memref_slice %arg2[%dma_start3A_193, %dma_start3A_194] : memref<10000x128xf32, #tpu.memory_space<hbm>> -> memref<10000x128xf32, #tpu.memory_space<hbm>>
    tpu.enqueue_indirect_dma source(%dma_start3A_195 : memref<10000x128xf32, #tpu.memory_space<hbm>>) target(%arg10 : memref<80x128xf32, #tpu.memory_space<vmem>>) offsets(%dma_start3A_192 : memref<80xi32, #tpu.memory_space<vmem>>) semaphore(%arg12 : memref<!tpu.dma_semaphore, #tpu.memory_space<semaphore_mem>>)
    %barrier3A = arith.constant 0 : index
    tpu.barrier barrier_id(%barrier3A)
    %scan3A_196 = arith.constant 0 : i32
    %scan3A_197 = arith.constant 0 : i32
    %scan3A_198 = arith.constant 62 : i32
    %scan3A_199 = arith.addi %scan3A_197, %scan3A_198 : i32
    %scan3A_200 = arith.constant 1 : i32
    scf.for %scan3A_267 = %scan3A_197 to %scan3A_199 step %scan3A_200  : i32 {
      %mul3A_268 = arith.constant 2 : i32
      %mul3A_269 = arith.muli %mul3A_268, %scan3A_267 : i32
      %add3A_270 = arith.constant 4 : i32
      %add3A_271 = arith.addi %mul3A_269, %add3A_270 : i32
      %min3A = arith.constant 124 : i32
      %min3A_272 = arith.minsi %add3A_271, %min3A : i32
      %mul3A_273 = arith.constant 10000 : i32
      %mul3A_274 = arith.muli %add3A, %mul3A_273 : i32
      %mul3A_275 = arith.constant 80 : i32
      %mul3A_276 = arith.muli %min3A_272, %mul3A_275 : i32
      %add3A_277 = arith.addi %mul3A_274, %mul3A_276 : i32
      %dma_start3A_278 = arith.constant 0 : i32
      %dma_start3A_279 = tpu.memref_slice %arg9[%min3A_272, %dma_start3A_278] : memref<125x80xi32, #tpu.memory_space<vmem>> -> memref<1x80xi32, #tpu.memory_space<vmem>>
      %dma_start3A_280 = tpu.memref_squeeze %dma_start3A_279 : memref<1x80xi32, #tpu.memory_space<vmem>> -> memref<80xi32, #tpu.memory_space<vmem>>
      %dma_start3A_281 = tpu.memref_slice %arg4[%add3A_277] : memref<320000xi32, #tpu.memory_space<hbm>> -> memref<80xi32, #tpu.memory_space<hbm>>
      %dma_start3A_282 = arith.constant 0 : i32
      %dma_start3A_283 = tpu.memref_slice %arg9[%min3A_272, %dma_start3A_282] : memref<125x80xi32, #tpu.memory_space<vmem>> -> memref<1x80xi32, #tpu.memory_space<vmem>>
      %dma_start3A_284 = tpu.memref_squeeze %dma_start3A_283 : memref<1x80xi32, #tpu.memory_space<vmem>> -> memref<80xi32, #tpu.memory_space<vmem>>
      %dma_start3A_285 = tpu.memref_slice %arg4[%add3A_277] : memref<320000xi32, #tpu.memory_space<hbm>> -> memref<80xi32, #tpu.memory_space<hbm>>
      tpu.enqueue_dma source(%dma_start3A_285 : memref<80xi32, #tpu.memory_space<hbm>>) target(%dma_start3A_284 : memref<80xi32, #tpu.memory_space<vmem>>) target_semaphore(%arg15 : memref<!tpu.dma_semaphore, #tpu.memory_space<semaphore_mem>>)
      %add3A_286 = arith.constant 5 : i32
      %add3A_287 = arith.addi %mul3A_269, %add3A_286 : i32
      %min3A_288 = arith.constant 124 : i32
      %min3A_289 = arith.minsi %add3A_287, %min3A_288 : i32
      %mul3A_290 = arith.constant 10000 : i32
      %mul3A_291 = arith.muli %add3A, %mul3A_290 : i32
      %mul3A_292 = arith.constant 80 : i32
      %mul3A_293 = arith.muli %min3A_289, %mul3A_292 : i32
      %add3A_294 = arith.addi %mul3A_291, %mul3A_293 : i32
      %dma_start3A_295 = arith.constant 0 : i32
      %dma_start3A_296 = tpu.memref_slice %arg9[%min3A_289, %dma_start3A_295] : memref<125x80xi32, #tpu.memory_space<vmem>> -> memref<1x80xi32, #tpu.memory_space<vmem>>
      %dma_start3A_297 = tpu.memref_squeeze %dma_start3A_296 : memref<1x80xi32, #tpu.memory_space<vmem>> -> memref<80xi32, #tpu.memory_space<vmem>>
      %dma_start3A_298 = tpu.memref_slice %arg4[%add3A_294] : memref<320000xi32, #tpu.memory_space<hbm>> -> memref<80xi32, #tpu.memory_space<hbm>>
      %dma_start3A_299 = arith.constant 0 : i32
      %dma_start3A_300 = tpu.memref_slice %arg9[%min3A_289, %dma_start3A_299] : memref<125x80xi32, #tpu.memory_space<vmem>> -> memref<1x80xi32, #tpu.memory_space<vmem>>
      %dma_start3A_301 = tpu.memref_squeeze %dma_start3A_300 : memref<1x80xi32, #tpu.memory_space<vmem>> -> memref<80xi32, #tpu.memory_space<vmem>>
      %dma_start3A_302 = tpu.memref_slice %arg4[%add3A_294] : memref<320000xi32, #tpu.memory_space<hbm>> -> memref<80xi32, #tpu.memory_space<hbm>>
      tpu.enqueue_dma source(%dma_start3A_302 : memref<80xi32, #tpu.memory_space<hbm>>) target(%dma_start3A_301 : memref<80xi32, #tpu.memory_space<vmem>>) target_semaphore(%arg15 : memref<!tpu.dma_semaphore, #tpu.memory_space<semaphore_mem>>)
      %add3A_303 = arith.constant 1 : i32
      %add3A_304 = arith.addi %mul3A_269, %add3A_303 : i32
      %mul3A_305 = arith.constant 80 : i32
      %mul3A_306 = arith.muli %add3A_304, %mul3A_305 : i32
      %dma_start3A_307 = tpu.memref_slice %arg8[%mul3A_306] : memref<10000xi32, #tpu.memory_space<vmem>> -> memref<80xi32, #tpu.memory_space<vmem>>
      %dma_start3A_308 = arith.constant 0 : i32
      %dma_start3A_309 = arith.constant 0 : i32
      %dma_start3A_310 = tpu.memref_slice %arg2[%dma_start3A_308, %dma_start3A_309] : memref<10000x128xf32, #tpu.memory_space<hbm>> -> memref<10000x128xf32, #tpu.memory_space<hbm>>
      tpu.enqueue_indirect_dma source(%dma_start3A_310 : memref<10000x128xf32, #tpu.memory_space<hbm>>) target(%arg11 : memref<80x128xf32, #tpu.memory_space<vmem>>) offsets(%dma_start3A_307 : memref<80xi32, #tpu.memory_space<vmem>>) semaphore(%arg13 : memref<!tpu.dma_semaphore, #tpu.memory_space<semaphore_mem>>)
      %mul3A_311 = arith.constant 80 : i32
      %mul3A_312 = arith.muli %mul3A_269, %mul3A_311 : i32
      %dma_wait3A_313 = tpu.memref_slice %arg8[%mul3A_312] : memref<10000xi32, #tpu.memory_space<vmem>> -> memref<80xi32, #tpu.memory_space<vmem>>
      %dma_wait3A_314 = arith.constant 0 : i32
      %dma_wait3A_315 = arith.constant 0 : i32
      %dma_wait3A_316 = tpu.memref_slice %arg2[%dma_wait3A_314, %dma_wait3A_315] : memref<10000x128xf32, #tpu.memory_space<hbm>> -> memref<10000x128xf32, #tpu.memory_space<hbm>>
      tpu.wait_indirect_dma semaphore(%arg12 : memref<!tpu.dma_semaphore, #tpu.memory_space<semaphore_mem>>) src(%dma_wait3A_316 : memref<10000x128xf32, #tpu.memory_space<hbm>>) dst(%arg10 : memref<80x128xf32, #tpu.memory_space<vmem>>)
      %mul3A_317 = arith.constant 10000 : i32
      %mul3A_318 = arith.muli %add3A, %mul3A_317 : i32
      %mul3A_319 = arith.constant 80 : i32
      %mul3A_320 = arith.muli %mul3A_269, %mul3A_319 : i32
      %add3A_321 = arith.addi %mul3A_318, %mul3A_320 : i32
      %dma_wait3A_322 = arith.constant 0 : i32
      %dma_wait3A_323 = tpu.memref_slice %arg9[%mul3A_269, %dma_wait3A_322] : memref<125x80xi32, #tpu.memory_space<vmem>> -> memref<1x80xi32, #tpu.memory_space<vmem>>
      %dma_wait3A_324 = tpu.memref_squeeze %dma_wait3A_323 : memref<1x80xi32, #tpu.memory_space<vmem>> -> memref<80xi32, #tpu.memory_space<vmem>>
      %dma_wait3A_325 = tpu.memref_slice %arg4[%add3A_321] : memref<320000xi32, #tpu.memory_space<hbm>> -> memref<80xi32, #tpu.memory_space<hbm>>
      %dma_wait3A_326 = arith.constant 0 : i32
      %dma_wait3A_327 = tpu.memref_slice %arg9[%mul3A_269, %dma_wait3A_326] : memref<125x80xi32, #tpu.memory_space<vmem>> -> memref<1x80xi32, #tpu.memory_space<vmem>>
      %dma_wait3A_328 = tpu.memref_squeeze %dma_wait3A_327 : memref<1x80xi32, #tpu.memory_space<vmem>> -> memref<80xi32, #tpu.memory_space<vmem>>
      %dma_wait3A_329 = tpu.memref_slice %arg4[%add3A_321] : memref<320000xi32, #tpu.memory_space<hbm>> -> memref<80xi32, #tpu.memory_space<hbm>>
      tpu.wait_dma2 semaphore(%arg15 : memref<!tpu.dma_semaphore, #tpu.memory_space<semaphore_mem>>) src(%dma_wait3A_329 : memref<80xi32, #tpu.memory_space<hbm>>) dst(%dma_wait3A_328 : memref<80xi32, #tpu.memory_space<vmem>>)
      "tpu.region"() ({
        %run_scoped3A_363 = tpu.sem_alloc : memref<!tpu.dma_semaphore, #tpu.memory_space<semaphore_mem>>
        %dma_start3A_364 = arith.constant 0 : i32
        %dma_start3A_365 = tpu.memref_slice %arg9[%mul3A_269, %dma_start3A_364] : memref<125x80xi32, #tpu.memory_space<vmem>> -> memref<1x80xi32, #tpu.memory_space<vmem>>
        %dma_start3A_366 = tpu.memref_squeeze %dma_start3A_365 : memref<1x80xi32, #tpu.memory_space<vmem>> -> memref<80xi32, #tpu.memory_space<vmem>>
        %dma_start3A_367 = arith.constant 0 : i32
        %dma_start3A_368 = arith.constant 0 : i32
        %dma_start3A_369 = tpu.memref_slice %arg7[%dma_start3A_367, %dma_start3A_368] : memref<10240x128xf32, #tpu.memory_space<vmem_shared>> -> memref<10240x128xf32, #tpu.memory_space<vmem_shared>>
        tpu.enqueue_indirect_dma source(%arg10 : memref<80x128xf32, #tpu.memory_space<vmem>>) target(%dma_start3A_369 : memref<10240x128xf32, #tpu.memory_space<vmem_shared>>) offsets(%dma_start3A_366 : memref<80xi32, #tpu.memory_space<vmem>>) semaphore(%run_scoped3A_363 : memref<!tpu.dma_semaphore, #tpu.memory_space<semaphore_mem>>) {add = true}
        %dma_wait3A_370 = arith.constant 0 : i32
        %dma_wait3A_371 = tpu.memref_slice %arg9[%mul3A_269, %dma_wait3A_370] : memref<125x80xi32, #tpu.memory_space<vmem>> -> memref<1x80xi32, #tpu.memory_space<vmem>>
        %dma_wait3A_372 = tpu.memref_squeeze %dma_wait3A_371 : memref<1x80xi32, #tpu.memory_space<vmem>> -> memref<80xi32, #tpu.memory_space<vmem>>
        %dma_wait3A_373 = arith.constant 0 : i32
        %dma_wait3A_374 = arith.constant 0 : i32
        %dma_wait3A_375 = tpu.memref_slice %arg7[%dma_wait3A_373, %dma_wait3A_374] : memref<10240x128xf32, #tpu.memory_space<vmem_shared>> -> memref<10240x128xf32, #tpu.memory_space<vmem_shared>>
        tpu.wait_indirect_dma semaphore(%run_scoped3A_363 : memref<!tpu.dma_semaphore, #tpu.memory_space<semaphore_mem>>) src(%arg10 : memref<80x128xf32, #tpu.memory_space<vmem>>) dst(%dma_wait3A_375 : memref<10240x128xf32, #tpu.memory_space<vmem_shared>>)
        tpu.yield
      }) : () -> ()
      %add3A_330 = arith.constant 2 : i32
      %add3A_331 = arith.addi %mul3A_269, %add3A_330 : i32
      %mul3A_332 = arith.constant 80 : i32
      %mul3A_333 = arith.muli %add3A_331, %mul3A_332 : i32
      %dma_start3A_334 = tpu.memref_slice %arg8[%mul3A_333] : memref<10000xi32, #tpu.memory_space<vmem>> -> memref<80xi32, #tpu.memory_space<vmem>>
      %dma_start3A_335 = arith.constant 0 : i32
      %dma_start3A_336 = arith.constant 0 : i32
      %dma_start3A_337 = tpu.memref_slice %arg2[%dma_start3A_335, %dma_start3A_336] : memref<10000x128xf32, #tpu.memory_space<hbm>> -> memref<10000x128xf32, #tpu.memory_space<hbm>>
      tpu.enqueue_indirect_dma source(%dma_start3A_337 : memref<10000x128xf32, #tpu.memory_space<hbm>>) target(%arg10 : memref<80x128xf32, #tpu.memory_space<vmem>>) offsets(%dma_start3A_334 : memref<80xi32, #tpu.memory_space<vmem>>) semaphore(%arg12 : memref<!tpu.dma_semaphore, #tpu.memory_space<semaphore_mem>>)
      %add3A_338 = arith.constant 1 : i32
      %add3A_339 = arith.addi %mul3A_269, %add3A_338 : i32
      %mul3A_340 = arith.constant 80 : i32
      %mul3A_341 = arith.muli %add3A_339, %mul3A_340 : i32
      %dma_wait3A_342 = tpu.memref_slice %arg8[%mul3A_341] : memref<10000xi32, #tpu.memory_space<vmem>> -> memref<80xi32, #tpu.memory_space<vmem>>
      %dma_wait3A_343 = arith.constant 0 : i32
      %dma_wait3A_344 = arith.constant 0 : i32
      %dma_wait3A_345 = tpu.memref_slice %arg2[%dma_wait3A_343, %dma_wait3A_344] : memref<10000x128xf32, #tpu.memory_space<hbm>> -> memref<10000x128xf32, #tpu.memory_space<hbm>>
      tpu.wait_indirect_dma semaphore(%arg13 : memref<!tpu.dma_semaphore, #tpu.memory_space<semaphore_mem>>) src(%dma_wait3A_345 : memref<10000x128xf32, #tpu.memory_space<hbm>>) dst(%arg11 : memref<80x128xf32, #tpu.memory_space<vmem>>)
      %add3A_346 = arith.constant 1 : i32
      %add3A_347 = arith.addi %mul3A_269, %add3A_346 : i32
      %mul3A_348 = arith.constant 10000 : i32
      %mul3A_349 = arith.muli %add3A, %mul3A_348 : i32
      %mul3A_350 = arith.constant 80 : i32
      %mul3A_351 = arith.muli %add3A_347, %mul3A_350 : i32
      %add3A_352 = arith.addi %mul3A_349, %mul3A_351 : i32
      %dma_wait3A_353 = arith.constant 0 : i32
      %dma_wait3A_354 = tpu.memref_slice %arg9[%add3A_347, %dma_wait3A_353] : memref<125x80xi32, #tpu.memory_space<vmem>> -> memref<1x80xi32, #tpu.memory_space<vmem>>
      %dma_wait3A_355 = tpu.memref_squeeze %dma_wait3A_354 : memref<1x80xi32, #tpu.memory_space<vmem>> -> memref<80xi32, #tpu.memory_space<vmem>>
      %dma_wait3A_356 = tpu.memref_slice %arg4[%add3A_352] : memref<320000xi32, #tpu.memory_space<hbm>> -> memref<80xi32, #tpu.memory_space<hbm>>
      %dma_wait3A_357 = arith.constant 0 : i32
      %dma_wait3A_358 = tpu.memref_slice %arg9[%add3A_347, %dma_wait3A_357] : memref<125x80xi32, #tpu.memory_space<vmem>> -> memref<1x80xi32, #tpu.memory_space<vmem>>
      %dma_wait3A_359 = tpu.memref_squeeze %dma_wait3A_358 : memref<1x80xi32, #tpu.memory_space<vmem>> -> memref<80xi32, #tpu.memory_space<vmem>>
      %dma_wait3A_360 = tpu.memref_slice %arg4[%add3A_352] : memref<320000xi32, #tpu.memory_space<hbm>> -> memref<80xi32, #tpu.memory_space<hbm>>
      tpu.wait_dma2 semaphore(%arg15 : memref<!tpu.dma_semaphore, #tpu.memory_space<semaphore_mem>>) src(%dma_wait3A_360 : memref<80xi32, #tpu.memory_space<hbm>>) dst(%dma_wait3A_359 : memref<80xi32, #tpu.memory_space<vmem>>)
      %add3A_361 = arith.constant 1 : i32
      %add3A_362 = arith.addi %mul3A_269, %add3A_361 : i32
      "tpu.region"() ({
        %run_scoped3A_363 = tpu.sem_alloc : memref<!tpu.dma_semaphore, #tpu.memory_space<semaphore_mem>>
        %dma_start3A_364 = arith.constant 0 : i32
        %dma_start3A_365 = tpu.memref_slice %arg9[%add3A_362, %dma_start3A_364] : memref<125x80xi32, #tpu.memory_space<vmem>> -> memref<1x80xi32, #tpu.memory_space<vmem>>
        %dma_start3A_366 = tpu.memref_squeeze %dma_start3A_365 : memref<1x80xi32, #tpu.memory_space<vmem>> -> memref<80xi32, #tpu.memory_space<vmem>>
        %dma_start3A_367 = arith.constant 0 : i32
        %dma_start3A_368 = arith.constant 0 : i32
        %dma_start3A_369 = tpu.memref_slice %arg7[%dma_start3A_367, %dma_start3A_368] : memref<10240x128xf32, #tpu.memory_space<vmem_shared>> -> memref<10240x128xf32, #tpu.memory_space<vmem_shared>>
        tpu.enqueue_indirect_dma source(%arg11 : memref<80x128xf32, #tpu.memory_space<vmem>>) target(%dma_start3A_369 : memref<10240x128xf32, #tpu.memory_space<vmem_shared>>) offsets(%dma_start3A_366 : memref<80xi32, #tpu.memory_space<vmem>>) semaphore(%run_scoped3A_363 : memref<!tpu.dma_semaphore, #tpu.memory_space<semaphore_mem>>) {add = true}
        %dma_wait3A_370 = arith.constant 0 : i32
        %dma_wait3A_371 = tpu.memref_slice %arg9[%add3A_362, %dma_wait3A_370] : memref<125x80xi32, #tpu.memory_space<vmem>> -> memref<1x80xi32, #tpu.memory_space<vmem>>
        %dma_wait3A_372 = tpu.memref_squeeze %dma_wait3A_371 : memref<1x80xi32, #tpu.memory_space<vmem>> -> memref<80xi32, #tpu.memory_space<vmem>>
        %dma_wait3A_373 = arith.constant 0 : i32
        %dma_wait3A_374 = arith.constant 0 : i32
        %dma_wait3A_375 = tpu.memref_slice %arg7[%dma_wait3A_373, %dma_wait3A_374] : memref<10240x128xf32, #tpu.memory_space<vmem_shared>> -> memref<10240x128xf32, #tpu.memory_space<vmem_shared>>
        tpu.wait_indirect_dma semaphore(%run_scoped3A_363 : memref<!tpu.dma_semaphore, #tpu.memory_space<semaphore_mem>>) src(%arg11 : memref<80x128xf32, #tpu.memory_space<vmem>>) dst(%dma_wait3A_375 : memref<10240x128xf32, #tpu.memory_space<vmem_shared>>)
        tpu.yield
      }) : () -> ()
    }
    %scan3A_201 = arith.constant 62 : i32
    %dma_wait3A_202 = arith.constant 9920 : i32
    %dma_wait3A_203 = tpu.memref_slice %arg8[%dma_wait3A_202] : memref<10000xi32, #tpu.memory_space<vmem>> -> memref<80xi32, #tpu.memory_space<vmem>>
    %dma_wait3A_204 = arith.constant 0 : i32
    %dma_wait3A_205 = arith.constant 0 : i32
    %dma_wait3A_206 = tpu.memref_slice %arg2[%dma_wait3A_204, %dma_wait3A_205] : memref<10000x128xf32, #tpu.memory_space<hbm>> -> memref<10000x128xf32, #tpu.memory_space<hbm>>
    tpu.wait_indirect_dma semaphore(%arg12 : memref<!tpu.dma_semaphore, #tpu.memory_space<semaphore_mem>>) src(%dma_wait3A_206 : memref<10000x128xf32, #tpu.memory_space<hbm>>) dst(%arg10 : memref<80x128xf32, #tpu.memory_space<vmem>>)
    %mul3A_207 = arith.constant 10000 : i32
    %mul3A_208 = arith.muli %add3A, %mul3A_207 : i32
    %add3A_209 = arith.constant 9920 : i32
    %add3A_210 = arith.addi %mul3A_208, %add3A_209 : i32
    %dma_wait3A_211 = arith.constant 124 : i32
    %dma_wait3A_212 = arith.constant 0 : i32
    %dma_wait3A_213 = tpu.memref_slice %arg9[%dma_wait3A_211, %dma_wait3A_212] : memref<125x80xi32, #tpu.memory_space<vmem>> -> memref<1x80xi32, #tpu.memory_space<vmem>>
    %dma_wait3A_214 = tpu.memref_squeeze %dma_wait3A_213 : memref<1x80xi32, #tpu.memory_space<vmem>> -> memref<80xi32, #tpu.memory_space<vmem>>
    %dma_wait3A_215 = tpu.memref_slice %arg4[%add3A_210] : memref<320000xi32, #tpu.memory_space<hbm>> -> memref<80xi32, #tpu.memory_space<hbm>>
    %dma_wait3A_216 = arith.constant 0 : i32
    %dma_wait3A_217 = tpu.memref_slice %arg9[%dma_wait3A_211, %dma_wait3A_216] : memref<125x80xi32, #tpu.memory_space<vmem>> -> memref<1x80xi32, #tpu.memory_space<vmem>>
    %dma_wait3A_218 = tpu.memref_squeeze %dma_wait3A_217 : memref<1x80xi32, #tpu.memory_space<vmem>> -> memref<80xi32, #tpu.memory_space<vmem>>
    %dma_wait3A_219 = tpu.memref_slice %arg4[%add3A_210] : memref<320000xi32, #tpu.memory_space<hbm>> -> memref<80xi32, #tpu.memory_space<hbm>>
    tpu.wait_dma2 semaphore(%arg15 : memref<!tpu.dma_semaphore, #tpu.memory_space<semaphore_mem>>) src(%dma_wait3A_219 : memref<80xi32, #tpu.memory_space<hbm>>) dst(%dma_wait3A_218 : memref<80xi32, #tpu.memory_space<vmem>>)
    %mul3A_220 = arith.constant 10000 : i32
    %mul3A_221 = arith.muli %add3A, %mul3A_220 : i32
    %add3A_222 = arith.constant 9920 : i32
    %add3A_223 = arith.addi %mul3A_221, %add3A_222 : i32
    %dma_wait3A_224 = arith.constant 124 : i32
    %dma_wait3A_225 = arith.constant 0 : i32
    %dma_wait3A_226 = tpu.memref_slice %arg9[%dma_wait3A_224, %dma_wait3A_225] : memref<125x80xi32, #tpu.memory_space<vmem>> -> memref<1x80xi32, #tpu.memory_space<vmem>>
    %dma_wait3A_227 = tpu.memref_squeeze %dma_wait3A_226 : memref<1x80xi32, #tpu.memory_space<vmem>> -> memref<80xi32, #tpu.memory_space<vmem>>
    %dma_wait3A_228 = tpu.memref_slice %arg4[%add3A_223] : memref<320000xi32, #tpu.memory_space<hbm>> -> memref<80xi32, #tpu.memory_space<hbm>>
    %dma_wait3A_229 = arith.constant 0 : i32
    %dma_wait3A_230 = tpu.memref_slice %arg9[%dma_wait3A_224, %dma_wait3A_229] : memref<125x80xi32, #tpu.memory_space<vmem>> -> memref<1x80xi32, #tpu.memory_space<vmem>>
    %dma_wait3A_231 = tpu.memref_squeeze %dma_wait3A_230 : memref<1x80xi32, #tpu.memory_space<vmem>> -> memref<80xi32, #tpu.memory_space<vmem>>
    %dma_wait3A_232 = tpu.memref_slice %arg4[%add3A_223] : memref<320000xi32, #tpu.memory_space<hbm>> -> memref<80xi32, #tpu.memory_space<hbm>>
    tpu.wait_dma2 semaphore(%arg15 : memref<!tpu.dma_semaphore, #tpu.memory_space<semaphore_mem>>) src(%dma_wait3A_232 : memref<80xi32, #tpu.memory_space<hbm>>) dst(%dma_wait3A_231 : memref<80xi32, #tpu.memory_space<vmem>>)
    %mul3A_233 = arith.constant 10000 : i32
    %mul3A_234 = arith.muli %add3A, %mul3A_233 : i32
    %add3A_235 = arith.constant 9920 : i32
    %add3A_236 = arith.addi %mul3A_234, %add3A_235 : i32
    %dma_wait3A_237 = arith.constant 124 : i32
    %dma_wait3A_238 = arith.constant 0 : i32
    %dma_wait3A_239 = tpu.memref_slice %arg9[%dma_wait3A_237, %dma_wait3A_238] : memref<125x80xi32, #tpu.memory_space<vmem>> -> memref<1x80xi32, #tpu.memory_space<vmem>>
    %dma_wait3A_240 = tpu.memref_squeeze %dma_wait3A_239 : memref<1x80xi32, #tpu.memory_space<vmem>> -> memref<80xi32, #tpu.memory_space<vmem>>
    %dma_wait3A_241 = tpu.memref_slice %arg4[%add3A_236] : memref<320000xi32, #tpu.memory_space<hbm>> -> memref<80xi32, #tpu.memory_space<hbm>>
    %dma_wait3A_242 = arith.constant 0 : i32
    %dma_wait3A_243 = tpu.memref_slice %arg9[%dma_wait3A_237, %dma_wait3A_242] : memref<125x80xi32, #tpu.memory_space<vmem>> -> memref<1x80xi32, #tpu.memory_space<vmem>>
    %dma_wait3A_244 = tpu.memref_squeeze %dma_wait3A_243 : memref<1x80xi32, #tpu.memory_space<vmem>> -> memref<80xi32, #tpu.memory_space<vmem>>
    %dma_wait3A_245 = tpu.memref_slice %arg4[%add3A_236] : memref<320000xi32, #tpu.memory_space<hbm>> -> memref<80xi32, #tpu.memory_space<hbm>>
    tpu.wait_dma2 semaphore(%arg15 : memref<!tpu.dma_semaphore, #tpu.memory_space<semaphore_mem>>) src(%dma_wait3A_245 : memref<80xi32, #tpu.memory_space<hbm>>) dst(%dma_wait3A_244 : memref<80xi32, #tpu.memory_space<vmem>>)
    %mul3A_246 = arith.constant 10000 : i32
    %mul3A_247 = arith.muli %add3A, %mul3A_246 : i32
    %add3A_248 = arith.constant 9920 : i32
    %add3A_249 = arith.addi %mul3A_247, %add3A_248 : i32
    %dma_wait3A_250 = arith.constant 124 : i32
    %dma_wait3A_251 = arith.constant 0 : i32
    %dma_wait3A_252 = tpu.memref_slice %arg9[%dma_wait3A_250, %dma_wait3A_251] : memref<125x80xi32, #tpu.memory_space<vmem>> -> memref<1x80xi32, #tpu.memory_space<vmem>>
    %dma_wait3A_253 = tpu.memref_squeeze %dma_wait3A_252 : memref<1x80xi32, #tpu.memory_space<vmem>> -> memref<80xi32, #tpu.memory_space<vmem>>
    %dma_wait3A_254 = tpu.memref_slice %arg4[%add3A_249] : memref<320000xi32, #tpu.memory_space<hbm>> -> memref<80xi32, #tpu.memory_space<hbm>>
    %dma_wait3A_255 = arith.constant 0 : i32
    %dma_wait3A_256 = tpu.memref_slice %arg9[%dma_wait3A_250, %dma_wait3A_255] : memref<125x80xi32, #tpu.memory_space<vmem>> -> memref<1x80xi32, #tpu.memory_space<vmem>>
    %dma_wait3A_257 = tpu.memref_squeeze %dma_wait3A_256 : memref<1x80xi32, #tpu.memory_space<vmem>> -> memref<80xi32, #tpu.memory_space<vmem>>
    %dma_wait3A_258 = tpu.memref_slice %arg4[%add3A_249] : memref<320000xi32, #tpu.memory_space<hbm>> -> memref<80xi32, #tpu.memory_space<hbm>>
    tpu.wait_dma2 semaphore(%arg15 : memref<!tpu.dma_semaphore, #tpu.memory_space<semaphore_mem>>) src(%dma_wait3A_258 : memref<80xi32, #tpu.memory_space<hbm>>) dst(%dma_wait3A_257 : memref<80xi32, #tpu.memory_space<vmem>>)
    %run_scoped3A = arith.constant 124 : i32
    "tpu.region"() ({
      %run_scoped3A_267 = tpu.sem_alloc : memref<!tpu.dma_semaphore, #tpu.memory_space<semaphore_mem>>
      %dma_start3A_268 = arith.constant 0 : i32
      %dma_start3A_269 = tpu.memref_slice %arg9[%run_scoped3A, %dma_start3A_268] : memref<125x80xi32, #tpu.memory_space<vmem>> -> memref<1x80xi32, #tpu.memory_space<vmem>>
      %dma_start3A_270 = tpu.memref_squeeze %dma_start3A_269 : memref<1x80xi32, #tpu.memory_space<vmem>> -> memref<80xi32, #tpu.memory_space<vmem>>
      %dma_start3A_271 = arith.constant 0 : i32
      %dma_start3A_272 = arith.constant 0 : i32
      %dma_start3A_273 = tpu.memref_slice %arg7[%dma_start3A_271, %dma_start3A_272] : memref<10240x128xf32, #tpu.memory_space<vmem_shared>> -> memref<10240x128xf32, #tpu.memory_space<vmem_shared>>
      tpu.enqueue_indirect_dma source(%arg10 : memref<80x128xf32, #tpu.memory_space<vmem>>) target(%dma_start3A_273 : memref<10240x128xf32, #tpu.memory_space<vmem_shared>>) offsets(%dma_start3A_270 : memref<80xi32, #tpu.memory_space<vmem>>) semaphore(%run_scoped3A_267 : memref<!tpu.dma_semaphore, #tpu.memory_space<semaphore_mem>>) {add = true}
      %dma_wait3A_274 = arith.constant 0 : i32
      %dma_wait3A_275 = tpu.memref_slice %arg9[%run_scoped3A, %dma_wait3A_274] : memref<125x80xi32, #tpu.memory_space<vmem>> -> memref<1x80xi32, #tpu.memory_space<vmem>>
      %dma_wait3A_276 = tpu.memref_squeeze %dma_wait3A_275 : memref<1x80xi32, #tpu.memory_space<vmem>> -> memref<80xi32, #tpu.memory_space<vmem>>
      %dma_wait3A_277 = arith.constant 0 : i32
      %dma_wait3A_278 = arith.constant 0 : i32
      %dma_wait3A_279 = tpu.memref_slice %arg7[%dma_wait3A_277, %dma_wait3A_278] : memref<10240x128xf32, #tpu.memory_space<vmem_shared>> -> memref<10240x128xf32, #tpu.memory_space<vmem_shared>>
      tpu.wait_indirect_dma semaphore(%run_scoped3A_267 : memref<!tpu.dma_semaphore, #tpu.memory_space<semaphore_mem>>) src(%arg10 : memref<80x128xf32, #tpu.memory_space<vmem>>) dst(%dma_wait3A_279 : memref<10240x128xf32, #tpu.memory_space<vmem_shared>>)
      tpu.yield
    }) : () -> ()
    %barrier3A_259 = arith.constant 0 : index
    tpu.barrier barrier_id(%barrier3A_259)
    %eq3A = arith.constant 0 : i32
    %eq3A_260 = arith.cmpi eq, %arg0, %eq3A : i32
    %convert_element_type3A = arith.extui %eq3A_260 : i1 to i32
    %cond3A = arith.constant 0 : i32
    %cond3A_261 = arith.cmpi ne, %convert_element_type3A, %cond3A : i32
    scf.if %cond3A_261 {
      %mul3A_267 = arith.constant 640 : i32
      %mul3A_268 = arith.muli %arg1, %mul3A_267 : i32
      %mul3A_269 = arith.constant 640 : i32
      %mul3A_270 = arith.muli %arg1, %mul3A_269 : i32
      "tpu.region"() ({
        %run_scoped3A_271 = tpu.sem_alloc : memref<!tpu.dma_semaphore, #tpu.memory_space<semaphore_mem>>
        %dma_start3A_272 = arith.constant 0 : i32
        %dma_start3A_273 = tpu.memref_slice %arg5[%mul3A_270, %dma_start3A_272] : memref<10240x128xf32, #tpu.memory_space<hbm>> -> memref<640x128xf32, #tpu.memory_space<hbm>>
        %dma_start3A_274 = arith.constant 0 : i32
        %dma_start3A_275 = tpu.memref_slice %arg7[%mul3A_268, %dma_start3A_274] : memref<10240x128xf32, #tpu.memory_space<vmem_shared>> -> memref<640x128xf32, #tpu.memory_space<vmem_shared>>
        tpu.enqueue_dma source(%dma_start3A_275 : memref<640x128xf32, #tpu.memory_space<vmem_shared>>) target(%dma_start3A_273 : memref<640x128xf32, #tpu.memory_space<hbm>>) target_semaphore(%run_scoped3A_271 : memref<!tpu.dma_semaphore, #tpu.memory_space<semaphore_mem>>)
        %dma_wait3A_276 = arith.constant 0 : i32
        %dma_wait3A_277 = tpu.memref_slice %arg5[%mul3A_270, %dma_wait3A_276] : memref<10240x128xf32, #tpu.memory_space<hbm>> -> memref<640x128xf32, #tpu.memory_space<hbm>>
        %dma_wait3A_278 = arith.constant 0 : i32
        %dma_wait3A_279 = tpu.memref_slice %arg7[%mul3A_268, %dma_wait3A_278] : memref<10240x128xf32, #tpu.memory_space<vmem_shared>> -> memref<640x128xf32, #tpu.memory_space<vmem_shared>>
        tpu.wait_dma2 semaphore(%run_scoped3A_271 : memref<!tpu.dma_semaphore, #tpu.memory_space<semaphore_mem>>) src(%dma_wait3A_279 : memref<640x128xf32, #tpu.memory_space<vmem_shared>>) dst(%dma_wait3A_277 : memref<640x128xf32, #tpu.memory_space<hbm>>)
        tpu.yield
      }) : () -> ()
    } else {
    }
    %eq3A_262 = arith.constant 1 : i32
    %eq3A_263 = arith.cmpi eq, %arg0, %eq3A_262 : i32
    %convert_element_type3A_264 = arith.extui %eq3A_263 : i1 to i32
    %cond3A_265 = arith.constant 0 : i32
    %cond3A_266 = arith.cmpi ne, %convert_element_type3A_264, %cond3A_265 : i32
    scf.if %cond3A_266 {
      %mul3A_267 = arith.constant 640 : i32
      %mul3A_268 = arith.muli %arg1, %mul3A_267 : i32
      %mul3A_269 = arith.constant 640 : i32
      %mul3A_270 = arith.muli %arg1, %mul3A_269 : i32
      "tpu.region"() ({
        %run_scoped3A_271 = tpu.sem_alloc : memref<!tpu.dma_semaphore, #tpu.memory_space<semaphore_mem>>
        %dma_start3A_272 = arith.constant 0 : i32
        %dma_start3A_273 = tpu.memref_slice %arg6[%mul3A_270, %dma_start3A_272] : memref<10240x128xf32, #tpu.memory_space<hbm>> -> memref<640x128xf32, #tpu.memory_space<hbm>>
        %dma_start3A_274 = arith.constant 0 : i32
        %dma_start3A_275 = tpu.memref_slice %arg7[%mul3A_268, %dma_start3A_274] : memref<10240x128xf32, #tpu.memory_space<vmem_shared>> -> memref<640x128xf32, #tpu.memory_space<vmem_shared>>
        tpu.enqueue_dma source(%dma_start3A_275 : memref<640x128xf32, #tpu.memory_space<vmem_shared>>) target(%dma_start3A_273 : memref<640x128xf32, #tpu.memory_space<hbm>>) target_semaphore(%run_scoped3A_271 : memref<!tpu.dma_semaphore, #tpu.memory_space<semaphore_mem>>)
        %dma_wait3A_276 = arith.constant 0 : i32
        %dma_wait3A_277 = tpu.memref_slice %arg6[%mul3A_270, %dma_wait3A_276] : memref<10240x128xf32, #tpu.memory_space<hbm>> -> memref<640x128xf32, #tpu.memory_space<hbm>>
        %dma_wait3A_278 = arith.constant 0 : i32
        %dma_wait3A_279 = tpu.memref_slice %arg7[%mul3A_268, %dma_wait3A_278] : memref<10240x128xf32, #tpu.memory_space<vmem_shared>> -> memref<640x128xf32, #tpu.memory_space<vmem_shared>>
        tpu.wait_dma2 semaphore(%run_scoped3A_271 : memref<!tpu.dma_semaphore, #tpu.memory_space<semaphore_mem>>) src(%dma_wait3A_279 : memref<640x128xf32, #tpu.memory_space<vmem_shared>>) dst(%dma_wait3A_277 : memref<640x128xf32, #tpu.memory_space<hbm>>)
        tpu.yield
      }) : () -> ()
    } else {
    }
    return
  }
}

module attributes {stable_mosaic.version = 14 : i64} {
  func.func @_layer_body(%arg0: memref<10000x128xf32, #tpu.memory_space<vmem>>, %arg1: memref<10240x128xf32, #tpu.memory_space<vmem>>, %arg2: memref<10240x128xf32, #tpu.memory_space<vmem>>, %arg3: memref<128x128xf32, #tpu.memory_space<vmem>>, %arg4: memref<1x128xf32, #tpu.memory_space<vmem>>, %arg5: memref<1x128xf32, #tpu.memory_space<vmem>>, %arg6: memref<1x128xf32, #tpu.memory_space<vmem>>, %arg7: memref<128x128xf32, #tpu.memory_space<vmem>>, %arg8: memref<1x128xf32, #tpu.memory_space<vmem>>, %arg9: memref<1x1xf32, #tpu.memory_space<vmem>>, %arg10: memref<1x10000xi32, #tpu.memory_space<vmem>>, %arg11: memref<10000x128xf32, #tpu.memory_space<vmem>>, %arg12: memref<64x128xf32, #tpu.memory_space<vmem>>) attributes {dimension_semantics = [], scalar_prefetch = 0 : i64, scratch_operands = 0 : i64, tpu.core_type = #tpu.core_type<tc>} {
    %get3A = arith.constant 0 : index
    %get3A_0 = arith.constant 0 : index
    %get3A_1 = vector.load %arg0[%get3A, %get3A_0] : memref<10000x128xf32, #tpu.memory_space<vmem>>, vector<10000x128xf32>
    %get3A_2 = arith.constant 0 : index
    %get3A_3 = arith.constant 0 : index
    %get3A_4 = vector.load %arg9[%get3A_2, %get3A_3] : memref<1x1xf32, #tpu.memory_space<vmem>>, vector<1x1xf32>
    %get3A_5 = vector.extract %get3A_4[0, 0] : f32 from vector<1x1xf32>
    %add3A = arith.constant 1.000000e+00 : f32
    %add3A_6 = arith.addf %add3A, %get3A_5 : f32
    %mul3A = vector.broadcast %add3A_6 : f32 to vector<10000x128xf32>
    %mul3A_7 = arith.mulf %mul3A, %get3A_1 : vector<10000x128xf32>
    %get3A_8 = arith.constant 0 : index
    %get3A_9 = arith.constant 0 : index
    %get3A_10 = vector.load %arg1[%get3A_8, %get3A_9] : memref<10240x128xf32, #tpu.memory_space<vmem>>, vector<10240x128xf32>
    %slice3A = vector.extract_strided_slice %get3A_10 {offsets = [0, 0], sizes = [10000, 128], strides = [1, 1]} : vector<10240x128xf32> to vector<10000x128xf32>
    %add3A_11 = arith.addf %mul3A_7, %slice3A : vector<10000x128xf32>
    %get3A_12 = arith.constant 0 : index
    %get3A_13 = arith.constant 0 : index
    %get3A_14 = vector.load %arg2[%get3A_12, %get3A_13] : memref<10240x128xf32, #tpu.memory_space<vmem>>, vector<10240x128xf32>
    %slice3A_15 = vector.extract_strided_slice %get3A_14 {offsets = [0, 0], sizes = [10000, 128], strides = [1, 1]} : vector<10240x128xf32> to vector<10000x128xf32>
    %add3A_16 = arith.addf %add3A_11, %slice3A_15 : vector<10000x128xf32>
    %get3A_17 = arith.constant 0 : index
    %get3A_18 = arith.constant 0 : index
    %get3A_19 = vector.load %arg3[%get3A_17, %get3A_18] : memref<128x128xf32, #tpu.memory_space<vmem>>, vector<128x128xf32>
    %dot_general3A = arith.constant dense<0.000000e+00> : vector<10000x128xf32>
    %dot_general3A_20 = tpu.matmul %add3A_16, %get3A_19, %dot_general3A {dimension_numbers = #tpu.dot_dimension_numbers<[1], [0], [0], [1], [0, 0, 1, 1], [], []>, transpose_lhs_hint = false} : vector<10000x128xf32>, vector<128x128xf32>, vector<10000x128xf32> -> vector<10000x128xf32>
    %get3A_21 = arith.constant 0 : index
    %get3A_22 = arith.constant 0 : index
    %get3A_23 = vector.load %arg4[%get3A_21, %get3A_22] : memref<1x128xf32, #tpu.memory_space<vmem>>, vector<1x128xf32>
    %add3A_24 = vector.broadcast %get3A_23 : vector<1x128xf32> to vector<10000x128xf32>
    %add3A_25 = arith.addf %dot_general3A_20, %add3A_24 : vector<10000x128xf32>
    %reduce_sum3A = arith.constant dense<0.000000e+00> : vector<128xf32>
    %reduce_sum3A_26 = vector.multi_reduction <add>, %add3A_25, %reduce_sum3A [0] : vector<10000x128xf32> to vector<128xf32>
    %broadcast_in_dim3A = vector.shape_cast %reduce_sum3A_26 : vector<128xf32> to vector<1x128xf32>
    %div3A = arith.constant 1.000000e+04 : f32
    %div3A_27 = vector.broadcast %div3A : f32 to vector<1x128xf32>
    %div3A_28 = arith.divf %broadcast_in_dim3A, %div3A_27 : vector<1x128xf32>
    %sub3A = vector.broadcast %div3A_28 : vector<1x128xf32> to vector<10000x128xf32>
    %sub3A_29 = arith.subf %add3A_25, %sub3A : vector<10000x128xf32>
    %integer_pow3A = arith.mulf %sub3A_29, %sub3A_29 : vector<10000x128xf32>
    %reduce_sum3A_30 = arith.constant dense<0.000000e+00> : vector<128xf32>
    %reduce_sum3A_31 = vector.multi_reduction <add>, %integer_pow3A, %reduce_sum3A_30 [0] : vector<10000x128xf32> to vector<128xf32>
    %broadcast_in_dim3A_32 = vector.shape_cast %reduce_sum3A_31 : vector<128xf32> to vector<1x128xf32>
    %div3A_33 = arith.constant 1.000000e+04 : f32
    %div3A_34 = vector.broadcast %div3A_33 : f32 to vector<1x128xf32>
    %div3A_35 = arith.divf %broadcast_in_dim3A_32, %div3A_34 : vector<1x128xf32>
    %sub3A_36 = vector.broadcast %div3A_28 : vector<1x128xf32> to vector<10000x128xf32>
    %sub3A_37 = arith.subf %add3A_25, %sub3A_36 : vector<10000x128xf32>
    %add3A_38 = arith.constant 9.99999974E-6 : f32
    %add3A_39 = vector.broadcast %add3A_38 : f32 to vector<1x128xf32>
    %add3A_40 = arith.addf %div3A_35, %add3A_39 : vector<1x128xf32>
    %rsqrt3A = math.rsqrt %add3A_40 : vector<1x128xf32>
    %mul3A_41 = vector.broadcast %rsqrt3A : vector<1x128xf32> to vector<10000x128xf32>
    %mul3A_42 = arith.mulf %sub3A_37, %mul3A_41 : vector<10000x128xf32>
    %get3A_43 = arith.constant 0 : index
    %get3A_44 = arith.constant 0 : index
    %get3A_45 = vector.load %arg5[%get3A_43, %get3A_44] : memref<1x128xf32, #tpu.memory_space<vmem>>, vector<1x128xf32>
    %mul3A_46 = vector.broadcast %get3A_45 : vector<1x128xf32> to vector<10000x128xf32>
    %mul3A_47 = arith.mulf %mul3A_42, %mul3A_46 : vector<10000x128xf32>
    %get3A_48 = arith.constant 0 : index
    %get3A_49 = arith.constant 0 : index
    %get3A_50 = vector.load %arg6[%get3A_48, %get3A_49] : memref<1x128xf32, #tpu.memory_space<vmem>>, vector<1x128xf32>
    %add3A_51 = vector.broadcast %get3A_50 : vector<1x128xf32> to vector<10000x128xf32>
    %add3A_52 = arith.addf %mul3A_47, %add3A_51 : vector<10000x128xf32>
    %max3A = arith.constant 0.000000e+00 : f32
    %max3A_53 = vector.broadcast %max3A : f32 to vector<10000x128xf32>
    %max3A_54 = arith.maximumf %add3A_52, %max3A_53 : vector<10000x128xf32>
    %get3A_55 = arith.constant 0 : index
    %get3A_56 = arith.constant 0 : index
    %get3A_57 = vector.load %arg7[%get3A_55, %get3A_56] : memref<128x128xf32, #tpu.memory_space<vmem>>, vector<128x128xf32>
    %dot_general3A_58 = arith.constant dense<0.000000e+00> : vector<10000x128xf32>
    %dot_general3A_59 = tpu.matmul %max3A_54, %get3A_57, %dot_general3A_58 {dimension_numbers = #tpu.dot_dimension_numbers<[1], [0], [0], [1], [0, 0, 1, 1], [], []>, transpose_lhs_hint = false} : vector<10000x128xf32>, vector<128x128xf32>, vector<10000x128xf32> -> vector<10000x128xf32>
    %get3A_60 = arith.constant 0 : index
    %get3A_61 = arith.constant 0 : index
    %get3A_62 = vector.load %arg8[%get3A_60, %get3A_61] : memref<1x128xf32, #tpu.memory_space<vmem>>, vector<1x128xf32>
    %add3A_63 = vector.broadcast %get3A_62 : vector<1x128xf32> to vector<10000x128xf32>
    %add3A_64 = arith.addf %dot_general3A_59, %add3A_63 : vector<10000x128xf32>
    %max3A_65 = arith.constant 0.000000e+00 : f32
    %max3A_66 = vector.broadcast %max3A_65 : f32 to vector<10000x128xf32>
    %max3A_67 = arith.maximumf %add3A_64, %max3A_66 : vector<10000x128xf32>
    %swap3A = arith.constant 0 : index
    %swap3A_68 = arith.constant 0 : index
    %swap3A_69 = vector.load %arg11[%swap3A, %swap3A_68] : memref<10000x128xf32, #tpu.memory_space<vmem>>, vector<10000x128xf32>
    tpu.vector_store %arg11[%swap3A, %swap3A_68], %max3A_67 {strides = array<i32>} : memref<10000x128xf32, #tpu.memory_space<vmem>>, vector<10000x128xf32>,
    %get3A_70 = arith.constant 0 : index
    %get3A_71 = arith.constant 0 : index
    %get3A_72 = vector.load %arg10[%get3A_70, %get3A_71] : memref<1x10000xi32, #tpu.memory_space<vmem>>, vector<1x10000xi32>
    %iota3A = tpu.iota {dimensions = array<i32: 0>} : vector<64x10000xi32>
    %eq3A = vector.broadcast %get3A_72 : vector<1x10000xi32> to vector<64x10000xi32>
    %eq3A_73 = arith.cmpi eq, %eq3A, %iota3A : vector<64x10000xi32>
    %convert_element_type3A = arith.extui %eq3A_73 : vector<64x10000xi1> to vector<64x10000xi32>
    %convert_element_type3A_74 = arith.sitofp %convert_element_type3A : vector<64x10000xi32> to vector<64x10000xf32>
    %dot_general3A_75 = arith.constant dense<0.000000e+00> : vector<64x128xf32>
    %dot_general3A_76 = tpu.matmul %convert_element_type3A_74, %max3A_67, %dot_general3A_75 {dimension_numbers = #tpu.dot_dimension_numbers<[1], [0], [0], [1], [0, 0, 1, 1], [], []>, transpose_lhs_hint = false} : vector<64x10000xf32>, vector<10000x128xf32>, vector<64x128xf32> -> vector<64x128xf32>
    %swap3A_77 = arith.constant 0 : index
    %swap3A_78 = arith.constant 0 : index
    %swap3A_79 = vector.load %arg12[%swap3A_77, %swap3A_78] : memref<64x128xf32, #tpu.memory_space<vmem>>, vector<64x128xf32>
    tpu.vector_store %arg12[%swap3A_77, %swap3A_78], %dot_general3A_76 {strides = array<i32>} : memref<64x128xf32, #tpu.memory_space<vmem>>, vector<64x128xf32>,
    return
  }
}

module attributes {stable_mosaic.version = 14 : i64} {
  func.func @_head_body(%arg0: memref<64x640xf32, #tpu.memory_space<vmem>>, %arg1: memref<640x128xf32, #tpu.memory_space<vmem>>, %arg2: memref<1x128xf32, #tpu.memory_space<vmem>>, %arg3: memref<1x128xf32, #tpu.memory_space<vmem>>, %arg4: memref<1x128xf32, #tpu.memory_space<vmem>>, %arg5: memref<128x10xf32, #tpu.memory_space<vmem>>, %arg6: memref<1x10xf32, #tpu.memory_space<vmem>>, %arg7: memref<64x10xf32, #tpu.memory_space<vmem>>) attributes {dimension_semantics = [], scalar_prefetch = 0 : i64, scratch_operands = 0 : i64, tpu.core_type = #tpu.core_type<tc>} {
    %get3A = arith.constant 0 : index
    %get3A_0 = arith.constant 0 : index
    %get3A_1 = vector.load %arg0[%get3A, %get3A_0] : memref<64x640xf32, #tpu.memory_space<vmem>>, vector<64x640xf32>
    %get3A_2 = arith.constant 0 : index
    %get3A_3 = arith.constant 0 : index
    %get3A_4 = vector.load %arg1[%get3A_2, %get3A_3] : memref<640x128xf32, #tpu.memory_space<vmem>>, vector<640x128xf32>
    %dot_general3A = arith.constant dense<0.000000e+00> : vector<64x128xf32>
    %dot_general3A_5 = tpu.matmul %get3A_1, %get3A_4, %dot_general3A {dimension_numbers = #tpu.dot_dimension_numbers<[1], [0], [0], [1], [0, 0, 1, 1], [], []>, transpose_lhs_hint = false} : vector<64x640xf32>, vector<640x128xf32>, vector<64x128xf32> -> vector<64x128xf32>
    %get3A_6 = arith.constant 0 : index
    %get3A_7 = arith.constant 0 : index
    %get3A_8 = vector.load %arg2[%get3A_6, %get3A_7] : memref<1x128xf32, #tpu.memory_space<vmem>>, vector<1x128xf32>
    %add3A = vector.broadcast %get3A_8 : vector<1x128xf32> to vector<64x128xf32>
    %add3A_9 = arith.addf %dot_general3A_5, %add3A : vector<64x128xf32>
    %reduce_sum3A = arith.constant dense<0.000000e+00> : vector<128xf32>
    %reduce_sum3A_10 = vector.multi_reduction <add>, %add3A_9, %reduce_sum3A [0] : vector<64x128xf32> to vector<128xf32>
    %broadcast_in_dim3A = vector.shape_cast %reduce_sum3A_10 : vector<128xf32> to vector<1x128xf32>
    %div3A = arith.constant 6.400000e+01 : f32
    %div3A_11 = vector.broadcast %div3A : f32 to vector<1x128xf32>
    %div3A_12 = arith.divf %broadcast_in_dim3A, %div3A_11 : vector<1x128xf32>
    %sub3A = vector.broadcast %div3A_12 : vector<1x128xf32> to vector<64x128xf32>
    %sub3A_13 = arith.subf %add3A_9, %sub3A : vector<64x128xf32>
    %integer_pow3A = arith.mulf %sub3A_13, %sub3A_13 : vector<64x128xf32>
    %reduce_sum3A_14 = arith.constant dense<0.000000e+00> : vector<128xf32>
    %reduce_sum3A_15 = vector.multi_reduction <add>, %integer_pow3A, %reduce_sum3A_14 [0] : vector<64x128xf32> to vector<128xf32>
    %broadcast_in_dim3A_16 = vector.shape_cast %reduce_sum3A_15 : vector<128xf32> to vector<1x128xf32>
    %div3A_17 = arith.constant 6.400000e+01 : f32
    %div3A_18 = vector.broadcast %div3A_17 : f32 to vector<1x128xf32>
    %div3A_19 = arith.divf %broadcast_in_dim3A_16, %div3A_18 : vector<1x128xf32>
    %sub3A_20 = vector.broadcast %div3A_12 : vector<1x128xf32> to vector<64x128xf32>
    %sub3A_21 = arith.subf %add3A_9, %sub3A_20 : vector<64x128xf32>
    %add3A_22 = arith.constant 9.99999974E-6 : f32
    %add3A_23 = vector.broadcast %add3A_22 : f32 to vector<1x128xf32>
    %add3A_24 = arith.addf %div3A_19, %add3A_23 : vector<1x128xf32>
    %rsqrt3A = math.rsqrt %add3A_24 : vector<1x128xf32>
    %mul3A = vector.broadcast %rsqrt3A : vector<1x128xf32> to vector<64x128xf32>
    %mul3A_25 = arith.mulf %sub3A_21, %mul3A : vector<64x128xf32>
    %get3A_26 = arith.constant 0 : index
    %get3A_27 = arith.constant 0 : index
    %get3A_28 = vector.load %arg3[%get3A_26, %get3A_27] : memref<1x128xf32, #tpu.memory_space<vmem>>, vector<1x128xf32>
    %mul3A_29 = vector.broadcast %get3A_28 : vector<1x128xf32> to vector<64x128xf32>
    %mul3A_30 = arith.mulf %mul3A_25, %mul3A_29 : vector<64x128xf32>
    %get3A_31 = arith.constant 0 : index
    %get3A_32 = arith.constant 0 : index
    %get3A_33 = vector.load %arg4[%get3A_31, %get3A_32] : memref<1x128xf32, #tpu.memory_space<vmem>>, vector<1x128xf32>
    %add3A_34 = vector.broadcast %get3A_33 : vector<1x128xf32> to vector<64x128xf32>
    %add3A_35 = arith.addf %mul3A_30, %add3A_34 : vector<64x128xf32>
    %max3A = arith.constant 0.000000e+00 : f32
    %max3A_36 = vector.broadcast %max3A : f32 to vector<64x128xf32>
    %max3A_37 = arith.maximumf %add3A_35, %max3A_36 : vector<64x128xf32>
    %get3A_38 = arith.constant 0 : index
    %get3A_39 = arith.constant 0 : index
    %get3A_40 = vector.load %arg5[%get3A_38, %get3A_39] : memref<128x10xf32, #tpu.memory_space<vmem>>, vector<128x10xf32>
    %dot_general3A_41 = arith.constant dense<0.000000e+00> : vector<64x10xf32>
    %dot_general3A_42 = tpu.matmul %max3A_37, %get3A_40, %dot_general3A_41 {dimension_numbers = #tpu.dot_dimension_numbers<[1], [0], [0], [1], [0, 0, 1, 1], [], []>, transpose_lhs_hint = false} : vector<64x128xf32>, vector<128x10xf32>, vector<64x10xf32> -> vector<64x10xf32>
    %get3A_43 = arith.constant 0 : index
    %get3A_44 = arith.constant 0 : index
    %get3A_45 = vector.load %arg6[%get3A_43, %get3A_44] : memref<1x10xf32, #tpu.memory_space<vmem>>, vector<1x10xf32>
    %add3A_46 = vector.broadcast %get3A_45 : vector<1x10xf32> to vector<64x10xf32>
    %add3A_47 = arith.addf %dot_general3A_42, %add3A_46 : vector<64x10xf32>
    %reduce_max3A = arith.constant dense<0xFF800000> : vector<64xf32>
    %reduce_max3A_48 = vector.multi_reduction <maximumf>, %add3A_47, %reduce_max3A [1] : vector<64x10xf32> to vector<64xf32>
    %broadcast_in_dim3A_49 = vector.shape_cast %reduce_max3A_48 : vector<64xf32> to vector<64x1xf32>
    %sub3A_50 = vector.broadcast %broadcast_in_dim3A_49 : vector<64x1xf32> to vector<64x10xf32>
    %sub3A_51 = arith.subf %add3A_47, %sub3A_50 : vector<64x10xf32>
    %exp3A = math.exp %sub3A_51 : vector<64x10xf32>
    %reduce_sum3A_52 = arith.constant dense<0.000000e+00> : vector<64xf32>
    %reduce_sum3A_53 = vector.multi_reduction <add>, %exp3A, %reduce_sum3A_52 [1] : vector<64x10xf32> to vector<64xf32>
    %broadcast_in_dim3A_54 = vector.shape_cast %reduce_sum3A_53 : vector<64xf32> to vector<64x1xf32>
    %log3A = math.log %broadcast_in_dim3A_54 : vector<64x1xf32>
    %add3A_55 = arith.addf %broadcast_in_dim3A_49, %log3A : vector<64x1xf32>
    %sub3A_56 = vector.broadcast %add3A_55 : vector<64x1xf32> to vector<64x10xf32>
    %sub3A_57 = arith.subf %add3A_47, %sub3A_56 : vector<64x10xf32>
    %swap3A = arith.constant 0 : index
    %swap3A_58 = arith.constant 0 : index
    %swap3A_59 = vector.load %arg7[%swap3A, %swap3A_58] : memref<64x10xf32, #tpu.memory_space<vmem>>, vector<64x10xf32>
    tpu.vector_store %arg7[%swap3A, %swap3A_58], %sub3A_57 {strides = array<i32>} : memref<64x10xf32, #tpu.memory_space<vmem>>, vector<64x10xf32>,
    return
  }
}

module attributes {stable_mosaic.version = 14 : i64} {
  func.func @_layer_body(%arg0: memref<10000x128xf32, #tpu.memory_space<vmem>>, %arg1: memref<10240x128xf32, #tpu.memory_space<vmem>>, %arg2: memref<10240x128xf32, #tpu.memory_space<vmem>>, %arg3: memref<128x128xf32, #tpu.memory_space<vmem>>, %arg4: memref<1x128xf32, #tpu.memory_space<vmem>>, %arg5: memref<1x128xf32, #tpu.memory_space<vmem>>, %arg6: memref<1x128xf32, #tpu.memory_space<vmem>>, %arg7: memref<128x128xf32, #tpu.memory_space<vmem>>, %arg8: memref<1x128xf32, #tpu.memory_space<vmem>>, %arg9: memref<1x1xf32, #tpu.memory_space<vmem>>, %arg10: memref<1x10000xi32, #tpu.memory_space<vmem>>, %arg11: memref<10000x128xf32, #tpu.memory_space<vmem>>, %arg12: memref<64x128xf32, #tpu.memory_space<vmem>>) attributes {dimension_semantics = [], scalar_prefetch = 0 : i64, scratch_operands = 0 : i64, tpu.core_type = #tpu.core_type<tc>} {
    %get3A = arith.constant 0 : index
    %get3A_0 = arith.constant 0 : index
    %get3A_1 = vector.load %arg0[%get3A, %get3A_0] : memref<10000x128xf32, #tpu.memory_space<vmem>>, vector<10000x128xf32>
    %get3A_2 = arith.constant 0 : index
    %get3A_3 = arith.constant 0 : index
    %get3A_4 = vector.load %arg9[%get3A_2, %get3A_3] : memref<1x1xf32, #tpu.memory_space<vmem>>, vector<1x1xf32>
    %get3A_5 = vector.extract %get3A_4[0, 0] : f32 from vector<1x1xf32>
    %add3A = arith.constant 1.000000e+00 : f32
    %add3A_6 = arith.addf %add3A, %get3A_5 : f32
    %mul3A = vector.broadcast %add3A_6 : f32 to vector<10000x128xf32>
    %mul3A_7 = arith.mulf %mul3A, %get3A_1 : vector<10000x128xf32>
    %get3A_8 = arith.constant 0 : index
    %get3A_9 = arith.constant 0 : index
    %get3A_10 = vector.load %arg1[%get3A_8, %get3A_9] : memref<10240x128xf32, #tpu.memory_space<vmem>>, vector<10240x128xf32>
    %slice3A = vector.extract_strided_slice %get3A_10 {offsets = [0, 0], sizes = [10000, 128], strides = [1, 1]} : vector<10240x128xf32> to vector<10000x128xf32>
    %add3A_11 = arith.addf %mul3A_7, %slice3A : vector<10000x128xf32>
    %get3A_12 = arith.constant 0 : index
    %get3A_13 = arith.constant 0 : index
    %get3A_14 = vector.load %arg2[%get3A_12, %get3A_13] : memref<10240x128xf32, #tpu.memory_space<vmem>>, vector<10240x128xf32>
    %slice3A_15 = vector.extract_strided_slice %get3A_14 {offsets = [0, 0], sizes = [10000, 128], strides = [1, 1]} : vector<10240x128xf32> to vector<10000x128xf32>
    %add3A_16 = arith.addf %add3A_11, %slice3A_15 : vector<10000x128xf32>
    %get3A_17 = arith.constant 0 : index
    %get3A_18 = arith.constant 0 : index
    %get3A_19 = vector.load %arg3[%get3A_17, %get3A_18] : memref<128x128xf32, #tpu.memory_space<vmem>>, vector<128x128xf32>
    %dot_general3A = arith.constant dense<0.000000e+00> : vector<10000x128xf32>
    %dot_general3A_20 = tpu.matmul %add3A_16, %get3A_19, %dot_general3A {dimension_numbers = #tpu.dot_dimension_numbers<[1], [0], [0], [1], [0, 0, 1, 1], [], []>, transpose_lhs_hint = false} : vector<10000x128xf32>, vector<128x128xf32>, vector<10000x128xf32> -> vector<10000x128xf32>
    %get3A_21 = arith.constant 0 : index
    %get3A_22 = arith.constant 0 : index
    %get3A_23 = vector.load %arg4[%get3A_21, %get3A_22] : memref<1x128xf32, #tpu.memory_space<vmem>>, vector<1x128xf32>
    %add3A_24 = vector.broadcast %get3A_23 : vector<1x128xf32> to vector<10000x128xf32>
    %add3A_25 = arith.addf %dot_general3A_20, %add3A_24 : vector<10000x128xf32>
    %reduce_sum3A = arith.constant dense<0.000000e+00> : vector<128xf32>
    %reduce_sum3A_26 = vector.multi_reduction <add>, %add3A_25, %reduce_sum3A [0] : vector<10000x128xf32> to vector<128xf32>
    %broadcast_in_dim3A = vector.shape_cast %reduce_sum3A_26 : vector<128xf32> to vector<1x128xf32>
    %div3A = arith.constant 1.000000e+04 : f32
    %div3A_27 = vector.broadcast %div3A : f32 to vector<1x128xf32>
    %div3A_28 = arith.divf %broadcast_in_dim3A, %div3A_27 : vector<1x128xf32>
    %sub3A = vector.broadcast %div3A_28 : vector<1x128xf32> to vector<10000x128xf32>
    %sub3A_29 = arith.subf %add3A_25, %sub3A : vector<10000x128xf32>
    %integer_pow3A = arith.mulf %sub3A_29, %sub3A_29 : vector<10000x128xf32>
    %reduce_sum3A_30 = arith.constant dense<0.000000e+00> : vector<128xf32>
    %reduce_sum3A_31 = vector.multi_reduction <add>, %integer_pow3A, %reduce_sum3A_30 [0] : vector<10000x128xf32> to vector<128xf32>
    %broadcast_in_dim3A_32 = vector.shape_cast %reduce_sum3A_31 : vector<128xf32> to vector<1x128xf32>
    %div3A_33 = arith.constant 1.000000e+04 : f32
    %div3A_34 = vector.broadcast %div3A_33 : f32 to vector<1x128xf32>
    %div3A_35 = arith.divf %broadcast_in_dim3A_32, %div3A_34 : vector<1x128xf32>
    %sub3A_36 = vector.broadcast %div3A_28 : vector<1x128xf32> to vector<10000x128xf32>
    %sub3A_37 = arith.subf %add3A_25, %sub3A_36 : vector<10000x128xf32>
    %add3A_38 = arith.constant 9.99999974E-6 : f32
    %add3A_39 = vector.broadcast %add3A_38 : f32 to vector<1x128xf32>
    %add3A_40 = arith.addf %div3A_35, %add3A_39 : vector<1x128xf32>
    %rsqrt3A = math.rsqrt %add3A_40 : vector<1x128xf32>
    %mul3A_41 = vector.broadcast %rsqrt3A : vector<1x128xf32> to vector<10000x128xf32>
    %mul3A_42 = arith.mulf %sub3A_37, %mul3A_41 : vector<10000x128xf32>
    %get3A_43 = arith.constant 0 : index
    %get3A_44 = arith.constant 0 : index
    %get3A_45 = vector.load %arg5[%get3A_43, %get3A_44] : memref<1x128xf32, #tpu.memory_space<vmem>>, vector<1x128xf32>
    %mul3A_46 = vector.broadcast %get3A_45 : vector<1x128xf32> to vector<10000x128xf32>
    %mul3A_47 = arith.mulf %mul3A_42, %mul3A_46 : vector<10000x128xf32>
    %get3A_48 = arith.constant 0 : index
    %get3A_49 = arith.constant 0 : index
    %get3A_50 = vector.load %arg6[%get3A_48, %get3A_49] : memref<1x128xf32, #tpu.memory_space<vmem>>, vector<1x128xf32>
    %add3A_51 = vector.broadcast %get3A_50 : vector<1x128xf32> to vector<10000x128xf32>
    %add3A_52 = arith.addf %mul3A_47, %add3A_51 : vector<10000x128xf32>
    %max3A = arith.constant 0.000000e+00 : f32
    %max3A_53 = vector.broadcast %max3A : f32 to vector<10000x128xf32>
    %max3A_54 = arith.maximumf %add3A_52, %max3A_53 : vector<10000x128xf32>
    %get3A_55 = arith.constant 0 : index
    %get3A_56 = arith.constant 0 : index
    %get3A_57 = vector.load %arg7[%get3A_55, %get3A_56] : memref<128x128xf32, #tpu.memory_space<vmem>>, vector<128x128xf32>
    %dot_general3A_58 = arith.constant dense<0.000000e+00> : vector<10000x128xf32>
    %dot_general3A_59 = tpu.matmul %max3A_54, %get3A_57, %dot_general3A_58 {dimension_numbers = #tpu.dot_dimension_numbers<[1], [0], [0], [1], [0, 0, 1, 1], [], []>, transpose_lhs_hint = false} : vector<10000x128xf32>, vector<128x128xf32>, vector<10000x128xf32> -> vector<10000x128xf32>
    %get3A_60 = arith.constant 0 : index
    %get3A_61 = arith.constant 0 : index
    %get3A_62 = vector.load %arg8[%get3A_60, %get3A_61] : memref<1x128xf32, #tpu.memory_space<vmem>>, vector<1x128xf32>
    %add3A_63 = vector.broadcast %get3A_62 : vector<1x128xf32> to vector<10000x128xf32>
    %add3A_64 = arith.addf %dot_general3A_59, %add3A_63 : vector<10000x128xf32>
    %max3A_65 = arith.constant 0.000000e+00 : f32
    %max3A_66 = vector.broadcast %max3A_65 : f32 to vector<10000x128xf32>
    %max3A_67 = arith.maximumf %add3A_64, %max3A_66 : vector<10000x128xf32>
    %swap3A = arith.constant 0 : index
    %swap3A_68 = arith.constant 0 : index
    %swap3A_69 = vector.load %arg11[%swap3A, %swap3A_68] : memref<10000x128xf32, #tpu.memory_space<vmem>>, vector<10000x128xf32>
    tpu.vector_store %arg11[%swap3A, %swap3A_68], %max3A_67 {strides = array<i32>} : memref<10000x128xf32, #tpu.memory_space<vmem>>, vector<10000x128xf32>,
    %get3A_70 = arith.constant 0 : index
    %get3A_71 = arith.constant 0 : index
    %get3A_72 = vector.load %arg10[%get3A_70, %get3A_71] : memref<1x10000xi32, #tpu.memory_space<vmem>>, vector<1x10000xi32>
    %iota3A = tpu.iota {dimensions = array<i32: 0>} : vector<64x10000xi32>
    %eq3A = vector.broadcast %get3A_72 : vector<1x10000xi32> to vector<64x10000xi32>
    %eq3A_73 = arith.cmpi eq, %eq3A, %iota3A : vector<64x10000xi32>
    %convert_element_type3A = arith.extui %eq3A_73 : vector<64x10000xi1> to vector<64x10000xi32>
    %convert_element_type3A_74 = arith.sitofp %convert_element_type3A : vector<64x10000xi32> to vector<64x10000xf32>
    %dot_general3A_75 = arith.constant dense<0.000000e+00> : vector<64x128xf32>
    %dot_general3A_76 = tpu.matmul %convert_element_type3A_74, %max3A_67, %dot_general3A_75 {dimension_numbers = #tpu.dot_dimension_numbers<[1], [0], [0], [1], [0, 0, 1, 1], [], []>, transpose_lhs_hint = false} : vector<64x10000xf32>, vector<10000x128xf32>, vector<64x128xf32> -> vector<64x128xf32>
    %swap3A_77 = arith.constant 0 : index
    %swap3A_78 = arith.constant 0 : index
    %swap3A_79 = vector.load %arg12[%swap3A_77, %swap3A_78] : memref<64x128xf32, #tpu.memory_space<vmem>>, vector<64x128xf32>
    tpu.vector_store %arg12[%swap3A_77, %swap3A_78], %dot_general3A_76 {strides = array<i32>} : memref<64x128xf32, #tpu.memory_space<vmem>>, vector<64x128xf32>,
    return
  }
}

</mosaic_0001>

<sc_bundles>
// kernel: kernel.13.cloned.1.call-start
scs
__scs_entry_jumppad:
0x0: {  	(pc) =	sbr.rel $0x88, $3  }
0x1: {  	(tag) =	ssettag $0x0;
	lr =	simm.s32 $0x1  }
0x2: {  	[smem:$0x3F91] =	sst lr;
	_ =	strace $0xD0000000  }
0x3: {  	_ = 	snop  }
0x4: {  	_ = 	snop  }
0x5: {  	_ = 	snop  }
0x6: {  	_ = 	snop  }
0x7: {  	_ = 	snop  }
__scs_overlays_trampoline_lowered:
0x8: {  	[smem:$0x3FA0] =	sst s0  }
0x9: {  	[smem:$0x3FA1] =	sst s1  }
0xa: {  	[smem:$0x3FA2] =	sst s2  }
0xb: {  	[smem:$0x3FA3] =	sst s3  }
0xc: {  	[smem:$0x3FA4] =	sst s4  }
0xd: {  	[smem:$0x3FA5] =	sst s5  }
0xe: {  	[smem:$0x3FA6] =	sst s6  }
0xf: {  	[smem:$0x3FA7] =	sst s7  }
0x10: {  	[smem:$0x3FA8] =	sst s8  }
0x11: {  	[smem:$0x3FA9] =	sst s9;
	s0 =	simm.s32 @!p0 $0x0  }
0x12: {  	s1 =	sld [smem:$0x3F8F];
	s0 =	simm.s32 @p0 $0x1  }
0x13: {  	[smem:$0x3FAA] =	sst s0;
	s0 =	simm.s32 @!p1 $0x0  }
0x14: {  	s2 =	sld [smem:$0x3F8E];
	s0 =	simm.s32 @p1 $0x1  }
0x15: {  	[smem:$0x3FAB] =	sst s0;
	s0 =	simm.s32 @!p2 $0x0  }
0x16: {  	s3 =	sld [smem:$0x3FDB];
	s0 =	simm.s32 @p2 $0x1  }
0x17: {  	s4 =	simm.s32 $0x1BF5;
	[smem:$0x3FAD] =	sst s0  }
0x18: {  	s0 =	sld [smem:$0x3F90];
	_ =	swait.ge [sflag:s4], $0x0  }
0x19: {  	s7 =	sld [smem:$0x3F91]  }
0x1a: {  	s8 =	sadd.s32 $0xFFFFE003, lr  }
0x1b: {  	s9 =	sadd.s32 $0xFFFFFEF7, lr;
	s5 =	simm.s32 $0xFFFFFFFF;
	p2 =	slt.u32 s8, $0xFFFFF086  }
0x1c: {  	p1 =	slt.u32 s9, $0xF7A;
	s5 =	simm.s32 @!p2 $0x0  }
0x1d: {  	s5 =	simm.s32 @p1 $0x1;
	p0 =	seq.s32 s7, s2  }
0x1e: {  	s7 =	smul.u32 @!p0 $0xF7A, s2;
	p2 =	seq.s32 @!p0 s5, $0x0  }
0x1f: {  	s9 =	smul.u32 $0xF7A, s1;
	s8 =	simm.s32 @!p0 $0x1BF5;
	p2 =	por !p2, p0  }
0x20: {  	[sflag:s8] =	ssyncset.s32 @!p0 $0xFFFFF086;
	s6 =	sadd.s32 @!p0 s3, s7;
	s7 =	simm.s32 @!p0 $0x108  }
0x21: {  	s3 =	sadd.s32 s3, s9;
	s6 =	sadd.s32 @!p0 $0x88, s6;
	s7 =	simm.s32 @p2 $0x1082  }
0x22: {  	[simem:s7], [sflag:s8] =	dma.local @!p0 [hbm:s6], $0xF7A  }
0x23: {  	s9 =	sor.u32 $0xD0000000, s2;
	s6 =	simm.s32 $0x108;
	_ =	swait.ge @!p0 [sflag:s8], $0x0  }
0x24: {  	s3 =	sadd.s32 $0x88, s3;
	s6 =	simm.s32 @!p1 $0x1082;
	[sflag:s4] =	ssyncset.s32 $0xFFFFF086  }
0x25: {  	[simem:s6], [sflag:s4] =	dma.local [hbm:s3], $0xF7A  }
0x26: {  	[smem:$0x3F91] =	sst s1;
	(tag) =	ssettag s2;
	_ =	strace s9  }
0x27: {  	s1 =	sld [smem:$0x3FA1]  }
0x28: {  	s2 =	sld [smem:$0x3FA2]  }
0x29: {  	s4 =	sld [smem:$0x3FA4]  }
0x2a: {  	p0 =	seq.s32 s5, $0x0;
	s5 =	sld [smem:$0x3FA5]  }
0x2b: {  	s6 =	sld [smem:$0x3FA6]  }
0x2c: {  	s7 =	sld [smem:$0x3FA7]  }
0x2d: {  	s3 =	simm.s32 $0x108;
	s8 =	sld [smem:$0x3FA8]  }
0x2e: {  	s3 =	simm.s32 @!p0 $0x1082;
	s9 =	sld [smem:$0x3FA9]  }
0x2f: {  	lr =	sadd.s32 s0, s3;
	s0 =	sld [smem:$0x3FA0]  }
0x30: {  	s3 =	sld [smem:$0x3FA3]  }
0x31: {  	[smem:$0x3FAC] =	sst s10  }
0x32: {  	s10 =	sld [smem:$0x3FAA];
	_ =	sdelay $0x3  }
0x33: {  	p0 =	seq.s32 s10, $0x1;
	s10 =	sld [smem:$0x3FAC];
	_ =	sdelay $0x3  }
0x34: {  	[smem:$0x3FAC] =	sst s10  }
0x35: {  	s10 =	sld [smem:$0x3FAB];
	_ =	sdelay $0x3  }
0x36: {  	p1 =	seq.s32 s10, $0x1;
	s10 =	sld [smem:$0x3FAC];
	_ =	sdelay $0x3  }
0x37: {  	[smem:$0x3FAC] =	sst s10  }
0x38: {  	s10 =	sld [smem:$0x3FAD]  }
0x39: {  	_ = 	snop;
	(pc) =	sbr.ind lr, $3  }
0x3a: {  	_ = 	snop  }
0x3b: {  	_ = 	snop  }
0x3c: {  	p2 =	seq.s32 s10, $0x1;
	s10 =	sld [smem:$0x3FAC]  }
0x3d: {  	_ =	shalt  }
0x3e: {  	_ =	shalt  }
0x3f: {  	_ =	shalt  }
0x40: {  	_ =	shalt  }
0x41: {  	_ =	shalt  }
0x42: {  	_ =	shalt  }
0x43: {  	_ =	shalt  }
0x44: {  	_ =	shalt  }
0x45: {  	_ =	shalt  }
0x46: {  	_ =	shalt  }
0x47: {  	_ =	shalt  }
0x48: {  	_ =	shalt  }
0x49: {  	_ =	shalt  }
0x4a: {  	_ =	shalt  }
0x4b: {  	_ =	shalt  }
0x4c: {  	_ =	shalt  }
0x4d: {  	_ =	shalt  }
0x4e: {  	_ =	shalt  }
0x4f: {  	_ =	shalt  }
0x50: {  	_ =	shalt  }
0x51: {  	_ =	shalt  }
0x52: {  	_ =	shalt  }
0x53: {  	_ =	shalt  }
0x54: {  	_ =	shalt  }
0x55: {  	_ =	shalt  }
0x56: {  	_ =	shalt  }
0x57: {  	_ =	shalt  }
0x58: {  	_ =	shalt  }
0x59: {  	_ =	shalt  }
0x5a: {  	_ =	shalt  }
0x5b: {  	_ =	shalt  }
0x5c: {  	_ =	shalt  }
0x5d: {  	_ =	shalt  }
0x5e: {  	_ =	shalt  }
0x5f: {  	_ =	shalt  }
0x60: {  	_ =	shalt  }
0x61: {  	_ =	shalt  }
0x62: {  	_ =	shalt  }
0x63: {  	_ =	shalt  }
0x64: {  	_ =	shalt  }
0x65: {  	_ =	shalt  }
0x66: {  	_ =	shalt  }
0x67: {  	_ =	shalt  }
0x68: {  	_ =	shalt  }
0x69: {  	_ =	shalt  }
0x6a: {  	_ =	shalt  }
0x6b: {  	_ =	shalt  }
0x6c: {  	_ =	shalt  }
0x6d: {  	_ =	shalt  }
0x6e: {  	_ =	shalt  }
0x6f: {  	_ =	shalt  }
0x70: {  	_ =	shalt  }
0x71: {  	_ =	shalt  }
0x72: {  	_ =	shalt  }
0x73: {  	_ =	shalt  }
0x74: {  	_ =	shalt  }
0x75: {  	_ =	shalt  }
0x76: {  	_ =	shalt  }
0x77: {  	_ =	shalt  }
0x78: {  	_ =	shalt  }
0x79: {  	_ =	shalt  }
0x7a: {  	_ =	shalt  }
0x7b: {  	_ =	shalt  }
0x7c: {  	_ =	shalt  }
0x7d: {  	_ =	shalt  }
0x7e: {  	_ =	shalt  }
0x7f: {  	_ =	shalt  }
0x80: {  	_ =	shalt  }
0x81: {  	_ =	shalt  }
0x82: {  	_ =	shalt  }
0x83: {  	_ =	shalt  }
0x84: {  	_ =	shalt  }
0x85: {  	_ =	shalt  }
0x86: {  	_ =	shalt  }
0x87: {  	_ =	shalt  }
.Lfunc_end0:
.L_simem_size_0:
called_computation_lowered:
.L_overlay_start_0:
0x88: {  	s2 =	sld [smem:$0x3FD9]  }
0x89: {  	s3 =	sld [smem:$0x3FFE];
	_ =	sdelay $0x1  }
0x8a: {  	s1 =	srdreg.scid  }
0x8b: {  	s0 =	sand.u32 $0x1, s1  }
0x8c: {  	s17 =	sshll.u32 s0, $0xA;
	s2 =	sadd.s32 s3, s2  }
0x8d: {  	s2 =	sadd.s32 s2, s17  }
0x8e: {  	[smem:$0x3FB8] =	sst s2  }
0x8f: {  	_ = 	snop  }
0x90: {  	s2 =	sld [smem:$0x3FC9];
	(tm) =	ssettm $0x1  }
0x91: {  	s18 =	sld [smem:$0x3FFB];
	_ =	sdelay $0x3  }
0x92: {  	_ =	strace s18  }
0x93: {  	s3 =	sld [smem:$0x3FFC];
	_ =	sdelay $0x3  }
0x94: {  	_ =	strace s3  }
0x95: {  	s3 =	sld [smem:$0x3FFD];
	_ =	sdelay $0x3  }
0x96: {  	_ =	strace s3  }
0x97: {  	_ =	strace $0x8FFFFFFF  }
0x98: {  	s19 =	sld [smem:$0x3FDB];
	_ =	sdelay $0x1  }
0x99: {  	s4 =	simm.s32 $_scs_section_size  }
0x9a: {  	s5 =	simm.s32 $_size__tile_overlayer_lowered;
	s6 =	simm.s32 $_tile_overlayer_lowered  }
0x9b: {  	s22 =	simm.s32 $0x1BFF;
	s21 =	sshll.u32 s6, $0x1;
	s3 =	sadd.s32 s4, s19  }
0x9c: {  	s7 =	simm.s32 $0x0;
	s20 =	sshll.u32 s5, $0x1;
	s5 =	sadd.s32 s21, s3  }
0x9d: {  	[timem:s7], [sflag:s22] =	dma.local [hbm:s5], s20  }
0x9e: {  	_ =	swait.ge [sflag:s22], s20  }
0x9f: {  	s4 =	ssub.s32 $0x0, s20;
	[sflag:s22] =	ssyncset.done $0x0  }
0xa0: {  	[sflag:s22] =	ssyncadd.s32 s4;
	_ =	sdelay $0x1  }
0xa1: {  	s23 =	simm.s32 $0x1B8B  }
0xa2: {  	_ =	swait.ge [sflag:s23], $0x1  }
0xa3: {  	[sflag:s23] =	ssyncset.done $0x0  }
0xa4: {  	s25 =	simm.s32 $0x1B8E;
	s24 =	sld [smem:$0x3FFE];
	[sflag:s23] =	ssyncadd.s32 $0xFFFFFFFF  }
0xa5: {  	s26 =	simm.s32 $execute0_lowered;
	[smem:$0x3FD2] =	sst s25  }
0xa6: {  	s5 =	sshll.u32 s26, $0x1;
	_ =	strace $0x80000046;
	[dreg:$0x1] =	wrdreg $0xFFFFFFFF  }
0xa7: {  	s28 =	simm.s32 $_size_execute0_lowered;
	s3 =	sadd.s32 s3, s5;
	[dreg:$0x0] =	wrdreg $0x0  }
0xa8: {  	s5 =	sshll.u32 s28, $0x1;
	[dreg:$0x2] =	wrdreg s3  }
0xa9: {  	[dreg:$0x3] =	wrdreg s5  }
0xaa: {  	[dreg:$0x4] =	wrdreg $0xC0  }
0xab: {  	_ =	task [dreg:s7], $0x5FFFF  }
0xac: {  	[dreg:$0x1] =	wrdreg $0xFFFFFFFF  }
0xad: {  	[dreg:$0x0] =	wrdreg $0x60  }
0xae: {  	[dreg:$0x2] =	wrdreg s2  }
0xaf: {  	[dreg:$0x3] =	wrdreg s24  }
0xb0: {  	[dreg:$0x4] =	wrdreg $0x0  }
0xb1: {  	[dreg:$0x5] =	wrdreg $0x9  }
0xb2: {  	_ =	task.clear_ibuf [dreg:s7], $0x6FFFF;
	_ =	strace $0x90000046  }
0xb3: {  	s29 =	simm.s32 $0x9;
	_ =	strace $0x80000048  }
0xb4: {  	_ =	swait.ge [sflag:s29], $0x1  }
0xb5: {  	[sflag:s29] =	ssyncadd.s32 $0xFFFFFFFF  }
0xb6: {  	_ =	strace $0x90000048  }
0xb7: {  	_ =	sfence  }
0xb8: {  	s30 =	sld [smem:$0x0];
	_ =	sdelay $0x2  }
0xb9: {  	s31 =	sshll.u32 s1, $0xD;
	s1 =	sshrl.u32 s1, $0x2  }
0xba: {  	s3 =	sand.u32 $0x4000, s31;
	s1 =	sadd.s32 s1, s30  }
0xbb: {  	s0 =	sor.u32 s3, s0;
	s1 =	sshll.u32 s1, $0x11  }
0xbc: {  	s0 =	sor.u32 s1, s0  }
0xbd: {  	s0 =	sadd.s32 $0x8F2B, s0  }
0xbe: {  	[sflag:s0] =	ssyncadd.remote.s32 $0x1  }
0xbf: {  	_ =	sfence.sel $0xFFFF  }
0xc0: {  	[dreg:$0x0] =	wrdreg $0xFFFFFFFF;
	(pc) =	sbr.abs _section_cstart, $3  }
0xc1: {  	[dreg:$0x1] =	wrdreg $0xFFFFFFFF  }
0xc2: {  	_ =	task.clear_ibuf [dreg:s7], $0x2FFFF;
	_ =	strace $0x9FFFFFFF  }
0xc3: {  	(tm) =	ssettm $0x7FFFFFFF  }
tec
execute0_lowered:
.L_overlay_start_1:
0x0: {  	(tag) =	ssettag $0x1  }
0x1: {  	s1 =	rddreg [dreg:$0x0]  }
0x2: {  	s0 =	srdreg.scid;
	s2 =	rddreg [dreg:$0x1]  }
0x3: {  	s12 =	stileid.u32;
	s3 =	rddreg [dreg:$0x2];
	s28 =	simm.s32 $0x1  }
0x4: {  	s29 =	simm.s32 $0x3;
	s30 =	simm.s32 $0x50;
	s6 =	smul.u32 $0x50000, s12  }
0x5: {  	s31 =	simm.s32 $0x1CF80;
	s0 =	sand.u32 $0x1, s0;
	s26 =	smul.u32 $0x2800, s12  }
0x6: {  	s4 =	sshll.u32 s0, $0x4;
	s7 =	ssub.s32 $0x2, s0;
	p0 =	seq.s32 s0, $0x1  }
0x7: {  	s5 =	sor.u32 s12, s4;
	s10 =	sshrl.u32 s7, $0x1;
	s11 =	sshrl.u32 s6, $0x2  }
0x8: {  	s4 =	simm.s32 $0x0;
	s10 =	ssub.s32 s7, s10;
	s7 =	sadd.s32 s11, s3  }
0x9: {  	s0 =	simm.s32 $0x43600;
	[smem:$0x7FF] =	sst s4;
	s11 =	sadd.s32 $0x2800, s7  }
0xa: {  	_ =	strace $0x80000047;
	s19 =	sadd.s32 $0x5000, s7;
	[dreg:$0x4] =	wrdreg s11  }
0xb: {  	s6 =	sadd.s32 $0x7A00, s2;
	s20 =	sadd.s32 $0x7800, s7;
	[dreg:$0x5] =	wrdreg s19  }
0xc: {  	s0 =	simm.s32 @!p0 $0x1B600;
	s21 =	sadd.s32 $0xA000, s7;
	[dreg:$0x6] =	wrdreg s20  }
0xd: {  	s5 =	smul.u32 $0x2710, s5;
	s22 =	sadd.s32 $0xC800, s7;
	[dreg:$0x7] =	wrdreg s21  }
0xe: {  	s0 =	sadd.s32 s0, s2;
	s23 =	sadd.s32 $0xF000, s7;
	[dreg:$0x8] =	wrdreg s22  }
0xf: {  	s24 =	sadd.s32 $0x11800, s7;
	s8 =	sshrl.u32 s5, $0x3;
	[dreg:$0x9] =	wrdreg s23  }
0x10: {  	[dreg:$0xa] =	wrdreg s24;
	s20 =	smax.u32 s10, $0x1;
	s21 =	sadd.s32 s0, s26  }
0x11: {  	s22 =	simm.s32 $0x1A780;
	s23 =	simm.s32 $0x14000;
	s9 =	sadd.s32 s8, s2  }
0x12: {  	s0 =	simm.s32 $0x5;
	s16 =	sadd.s32 s6, s8;
	s9 =	sadd.s32 $0x11800, s9  }
0x13: {  	s24 =	simm.s32 $0x2;
	s8 =	sadd.s32 $0xA, s16;
	[dreg:$0xb] =	wrdreg s9  }
0x14: {  	s26 =	simm.s32 $0x0;
	s25 =	sadd.s32 $0x14, s16;
	[dreg:$0xc] =	wrdreg s8  }
0x15: {  	v0 =	vimm.f32 $0.0e+00;
	s2 =	simm.s32 $0x4;
	s19 =	sadd.s32 $0x1E, s16;
	[dreg:$0xd] =	wrdreg s25  }
.LBB2_1:
0x16: {  	s8 =	sand.u32 $0xFE00, s4  }
0x17: {  	s9 =	sand.u32 $0x70, s4;
	s10 =	sshrl.u32 s8, $0x2  }
0x18: {  	s8 =	simm.s32 $0x40;
	s10 =	sor.u32 s9, s10;
	s9 =	simm.s32 $0x0  }
.LBB2_2:
0x19: {  	p0 =	sne.s32 s8, $0x9FC0  }
0x1a: {  	[tilespmem:s10+$0x1A780] =	vst v0;
	s9 =	sadd.s32 $0x10, s9;
	s10 =	smov.u32 s8;
	s8 =	sadd.s32 $0x40, s8  }
.Ltmp0:
0x1b: {  	(pc) =	sbr.rel @p0 .LBB2_2-.Ltmp0, $4  }
0x1c: {  	_ = 	snop  }
0x1d: {  	s10 =	sand.u32 $0xFE00, s10  }
0x1e: {  	s11 =	sand.u32 $0x70, s9;
	s10 =	sshrl.u32 s10, $0x2  }
0x1f: {  	s10 =	sor.u32 s11, s10  }
0x20: {  	[tilespmem:s10+$0x1A780] =	vst v0  }
0x21: {  	[spmem:s7] =	stream.linear.scatter [tilespmem:s22], [sflag:$0x3], $0x2800, $0x38;
	[tilespmem:$0x1F780] =	vst v63  }
0x22: {  	s8 =	rddreg [dreg:$0x4]  }
0x23: {  	[spmem:s8] =	stream.linear.scatter [tilespmem:s22], [sflag:$0x3], $0x2800, $0x38;
	[tilespmem:$0x1F780] =	vst v63  }
0x24: {  	s17 =	rddreg [dreg:$0x5]  }
0x25: {  	[spmem:s17] =	stream.linear.scatter [tilespmem:s22], [sflag:$0x3], $0x2800, $0x38;
	[tilespmem:$0x1F780] =	vst v63  }
0x26: {  	s18 =	rddreg [dreg:$0x6]  }
0x27: {  	[spmem:s18] =	stream.linear.scatter [tilespmem:s22], [sflag:$0x3], $0x2800, $0x38;
	[tilespmem:$0x1F780] =	vst v63  }
0x28: {  	s25 =	rddreg [dreg:$0x7]  }
0x29: {  	[spmem:s25] =	stream.linear.scatter [tilespmem:s22], [sflag:$0x3], $0x2800, $0x38;
	[tilespmem:$0x1F780] =	vst v63  }
0x2a: {  	s9 =	rddreg [dreg:$0x8]  }
0x2b: {  	[spmem:s9] =	stream.linear.scatter [tilespmem:s22], [sflag:$0x3], $0x2800, $0x38;
	[tilespmem:$0x1F780] =	vst v63  }
0x2c: {  	s10 =	rddreg [dreg:$0x9]  }
0x2d: {  	[spmem:s10] =	stream.linear.scatter [tilespmem:s22], [sflag:$0x3], $0x2800, $0x38;
	[tilespmem:$0x1F780] =	vst v63  }
0x2e: {  	s11 =	rddreg [dreg:$0xa]  }
0x2f: {  	[spmem:s11] =	stream.linear.scatter [tilespmem:s22], [sflag:$0x3], $0x2800, $0x38;
	[tilespmem:$0x1F780] =	vst v63  }
0x30: {  	s12 =	simm.s32 $0x0;
	s9 =	rddreg [dreg:$0xb]  }
0x31: {  	[tilespmem:s23], [sflag:$0x1] =	stream.linear.gather [hbm4b:s9+s12], $0x2710, $0x38;
	[tilespmem:$0x1F780] =	vst v63  }
0x32: {  	s9 =	simm.s32 $0x16780  }
0x33: {  	[tilespmem:s9], [sflag:$0x4] =	stream.linear.gather [hbm4b:s16+s12], $0x50, $0x38;
	[tilespmem:$0x1F780] =	vst v63  }
0x34: {  	s13 =	rddreg [dreg:$0xc];
	s11 =	simm.s32 $0x16800  }
0x35: {  	[tilespmem:s11], [sflag:$0x4] =	stream.linear.gather [hbm4b:s13+s12], $0x50, $0x38;
	[tilespmem:$0x1F780] =	vst v63  }
0x36: {  	s14 =	rddreg [dreg:$0xd];
	s15 =	simm.s32 $0x16880  }
0x37: {  	[tilespmem:s15], [sflag:$0x4] =	stream.linear.gather [hbm4b:s14+s12], $0x50, $0x38;
	[tilespmem:$0x1F780] =	vst v63  }
0x38: {  	s17 =	simm.s32 $0x16900  }
0x39: {  	[tilespmem:s17], [sflag:$0x4] =	stream.linear.gather [hbm4b:s19+s12], $0x50, $0x38;
	[tilespmem:$0x1F780] =	vst v63  }
0x3a: {  	_ =	swait.ge [sflag:s28], $0x2710  }
0x3b: {  	[sflag:s28] =	ssyncset.done $0x0  }
0x3c: {  	[sflag:s28] =	ssyncadd.s32 $0xFFFFD8F0  }
0x3d: {  	_ =	swait.ge [sflag:s29], $0x2800  }
0x3e: {  	[sflag:s29] =	ssyncset.done $0x0  }
0x3f: {  	[sflag:s29] =	ssyncadd.s32 $0xFFFFD800  }
0x40: {  	_ =	swait.ge [sflag:s29], $0x2800  }
0x41: {  	[sflag:s29] =	ssyncset.done $0x0  }
0x42: {  	[sflag:s29] =	ssyncadd.s32 $0xFFFFD800  }
0x43: {  	_ =	swait.ge [sflag:s29], $0x2800  }
0x44: {  	[sflag:s29] =	ssyncset.done $0x0  }
0x45: {  	[sflag:s29] =	ssyncadd.s32 $0xFFFFD800  }
0x46: {  	_ =	swait.ge [sflag:s29], $0x2800  }
0x47: {  	[sflag:s29] =	ssyncset.done $0x0  }
0x48: {  	[sflag:s29] =	ssyncadd.s32 $0xFFFFD800  }
0x49: {  	_ =	swait.ge [sflag:s29], $0x2800  }
0x4a: {  	[sflag:s29] =	ssyncset.done $0x0  }
0x4b: {  	[sflag:s29] =	ssyncadd.s32 $0xFFFFD800  }
0x4c: {  	_ =	swait.ge [sflag:s29], $0x2800  }
0x4d: {  	[sflag:s29] =	ssyncset.done $0x0  }
0x4e: {  	s18 =	smin.u32 s12, $0x78;
	[sflag:s29] =	ssyncadd.s32 $0xFFFFD800  }
0x4f: {  	s10 =	sadd.s32 $0x4, s18;
	_ =	swait.ge [sflag:s29], $0x2800  }
0x50: {  	s8 =	smin.u32 s12, $0x77;
	s25 =	smul.u32 $0x50, s10;
	[sflag:s29] =	ssyncset.done $0x0  }
0x51: {  	s8 =	sadd.s32 $0x5, s8;
	s10 =	sshll.u32 s10, $0x7;
	[sflag:s29] =	ssyncadd.s32 $0xFFFFD800  }
0x52: {  	s11 =	sadd.s32 s5, s25;
	s12 =	smul.u32 $0x50, s8;
	_ =	swait.ge [sflag:s29], $0x2800  }
0x53: {  	s10 =	sadd.s32 $0x16780, s10;
	s11 =	sshrl.u32 s11, $0x3;
	[sflag:s29] =	ssyncset.done $0x0  }
0x54: {  	s11 =	sadd.s32 s6, s11;
	s12 =	sadd.s32 s5, s12;
	[sflag:s29] =	ssyncadd.s32 $0xFFFFD800  }
0x55: {  	[tilespmem:s22], [sflag:$0x1] =	stream.indirect.gather [hbm4b:s1+s30], $0x80, s23, s30, $0xb8;
	[tilespmem:$0x1F780] =	vst v63  }
0x56: {  	s8 =	sshll.u32 s8, $0x7;
	s12 =	sshrl.u32 s12, $0x3;
	[bflag:$0x0] =	sbarrier.arrive $0xFFFF  }
0x57: {  	[tilespmem:s10], [sflag:$0x4] =	stream.linear.gather [hbm4b:s11+s4], $0x50, $0x38;
	[tilespmem:$0x1F780] =	vst v63  }
0x58: {  	s8 =	sadd.s32 $0x16780, s8;
	s13 =	sadd.s32 s6, s12  }
0x59: {  	[tilespmem:s8], [sflag:$0x4] =	stream.linear.gather [hbm4b:s13+s4], $0x50, $0x38;
	[tilespmem:$0x1F780] =	vst v63  }
0x5a: {  	s14 =	simm.s32 $0x14050  }
0x5b: {  	[tilespmem:s31], [sflag:$0x2] =	stream.indirect.gather [hbm4b:s1+s30], $0x80, s14, s30, $0xb8;
	[tilespmem:$0x1F780] =	vst v63  }
0x5c: {  	_ =	swait.ge [sflag:s28], $0x2800  }
0x5d: {  	[sflag:s28] =	ssyncset.done $0x0  }
0x5e: {  	[sflag:s28] =	ssyncadd.s32 $0xFFFFD800  }
0x5f: {  	_ =	swait.ge [sflag:s2], $0x50  }
0x60: {  	[sflag:s2] =	ssyncset.done $0x0  }
0x61: {  	[sflag:s2] =	ssyncadd.s32 $0xFFFFFFB0  }
0x62: {  	[spmem:s3] =	stream.indirect.scatter.add.f32 [tilespmem:s22], [sflag:$0x5], $0x80, s9, s30, $0xb8;
	[tilespmem:$0x1F780] =	vst v63  }
0x63: {  	s25 =	simm.s32 $0x16880;
	s17 =	simm.s32 $0x2;
	_ =	swait.ge [sflag:s0], $0x2800  }
0x64: {  	s15 =	simm.s32 $0x140A0;
	s18 =	smin.u32 s17, $0x78;
	[sflag:s0] =	ssyncset.done $0x0  }
0x65: {  	s12 =	simm.s32 $0x16800;
	s8 =	sadd.s32 $0x4, s18;
	[sflag:s0] =	ssyncadd.s32 $0xFFFFD800  }
0x66: {  	[tilespmem:s22], [sflag:$0x1] =	stream.indirect.gather [hbm4b:s1+s30], $0x80, s15, s30, $0xb8;
	[tilespmem:$0x1F780] =	vst v63  }
0x67: {  	s11 =	simm.s32 $0x4;
	s10 =	sshll.u32 s8, $0x7;
	_ =	swait.ge [sflag:s24], $0x2800  }
0x68: {  	s14 =	smul.u32 $0x50, s8;
	s9 =	smin.u32 s17, $0x77;
	[sflag:s24] =	ssyncset.done $0x0  }
0x69: {  	s8 =	simm.s32 $0x14140;
	s13 =	sadd.s32 $0x5, s9;
	[sflag:s24] =	ssyncadd.s32 $0xFFFFD800  }
0x6a: {  	s9 =	sadd.s32 s5, s14;
	s14 =	smul.u32 $0x50, s13;
	_ =	swait.ge [sflag:s2], $0x50  }
.LBB2_4:
0x6b: {  	s15 =	sshrl.u32 s9, $0x3;
	s13 =	sshll.u32 s13, $0x7  }
0x6c: {  	[sflag:s2] =	ssyncset.done $0x0;
	s17 =	smov.u32 s11;
	s9 =	smov.u32 s25  }
0x6d: {  	s15 =	sadd.s32 s6, s15;
	s14 =	sadd.s32 s5, s14;
	[sflag:s2] =	ssyncadd.s32 $0xFFFFFFB0  }
0x6e: {  	[spmem:s3] =	stream.indirect.scatter.add.f32 [tilespmem:s31], [sflag:$0x5], $0x80, s12, s30, $0xb8;
	[tilespmem:$0x1F780] =	vst v63  }
0x6f: {  	s18 =	sadd.s32 $0x2, s11;
	s12 =	sshrl.u32 s14, $0x3;
	_ =	swait.ge [sflag:s0], $0x2800  }
0x70: {  	p0 =	sne.s32 s11, $0x7A;
	[sflag:s0] =	ssyncset.done $0x0  }
0x71: {  	s10 =	sadd.s32 $0x16780, s10;
	[sflag:s0] =	ssyncadd.s32 $0xFFFFD800  }
0x72: {  	[tilespmem:s10], [sflag:$0x4] =	stream.linear.gather [hbm4b:s15+s4], $0x50, $0x38;
	[tilespmem:$0x1F780] =	vst v63  }
0x73: {  	s11 =	sadd.s32 s6, s12;
	s10 =	sadd.s32 $0x16780, s13  }
0x74: {  	[tilespmem:s10], [sflag:$0x4] =	stream.linear.gather [hbm4b:s11+s4], $0x50, $0x38;
	[tilespmem:$0x1F780] =	vst v63  }
0x75: {  	s10 =	sadd.s32 $0xFFFFFFB0, s8  }
0x76: {  	[tilespmem:s31], [sflag:$0x2] =	stream.indirect.gather [hbm4b:s1+s30], $0x80, s10, s30, $0xb8;
	[tilespmem:$0x1F780] =	vst v63  }
0x77: {  	_ =	swait.ge [sflag:s28], $0x2800  }
0x78: {  	[sflag:s28] =	ssyncset.done $0x0  }
0x79: {  	[sflag:s28] =	ssyncadd.s32 $0xFFFFD800  }
0x7a: {  	_ =	swait.ge [sflag:s2], $0x50  }
0x7b: {  	[sflag:s2] =	ssyncset.done $0x0  }
0x7c: {  	[sflag:s2] =	ssyncadd.s32 $0xFFFFFFB0  }
0x7d: {  	[spmem:s3] =	stream.indirect.scatter.add.f32 [tilespmem:s22], [sflag:$0x5], $0x80, s25, s30, $0xb8;
	[tilespmem:$0x1F780] =	vst v63  }
0x7e: {  	_ =	swait.ge [sflag:s0], $0x2800  }
0x7f: {  	[sflag:s0] =	ssyncset.done $0x0  }
0x80: {  	s12 =	smin.u32 s17, $0x77;
	s10 =	smin.u32 s17, $0x78;
	[sflag:s0] =	ssyncadd.s32 $0xFFFFD800  }
0x81: {  	[tilespmem:s22], [sflag:$0x1] =	stream.indirect.gather [hbm4b:s1+s30], $0x80, s8, s30, $0xb8;
	[tilespmem:$0x1F780] =	vst v63  }
.Ltmp1:
0x82: {  	s25 =	sadd.s32 $0x100, s25;
	_ =	swait.ge [sflag:s24], $0x2800;
	(pc) =	sbr.rel @p0 .LBB2_4-.Ltmp1, $4  }
0x83: {  	s13 =	sadd.s32 $0x5, s12;
	s11 =	sadd.s32 $0x4, s10;
	[sflag:s24] =	ssyncset.done $0x0  }
0x84: {  	s10 =	sshll.u32 s11, $0x7;
	s11 =	smul.u32 $0x50, s11;
	[sflag:s24] =	ssyncadd.s32 $0xFFFFD800  }
0x85: {  	s12 =	sadd.s32 $0x80, s9;
	s14 =	smul.u32 $0x50, s13;
	s8 =	sadd.s32 $0xA0, s8  }
0x86: {  	s9 =	sadd.s32 s5, s11;
	s11 =	smov.u32 s18;
	_ =	swait.ge [sflag:s2], $0x50  }
0x87: {  	[sflag:s2] =	ssyncset.done $0x0  }
0x88: {  	[sflag:s2] =	ssyncadd.s32 $0xFFFFFFB0  }
0x89: {  	[spmem:s3] =	stream.indirect.scatter.add.f32 [tilespmem:s31], [sflag:$0x5], $0x80, s12, s30, $0xb8;
	[tilespmem:$0x1F780] =	vst v63  }
0x8a: {  	s9 =	sshrl.u32 s9, $0x3;
	s11 =	sshll.u32 s13, $0x7;
	_ =	swait.ge [sflag:s0], $0x2800  }
0x8b: {  	s18 =	sadd.s32 s5, s14;
	s10 =	sadd.s32 $0x16780, s10;
	[sflag:s0] =	ssyncset.done $0x0  }
0x8c: {  	s9 =	sadd.s32 s6, s9;
	s12 =	sshrl.u32 s18, $0x3;
	[sflag:s0] =	ssyncadd.s32 $0xFFFFD800  }
0x8d: {  	[tilespmem:s10], [sflag:$0x4] =	stream.linear.gather [hbm4b:s9+s4], $0x50, $0x38;
	[tilespmem:$0x1F780] =	vst v63  }
0x8e: {  	s11 =	sadd.s32 $0x16780, s11;
	s13 =	sadd.s32 s6, s12  }
0x8f: {  	[tilespmem:s11], [sflag:$0x4] =	stream.linear.gather [hbm4b:s13+s4], $0x50, $0x38;
	[tilespmem:$0x1F780] =	vst v63  }
0x90: {  	s14 =	sadd.s32 $0xFFFFFFB0, s8  }
0x91: {  	[tilespmem:s31], [sflag:$0x2] =	stream.indirect.gather [hbm4b:s1+s30], $0x80, s14, s30, $0xb8;
	[tilespmem:$0x1F780] =	vst v63  }
0x92: {  	_ =	swait.ge [sflag:s28], $0x2800  }
0x93: {  	[sflag:s28] =	ssyncset.done $0x0  }
0x94: {  	[sflag:s28] =	ssyncadd.s32 $0xFFFFD800  }
0x95: {  	_ =	swait.ge [sflag:s2], $0x50  }
0x96: {  	[sflag:s2] =	ssyncset.done $0x0  }
0x97: {  	[sflag:s2] =	ssyncadd.s32 $0xFFFFFFB0  }
0x98: {  	[spmem:s3] =	stream.indirect.scatter.add.f32 [tilespmem:s22], [sflag:$0x5], $0x80, s25, s30, $0xb8;
	[tilespmem:$0x1F780] =	vst v63  }
0x99: {  	_ =	swait.ge [sflag:s0], $0x2800  }
0x9a: {  	[sflag:s0] =	ssyncset.done $0x0  }
0x9b: {  	[sflag:s0] =	ssyncadd.s32 $0xFFFFD800  }
0x9c: {  	[tilespmem:s22], [sflag:$0x1] =	stream.indirect.gather [hbm4b:s1+s30], $0x80, s8, s30, $0xb8;
	[tilespmem:$0x1F780] =	vst v63  }
0x9d: {  	_ =	swait.ge [sflag:s24], $0x2800  }
0x9e: {  	[sflag:s24] =	ssyncset.done $0x0  }
0x9f: {  	[sflag:s24] =	ssyncadd.s32 $0xFFFFD800  }
0xa0: {  	_ =	swait.ge [sflag:s2], $0x50  }
0xa1: {  	[sflag:s2] =	ssyncset.done $0x0  }
0xa2: {  	s15 =	sadd.s32 $0x80, s25;
	[sflag:s2] =	ssyncadd.s32 $0xFFFFFFB0  }
0xa3: {  	[spmem:s3] =	stream.indirect.scatter.add.f32 [tilespmem:s31], [sflag:$0x5], $0x80, s15, s30, $0xb8;
	[tilespmem:$0x1F780] =	vst v63  }
0xa4: {  	_ =	swait.ge [sflag:s0], $0x2800  }
0xa5: {  	[sflag:s0] =	ssyncset.done $0x0  }
0xa6: {  	[sflag:s0] =	ssyncadd.s32 $0xFFFFD800  }
0xa7: {  	_ =	swait.ge [sflag:s28], $0x2800  }
0xa8: {  	[sflag:s28] =	ssyncset.done $0x0  }
0xa9: {  	[sflag:s28] =	ssyncadd.s32 $0xFFFFD800  }
0xaa: {  	_ =	swait.ge [sflag:s2], $0x50  }
0xab: {  	[sflag:s2] =	ssyncset.done $0x0  }
0xac: {  	[sflag:s2] =	ssyncadd.s32 $0xFFFFFFB0  }
0xad: {  	_ =	swait.ge [sflag:s2], $0x50  }
0xae: {  	[sflag:s2] =	ssyncset.done $0x0  }
0xaf: {  	[sflag:s2] =	ssyncadd.s32 $0xFFFFFFB0  }
0xb0: {  	_ =	swait.ge [sflag:s2], $0x50  }
0xb1: {  	[sflag:s2] =	ssyncset.done $0x0  }
0xb2: {  	[sflag:s2] =	ssyncadd.s32 $0xFFFFFFB0  }
0xb3: {  	_ =	swait.ge [sflag:s2], $0x50  }
0xb4: {  	[sflag:s2] =	ssyncset.done $0x0  }
0xb5: {  	s17 =	simm.s32 $0x1A580;
	[sflag:s2] =	ssyncadd.s32 $0xFFFFFFB0  }
0xb6: {  	[spmem:s3] =	stream.indirect.scatter.add.f32 [tilespmem:s22], [sflag:$0x5], $0x80, s17, s30, $0xb8;
	[tilespmem:$0x1F780] =	vst v63  }
0xb7: {  	s26 =	sadd.s32 $0x1, s26;
	_ =	swait.ge [sflag:s0], $0x2800  }
0xb8: {  	p0 =	sne.s32 s26, s20;
	s18 =	stileid.u32;
	[sflag:s0] =	ssyncset.done $0x0  }
0xb9: {  	s25 =	sshrl.u32 s7, $0x3;
	s8 =	sshll.u32 s18, $0x6;
	[sflag:s0] =	ssyncadd.s32 $0xFFFFD800  }
.Ltmp2:
0xba: {  	s8 =	sor.u32 $0x1C05, s8;
	[bflag:$0x0] =	sbarrier.arrive $0xFFFF;
	(pc) =	sbr.rel @p0 .LBB2_1-.Ltmp2, $4  }
0xbb: {  	[hbm:s21], [sflag:s8] =	dma.local [spmem:s25], $0x2800  }
0xbc: {  	_ =	swait.ge [sflag:s0], $0x2800  }
0xbd: {  	[sflag:s0] =	ssyncset.done $0x0  }
0xbe: {  	[sflag:s0] =	ssyncadd.s32 $0xFFFFD800  }
0xbf: {  	_ =	sfence.sel $0x180000  }
0xc0: {  	[bflag:$0x0] =	sbarrier.arrive $0xFFFF  }
0xc1: {  	_ =	strace $0x90000047  }
0xc2: {  	s0 =	stileid.u32;
	[bflag:$0x2] =	sbarrier.arrive $0xFFFF  }
0xc3: {  	p0 =	sne.s32 s0, $0x0;
	s0 =	rddreg [dreg:$0x3]  }
0xc4: {  	s0 =	sadd.s32 @!p0 $0x100000, s0  }
0xc5: {  	[sflag:s0] =	ssyncadd.tile.s32 @!p0 $0x1;
	_ =	shalt  }
.Lfunc_end2:
_tile_overlayer_lowered:
.L_overlay_start_2:
0xc6: {  	(tag) =	ssettag $0x2  }
0xc7: {  	s0 =	rddreg [dreg:$0x0];
	s2 =	stileid.u32  }
0xc8: {  	s1 =	rddreg [dreg:$0x1];
	p0 =	sne.s32 s2, $0x0  }
0xc9: {  	s3 =	rddreg [dreg:$0x2];
	[bflag:$0x3] =	sbarrier.arrive $0xFFFF;
	s2 =	simm.s32 @!p0 $0x1C05  }
0xca: {  	[timem:s3], [sflag:s2] =	dma.local @!p0 [hbm:s0], s1  }
0xcb: {  	s0 =	simm.s32 @!p0 $0x5  }
0xcc: {  	_ =	swait.ge @!p0 [sflag:s0], s1  }
0xcd: {  	s1 =	ssub.s32 @!p0 $0x0, s1;
	[sflag:s0] =	ssyncset.done @!p0 $0x0  }
0xce: {  	[sflag:s0] =	ssyncadd.s32 @!p0 s1  }
0xcf: {  	[bflag:$0x3] =	sbarrier.arrive $0xFFFF  }
0xd0: {  	_ =	shalt  }

// kernel: kernel.16.cloned.1.call-start
scs
__scs_entry_jumppad:
0x0: {  	(pc) =	sbr.rel $0x88, $3  }
0x1: {  	(tag) =	ssettag $0x0;
	lr =	simm.s32 $0x1  }
0x2: {  	[smem:$0x3F91] =	sst lr;
	_ =	strace $0xD0000000  }
0x3: {  	_ = 	snop  }
0x4: {  	_ = 	snop  }
0x5: {  	_ = 	snop  }
0x6: {  	_ = 	snop  }
0x7: {  	_ = 	snop  }
__scs_overlays_trampoline_lowered:
0x8: {  	[smem:$0x3FA0] =	sst s0  }
0x9: {  	[smem:$0x3FA1] =	sst s1  }
0xa: {  	[smem:$0x3FA2] =	sst s2  }
0xb: {  	[smem:$0x3FA3] =	sst s3  }
0xc: {  	[smem:$0x3FA4] =	sst s4  }
0xd: {  	[smem:$0x3FA5] =	sst s5  }
0xe: {  	[smem:$0x3FA6] =	sst s6  }
0xf: {  	[smem:$0x3FA7] =	sst s7  }
0x10: {  	[smem:$0x3FA8] =	sst s8  }
0x11: {  	[smem:$0x3FA9] =	sst s9;
	s0 =	simm.s32 @!p0 $0x0  }
0x12: {  	s1 =	sld [smem:$0x3F8F];
	s0 =	simm.s32 @p0 $0x1  }
0x13: {  	[smem:$0x3FAA] =	sst s0;
	s0 =	simm.s32 @!p1 $0x0  }
0x14: {  	s2 =	sld [smem:$0x3F8E];
	s0 =	simm.s32 @p1 $0x1  }
0x15: {  	[smem:$0x3FAB] =	sst s0;
	s0 =	simm.s32 @!p2 $0x0  }
0x16: {  	s3 =	sld [smem:$0x3FDB];
	s0 =	simm.s32 @p2 $0x1  }
0x17: {  	s4 =	simm.s32 $0x1BF5;
	[smem:$0x3FAD] =	sst s0  }
0x18: {  	s0 =	sld [smem:$0x3F90];
	_ =	swait.ge [sflag:s4], $0x0  }
0x19: {  	s7 =	sld [smem:$0x3F91]  }
0x1a: {  	s8 =	sadd.s32 $0xFFFFE003, lr  }
0x1b: {  	s9 =	sadd.s32 $0xFFFFFEF7, lr;
	s5 =	simm.s32 $0xFFFFFFFF;
	p2 =	slt.u32 s8, $0xFFFFF086  }
0x1c: {  	p1 =	slt.u32 s9, $0xF7A;
	s5 =	simm.s32 @!p2 $0x0  }
0x1d: {  	s5 =	simm.s32 @p1 $0x1;
	p0 =	seq.s32 s7, s2  }
0x1e: {  	s7 =	smul.u32 @!p0 $0xF7A, s2;
	p2 =	seq.s32 @!p0 s5, $0x0  }
0x1f: {  	s9 =	smul.u32 $0xF7A, s1;
	s8 =	simm.s32 @!p0 $0x1BF5;
	p2 =	por !p2, p0  }
0x20: {  	[sflag:s8] =	ssyncset.s32 @!p0 $0xFFFFF086;
	s6 =	sadd.s32 @!p0 s3, s7;
	s7 =	simm.s32 @!p0 $0x108  }
0x21: {  	s3 =	sadd.s32 s3, s9;
	s6 =	sadd.s32 @!p0 $0x88, s6;
	s7 =	simm.s32 @p2 $0x1082  }
0x22: {  	[simem:s7], [sflag:s8] =	dma.local @!p0 [hbm:s6], $0xF7A  }
0x23: {  	s9 =	sor.u32 $0xD0000000, s2;
	s6 =	simm.s32 $0x108;
	_ =	swait.ge @!p0 [sflag:s8], $0x0  }
0x24: {  	s3 =	sadd.s32 $0x88, s3;
	s6 =	simm.s32 @!p1 $0x1082;
	[sflag:s4] =	ssyncset.s32 $0xFFFFF086  }
0x25: {  	[simem:s6], [sflag:s4] =	dma.local [hbm:s3], $0xF7A  }
0x26: {  	[smem:$0x3F91] =	sst s1;
	(tag) =	ssettag s2;
	_ =	strace s9  }
0x27: {  	s1 =	sld [smem:$0x3FA1]  }
0x28: {  	s2 =	sld [smem:$0x3FA2]  }
0x29: {  	s4 =	sld [smem:$0x3FA4]  }
0x2a: {  	p0 =	seq.s32 s5, $0x0;
	s5 =	sld [smem:$0x3FA5]  }
0x2b: {  	s6 =	sld [smem:$0x3FA6]  }
0x2c: {  	s7 =	sld [smem:$0x3FA7]  }
0x2d: {  	s3 =	simm.s32 $0x108;
	s8 =	sld [smem:$0x3FA8]  }
0x2e: {  	s3 =	simm.s32 @!p0 $0x1082;
	s9 =	sld [smem:$0x3FA9]  }
0x2f: {  	lr =	sadd.s32 s0, s3;
	s0 =	sld [smem:$0x3FA0]  }
0x30: {  	s3 =	sld [smem:$0x3FA3]  }
0x31: {  	[smem:$0x3FAC] =	sst s10  }
0x32: {  	s10 =	sld [smem:$0x3FAA];
	_ =	sdelay $0x3  }
0x33: {  	p0 =	seq.s32 s10, $0x1;
	s10 =	sld [smem:$0x3FAC];
	_ =	sdelay $0x3  }
0x34: {  	[smem:$0x3FAC] =	sst s10  }
0x35: {  	s10 =	sld [smem:$0x3FAB];
	_ =	sdelay $0x3  }
0x36: {  	p1 =	seq.s32 s10, $0x1;
	s10 =	sld [smem:$0x3FAC];
	_ =	sdelay $0x3  }
0x37: {  	[smem:$0x3FAC] =	sst s10  }
0x38: {  	s10 =	sld [smem:$0x3FAD]  }
0x39: {  	_ = 	snop;
	(pc) =	sbr.ind lr, $3  }
0x3a: {  	_ = 	snop  }
0x3b: {  	_ = 	snop  }
0x3c: {  	p2 =	seq.s32 s10, $0x1;
	s10 =	sld [smem:$0x3FAC]  }
0x3d: {  	_ =	shalt  }
0x3e: {  	_ =	shalt  }
0x3f: {  	_ =	shalt  }
0x40: {  	_ =	shalt  }
0x41: {  	_ =	shalt  }
0x42: {  	_ =	shalt  }
0x43: {  	_ =	shalt  }
0x44: {  	_ =	shalt  }
0x45: {  	_ =	shalt  }
0x46: {  	_ =	shalt  }
0x47: {  	_ =	shalt  }
0x48: {  	_ =	shalt  }
0x49: {  	_ =	shalt  }
0x4a: {  	_ =	shalt  }
0x4b: {  	_ =	shalt  }
0x4c: {  	_ =	shalt  }
0x4d: {  	_ =	shalt  }
0x4e: {  	_ =	shalt  }
0x4f: {  	_ =	shalt  }
0x50: {  	_ =	shalt  }
0x51: {  	_ =	shalt  }
0x52: {  	_ =	shalt  }
0x53: {  	_ =	shalt  }
0x54: {  	_ =	shalt  }
0x55: {  	_ =	shalt  }
0x56: {  	_ =	shalt  }
0x57: {  	_ =	shalt  }
0x58: {  	_ =	shalt  }
0x59: {  	_ =	shalt  }
0x5a: {  	_ =	shalt  }
0x5b: {  	_ =	shalt  }
0x5c: {  	_ =	shalt  }
0x5d: {  	_ =	shalt  }
0x5e: {  	_ =	shalt  }
0x5f: {  	_ =	shalt  }
0x60: {  	_ =	shalt  }
0x61: {  	_ =	shalt  }
0x62: {  	_ =	shalt  }
0x63: {  	_ =	shalt  }
0x64: {  	_ =	shalt  }
0x65: {  	_ =	shalt  }
0x66: {  	_ =	shalt  }
0x67: {  	_ =	shalt  }
0x68: {  	_ =	shalt  }
0x69: {  	_ =	shalt  }
0x6a: {  	_ =	shalt  }
0x6b: {  	_ =	shalt  }
0x6c: {  	_ =	shalt  }
0x6d: {  	_ =	shalt  }
0x6e: {  	_ =	shalt  }
0x6f: {  	_ =	shalt  }
0x70: {  	_ =	shalt  }
0x71: {  	_ =	shalt  }
0x72: {  	_ =	shalt  }
0x73: {  	_ =	shalt  }
0x74: {  	_ =	shalt  }
0x75: {  	_ =	shalt  }
0x76: {  	_ =	shalt  }
0x77: {  	_ =	shalt  }
0x78: {  	_ =	shalt  }
0x79: {  	_ =	shalt  }
0x7a: {  	_ =	shalt  }
0x7b: {  	_ =	shalt  }
0x7c: {  	_ =	shalt  }
0x7d: {  	_ =	shalt  }
0x7e: {  	_ =	shalt  }
0x7f: {  	_ =	shalt  }
0x80: {  	_ =	shalt  }
0x81: {  	_ =	shalt  }
0x82: {  	_ =	shalt  }
0x83: {  	_ =	shalt  }
0x84: {  	_ =	shalt  }
0x85: {  	_ =	shalt  }
0x86: {  	_ =	shalt  }
0x87: {  	_ =	shalt  }
.Lfunc_end0:
.L_simem_size_0:
called_computation.1_lowered:
.L_overlay_start_0:
0x88: {  	s2 =	sld [smem:$0x3FD9]  }
0x89: {  	s3 =	sld [smem:$0x3FFE];
	_ =	sdelay $0x1  }
0x8a: {  	s1 =	srdreg.scid  }
0x8b: {  	s0 =	sand.u32 $0x1, s1  }
0x8c: {  	s16 =	sshll.u32 s0, $0xA;
	s2 =	sadd.s32 s3, s2  }
0x8d: {  	s2 =	sadd.s32 s2, s16  }
0x8e: {  	[smem:$0x3FB8] =	sst s2  }
0x8f: {  	_ = 	snop  }
0x90: {  	(tm) =	ssettm $0x1  }
0x91: {  	s17 =	sld [smem:$0x3FFB];
	_ =	sdelay $0x3  }
0x92: {  	_ =	strace s17  }
0x93: {  	s2 =	sld [smem:$0x3FFC];
	_ =	sdelay $0x3  }
0x94: {  	_ =	strace s2  }
0x95: {  	s2 =	sld [smem:$0x3FFD];
	_ =	sdelay $0x3  }
0x96: {  	_ =	strace s2  }
0x97: {  	_ =	strace $0x8FFFFFFF  }
0x98: {  	s18 =	sld [smem:$0x3FDB];
	_ =	sdelay $0x1  }
0x99: {  	s19 =	simm.s32 $_scs_section_size  }
0x9a: {  	s4 =	simm.s32 $_size__tile_overlayer_lowered;
	s5 =	simm.s32 $_tile_overlayer_lowered  }
0x9b: {  	s22 =	simm.s32 $0x1BFF;
	s21 =	sshll.u32 s5, $0x1;
	s2 =	sadd.s32 s19, s18  }
0x9c: {  	s6 =	simm.s32 $0x0;
	s20 =	sshll.u32 s4, $0x1;
	s4 =	sadd.s32 s21, s2  }
0x9d: {  	[timem:s6], [sflag:s22] =	dma.local [hbm:s4], s20  }
0x9e: {  	_ =	swait.ge [sflag:s22], s20  }
0x9f: {  	s3 =	ssub.s32 $0x0, s20;
	[sflag:s22] =	ssyncset.done $0x0  }
0xa0: {  	[sflag:s22] =	ssyncadd.s32 s3;
	_ =	sdelay $0x1  }
0xa1: {  	s23 =	simm.s32 $0x1B8B  }
0xa2: {  	_ =	swait.ge [sflag:s23], $0x1  }
0xa3: {  	[sflag:s23] =	ssyncset.done $0x0  }
0xa4: {  	s25 =	simm.s32 $0x1B8E;
	s24 =	sld [smem:$0x3FFE];
	[sflag:s23] =	ssyncadd.s32 $0xFFFFFFFF  }
0xa5: {  	s26 =	simm.s32 $execute0_lowered;
	[smem:$0x3FD2] =	sst s25  }
0xa6: {  	s4 =	sshll.u32 s26, $0x1;
	_ =	strace $0x80000049;
	[dreg:$0x1] =	wrdreg $0xFFFFFFFF  }
0xa7: {  	s28 =	simm.s32 $_size_execute0_lowered;
	s2 =	sadd.s32 s2, s4;
	[dreg:$0x0] =	wrdreg $0x0  }
0xa8: {  	s4 =	sshll.u32 s28, $0x1;
	[dreg:$0x2] =	wrdreg s2  }
0xa9: {  	[dreg:$0x3] =	wrdreg s4  }
0xaa: {  	[dreg:$0x4] =	wrdreg $0xC0  }
0xab: {  	_ =	task [dreg:s6], $0x5FFFF  }
0xac: {  	[dreg:$0x1] =	wrdreg $0xFFFFFFFF  }
0xad: {  	[dreg:$0x0] =	wrdreg $0x60  }
0xae: {  	[dreg:$0x2] =	wrdreg s24  }
0xaf: {  	[dreg:$0x3] =	wrdreg $0x0  }
0xb0: {  	[dreg:$0x4] =	wrdreg $0x9  }
0xb1: {  	_ =	task.clear_ibuf [dreg:s6], $0x5FFFF;
	_ =	strace $0x90000049  }
0xb2: {  	s29 =	simm.s32 $0x9;
	_ =	strace $0x8000004B  }
0xb3: {  	_ =	swait.ge [sflag:s29], $0x1  }
0xb4: {  	[sflag:s29] =	ssyncadd.s32 $0xFFFFFFFF  }
0xb5: {  	_ =	strace $0x9000004B  }
0xb6: {  	_ =	sfence  }
0xb7: {  	s30 =	sld [smem:$0x0];
	_ =	sdelay $0x2  }
0xb8: {  	s31 =	sshll.u32 s1, $0xD;
	s1 =	sshrl.u32 s1, $0x2  }
0xb9: {  	s3 =	sand.u32 $0x4000, s31;
	s1 =	sadd.s32 s1, s30  }
0xba: {  	s0 =	sor.u32 s3, s0;
	s1 =	sshll.u32 s1, $0x11  }
0xbb: {  	s0 =	sor.u32 s1, s0  }
0xbc: {  	s0 =	sadd.s32 $0x8F2B, s0  }
0xbd: {  	[sflag:s0] =	ssyncadd.remote.s32 $0x1  }
0xbe: {  	_ =	sfence.sel $0xFFFF  }
0xbf: {  	[dreg:$0x0] =	wrdreg $0xFFFFFFFF;
	(pc) =	sbr.abs _section_cstart, $3  }
0xc0: {  	[dreg:$0x1] =	wrdreg $0xFFFFFFFF  }
0xc1: {  	_ =	task.clear_ibuf [dreg:s6], $0x2FFFF;
	_ =	strace $0x9FFFFFFF  }
0xc2: {  	(tm) =	ssettm $0x7FFFFFFF  }
0xc3: {  	_ =	shalt  }
tec
execute0_lowered:
.L_overlay_start_1:
0x0: {  	(tag) =	ssettag $0x1  }
0x1: {  	s1 =	rddreg [dreg:$0x0]  }
0x2: {  	s0 =	srdreg.scid;
	s2 =	rddreg [dreg:$0x1]  }
0x3: {  	s12 =	stileid.u32;
	s3 =	simm.s32 $0x0;
	s28 =	simm.s32 $0x1  }
0x4: {  	s29 =	simm.s32 $0x3;
	s30 =	simm.s32 $0x50;
	s31 =	simm.s32 $0x1CF80  }
0x5: {  	s0 =	sand.u32 $0x1, s0;
	[smem:$0x7FF] =	sst s3;
	s6 =	smul.u32 $0x50000, s12  }
0x6: {  	s5 =	sadd.s32 $0x1B600, s1;
	s26 =	smul.u32 $0x2800, s12;
	s7 =	ssub.s32 $0x2, s0  }
0x7: {  	s4 =	sshll.u32 s0, $0x4;
	s10 =	sshrl.u32 s7, $0x1;
	s11 =	sshrl.u32 s6, $0x2  }
0x8: {  	_ =	strace $0x8000004A;
	s10 =	ssub.s32 s7, s10;
	s7 =	sadd.s32 s11, s2  }
0x9: {  	p0 =	seq.s32 s0, $0x1;
	s0 =	simm.s32 $0x6BE00;
	s11 =	sadd.s32 $0x2800, s7  }
0xa: {  	s4 =	sor.u32 s12, s4;
	s19 =	sadd.s32 $0x5000, s7;
	[dreg:$0x3] =	wrdreg s11  }
0xb: {  	s6 =	sadd.s32 $0x7A00, s1;
	s20 =	sadd.s32 $0x7800, s7;
	[dreg:$0x4] =	wrdreg s19  }
0xc: {  	s0 =	simm.s32 @!p0 $0x42800;
	s21 =	sadd.s32 $0xA000, s7;
	[dreg:$0x5] =	wrdreg s20  }
0xd: {  	s4 =	smul.u32 $0x2710, s4;
	s22 =	sadd.s32 $0xC800, s7;
	[dreg:$0x6] =	wrdreg s21  }
0xe: {  	s0 =	sadd.s32 s0, s1;
	s23 =	sadd.s32 $0xF000, s7;
	[dreg:$0x7] =	wrdreg s22  }
0xf: {  	s24 =	sadd.s32 $0x11800, s7;
	s8 =	sshrl.u32 s4, $0x3;
	[dreg:$0x8] =	wrdreg s23  }
0x10: {  	[dreg:$0x9] =	wrdreg s24;
	s20 =	smax.u32 s10, $0x1;
	s21 =	sadd.s32 s0, s26  }
0x11: {  	s22 =	simm.s32 $0x1A780;
	s23 =	simm.s32 $0x14000;
	s9 =	sadd.s32 s8, s1  }
0x12: {  	s0 =	simm.s32 $0x4;
	s16 =	sadd.s32 s6, s8;
	s9 =	sadd.s32 $0x11800, s9  }
0x13: {  	s24 =	simm.s32 $0x2;
	s8 =	sadd.s32 $0xA, s16;
	[dreg:$0xa] =	wrdreg s9  }
0x14: {  	s26 =	simm.s32 $0x0;
	s25 =	sadd.s32 $0x14, s16;
	[dreg:$0xb] =	wrdreg s8  }
0x15: {  	v0 =	vimm.f32 $0.0e+00;
	s1 =	simm.s32 $0x5;
	s19 =	sadd.s32 $0x1E, s16;
	[dreg:$0xc] =	wrdreg s25  }
.LBB2_1:
0x16: {  	s8 =	sand.u32 $0xFE00, s3  }
0x17: {  	s9 =	sand.u32 $0x70, s3;
	s10 =	sshrl.u32 s8, $0x2  }
0x18: {  	s8 =	simm.s32 $0x40;
	s10 =	sor.u32 s9, s10;
	s9 =	simm.s32 $0x0  }
.LBB2_2:
0x19: {  	p0 =	sne.s32 s8, $0x9FC0  }
0x1a: {  	[tilespmem:s10+$0x1A780] =	vst v0;
	s9 =	sadd.s32 $0x10, s9;
	s10 =	smov.u32 s8;
	s8 =	sadd.s32 $0x40, s8  }
.Ltmp0:
0x1b: {  	(pc) =	sbr.rel @p0 .LBB2_2-.Ltmp0, $4  }
0x1c: {  	_ = 	snop  }
0x1d: {  	s10 =	sand.u32 $0xFE00, s10  }
0x1e: {  	s11 =	sand.u32 $0x70, s9;
	s10 =	sshrl.u32 s10, $0x2  }
0x1f: {  	s10 =	sor.u32 s11, s10  }
0x20: {  	[tilespmem:s10+$0x1A780] =	vst v0  }
0x21: {  	[spmem:s7] =	stream.linear.scatter [tilespmem:s22], [sflag:$0x3], $0x2800, $0x38;
	[tilespmem:$0x1F780] =	vst v63  }
0x22: {  	s8 =	rddreg [dreg:$0x3]  }
0x23: {  	[spmem:s8] =	stream.linear.scatter [tilespmem:s22], [sflag:$0x3], $0x2800, $0x38;
	[tilespmem:$0x1F780] =	vst v63  }
0x24: {  	s17 =	rddreg [dreg:$0x4]  }
0x25: {  	[spmem:s17] =	stream.linear.scatter [tilespmem:s22], [sflag:$0x3], $0x2800, $0x38;
	[tilespmem:$0x1F780] =	vst v63  }
0x26: {  	s18 =	rddreg [dreg:$0x5]  }
0x27: {  	[spmem:s18] =	stream.linear.scatter [tilespmem:s22], [sflag:$0x3], $0x2800, $0x38;
	[tilespmem:$0x1F780] =	vst v63  }
0x28: {  	s25 =	rddreg [dreg:$0x6]  }
0x29: {  	[spmem:s25] =	stream.linear.scatter [tilespmem:s22], [sflag:$0x3], $0x2800, $0x38;
	[tilespmem:$0x1F780] =	vst v63  }
0x2a: {  	s9 =	rddreg [dreg:$0x7]  }
0x2b: {  	[spmem:s9] =	stream.linear.scatter [tilespmem:s22], [sflag:$0x3], $0x2800, $0x38;
	[tilespmem:$0x1F780] =	vst v63  }
0x2c: {  	s10 =	rddreg [dreg:$0x8]  }
0x2d: {  	[spmem:s10] =	stream.linear.scatter [tilespmem:s22], [sflag:$0x3], $0x2800, $0x38;
	[tilespmem:$0x1F780] =	vst v63  }
0x2e: {  	s11 =	rddreg [dreg:$0x9]  }
0x2f: {  	[spmem:s11] =	stream.linear.scatter [tilespmem:s22], [sflag:$0x3], $0x2800, $0x38;
	[tilespmem:$0x1F780] =	vst v63  }
0x30: {  	s12 =	simm.s32 $0x0;
	s9 =	rddreg [dreg:$0xa]  }
0x31: {  	[tilespmem:s23], [sflag:$0x1] =	stream.linear.gather [hbm4b:s9+s12], $0x2710, $0x38;
	[tilespmem:$0x1F780] =	vst v63  }
0x32: {  	s9 =	simm.s32 $0x16780  }
0x33: {  	[tilespmem:s9], [sflag:$0x4] =	stream.linear.gather [hbm4b:s16+s12], $0x50, $0x38;
	[tilespmem:$0x1F780] =	vst v63  }
0x34: {  	s13 =	rddreg [dreg:$0xb];
	s11 =	simm.s32 $0x16800  }
0x35: {  	[tilespmem:s11], [sflag:$0x4] =	stream.linear.gather [hbm4b:s13+s12], $0x50, $0x38;
	[tilespmem:$0x1F780] =	vst v63  }
0x36: {  	s14 =	rddreg [dreg:$0xc];
	s15 =	simm.s32 $0x16880  }
0x37: {  	[tilespmem:s15], [sflag:$0x4] =	stream.linear.gather [hbm4b:s14+s12], $0x50, $0x38;
	[tilespmem:$0x1F780] =	vst v63  }
0x38: {  	s17 =	simm.s32 $0x16900  }
0x39: {  	[tilespmem:s17], [sflag:$0x4] =	stream.linear.gather [hbm4b:s19+s12], $0x50, $0x38;
	[tilespmem:$0x1F780] =	vst v63  }
0x3a: {  	_ =	swait.ge [sflag:s28], $0x2710  }
0x3b: {  	[sflag:s28] =	ssyncset.done $0x0  }
0x3c: {  	[sflag:s28] =	ssyncadd.s32 $0xFFFFD8F0  }
0x3d: {  	_ =	swait.ge [sflag:s29], $0x2800  }
0x3e: {  	[sflag:s29] =	ssyncset.done $0x0  }
0x3f: {  	[sflag:s29] =	ssyncadd.s32 $0xFFFFD800  }
0x40: {  	_ =	swait.ge [sflag:s29], $0x2800  }
0x41: {  	[sflag:s29] =	ssyncset.done $0x0  }
0x42: {  	[sflag:s29] =	ssyncadd.s32 $0xFFFFD800  }
0x43: {  	_ =	swait.ge [sflag:s29], $0x2800  }
0x44: {  	[sflag:s29] =	ssyncset.done $0x0  }
0x45: {  	[sflag:s29] =	ssyncadd.s32 $0xFFFFD800  }
0x46: {  	_ =	swait.ge [sflag:s29], $0x2800  }
0x47: {  	[sflag:s29] =	ssyncset.done $0x0  }
0x48: {  	[sflag:s29] =	ssyncadd.s32 $0xFFFFD800  }
0x49: {  	_ =	swait.ge [sflag:s29], $0x2800  }
0x4a: {  	[sflag:s29] =	ssyncset.done $0x0  }
0x4b: {  	[sflag:s29] =	ssyncadd.s32 $0xFFFFD800  }
0x4c: {  	_ =	swait.ge [sflag:s29], $0x2800  }
0x4d: {  	[sflag:s29] =	ssyncset.done $0x0  }
0x4e: {  	s18 =	smin.u32 s12, $0x78;
	[sflag:s29] =	ssyncadd.s32 $0xFFFFD800  }
0x4f: {  	s10 =	sadd.s32 $0x4, s18;
	_ =	swait.ge [sflag:s29], $0x2800  }
0x50: {  	s8 =	smin.u32 s12, $0x77;
	s25 =	smul.u32 $0x50, s10;
	[sflag:s29] =	ssyncset.done $0x0  }
0x51: {  	s8 =	sadd.s32 $0x5, s8;
	s10 =	sshll.u32 s10, $0x7;
	[sflag:s29] =	ssyncadd.s32 $0xFFFFD800  }
0x52: {  	s11 =	sadd.s32 s4, s25;
	s12 =	smul.u32 $0x50, s8;
	_ =	swait.ge [sflag:s29], $0x2800  }
0x53: {  	s10 =	sadd.s32 $0x16780, s10;
	s11 =	sshrl.u32 s11, $0x3;
	[sflag:s29] =	ssyncset.done $0x0  }
0x54: {  	s11 =	sadd.s32 s6, s11;
	s12 =	sadd.s32 s4, s12;
	[sflag:s29] =	ssyncadd.s32 $0xFFFFD800  }
0x55: {  	[tilespmem:s22], [sflag:$0x1] =	stream.indirect.gather [hbm4b:s5+s30], $0x80, s23, s30, $0xb8;
	[tilespmem:$0x1F780] =	vst v63  }
0x56: {  	s8 =	sshll.u32 s8, $0x7;
	s12 =	sshrl.u32 s12, $0x3;
	[bflag:$0x0] =	sbarrier.arrive $0xFFFF  }
0x57: {  	[tilespmem:s10], [sflag:$0x4] =	stream.linear.gather [hbm4b:s11+s3], $0x50, $0x38;
	[tilespmem:$0x1F780] =	vst v63  }
0x58: {  	s8 =	sadd.s32 $0x16780, s8;
	s13 =	sadd.s32 s6, s12  }
0x59: {  	[tilespmem:s8], [sflag:$0x4] =	stream.linear.gather [hbm4b:s13+s3], $0x50, $0x38;
	[tilespmem:$0x1F780] =	vst v63  }
0x5a: {  	s14 =	simm.s32 $0x14050  }
0x5b: {  	[tilespmem:s31], [sflag:$0x2] =	stream.indirect.gather [hbm4b:s5+s30], $0x80, s14, s30, $0xb8;
	[tilespmem:$0x1F780] =	vst v63  }
0x5c: {  	_ =	swait.ge [sflag:s28], $0x2800  }
0x5d: {  	[sflag:s28] =	ssyncset.done $0x0  }
0x5e: {  	[sflag:s28] =	ssyncadd.s32 $0xFFFFD800  }
0x5f: {  	_ =	swait.ge [sflag:s0], $0x50  }
0x60: {  	[sflag:s0] =	ssyncset.done $0x0  }
0x61: {  	[sflag:s0] =	ssyncadd.s32 $0xFFFFFFB0  }
0x62: {  	[spmem:s2] =	stream.indirect.scatter.add.f32 [tilespmem:s22], [sflag:$0x5], $0x80, s9, s30, $0xb8;
	[tilespmem:$0x1F780] =	vst v63  }
0x63: {  	s25 =	simm.s32 $0x16880;
	s17 =	simm.s32 $0x2;
	_ =	swait.ge [sflag:s1], $0x2800  }
0x64: {  	s15 =	simm.s32 $0x140A0;
	s18 =	smin.u32 s17, $0x78;
	[sflag:s1] =	ssyncset.done $0x0  }
0x65: {  	s12 =	simm.s32 $0x16800;
	s8 =	sadd.s32 $0x4, s18;
	[sflag:s1] =	ssyncadd.s32 $0xFFFFD800  }
0x66: {  	[tilespmem:s22], [sflag:$0x1] =	stream.indirect.gather [hbm4b:s5+s30], $0x80, s15, s30, $0xb8;
	[tilespmem:$0x1F780] =	vst v63  }
0x67: {  	s11 =	simm.s32 $0x4;
	s10 =	sshll.u32 s8, $0x7;
	_ =	swait.ge [sflag:s24], $0x2800  }
0x68: {  	s14 =	smul.u32 $0x50, s8;
	s9 =	smin.u32 s17, $0x77;
	[sflag:s24] =	ssyncset.done $0x0  }
0x69: {  	s8 =	simm.s32 $0x14140;
	s13 =	sadd.s32 $0x5, s9;
	[sflag:s24] =	ssyncadd.s32 $0xFFFFD800  }
0x6a: {  	s9 =	sadd.s32 s4, s14;
	s14 =	smul.u32 $0x50, s13;
	_ =	swait.ge [sflag:s0], $0x50  }
.LBB2_4:
0x6b: {  	s15 =	sshrl.u32 s9, $0x3;
	s13 =	sshll.u32 s13, $0x7  }
0x6c: {  	[sflag:s0] =	ssyncset.done $0x0;
	s17 =	smov.u32 s11;
	s9 =	smov.u32 s25  }
0x6d: {  	s15 =	sadd.s32 s6, s15;
	s14 =	sadd.s32 s4, s14;
	[sflag:s0] =	ssyncadd.s32 $0xFFFFFFB0  }
0x6e: {  	[spmem:s2] =	stream.indirect.scatter.add.f32 [tilespmem:s31], [sflag:$0x5], $0x80, s12, s30, $0xb8;
	[tilespmem:$0x1F780] =	vst v63  }
0x6f: {  	s18 =	sadd.s32 $0x2, s11;
	s12 =	sshrl.u32 s14, $0x3;
	_ =	swait.ge [sflag:s1], $0x2800  }
0x70: {  	p0 =	sne.s32 s11, $0x7A;
	[sflag:s1] =	ssyncset.done $0x0  }
0x71: {  	s10 =	sadd.s32 $0x16780, s10;
	[sflag:s1] =	ssyncadd.s32 $0xFFFFD800  }
0x72: {  	[tilespmem:s10], [sflag:$0x4] =	stream.linear.gather [hbm4b:s15+s3], $0x50, $0x38;
	[tilespmem:$0x1F780] =	vst v63  }
0x73: {  	s11 =	sadd.s32 s6, s12;
	s10 =	sadd.s32 $0x16780, s13  }
0x74: {  	[tilespmem:s10], [sflag:$0x4] =	stream.linear.gather [hbm4b:s11+s3], $0x50, $0x38;
	[tilespmem:$0x1F780] =	vst v63  }
0x75: {  	s10 =	sadd.s32 $0xFFFFFFB0, s8  }
0x76: {  	[tilespmem:s31], [sflag:$0x2] =	stream.indirect.gather [hbm4b:s5+s30], $0x80, s10, s30, $0xb8;
	[tilespmem:$0x1F780] =	vst v63  }
0x77: {  	_ =	swait.ge [sflag:s28], $0x2800  }
0x78: {  	[sflag:s28] =	ssyncset.done $0x0  }
0x79: {  	[sflag:s28] =	ssyncadd.s32 $0xFFFFD800  }
0x7a: {  	_ =	swait.ge [sflag:s0], $0x50  }
0x7b: {  	[sflag:s0] =	ssyncset.done $0x0  }
0x7c: {  	[sflag:s0] =	ssyncadd.s32 $0xFFFFFFB0  }
0x7d: {  	[spmem:s2] =	stream.indirect.scatter.add.f32 [tilespmem:s22], [sflag:$0x5], $0x80, s25, s30, $0xb8;
	[tilespmem:$0x1F780] =	vst v63  }
0x7e: {  	_ =	swait.ge [sflag:s1], $0x2800  }
0x7f: {  	[sflag:s1] =	ssyncset.done $0x0  }
0x80: {  	s12 =	smin.u32 s17, $0x77;
	s10 =	smin.u32 s17, $0x78;
	[sflag:s1] =	ssyncadd.s32 $0xFFFFD800  }
0x81: {  	[tilespmem:s22], [sflag:$0x1] =	stream.indirect.gather [hbm4b:s5+s30], $0x80, s8, s30, $0xb8;
	[tilespmem:$0x1F780] =	vst v63  }
.Ltmp1:
0x82: {  	s25 =	sadd.s32 $0x100, s25;
	_ =	swait.ge [sflag:s24], $0x2800;
	(pc) =	sbr.rel @p0 .LBB2_4-.Ltmp1, $4  }
0x83: {  	s13 =	sadd.s32 $0x5, s12;
	s11 =	sadd.s32 $0x4, s10;
	[sflag:s24] =	ssyncset.done $0x0  }
0x84: {  	s10 =	sshll.u32 s11, $0x7;
	s11 =	smul.u32 $0x50, s11;
	[sflag:s24] =	ssyncadd.s32 $0xFFFFD800  }
0x85: {  	s12 =	sadd.s32 $0x80, s9;
	s14 =	smul.u32 $0x50, s13;
	s8 =	sadd.s32 $0xA0, s8  }
0x86: {  	s9 =	sadd.s32 s4, s11;
	s11 =	smov.u32 s18;
	_ =	swait.ge [sflag:s0], $0x50  }
0x87: {  	[sflag:s0] =	ssyncset.done $0x0  }
0x88: {  	[sflag:s0] =	ssyncadd.s32 $0xFFFFFFB0  }
0x89: {  	[spmem:s2] =	stream.indirect.scatter.add.f32 [tilespmem:s31], [sflag:$0x5], $0x80, s12, s30, $0xb8;
	[tilespmem:$0x1F780] =	vst v63  }
0x8a: {  	s9 =	sshrl.u32 s9, $0x3;
	s11 =	sshll.u32 s13, $0x7;
	_ =	swait.ge [sflag:s1], $0x2800  }
0x8b: {  	s18 =	sadd.s32 s4, s14;
	s10 =	sadd.s32 $0x16780, s10;
	[sflag:s1] =	ssyncset.done $0x0  }
0x8c: {  	s9 =	sadd.s32 s6, s9;
	s12 =	sshrl.u32 s18, $0x3;
	[sflag:s1] =	ssyncadd.s32 $0xFFFFD800  }
0x8d: {  	[tilespmem:s10], [sflag:$0x4] =	stream.linear.gather [hbm4b:s9+s3], $0x50, $0x38;
	[tilespmem:$0x1F780] =	vst v63  }
0x8e: {  	s11 =	sadd.s32 $0x16780, s11;
	s13 =	sadd.s32 s6, s12  }
0x8f: {  	[tilespmem:s11], [sflag:$0x4] =	stream.linear.gather [hbm4b:s13+s3], $0x50, $0x38;
	[tilespmem:$0x1F780] =	vst v63  }
0x90: {  	s14 =	sadd.s32 $0xFFFFFFB0, s8  }
0x91: {  	[tilespmem:s31], [sflag:$0x2] =	stream.indirect.gather [hbm4b:s5+s30], $0x80, s14, s30, $0xb8;
	[tilespmem:$0x1F780] =	vst v63  }
0x92: {  	_ =	swait.ge [sflag:s28], $0x2800  }
0x93: {  	[sflag:s28] =	ssyncset.done $0x0  }
0x94: {  	[sflag:s28] =	ssyncadd.s32 $0xFFFFD800  }
0x95: {  	_ =	swait.ge [sflag:s0], $0x50  }
0x96: {  	[sflag:s0] =	ssyncset.done $0x0  }
0x97: {  	[sflag:s0] =	ssyncadd.s32 $0xFFFFFFB0  }
0x98: {  	[spmem:s2] =	stream.indirect.scatter.add.f32 [tilespmem:s22], [sflag:$0x5], $0x80, s25, s30, $0xb8;
	[tilespmem:$0x1F780] =	vst v63  }
0x99: {  	_ =	swait.ge [sflag:s1], $0x2800  }
0x9a: {  	[sflag:s1] =	ssyncset.done $0x0  }
0x9b: {  	[sflag:s1] =	ssyncadd.s32 $0xFFFFD800  }
0x9c: {  	[tilespmem:s22], [sflag:$0x1] =	stream.indirect.gather [hbm4b:s5+s30], $0x80, s8, s30, $0xb8;
	[tilespmem:$0x1F780] =	vst v63  }
0x9d: {  	_ =	swait.ge [sflag:s24], $0x2800  }
0x9e: {  	[sflag:s24] =	ssyncset.done $0x0  }
0x9f: {  	[sflag:s24] =	ssyncadd.s32 $0xFFFFD800  }
0xa0: {  	_ =	swait.ge [sflag:s0], $0x50  }
0xa1: {  	[sflag:s0] =	ssyncset.done $0x0  }
0xa2: {  	s15 =	sadd.s32 $0x80, s25;
	[sflag:s0] =	ssyncadd.s32 $0xFFFFFFB0  }
0xa3: {  	[spmem:s2] =	stream.indirect.scatter.add.f32 [tilespmem:s31], [sflag:$0x5], $0x80, s15, s30, $0xb8;
	[tilespmem:$0x1F780] =	vst v63  }
0xa4: {  	_ =	swait.ge [sflag:s1], $0x2800  }
0xa5: {  	[sflag:s1] =	ssyncset.done $0x0  }
0xa6: {  	[sflag:s1] =	ssyncadd.s32 $0xFFFFD800  }
0xa7: {  	_ =	swait.ge [sflag:s28], $0x2800  }
0xa8: {  	[sflag:s28] =	ssyncset.done $0x0  }
0xa9: {  	[sflag:s28] =	ssyncadd.s32 $0xFFFFD800  }
0xaa: {  	_ =	swait.ge [sflag:s0], $0x50  }
0xab: {  	[sflag:s0] =	ssyncset.done $0x0  }
0xac: {  	[sflag:s0] =	ssyncadd.s32 $0xFFFFFFB0  }
0xad: {  	_ =	swait.ge [sflag:s0], $0x50  }
0xae: {  	[sflag:s0] =	ssyncset.done $0x0  }
0xaf: {  	[sflag:s0] =	ssyncadd.s32 $0xFFFFFFB0  }
0xb0: {  	_ =	swait.ge [sflag:s0], $0x50  }
0xb1: {  	[sflag:s0] =	ssyncset.done $0x0  }
0xb2: {  	[sflag:s0] =	ssyncadd.s32 $0xFFFFFFB0  }
0xb3: {  	_ =	swait.ge [sflag:s0], $0x50  }
0xb4: {  	[sflag:s0] =	ssyncset.done $0x0  }
0xb5: {  	s17 =	simm.s32 $0x1A580;
	[sflag:s0] =	ssyncadd.s32 $0xFFFFFFB0  }
0xb6: {  	[spmem:s2] =	stream.indirect.scatter.add.f32 [tilespmem:s22], [sflag:$0x5], $0x80, s17, s30, $0xb8;
	[tilespmem:$0x1F780] =	vst v63  }
0xb7: {  	s26 =	sadd.s32 $0x1, s26;
	_ =	swait.ge [sflag:s1], $0x2800  }
0xb8: {  	p0 =	sne.s32 s26, s20;
	s18 =	stileid.u32;
	[sflag:s1] =	ssyncset.done $0x0  }
0xb9: {  	s25 =	sshrl.u32 s7, $0x3;
	s8 =	sshll.u32 s18, $0x6;
	[sflag:s1] =	ssyncadd.s32 $0xFFFFD800  }
.Ltmp2:
0xba: {  	s8 =	sor.u32 $0x1C05, s8;
	[bflag:$0x0] =	sbarrier.arrive $0xFFFF;
	(pc) =	sbr.rel @p0 .LBB2_1-.Ltmp2, $4  }
0xbb: {  	[hbm:s21], [sflag:s8] =	dma.local [spmem:s25], $0x2800  }
0xbc: {  	_ =	swait.ge [sflag:s1], $0x2800  }
0xbd: {  	[sflag:s1] =	ssyncset.done $0x0  }
0xbe: {  	[sflag:s1] =	ssyncadd.s32 $0xFFFFD800  }
0xbf: {  	_ =	sfence.sel $0x180000  }
0xc0: {  	[bflag:$0x0] =	sbarrier.arrive $0xFFFF  }
0xc1: {  	_ =	strace $0x9000004A  }
0xc2: {  	s0 =	stileid.u32;
	[bflag:$0x2] =	sbarrier.arrive $0xFFFF  }
0xc3: {  	p0 =	sne.s32 s0, $0x0;
	s0 =	rddreg [dreg:$0x2]  }
0xc4: {  	s0 =	sadd.s32 @!p0 $0x100000, s0  }
0xc5: {  	[sflag:s0] =	ssyncadd.tile.s32 @!p0 $0x1;
	_ =	shalt  }
.Lfunc_end2:
_tile_overlayer_lowered:
.L_overlay_start_2:
0xc6: {  	(tag) =	ssettag $0x2  }
0xc7: {  	s0 =	rddreg [dreg:$0x0];
	s2 =	stileid.u32  }
0xc8: {  	s1 =	rddreg [dreg:$0x1];
	p0 =	sne.s32 s2, $0x0  }
0xc9: {  	s3 =	rddreg [dreg:$0x2];
	[bflag:$0x3] =	sbarrier.arrive $0xFFFF;
	s2 =	simm.s32 @!p0 $0x1C05  }
0xca: {  	[timem:s3], [sflag:s2] =	dma.local @!p0 [hbm:s0], s1  }
0xcb: {  	s0 =	simm.s32 @!p0 $0x5  }
0xcc: {  	_ =	swait.ge @!p0 [sflag:s0], s1  }
0xcd: {  	s1 =	ssub.s32 @!p0 $0x0, s1;
	[sflag:s0] =	ssyncset.done @!p0 $0x0  }
0xce: {  	[sflag:s0] =	ssyncadd.s32 @!p0 s1  }
0xcf: {  	[bflag:$0x3] =	sbarrier.arrive $0xFFFF  }
0xd0: {  	_ =	shalt  }

// kernel: kernel.19.cloned.1.call-start
scs
__scs_entry_jumppad:
0x0: {  	(pc) =	sbr.rel $0x88, $3  }
0x1: {  	(tag) =	ssettag $0x0;
	lr =	simm.s32 $0x1  }
0x2: {  	[smem:$0x3F91] =	sst lr;
	_ =	strace $0xD0000000  }
0x3: {  	_ = 	snop  }
0x4: {  	_ = 	snop  }
0x5: {  	_ = 	snop  }
0x6: {  	_ = 	snop  }
0x7: {  	_ = 	snop  }
__scs_overlays_trampoline_lowered:
0x8: {  	[smem:$0x3FA0] =	sst s0  }
0x9: {  	[smem:$0x3FA1] =	sst s1  }
0xa: {  	[smem:$0x3FA2] =	sst s2  }
0xb: {  	[smem:$0x3FA3] =	sst s3  }
0xc: {  	[smem:$0x3FA4] =	sst s4  }
0xd: {  	[smem:$0x3FA5] =	sst s5  }
0xe: {  	[smem:$0x3FA6] =	sst s6  }
0xf: {  	[smem:$0x3FA7] =	sst s7  }
0x10: {  	[smem:$0x3FA8] =	sst s8  }
0x11: {  	[smem:$0x3FA9] =	sst s9;
	s0 =	simm.s32 @!p0 $0x0  }
0x12: {  	s1 =	sld [smem:$0x3F8F];
	s0 =	simm.s32 @p0 $0x1  }
0x13: {  	[smem:$0x3FAA] =	sst s0;
	s0 =	simm.s32 @!p1 $0x0  }
0x14: {  	s2 =	sld [smem:$0x3F8E];
	s0 =	simm.s32 @p1 $0x1  }
0x15: {  	[smem:$0x3FAB] =	sst s0;
	s0 =	simm.s32 @!p2 $0x0  }
0x16: {  	s3 =	sld [smem:$0x3FDB];
	s0 =	simm.s32 @p2 $0x1  }
0x17: {  	s4 =	simm.s32 $0x1BF5;
	[smem:$0x3FAD] =	sst s0  }
0x18: {  	s0 =	sld [smem:$0x3F90];
	_ =	swait.ge [sflag:s4], $0x0  }
0x19: {  	s7 =	sld [smem:$0x3F91]  }
0x1a: {  	s8 =	sadd.s32 $0xFFFFE003, lr  }
0x1b: {  	s9 =	sadd.s32 $0xFFFFFEF7, lr;
	s5 =	simm.s32 $0xFFFFFFFF;
	p2 =	slt.u32 s8, $0xFFFFF086  }
0x1c: {  	p1 =	slt.u32 s9, $0xF7A;
	s5 =	simm.s32 @!p2 $0x0  }
0x1d: {  	s5 =	simm.s32 @p1 $0x1;
	p0 =	seq.s32 s7, s2  }
0x1e: {  	s7 =	smul.u32 @!p0 $0xF7A, s2;
	p2 =	seq.s32 @!p0 s5, $0x0  }
0x1f: {  	s9 =	smul.u32 $0xF7A, s1;
	s8 =	simm.s32 @!p0 $0x1BF5;
	p2 =	por !p2, p0  }
0x20: {  	[sflag:s8] =	ssyncset.s32 @!p0 $0xFFFFF086;
	s6 =	sadd.s32 @!p0 s3, s7;
	s7 =	simm.s32 @!p0 $0x108  }
0x21: {  	s3 =	sadd.s32 s3, s9;
	s6 =	sadd.s32 @!p0 $0x88, s6;
	s7 =	simm.s32 @p2 $0x1082  }
0x22: {  	[simem:s7], [sflag:s8] =	dma.local @!p0 [hbm:s6], $0xF7A  }
0x23: {  	s9 =	sor.u32 $0xD0000000, s2;
	s6 =	simm.s32 $0x108;
	_ =	swait.ge @!p0 [sflag:s8], $0x0  }
0x24: {  	s3 =	sadd.s32 $0x88, s3;
	s6 =	simm.s32 @!p1 $0x1082;
	[sflag:s4] =	ssyncset.s32 $0xFFFFF086  }
0x25: {  	[simem:s6], [sflag:s4] =	dma.local [hbm:s3], $0xF7A  }
0x26: {  	[smem:$0x3F91] =	sst s1;
	(tag) =	ssettag s2;
	_ =	strace s9  }
0x27: {  	s1 =	sld [smem:$0x3FA1]  }
0x28: {  	s2 =	sld [smem:$0x3FA2]  }
0x29: {  	s4 =	sld [smem:$0x3FA4]  }
0x2a: {  	p0 =	seq.s32 s5, $0x0;
	s5 =	sld [smem:$0x3FA5]  }
0x2b: {  	s6 =	sld [smem:$0x3FA6]  }
0x2c: {  	s7 =	sld [smem:$0x3FA7]  }
0x2d: {  	s3 =	simm.s32 $0x108;
	s8 =	sld [smem:$0x3FA8]  }
0x2e: {  	s3 =	simm.s32 @!p0 $0x1082;
	s9 =	sld [smem:$0x3FA9]  }
0x2f: {  	lr =	sadd.s32 s0, s3;
	s0 =	sld [smem:$0x3FA0]  }
0x30: {  	s3 =	sld [smem:$0x3FA3]  }
0x31: {  	[smem:$0x3FAC] =	sst s10  }
0x32: {  	s10 =	sld [smem:$0x3FAA];
	_ =	sdelay $0x3  }
0x33: {  	p0 =	seq.s32 s10, $0x1;
	s10 =	sld [smem:$0x3FAC];
	_ =	sdelay $0x3  }
0x34: {  	[smem:$0x3FAC] =	sst s10  }
0x35: {  	s10 =	sld [smem:$0x3FAB];
	_ =	sdelay $0x3  }
0x36: {  	p1 =	seq.s32 s10, $0x1;
	s10 =	sld [smem:$0x3FAC];
	_ =	sdelay $0x3  }
0x37: {  	[smem:$0x3FAC] =	sst s10  }
0x38: {  	s10 =	sld [smem:$0x3FAD]  }
0x39: {  	_ = 	snop;
	(pc) =	sbr.ind lr, $3  }
0x3a: {  	_ = 	snop  }
0x3b: {  	_ = 	snop  }
0x3c: {  	p2 =	seq.s32 s10, $0x1;
	s10 =	sld [smem:$0x3FAC]  }
0x3d: {  	_ =	shalt  }
0x3e: {  	_ =	shalt  }
0x3f: {  	_ =	shalt  }
0x40: {  	_ =	shalt  }
0x41: {  	_ =	shalt  }
0x42: {  	_ =	shalt  }
0x43: {  	_ =	shalt  }
0x44: {  	_ =	shalt  }
0x45: {  	_ =	shalt  }
0x46: {  	_ =	shalt  }
0x47: {  	_ =	shalt  }
0x48: {  	_ =	shalt  }
0x49: {  	_ =	shalt  }
0x4a: {  	_ =	shalt  }
0x4b: {  	_ =	shalt  }
0x4c: {  	_ =	shalt  }
0x4d: {  	_ =	shalt  }
0x4e: {  	_ =	shalt  }
0x4f: {  	_ =	shalt  }
0x50: {  	_ =	shalt  }
0x51: {  	_ =	shalt  }
0x52: {  	_ =	shalt  }
0x53: {  	_ =	shalt  }
0x54: {  	_ =	shalt  }
0x55: {  	_ =	shalt  }
0x56: {  	_ =	shalt  }
0x57: {  	_ =	shalt  }
0x58: {  	_ =	shalt  }
0x59: {  	_ =	shalt  }
0x5a: {  	_ =	shalt  }
0x5b: {  	_ =	shalt  }
0x5c: {  	_ =	shalt  }
0x5d: {  	_ =	shalt  }
0x5e: {  	_ =	shalt  }
0x5f: {  	_ =	shalt  }
0x60: {  	_ =	shalt  }
0x61: {  	_ =	shalt  }
0x62: {  	_ =	shalt  }
0x63: {  	_ =	shalt  }
0x64: {  	_ =	shalt  }
0x65: {  	_ =	shalt  }
0x66: {  	_ =	shalt  }
0x67: {  	_ =	shalt  }
0x68: {  	_ =	shalt  }
0x69: {  	_ =	shalt  }
0x6a: {  	_ =	shalt  }
0x6b: {  	_ =	shalt  }
0x6c: {  	_ =	shalt  }
0x6d: {  	_ =	shalt  }
0x6e: {  	_ =	shalt  }
0x6f: {  	_ =	shalt  }
0x70: {  	_ =	shalt  }
0x71: {  	_ =	shalt  }
0x72: {  	_ =	shalt  }
0x73: {  	_ =	shalt  }
0x74: {  	_ =	shalt  }
0x75: {  	_ =	shalt  }
0x76: {  	_ =	shalt  }
0x77: {  	_ =	shalt  }
0x78: {  	_ =	shalt  }
0x79: {  	_ =	shalt  }
0x7a: {  	_ =	shalt  }
0x7b: {  	_ =	shalt  }
0x7c: {  	_ =	shalt  }
0x7d: {  	_ =	shalt  }
0x7e: {  	_ =	shalt  }
0x7f: {  	_ =	shalt  }
0x80: {  	_ =	shalt  }
0x81: {  	_ =	shalt  }
0x82: {  	_ =	shalt  }
0x83: {  	_ =	shalt  }
0x84: {  	_ =	shalt  }
0x85: {  	_ =	shalt  }
0x86: {  	_ =	shalt  }
0x87: {  	_ =	shalt  }
.Lfunc_end0:
.L_simem_size_0:
called_computation.2_lowered:
.L_overlay_start_0:
0x88: {  	s2 =	sld [smem:$0x3FD9]  }
0x89: {  	s3 =	sld [smem:$0x3FFE];
	_ =	sdelay $0x1  }
0x8a: {  	s1 =	srdreg.scid  }
0x8b: {  	s0 =	sand.u32 $0x1, s1  }
0x8c: {  	s16 =	sshll.u32 s0, $0xA;
	s2 =	sadd.s32 s3, s2  }
0x8d: {  	s2 =	sadd.s32 s2, s16  }
0x8e: {  	[smem:$0x3FB8] =	sst s2  }
0x8f: {  	_ = 	snop  }
0x90: {  	(tm) =	ssettm $0x1  }
0x91: {  	s17 =	sld [smem:$0x3FFB];
	_ =	sdelay $0x3  }
0x92: {  	_ =	strace s17  }
0x93: {  	s2 =	sld [smem:$0x3FFC];
	_ =	sdelay $0x3  }
0x94: {  	_ =	strace s2  }
0x95: {  	s2 =	sld [smem:$0x3FFD];
	_ =	sdelay $0x3  }
0x96: {  	_ =	strace s2  }
0x97: {  	_ =	strace $0x8FFFFFFF  }
0x98: {  	s18 =	sld [smem:$0x3FDB];
	_ =	sdelay $0x1  }
0x99: {  	s19 =	simm.s32 $_scs_section_size  }
0x9a: {  	s4 =	simm.s32 $_size__tile_overlayer_lowered;
	s5 =	simm.s32 $_tile_overlayer_lowered  }
0x9b: {  	s22 =	simm.s32 $0x1BFF;
	s21 =	sshll.u32 s5, $0x1;
	s2 =	sadd.s32 s19, s18  }
0x9c: {  	s6 =	simm.s32 $0x0;
	s20 =	sshll.u32 s4, $0x1;
	s4 =	sadd.s32 s21, s2  }
0x9d: {  	[timem:s6], [sflag:s22] =	dma.local [hbm:s4], s20  }
0x9e: {  	_ =	swait.ge [sflag:s22], s20  }
0x9f: {  	s3 =	ssub.s32 $0x0, s20;
	[sflag:s22] =	ssyncset.done $0x0  }
0xa0: {  	[sflag:s22] =	ssyncadd.s32 s3;
	_ =	sdelay $0x1  }
0xa1: {  	s23 =	simm.s32 $0x1B8B  }
0xa2: {  	_ =	swait.ge [sflag:s23], $0x1  }
0xa3: {  	[sflag:s23] =	ssyncset.done $0x0  }
0xa4: {  	s25 =	simm.s32 $0x1B8E;
	s24 =	sld [smem:$0x3FFE];
	[sflag:s23] =	ssyncadd.s32 $0xFFFFFFFF  }
0xa5: {  	s26 =	simm.s32 $execute0_lowered;
	[smem:$0x3FD2] =	sst s25  }
0xa6: {  	s4 =	sshll.u32 s26, $0x1;
	_ =	strace $0x8000004C;
	[dreg:$0x1] =	wrdreg $0xFFFFFFFF  }
0xa7: {  	s28 =	simm.s32 $_size_execute0_lowered;
	s2 =	sadd.s32 s2, s4;
	[dreg:$0x0] =	wrdreg $0x0  }
0xa8: {  	s4 =	sshll.u32 s28, $0x1;
	[dreg:$0x2] =	wrdreg s2  }
0xa9: {  	[dreg:$0x3] =	wrdreg s4  }
0xaa: {  	[dreg:$0x4] =	wrdreg $0xC0  }
0xab: {  	_ =	task [dreg:s6], $0x5FFFF  }
0xac: {  	[dreg:$0x1] =	wrdreg $0xFFFFFFFF  }
0xad: {  	[dreg:$0x0] =	wrdreg $0x60  }
0xae: {  	[dreg:$0x2] =	wrdreg s24  }
0xaf: {  	[dreg:$0x3] =	wrdreg $0x0  }
0xb0: {  	[dreg:$0x4] =	wrdreg $0x9  }
0xb1: {  	_ =	task.clear_ibuf [dreg:s6], $0x5FFFF;
	_ =	strace $0x9000004C  }
0xb2: {  	s29 =	simm.s32 $0x9;
	_ =	strace $0x8000004E  }
0xb3: {  	_ =	swait.ge [sflag:s29], $0x1  }
0xb4: {  	[sflag:s29] =	ssyncadd.s32 $0xFFFFFFFF  }
0xb5: {  	_ =	strace $0x9000004E  }
0xb6: {  	_ =	sfence  }
0xb7: {  	s30 =	sld [smem:$0x0];
	_ =	sdelay $0x2  }
0xb8: {  	s31 =	sshll.u32 s1, $0xD;
	s1 =	sshrl.u32 s1, $0x2  }
0xb9: {  	s3 =	sand.u32 $0x4000, s31;
	s1 =	sadd.s32 s1, s30  }
0xba: {  	s0 =	sor.u32 s3, s0;
	s1 =	sshll.u32 s1, $0x11  }
0xbb: {  	s0 =	sor.u32 s1, s0  }
0xbc: {  	s0 =	sadd.s32 $0x8F2B, s0  }
0xbd: {  	[sflag:s0] =	ssyncadd.remote.s32 $0x1  }
0xbe: {  	_ =	sfence.sel $0xFFFF  }
0xbf: {  	[dreg:$0x0] =	wrdreg $0xFFFFFFFF;
	(pc) =	sbr.abs _section_cstart, $3  }
0xc0: {  	[dreg:$0x1] =	wrdreg $0xFFFFFFFF  }
0xc1: {  	_ =	task.clear_ibuf [dreg:s6], $0x2FFFF;
	_ =	strace $0x9FFFFFFF  }
0xc2: {  	(tm) =	ssettm $0x7FFFFFFF  }
0xc3: {  	_ =	shalt  }
tec
execute0_lowered:
.L_overlay_start_1:
0x0: {  	(tag) =	ssettag $0x1  }
0x1: {  	s1 =	rddreg [dreg:$0x0]  }
0x2: {  	s0 =	srdreg.scid;
	s2 =	rddreg [dreg:$0x1]  }
0x3: {  	s12 =	stileid.u32;
	s3 =	simm.s32 $0x0;
	s28 =	simm.s32 $0x1  }
0x4: {  	s29 =	simm.s32 $0x3;
	s30 =	simm.s32 $0x50;
	s31 =	simm.s32 $0x1CF80  }
0x5: {  	s0 =	sand.u32 $0x1, s0;
	[smem:$0x7FF] =	sst s3;
	s6 =	smul.u32 $0x50000, s12  }
0x6: {  	s5 =	sadd.s32 $0x1B600, s1;
	s26 =	smul.u32 $0x2800, s12;
	s7 =	ssub.s32 $0x2, s0  }
0x7: {  	s4 =	sshll.u32 s0, $0x4;
	s10 =	sshrl.u32 s7, $0x1;
	s11 =	sshrl.u32 s6, $0x2  }
0x8: {  	_ =	strace $0x8000004D;
	s10 =	ssub.s32 s7, s10;
	s7 =	sadd.s32 s11, s2  }
0x9: {  	p0 =	seq.s32 s0, $0x1;
	s0 =	simm.s32 $0x6BE00;
	s11 =	sadd.s32 $0x2800, s7  }
0xa: {  	s4 =	sor.u32 s12, s4;
	s19 =	sadd.s32 $0x5000, s7;
	[dreg:$0x3] =	wrdreg s11  }
0xb: {  	s6 =	sadd.s32 $0x7A00, s1;
	s20 =	sadd.s32 $0x7800, s7;
	[dreg:$0x4] =	wrdreg s19  }
0xc: {  	s0 =	simm.s32 @!p0 $0x42800;
	s21 =	sadd.s32 $0xA000, s7;
	[dreg:$0x5] =	wrdreg s20  }
0xd: {  	s4 =	smul.u32 $0x2710, s4;
	s22 =	sadd.s32 $0xC800, s7;
	[dreg:$0x6] =	wrdreg s21  }
0xe: {  	s0 =	sadd.s32 s0, s1;
	s23 =	sadd.s32 $0xF000, s7;
	[dreg:$0x7] =	wrdreg s22  }
0xf: {  	s24 =	sadd.s32 $0x11800, s7;
	s8 =	sshrl.u32 s4, $0x3;
	[dreg:$0x8] =	wrdreg s23  }
0x10: {  	[dreg:$0x9] =	wrdreg s24;
	s20 =	smax.u32 s10, $0x1;
	s21 =	sadd.s32 s0, s26  }
0x11: {  	s22 =	simm.s32 $0x1A780;
	s23 =	simm.s32 $0x14000;
	s9 =	sadd.s32 s8, s1  }
0x12: {  	s0 =	simm.s32 $0x4;
	s16 =	sadd.s32 s6, s8;
	s9 =	sadd.s32 $0x11800, s9  }
0x13: {  	s24 =	simm.s32 $0x2;
	s8 =	sadd.s32 $0xA, s16;
	[dreg:$0xa] =	wrdreg s9  }
0x14: {  	s26 =	simm.s32 $0x0;
	s25 =	sadd.s32 $0x14, s16;
	[dreg:$0xb] =	wrdreg s8  }
0x15: {  	v0 =	vimm.f32 $0.0e+00;
	s1 =	simm.s32 $0x5;
	s19 =	sadd.s32 $0x1E, s16;
	[dreg:$0xc] =	wrdreg s25  }
.LBB2_1:
0x16: {  	s8 =	sand.u32 $0xFE00, s3  }
0x17: {  	s9 =	sand.u32 $0x70, s3;
	s10 =	sshrl.u32 s8, $0x2  }
0x18: {  	s8 =	simm.s32 $0x40;
	s10 =	sor.u32 s9, s10;
	s9 =	simm.s32 $0x0  }
.LBB2_2:
0x19: {  	p0 =	sne.s32 s8, $0x9FC0  }
0x1a: {  	[tilespmem:s10+$0x1A780] =	vst v0;
	s9 =	sadd.s32 $0x10, s9;
	s10 =	smov.u32 s8;
	s8 =	sadd.s32 $0x40, s8  }
.Ltmp0:
0x1b: {  	(pc) =	sbr.rel @p0 .LBB2_2-.Ltmp0, $4  }
0x1c: {  	_ = 	snop  }
0x1d: {  	s10 =	sand.u32 $0xFE00, s10  }
0x1e: {  	s11 =	sand.u32 $0x70, s9;
	s10 =	sshrl.u32 s10, $0x2  }
0x1f: {  	s10 =	sor.u32 s11, s10  }
0x20: {  	[tilespmem:s10+$0x1A780] =	vst v0  }
0x21: {  	[spmem:s7] =	stream.linear.scatter [tilespmem:s22], [sflag:$0x3], $0x2800, $0x38;
	[tilespmem:$0x1F780] =	vst v63  }
0x22: {  	s8 =	rddreg [dreg:$0x3]  }
0x23: {  	[spmem:s8] =	stream.linear.scatter [tilespmem:s22], [sflag:$0x3], $0x2800, $0x38;
	[tilespmem:$0x1F780] =	vst v63  }
0x24: {  	s17 =	rddreg [dreg:$0x4]  }
0x25: {  	[spmem:s17] =	stream.linear.scatter [tilespmem:s22], [sflag:$0x3], $0x2800, $0x38;
	[tilespmem:$0x1F780] =	vst v63  }
0x26: {  	s18 =	rddreg [dreg:$0x5]  }
0x27: {  	[spmem:s18] =	stream.linear.scatter [tilespmem:s22], [sflag:$0x3], $0x2800, $0x38;
	[tilespmem:$0x1F780] =	vst v63  }
0x28: {  	s25 =	rddreg [dreg:$0x6]  }
0x29: {  	[spmem:s25] =	stream.linear.scatter [tilespmem:s22], [sflag:$0x3], $0x2800, $0x38;
	[tilespmem:$0x1F780] =	vst v63  }
0x2a: {  	s9 =	rddreg [dreg:$0x7]  }
0x2b: {  	[spmem:s9] =	stream.linear.scatter [tilespmem:s22], [sflag:$0x3], $0x2800, $0x38;
	[tilespmem:$0x1F780] =	vst v63  }
0x2c: {  	s10 =	rddreg [dreg:$0x8]  }
0x2d: {  	[spmem:s10] =	stream.linear.scatter [tilespmem:s22], [sflag:$0x3], $0x2800, $0x38;
	[tilespmem:$0x1F780] =	vst v63  }
0x2e: {  	s11 =	rddreg [dreg:$0x9]  }
0x2f: {  	[spmem:s11] =	stream.linear.scatter [tilespmem:s22], [sflag:$0x3], $0x2800, $0x38;
	[tilespmem:$0x1F780] =	vst v63  }
0x30: {  	s12 =	simm.s32 $0x0;
	s9 =	rddreg [dreg:$0xa]  }
0x31: {  	[tilespmem:s23], [sflag:$0x1] =	stream.linear.gather [hbm4b:s9+s12], $0x2710, $0x38;
	[tilespmem:$0x1F780] =	vst v63  }
0x32: {  	s9 =	simm.s32 $0x16780  }
0x33: {  	[tilespmem:s9], [sflag:$0x4] =	stream.linear.gather [hbm4b:s16+s12], $0x50, $0x38;
	[tilespmem:$0x1F780] =	vst v63  }
0x34: {  	s13 =	rddreg [dreg:$0xb];
	s11 =	simm.s32 $0x16800  }
0x35: {  	[tilespmem:s11], [sflag:$0x4] =	stream.linear.gather [hbm4b:s13+s12], $0x50, $0x38;
	[tilespmem:$0x1F780] =	vst v63  }
0x36: {  	s14 =	rddreg [dreg:$0xc];
	s15 =	simm.s32 $0x16880  }
0x37: {  	[tilespmem:s15], [sflag:$0x4] =	stream.linear.gather [hbm4b:s14+s12], $0x50, $0x38;
	[tilespmem:$0x1F780] =	vst v63  }
0x38: {  	s17 =	simm.s32 $0x16900  }
0x39: {  	[tilespmem:s17], [sflag:$0x4] =	stream.linear.gather [hbm4b:s19+s12], $0x50, $0x38;
	[tilespmem:$0x1F780] =	vst v63  }
0x3a: {  	_ =	swait.ge [sflag:s28], $0x2710  }
0x3b: {  	[sflag:s28] =	ssyncset.done $0x0  }
0x3c: {  	[sflag:s28] =	ssyncadd.s32 $0xFFFFD8F0  }
0x3d: {  	_ =	swait.ge [sflag:s29], $0x2800  }
0x3e: {  	[sflag:s29] =	ssyncset.done $0x0  }
0x3f: {  	[sflag:s29] =	ssyncadd.s32 $0xFFFFD800  }
0x40: {  	_ =	swait.ge [sflag:s29], $0x2800  }
0x41: {  	[sflag:s29] =	ssyncset.done $0x0  }
0x42: {  	[sflag:s29] =	ssyncadd.s32 $0xFFFFD800  }
0x43: {  	_ =	swait.ge [sflag:s29], $0x2800  }
0x44: {  	[sflag:s29] =	ssyncset.done $0x0  }
0x45: {  	[sflag:s29] =	ssyncadd.s32 $0xFFFFD800  }
0x46: {  	_ =	swait.ge [sflag:s29], $0x2800  }
0x47: {  	[sflag:s29] =	ssyncset.done $0x0  }
0x48: {  	[sflag:s29] =	ssyncadd.s32 $0xFFFFD800  }
0x49: {  	_ =	swait.ge [sflag:s29], $0x2800  }
0x4a: {  	[sflag:s29] =	ssyncset.done $0x0  }
0x4b: {  	[sflag:s29] =	ssyncadd.s32 $0xFFFFD800  }
0x4c: {  	_ =	swait.ge [sflag:s29], $0x2800  }
0x4d: {  	[sflag:s29] =	ssyncset.done $0x0  }
0x4e: {  	s18 =	smin.u32 s12, $0x78;
	[sflag:s29] =	ssyncadd.s32 $0xFFFFD800  }
0x4f: {  	s10 =	sadd.s32 $0x4, s18;
	_ =	swait.ge [sflag:s29], $0x2800  }
0x50: {  	s8 =	smin.u32 s12, $0x77;
	s25 =	smul.u32 $0x50, s10;
	[sflag:s29] =	ssyncset.done $0x0  }
0x51: {  	s8 =	sadd.s32 $0x5, s8;
	s10 =	sshll.u32 s10, $0x7;
	[sflag:s29] =	ssyncadd.s32 $0xFFFFD800  }
0x52: {  	s11 =	sadd.s32 s4, s25;
	s12 =	smul.u32 $0x50, s8;
	_ =	swait.ge [sflag:s29], $0x2800  }
0x53: {  	s10 =	sadd.s32 $0x16780, s10;
	s11 =	sshrl.u32 s11, $0x3;
	[sflag:s29] =	ssyncset.done $0x0  }
0x54: {  	s11 =	sadd.s32 s6, s11;
	s12 =	sadd.s32 s4, s12;
	[sflag:s29] =	ssyncadd.s32 $0xFFFFD800  }
0x55: {  	[tilespmem:s22], [sflag:$0x1] =	stream.indirect.gather [hbm4b:s5+s30], $0x80, s23, s30, $0xb8;
	[tilespmem:$0x1F780] =	vst v63  }
0x56: {  	s8 =	sshll.u32 s8, $0x7;
	s12 =	sshrl.u32 s12, $0x3;
	[bflag:$0x0] =	sbarrier.arrive $0xFFFF  }
0x57: {  	[tilespmem:s10], [sflag:$0x4] =	stream.linear.gather [hbm4b:s11+s3], $0x50, $0x38;
	[tilespmem:$0x1F780] =	vst v63  }
0x58: {  	s8 =	sadd.s32 $0x16780, s8;
	s13 =	sadd.s32 s6, s12  }
0x59: {  	[tilespmem:s8], [sflag:$0x4] =	stream.linear.gather [hbm4b:s13+s3], $0x50, $0x38;
	[tilespmem:$0x1F780] =	vst v63  }
0x5a: {  	s14 =	simm.s32 $0x14050  }
0x5b: {  	[tilespmem:s31], [sflag:$0x2] =	stream.indirect.gather [hbm4b:s5+s30], $0x80, s14, s30, $0xb8;
	[tilespmem:$0x1F780] =	vst v63  }
0x5c: {  	_ =	swait.ge [sflag:s28], $0x2800  }
0x5d: {  	[sflag:s28] =	ssyncset.done $0x0  }
0x5e: {  	[sflag:s28] =	ssyncadd.s32 $0xFFFFD800  }
0x5f: {  	_ =	swait.ge [sflag:s0], $0x50  }
0x60: {  	[sflag:s0] =	ssyncset.done $0x0  }
0x61: {  	[sflag:s0] =	ssyncadd.s32 $0xFFFFFFB0  }
0x62: {  	[spmem:s2] =	stream.indirect.scatter.add.f32 [tilespmem:s22], [sflag:$0x5], $0x80, s9, s30, $0xb8;
	[tilespmem:$0x1F780] =	vst v63  }
0x63: {  	s25 =	simm.s32 $0x16880;
	s17 =	simm.s32 $0x2;
	_ =	swait.ge [sflag:s1], $0x2800  }
0x64: {  	s15 =	simm.s32 $0x140A0;
	s18 =	smin.u32 s17, $0x78;
	[sflag:s1] =	ssyncset.done $0x0  }
0x65: {  	s12 =	simm.s32 $0x16800;
	s8 =	sadd.s32 $0x4, s18;
	[sflag:s1] =	ssyncadd.s32 $0xFFFFD800  }
0x66: {  	[tilespmem:s22], [sflag:$0x1] =	stream.indirect.gather [hbm4b:s5+s30], $0x80, s15, s30, $0xb8;
	[tilespmem:$0x1F780] =	vst v63  }
0x67: {  	s11 =	simm.s32 $0x4;
	s10 =	sshll.u32 s8, $0x7;
	_ =	swait.ge [sflag:s24], $0x2800  }
0x68: {  	s14 =	smul.u32 $0x50, s8;
	s9 =	smin.u32 s17, $0x77;
	[sflag:s24] =	ssyncset.done $0x0  }
0x69: {  	s8 =	simm.s32 $0x14140;
	s13 =	sadd.s32 $0x5, s9;
	[sflag:s24] =	ssyncadd.s32 $0xFFFFD800  }
0x6a: {  	s9 =	sadd.s32 s4, s14;
	s14 =	smul.u32 $0x50, s13;
	_ =	swait.ge [sflag:s0], $0x50  }
.LBB2_4:
0x6b: {  	s15 =	sshrl.u32 s9, $0x3;
	s13 =	sshll.u32 s13, $0x7  }
0x6c: {  	[sflag:s0] =	ssyncset.done $0x0;
	s17 =	smov.u32 s11;
	s9 =	smov.u32 s25  }
0x6d: {  	s15 =	sadd.s32 s6, s15;
	s14 =	sadd.s32 s4, s14;
	[sflag:s0] =	ssyncadd.s32 $0xFFFFFFB0  }
0x6e: {  	[spmem:s2] =	stream.indirect.scatter.add.f32 [tilespmem:s31], [sflag:$0x5], $0x80, s12, s30, $0xb8;
	[tilespmem:$0x1F780] =	vst v63  }
0x6f: {  	s18 =	sadd.s32 $0x2, s11;
	s12 =	sshrl.u32 s14, $0x3;
	_ =	swait.ge [sflag:s1], $0x2800  }
0x70: {  	p0 =	sne.s32 s11, $0x7A;
	[sflag:s1] =	ssyncset.done $0x0  }
0x71: {  	s10 =	sadd.s32 $0x16780, s10;
	[sflag:s1] =	ssyncadd.s32 $0xFFFFD800  }
0x72: {  	[tilespmem:s10], [sflag:$0x4] =	stream.linear.gather [hbm4b:s15+s3], $0x50, $0x38;
	[tilespmem:$0x1F780] =	vst v63  }
0x73: {  	s11 =	sadd.s32 s6, s12;
	s10 =	sadd.s32 $0x16780, s13  }
0x74: {  	[tilespmem:s10], [sflag:$0x4] =	stream.linear.gather [hbm4b:s11+s3], $0x50, $0x38;
	[tilespmem:$0x1F780] =	vst v63  }
0x75: {  	s10 =	sadd.s32 $0xFFFFFFB0, s8  }
0x76: {  	[tilespmem:s31], [sflag:$0x2] =	stream.indirect.gather [hbm4b:s5+s30], $0x80, s10, s30, $0xb8;
	[tilespmem:$0x1F780] =	vst v63  }
0x77: {  	_ =	swait.ge [sflag:s28], $0x2800  }
0x78: {  	[sflag:s28] =	ssyncset.done $0x0  }
0x79: {  	[sflag:s28] =	ssyncadd.s32 $0xFFFFD800  }
0x7a: {  	_ =	swait.ge [sflag:s0], $0x50  }
0x7b: {  	[sflag:s0] =	ssyncset.done $0x0  }
0x7c: {  	[sflag:s0] =	ssyncadd.s32 $0xFFFFFFB0  }
0x7d: {  	[spmem:s2] =	stream.indirect.scatter.add.f32 [tilespmem:s22], [sflag:$0x5], $0x80, s25, s30, $0xb8;
	[tilespmem:$0x1F780] =	vst v63  }
0x7e: {  	_ =	swait.ge [sflag:s1], $0x2800  }
0x7f: {  	[sflag:s1] =	ssyncset.done $0x0  }
0x80: {  	s12 =	smin.u32 s17, $0x77;
	s10 =	smin.u32 s17, $0x78;
	[sflag:s1] =	ssyncadd.s32 $0xFFFFD800  }
0x81: {  	[tilespmem:s22], [sflag:$0x1] =	stream.indirect.gather [hbm4b:s5+s30], $0x80, s8, s30, $0xb8;
	[tilespmem:$0x1F780] =	vst v63  }
.Ltmp1:
0x82: {  	s25 =	sadd.s32 $0x100, s25;
	_ =	swait.ge [sflag:s24], $0x2800;
	(pc) =	sbr.rel @p0 .LBB2_4-.Ltmp1, $4  }
0x83: {  	s13 =	sadd.s32 $0x5, s12;
	s11 =	sadd.s32 $0x4, s10;
	[sflag:s24] =	ssyncset.done $0x0  }
0x84: {  	s10 =	sshll.u32 s11, $0x7;
	s11 =	smul.u32 $0x50, s11;
	[sflag:s24] =	ssyncadd.s32 $0xFFFFD800  }
0x85: {  	s12 =	sadd.s32 $0x80, s9;
	s14 =	smul.u32 $0x50, s13;
	s8 =	sadd.s32 $0xA0, s8  }
0x86: {  	s9 =	sadd.s32 s4, s11;
	s11 =	smov.u32 s18;
	_ =	swait.ge [sflag:s0], $0x50  }
0x87: {  	[sflag:s0] =	ssyncset.done $0x0  }
0x88: {  	[sflag:s0] =	ssyncadd.s32 $0xFFFFFFB0  }
0x89: {  	[spmem:s2] =	stream.indirect.scatter.add.f32 [tilespmem:s31], [sflag:$0x5], $0x80, s12, s30, $0xb8;
	[tilespmem:$0x1F780] =	vst v63  }
0x8a: {  	s9 =	sshrl.u32 s9, $0x3;
	s11 =	sshll.u32 s13, $0x7;
	_ =	swait.ge [sflag:s1], $0x2800  }
0x8b: {  	s18 =	sadd.s32 s4, s14;
	s10 =	sadd.s32 $0x16780, s10;
	[sflag:s1] =	ssyncset.done $0x0  }
0x8c: {  	s9 =	sadd.s32 s6, s9;
	s12 =	sshrl.u32 s18, $0x3;
	[sflag:s1] =	ssyncadd.s32 $0xFFFFD800  }
0x8d: {  	[tilespmem:s10], [sflag:$0x4] =	stream.linear.gather [hbm4b:s9+s3], $0x50, $0x38;
	[tilespmem:$0x1F780] =	vst v63  }
0x8e: {  	s11 =	sadd.s32 $0x16780, s11;
	s13 =	sadd.s32 s6, s12  }
0x8f: {  	[tilespmem:s11], [sflag:$0x4] =	stream.linear.gather [hbm4b:s13+s3], $0x50, $0x38;
	[tilespmem:$0x1F780] =	vst v63  }
0x90: {  	s14 =	sadd.s32 $0xFFFFFFB0, s8  }
0x91: {  	[tilespmem:s31], [sflag:$0x2] =	stream.indirect.gather [hbm4b:s5+s30], $0x80, s14, s30, $0xb8;
	[tilespmem:$0x1F780] =	vst v63  }
0x92: {  	_ =	swait.ge [sflag:s28], $0x2800  }
0x93: {  	[sflag:s28] =	ssyncset.done $0x0  }
0x94: {  	[sflag:s28] =	ssyncadd.s32 $0xFFFFD800  }
0x95: {  	_ =	swait.ge [sflag:s0], $0x50  }
0x96: {  	[sflag:s0] =	ssyncset.done $0x0  }
0x97: {  	[sflag:s0] =	ssyncadd.s32 $0xFFFFFFB0  }
0x98: {  	[spmem:s2] =	stream.indirect.scatter.add.f32 [tilespmem:s22], [sflag:$0x5], $0x80, s25, s30, $0xb8;
	[tilespmem:$0x1F780] =	vst v63  }
0x99: {  	_ =	swait.ge [sflag:s1], $0x2800  }
0x9a: {  	[sflag:s1] =	ssyncset.done $0x0  }
0x9b: {  	[sflag:s1] =	ssyncadd.s32 $0xFFFFD800  }
0x9c: {  	[tilespmem:s22], [sflag:$0x1] =	stream.indirect.gather [hbm4b:s5+s30], $0x80, s8, s30, $0xb8;
	[tilespmem:$0x1F780] =	vst v63  }
0x9d: {  	_ =	swait.ge [sflag:s24], $0x2800  }
0x9e: {  	[sflag:s24] =	ssyncset.done $0x0  }
0x9f: {  	[sflag:s24] =	ssyncadd.s32 $0xFFFFD800  }
0xa0: {  	_ =	swait.ge [sflag:s0], $0x50  }
0xa1: {  	[sflag:s0] =	ssyncset.done $0x0  }
0xa2: {  	s15 =	sadd.s32 $0x80, s25;
	[sflag:s0] =	ssyncadd.s32 $0xFFFFFFB0  }
0xa3: {  	[spmem:s2] =	stream.indirect.scatter.add.f32 [tilespmem:s31], [sflag:$0x5], $0x80, s15, s30, $0xb8;
	[tilespmem:$0x1F780] =	vst v63  }
0xa4: {  	_ =	swait.ge [sflag:s1], $0x2800  }
0xa5: {  	[sflag:s1] =	ssyncset.done $0x0  }
0xa6: {  	[sflag:s1] =	ssyncadd.s32 $0xFFFFD800  }
0xa7: {  	_ =	swait.ge [sflag:s28], $0x2800  }
0xa8: {  	[sflag:s28] =	ssyncset.done $0x0  }
0xa9: {  	[sflag:s28] =	ssyncadd.s32 $0xFFFFD800  }
0xaa: {  	_ =	swait.ge [sflag:s0], $0x50  }
0xab: {  	[sflag:s0] =	ssyncset.done $0x0  }
0xac: {  	[sflag:s0] =	ssyncadd.s32 $0xFFFFFFB0  }
0xad: {  	_ =	swait.ge [sflag:s0], $0x50  }
0xae: {  	[sflag:s0] =	ssyncset.done $0x0  }
0xaf: {  	[sflag:s0] =	ssyncadd.s32 $0xFFFFFFB0  }
0xb0: {  	_ =	swait.ge [sflag:s0], $0x50  }
0xb1: {  	[sflag:s0] =	ssyncset.done $0x0  }
0xb2: {  	[sflag:s0] =	ssyncadd.s32 $0xFFFFFFB0  }
0xb3: {  	_ =	swait.ge [sflag:s0], $0x50  }
0xb4: {  	[sflag:s0] =	ssyncset.done $0x0  }
0xb5: {  	s17 =	simm.s32 $0x1A580;
	[sflag:s0] =	ssyncadd.s32 $0xFFFFFFB0  }
0xb6: {  	[spmem:s2] =	stream.indirect.scatter.add.f32 [tilespmem:s22], [sflag:$0x5], $0x80, s17, s30, $0xb8;
	[tilespmem:$0x1F780] =	vst v63  }
0xb7: {  	s26 =	sadd.s32 $0x1, s26;
	_ =	swait.ge [sflag:s1], $0x2800  }
0xb8: {  	p0 =	sne.s32 s26, s20;
	s18 =	stileid.u32;
	[sflag:s1] =	ssyncset.done $0x0  }
0xb9: {  	s25 =	sshrl.u32 s7, $0x3;
	s8 =	sshll.u32 s18, $0x6;
	[sflag:s1] =	ssyncadd.s32 $0xFFFFD800  }
.Ltmp2:
0xba: {  	s8 =	sor.u32 $0x1C05, s8;
	[bflag:$0x0] =	sbarrier.arrive $0xFFFF;
	(pc) =	sbr.rel @p0 .LBB2_1-.Ltmp2, $4  }
0xbb: {  	[hbm:s21], [sflag:s8] =	dma.local [spmem:s25], $0x2800  }
0xbc: {  	_ =	swait.ge [sflag:s1], $0x2800  }
0xbd: {  	[sflag:s1] =	ssyncset.done $0x0  }
0xbe: {  	[sflag:s1] =	ssyncadd.s32 $0xFFFFD800  }
0xbf: {  	_ =	sfence.sel $0x180000  }
0xc0: {  	[bflag:$0x0] =	sbarrier.arrive $0xFFFF  }
0xc1: {  	_ =	strace $0x9000004D  }
0xc2: {  	s0 =	stileid.u32;
	[bflag:$0x2] =	sbarrier.arrive $0xFFFF  }
0xc3: {  	p0 =	sne.s32 s0, $0x0;
	s0 =	rddreg [dreg:$0x2]  }
0xc4: {  	s0 =	sadd.s32 @!p0 $0x100000, s0  }
0xc5: {  	[sflag:s0] =	ssyncadd.tile.s32 @!p0 $0x1;
	_ =	shalt  }
.Lfunc_end2:
_tile_overlayer_lowered:
.L_overlay_start_2:
0xc6: {  	(tag) =	ssettag $0x2  }
0xc7: {  	s0 =	rddreg [dreg:$0x0];
	s2 =	stileid.u32  }
0xc8: {  	s1 =	rddreg [dreg:$0x1];
	p0 =	sne.s32 s2, $0x0  }
0xc9: {  	s3 =	rddreg [dreg:$0x2];
	[bflag:$0x3] =	sbarrier.arrive $0xFFFF;
	s2 =	simm.s32 @!p0 $0x1C05  }
0xca: {  	[timem:s3], [sflag:s2] =	dma.local @!p0 [hbm:s0], s1  }
0xcb: {  	s0 =	simm.s32 @!p0 $0x5  }
0xcc: {  	_ =	swait.ge @!p0 [sflag:s0], s1  }
0xcd: {  	s1 =	ssub.s32 @!p0 $0x0, s1;
	[sflag:s0] =	ssyncset.done @!p0 $0x0  }
0xce: {  	[sflag:s0] =	ssyncadd.s32 @!p0 s1  }
0xcf: {  	[bflag:$0x3] =	sbarrier.arrive $0xFFFF  }
0xd0: {  	_ =	shalt  }

// kernel: kernel.22.cloned.1.call-start
scs
__scs_entry_jumppad:
0x0: {  	(pc) =	sbr.rel $0x88, $3  }
0x1: {  	(tag) =	ssettag $0x0;
	lr =	simm.s32 $0x1  }
0x2: {  	[smem:$0x3F91] =	sst lr;
	_ =	strace $0xD0000000  }
0x3: {  	_ = 	snop  }
0x4: {  	_ = 	snop  }
0x5: {  	_ = 	snop  }
0x6: {  	_ = 	snop  }
0x7: {  	_ = 	snop  }
__scs_overlays_trampoline_lowered:
0x8: {  	[smem:$0x3FA0] =	sst s0  }
0x9: {  	[smem:$0x3FA1] =	sst s1  }
0xa: {  	[smem:$0x3FA2] =	sst s2  }
0xb: {  	[smem:$0x3FA3] =	sst s3  }
0xc: {  	[smem:$0x3FA4] =	sst s4  }
0xd: {  	[smem:$0x3FA5] =	sst s5  }
0xe: {  	[smem:$0x3FA6] =	sst s6  }
0xf: {  	[smem:$0x3FA7] =	sst s7  }
0x10: {  	[smem:$0x3FA8] =	sst s8  }
0x11: {  	[smem:$0x3FA9] =	sst s9;
	s0 =	simm.s32 @!p0 $0x0  }
0x12: {  	s1 =	sld [smem:$0x3F8F];
	s0 =	simm.s32 @p0 $0x1  }
0x13: {  	[smem:$0x3FAA] =	sst s0;
	s0 =	simm.s32 @!p1 $0x0  }
0x14: {  	s2 =	sld [smem:$0x3F8E];
	s0 =	simm.s32 @p1 $0x1  }
0x15: {  	[smem:$0x3FAB] =	sst s0;
	s0 =	simm.s32 @!p2 $0x0  }
0x16: {  	s3 =	sld [smem:$0x3FDB];
	s0 =	simm.s32 @p2 $0x1  }
0x17: {  	s4 =	simm.s32 $0x1BF5;
	[smem:$0x3FAD] =	sst s0  }
0x18: {  	s0 =	sld [smem:$0x3F90];
	_ =	swait.ge [sflag:s4], $0x0  }
0x19: {  	s7 =	sld [smem:$0x3F91]  }
0x1a: {  	s8 =	sadd.s32 $0xFFFFE003, lr  }
0x1b: {  	s9 =	sadd.s32 $0xFFFFFEF7, lr;
	s5 =	simm.s32 $0xFFFFFFFF;
	p2 =	slt.u32 s8, $0xFFFFF086  }
0x1c: {  	p1 =	slt.u32 s9, $0xF7A;
	s5 =	simm.s32 @!p2 $0x0  }
0x1d: {  	s5 =	simm.s32 @p1 $0x1;
	p0 =	seq.s32 s7, s2  }
0x1e: {  	s7 =	smul.u32 @!p0 $0xF7A, s2;
	p2 =	seq.s32 @!p0 s5, $0x0  }
0x1f: {  	s9 =	smul.u32 $0xF7A, s1;
	s8 =	simm.s32 @!p0 $0x1BF5;
	p2 =	por !p2, p0  }
0x20: {  	[sflag:s8] =	ssyncset.s32 @!p0 $0xFFFFF086;
	s6 =	sadd.s32 @!p0 s3, s7;
	s7 =	simm.s32 @!p0 $0x108  }
0x21: {  	s3 =	sadd.s32 s3, s9;
	s6 =	sadd.s32 @!p0 $0x88, s6;
	s7 =	simm.s32 @p2 $0x1082  }
0x22: {  	[simem:s7], [sflag:s8] =	dma.local @!p0 [hbm:s6], $0xF7A  }
0x23: {  	s9 =	sor.u32 $0xD0000000, s2;
	s6 =	simm.s32 $0x108;
	_ =	swait.ge @!p0 [sflag:s8], $0x0  }
0x24: {  	s3 =	sadd.s32 $0x88, s3;
	s6 =	simm.s32 @!p1 $0x1082;
	[sflag:s4] =	ssyncset.s32 $0xFFFFF086  }
0x25: {  	[simem:s6], [sflag:s4] =	dma.local [hbm:s3], $0xF7A  }
0x26: {  	[smem:$0x3F91] =	sst s1;
	(tag) =	ssettag s2;
	_ =	strace s9  }
0x27: {  	s1 =	sld [smem:$0x3FA1]  }
0x28: {  	s2 =	sld [smem:$0x3FA2]  }
0x29: {  	s4 =	sld [smem:$0x3FA4]  }
0x2a: {  	p0 =	seq.s32 s5, $0x0;
	s5 =	sld [smem:$0x3FA5]  }
0x2b: {  	s6 =	sld [smem:$0x3FA6]  }
0x2c: {  	s7 =	sld [smem:$0x3FA7]  }
0x2d: {  	s3 =	simm.s32 $0x108;
	s8 =	sld [smem:$0x3FA8]  }
0x2e: {  	s3 =	simm.s32 @!p0 $0x1082;
	s9 =	sld [smem:$0x3FA9]  }
0x2f: {  	lr =	sadd.s32 s0, s3;
	s0 =	sld [smem:$0x3FA0]  }
0x30: {  	s3 =	sld [smem:$0x3FA3]  }
0x31: {  	[smem:$0x3FAC] =	sst s10  }
0x32: {  	s10 =	sld [smem:$0x3FAA];
	_ =	sdelay $0x3  }
0x33: {  	p0 =	seq.s32 s10, $0x1;
	s10 =	sld [smem:$0x3FAC];
	_ =	sdelay $0x3  }
0x34: {  	[smem:$0x3FAC] =	sst s10  }
0x35: {  	s10 =	sld [smem:$0x3FAB];
	_ =	sdelay $0x3  }
0x36: {  	p1 =	seq.s32 s10, $0x1;
	s10 =	sld [smem:$0x3FAC];
	_ =	sdelay $0x3  }
0x37: {  	[smem:$0x3FAC] =	sst s10  }
0x38: {  	s10 =	sld [smem:$0x3FAD]  }
0x39: {  	_ = 	snop;
	(pc) =	sbr.ind lr, $3  }
0x3a: {  	_ = 	snop  }
0x3b: {  	_ = 	snop  }
0x3c: {  	p2 =	seq.s32 s10, $0x1;
	s10 =	sld [smem:$0x3FAC]  }
0x3d: {  	_ =	shalt  }
0x3e: {  	_ =	shalt  }
0x3f: {  	_ =	shalt  }
0x40: {  	_ =	shalt  }
0x41: {  	_ =	shalt  }
0x42: {  	_ =	shalt  }
0x43: {  	_ =	shalt  }
0x44: {  	_ =	shalt  }
0x45: {  	_ =	shalt  }
0x46: {  	_ =	shalt  }
0x47: {  	_ =	shalt  }
0x48: {  	_ =	shalt  }
0x49: {  	_ =	shalt  }
0x4a: {  	_ =	shalt  }
0x4b: {  	_ =	shalt  }
0x4c: {  	_ =	shalt  }
0x4d: {  	_ =	shalt  }
0x4e: {  	_ =	shalt  }
0x4f: {  	_ =	shalt  }
0x50: {  	_ =	shalt  }
0x51: {  	_ =	shalt  }
0x52: {  	_ =	shalt  }
0x53: {  	_ =	shalt  }
0x54: {  	_ =	shalt  }
0x55: {  	_ =	shalt  }
0x56: {  	_ =	shalt  }
0x57: {  	_ =	shalt  }
0x58: {  	_ =	shalt  }
0x59: {  	_ =	shalt  }
0x5a: {  	_ =	shalt  }
0x5b: {  	_ =	shalt  }
0x5c: {  	_ =	shalt  }
0x5d: {  	_ =	shalt  }
0x5e: {  	_ =	shalt  }
0x5f: {  	_ =	shalt  }
0x60: {  	_ =	shalt  }
0x61: {  	_ =	shalt  }
0x62: {  	_ =	shalt  }
0x63: {  	_ =	shalt  }
0x64: {  	_ =	shalt  }
0x65: {  	_ =	shalt  }
0x66: {  	_ =	shalt  }
0x67: {  	_ =	shalt  }
0x68: {  	_ =	shalt  }
0x69: {  	_ =	shalt  }
0x6a: {  	_ =	shalt  }
0x6b: {  	_ =	shalt  }
0x6c: {  	_ =	shalt  }
0x6d: {  	_ =	shalt  }
0x6e: {  	_ =	shalt  }
0x6f: {  	_ =	shalt  }
0x70: {  	_ =	shalt  }
0x71: {  	_ =	shalt  }
0x72: {  	_ =	shalt  }
0x73: {  	_ =	shalt  }
0x74: {  	_ =	shalt  }
0x75: {  	_ =	shalt  }
0x76: {  	_ =	shalt  }
0x77: {  	_ =	shalt  }
0x78: {  	_ =	shalt  }
0x79: {  	_ =	shalt  }
0x7a: {  	_ =	shalt  }
0x7b: {  	_ =	shalt  }
0x7c: {  	_ =	shalt  }
0x7d: {  	_ =	shalt  }
0x7e: {  	_ =	shalt  }
0x7f: {  	_ =	shalt  }
0x80: {  	_ =	shalt  }
0x81: {  	_ =	shalt  }
0x82: {  	_ =	shalt  }
0x83: {  	_ =	shalt  }
0x84: {  	_ =	shalt  }
0x85: {  	_ =	shalt  }
0x86: {  	_ =	shalt  }
0x87: {  	_ =	shalt  }
.Lfunc_end0:
.L_simem_size_0:
called_computation.3_lowered:
.L_overlay_start_0:
0x88: {  	s2 =	sld [smem:$0x3FD9]  }
0x89: {  	s3 =	sld [smem:$0x3FFE];
	_ =	sdelay $0x1  }
0x8a: {  	s1 =	srdreg.scid  }
0x8b: {  	s0 =	sand.u32 $0x1, s1  }
0x8c: {  	s16 =	sshll.u32 s0, $0xA;
	s2 =	sadd.s32 s3, s2  }
0x8d: {  	s2 =	sadd.s32 s2, s16  }
0x8e: {  	[smem:$0x3FB8] =	sst s2  }
0x8f: {  	_ = 	snop  }
0x90: {  	(tm) =	ssettm $0x1  }
0x91: {  	s17 =	sld [smem:$0x3FFB];
	_ =	sdelay $0x3  }
0x92: {  	_ =	strace s17  }
0x93: {  	s2 =	sld [smem:$0x3FFC];
	_ =	sdelay $0x3  }
0x94: {  	_ =	strace s2  }
0x95: {  	s2 =	sld [smem:$0x3FFD];
	_ =	sdelay $0x3  }
0x96: {  	_ =	strace s2  }
0x97: {  	_ =	strace $0x8FFFFFFF  }
0x98: {  	s18 =	sld [smem:$0x3FDB];
	_ =	sdelay $0x1  }
0x99: {  	s19 =	simm.s32 $_scs_section_size  }
0x9a: {  	s4 =	simm.s32 $_size__tile_overlayer_lowered;
	s5 =	simm.s32 $_tile_overlayer_lowered  }
0x9b: {  	s22 =	simm.s32 $0x1BFF;
	s21 =	sshll.u32 s5, $0x1;
	s2 =	sadd.s32 s19, s18  }
0x9c: {  	s6 =	simm.s32 $0x0;
	s20 =	sshll.u32 s4, $0x1;
	s4 =	sadd.s32 s21, s2  }
0x9d: {  	[timem:s6], [sflag:s22] =	dma.local [hbm:s4], s20  }
0x9e: {  	_ =	swait.ge [sflag:s22], s20  }
0x9f: {  	s3 =	ssub.s32 $0x0, s20;
	[sflag:s22] =	ssyncset.done $0x0  }
0xa0: {  	[sflag:s22] =	ssyncadd.s32 s3;
	_ =	sdelay $0x1  }
0xa1: {  	s23 =	simm.s32 $0x1B8B  }
0xa2: {  	_ =	swait.ge [sflag:s23], $0x1  }
0xa3: {  	[sflag:s23] =	ssyncset.done $0x0  }
0xa4: {  	s25 =	simm.s32 $0x1B8E;
	s24 =	sld [smem:$0x3FFE];
	[sflag:s23] =	ssyncadd.s32 $0xFFFFFFFF  }
0xa5: {  	s26 =	simm.s32 $execute0_lowered;
	[smem:$0x3FD2] =	sst s25  }
0xa6: {  	s4 =	sshll.u32 s26, $0x1;
	_ =	strace $0x8000004F;
	[dreg:$0x1] =	wrdreg $0xFFFFFFFF  }
0xa7: {  	s28 =	simm.s32 $_size_execute0_lowered;
	s2 =	sadd.s32 s2, s4;
	[dreg:$0x0] =	wrdreg $0x0  }
0xa8: {  	s4 =	sshll.u32 s28, $0x1;
	[dreg:$0x2] =	wrdreg s2  }
0xa9: {  	[dreg:$0x3] =	wrdreg s4  }
0xaa: {  	[dreg:$0x4] =	wrdreg $0xC0  }
0xab: {  	_ =	task [dreg:s6], $0x5FFFF  }
0xac: {  	[dreg:$0x1] =	wrdreg $0xFFFFFFFF  }
0xad: {  	[dreg:$0x0] =	wrdreg $0x60  }
0xae: {  	[dreg:$0x2] =	wrdreg s24  }
0xaf: {  	[dreg:$0x3] =	wrdreg $0x0  }
0xb0: {  	[dreg:$0x4] =	wrdreg $0x9  }
0xb1: {  	_ =	task.clear_ibuf [dreg:s6], $0x5FFFF;
	_ =	strace $0x9000004F  }
0xb2: {  	s29 =	simm.s32 $0x9;
	_ =	strace $0x80000051  }
0xb3: {  	_ =	swait.ge [sflag:s29], $0x1  }
0xb4: {  	[sflag:s29] =	ssyncadd.s32 $0xFFFFFFFF  }
0xb5: {  	_ =	strace $0x90000051  }
0xb6: {  	_ =	sfence  }
0xb7: {  	s30 =	sld [smem:$0x0];
	_ =	sdelay $0x2  }
0xb8: {  	s31 =	sshll.u32 s1, $0xD;
	s1 =	sshrl.u32 s1, $0x2  }
0xb9: {  	s3 =	sand.u32 $0x4000, s31;
	s1 =	sadd.s32 s1, s30  }
0xba: {  	s0 =	sor.u32 s3, s0;
	s1 =	sshll.u32 s1, $0x11  }
0xbb: {  	s0 =	sor.u32 s1, s0  }
0xbc: {  	s0 =	sadd.s32 $0x8F2B, s0  }
0xbd: {  	[sflag:s0] =	ssyncadd.remote.s32 $0x1  }
0xbe: {  	_ =	sfence.sel $0xFFFF  }
0xbf: {  	[dreg:$0x0] =	wrdreg $0xFFFFFFFF;
	(pc) =	sbr.abs _section_cstart, $3  }
0xc0: {  	[dreg:$0x1] =	wrdreg $0xFFFFFFFF  }
0xc1: {  	_ =	task.clear_ibuf [dreg:s6], $0x2FFFF;
	_ =	strace $0x9FFFFFFF  }
0xc2: {  	(tm) =	ssettm $0x7FFFFFFF  }
0xc3: {  	_ =	shalt  }
tec
execute0_lowered:
.L_overlay_start_1:
0x0: {  	(tag) =	ssettag $0x1  }
0x1: {  	s1 =	rddreg [dreg:$0x0]  }
0x2: {  	s0 =	srdreg.scid;
	s2 =	rddreg [dreg:$0x1]  }
0x3: {  	s12 =	stileid.u32;
	s3 =	simm.s32 $0x0;
	s28 =	simm.s32 $0x1  }
0x4: {  	s29 =	simm.s32 $0x3;
	s30 =	simm.s32 $0x50;
	s31 =	simm.s32 $0x1CF80  }
0x5: {  	s0 =	sand.u32 $0x1, s0;
	[smem:$0x7FF] =	sst s3;
	s6 =	smul.u32 $0x50000, s12  }
0x6: {  	s5 =	sadd.s32 $0x1B600, s1;
	s26 =	smul.u32 $0x2800, s12;
	s7 =	ssub.s32 $0x2, s0  }
0x7: {  	s4 =	sshll.u32 s0, $0x4;
	s10 =	sshrl.u32 s7, $0x1;
	s11 =	sshrl.u32 s6, $0x2  }
0x8: {  	_ =	strace $0x80000050;
	s10 =	ssub.s32 s7, s10;
	s7 =	sadd.s32 s11, s2  }
0x9: {  	p0 =	seq.s32 s0, $0x1;
	s0 =	simm.s32 $0x6BE00;
	s11 =	sadd.s32 $0x2800, s7  }
0xa: {  	s4 =	sor.u32 s12, s4;
	s19 =	sadd.s32 $0x5000, s7;
	[dreg:$0x3] =	wrdreg s11  }
0xb: {  	s6 =	sadd.s32 $0x7A00, s1;
	s20 =	sadd.s32 $0x7800, s7;
	[dreg:$0x4] =	wrdreg s19  }
0xc: {  	s0 =	simm.s32 @!p0 $0x42800;
	s21 =	sadd.s32 $0xA000, s7;
	[dreg:$0x5] =	wrdreg s20  }
0xd: {  	s4 =	smul.u32 $0x2710, s4;
	s22 =	sadd.s32 $0xC800, s7;
	[dreg:$0x6] =	wrdreg s21  }
0xe: {  	s0 =	sadd.s32 s0, s1;
	s23 =	sadd.s32 $0xF000, s7;
	[dreg:$0x7] =	wrdreg s22  }
0xf: {  	s24 =	sadd.s32 $0x11800, s7;
	s8 =	sshrl.u32 s4, $0x3;
	[dreg:$0x8] =	wrdreg s23  }
0x10: {  	[dreg:$0x9] =	wrdreg s24;
	s20 =	smax.u32 s10, $0x1;
	s21 =	sadd.s32 s0, s26  }
0x11: {  	s22 =	simm.s32 $0x1A780;
	s23 =	simm.s32 $0x14000;
	s9 =	sadd.s32 s8, s1  }
0x12: {  	s0 =	simm.s32 $0x4;
	s16 =	sadd.s32 s6, s8;
	s9 =	sadd.s32 $0x11800, s9  }
0x13: {  	s24 =	simm.s32 $0x2;
	s8 =	sadd.s32 $0xA, s16;
	[dreg:$0xa] =	wrdreg s9  }
0x14: {  	s26 =	simm.s32 $0x0;
	s25 =	sadd.s32 $0x14, s16;
	[dreg:$0xb] =	wrdreg s8  }
0x15: {  	v0 =	vimm.f32 $0.0e+00;
	s1 =	simm.s32 $0x5;
	s19 =	sadd.s32 $0x1E, s16;
	[dreg:$0xc] =	wrdreg s25  }
.LBB2_1:
0x16: {  	s8 =	sand.u32 $0xFE00, s3  }
0x17: {  	s9 =	sand.u32 $0x70, s3;
	s10 =	sshrl.u32 s8, $0x2  }
0x18: {  	s8 =	simm.s32 $0x40;
	s10 =	sor.u32 s9, s10;
	s9 =	simm.s32 $0x0  }
.LBB2_2:
0x19: {  	p0 =	sne.s32 s8, $0x9FC0  }
0x1a: {  	[tilespmem:s10+$0x1A780] =	vst v0;
	s9 =	sadd.s32 $0x10, s9;
	s10 =	smov.u32 s8;
	s8 =	sadd.s32 $0x40, s8  }
.Ltmp0:
0x1b: {  	(pc) =	sbr.rel @p0 .LBB2_2-.Ltmp0, $4  }
0x1c: {  	_ = 	snop  }
0x1d: {  	s10 =	sand.u32 $0xFE00, s10  }
0x1e: {  	s11 =	sand.u32 $0x70, s9;
	s10 =	sshrl.u32 s10, $0x2  }
0x1f: {  	s10 =	sor.u32 s11, s10  }
0x20: {  	[tilespmem:s10+$0x1A780] =	vst v0  }
0x21: {  	[spmem:s7] =	stream.linear.scatter [tilespmem:s22], [sflag:$0x3], $0x2800, $0x38;
	[tilespmem:$0x1F780] =	vst v63  }
0x22: {  	s8 =	rddreg [dreg:$0x3]  }
0x23: {  	[spmem:s8] =	stream.linear.scatter [tilespmem:s22], [sflag:$0x3], $0x2800, $0x38;
	[tilespmem:$0x1F780] =	vst v63  }
0x24: {  	s17 =	rddreg [dreg:$0x4]  }
0x25: {  	[spmem:s17] =	stream.linear.scatter [tilespmem:s22], [sflag:$0x3], $0x2800, $0x38;
	[tilespmem:$0x1F780] =	vst v63  }
0x26: {  	s18 =	rddreg [dreg:$0x5]  }
0x27: {  	[spmem:s18] =	stream.linear.scatter [tilespmem:s22], [sflag:$0x3], $0x2800, $0x38;
	[tilespmem:$0x1F780] =	vst v63  }
0x28: {  	s25 =	rddreg [dreg:$0x6]  }
0x29: {  	[spmem:s25] =	stream.linear.scatter [tilespmem:s22], [sflag:$0x3], $0x2800, $0x38;
	[tilespmem:$0x1F780] =	vst v63  }
0x2a: {  	s9 =	rddreg [dreg:$0x7]  }
0x2b: {  	[spmem:s9] =	stream.linear.scatter [tilespmem:s22], [sflag:$0x3], $0x2800, $0x38;
	[tilespmem:$0x1F780] =	vst v63  }
0x2c: {  	s10 =	rddreg [dreg:$0x8]  }
0x2d: {  	[spmem:s10] =	stream.linear.scatter [tilespmem:s22], [sflag:$0x3], $0x2800, $0x38;
	[tilespmem:$0x1F780] =	vst v63  }
0x2e: {  	s11 =	rddreg [dreg:$0x9]  }
0x2f: {  	[spmem:s11] =	stream.linear.scatter [tilespmem:s22], [sflag:$0x3], $0x2800, $0x38;
	[tilespmem:$0x1F780] =	vst v63  }
0x30: {  	s12 =	simm.s32 $0x0;
	s9 =	rddreg [dreg:$0xa]  }
0x31: {  	[tilespmem:s23], [sflag:$0x1] =	stream.linear.gather [hbm4b:s9+s12], $0x2710, $0x38;
	[tilespmem:$0x1F780] =	vst v63  }
0x32: {  	s9 =	simm.s32 $0x16780  }
0x33: {  	[tilespmem:s9], [sflag:$0x4] =	stream.linear.gather [hbm4b:s16+s12], $0x50, $0x38;
	[tilespmem:$0x1F780] =	vst v63  }
0x34: {  	s13 =	rddreg [dreg:$0xb];
	s11 =	simm.s32 $0x16800  }
0x35: {  	[tilespmem:s11], [sflag:$0x4] =	stream.linear.gather [hbm4b:s13+s12], $0x50, $0x38;
	[tilespmem:$0x1F780] =	vst v63  }
0x36: {  	s14 =	rddreg [dreg:$0xc];
	s15 =	simm.s32 $0x16880  }
0x37: {  	[tilespmem:s15], [sflag:$0x4] =	stream.linear.gather [hbm4b:s14+s12], $0x50, $0x38;
	[tilespmem:$0x1F780] =	vst v63  }
0x38: {  	s17 =	simm.s32 $0x16900  }
0x39: {  	[tilespmem:s17], [sflag:$0x4] =	stream.linear.gather [hbm4b:s19+s12], $0x50, $0x38;
	[tilespmem:$0x1F780] =	vst v63  }
0x3a: {  	_ =	swait.ge [sflag:s28], $0x2710  }
0x3b: {  	[sflag:s28] =	ssyncset.done $0x0  }
0x3c: {  	[sflag:s28] =	ssyncadd.s32 $0xFFFFD8F0  }
0x3d: {  	_ =	swait.ge [sflag:s29], $0x2800  }
0x3e: {  	[sflag:s29] =	ssyncset.done $0x0  }
0x3f: {  	[sflag:s29] =	ssyncadd.s32 $0xFFFFD800  }
0x40: {  	_ =	swait.ge [sflag:s29], $0x2800  }
0x41: {  	[sflag:s29] =	ssyncset.done $0x0  }
0x42: {  	[sflag:s29] =	ssyncadd.s32 $0xFFFFD800  }
0x43: {  	_ =	swait.ge [sflag:s29], $0x2800  }
0x44: {  	[sflag:s29] =	ssyncset.done $0x0  }
0x45: {  	[sflag:s29] =	ssyncadd.s32 $0xFFFFD800  }
0x46: {  	_ =	swait.ge [sflag:s29], $0x2800  }
0x47: {  	[sflag:s29] =	ssyncset.done $0x0  }
0x48: {  	[sflag:s29] =	ssyncadd.s32 $0xFFFFD800  }
0x49: {  	_ =	swait.ge [sflag:s29], $0x2800  }
0x4a: {  	[sflag:s29] =	ssyncset.done $0x0  }
0x4b: {  	[sflag:s29] =	ssyncadd.s32 $0xFFFFD800  }
0x4c: {  	_ =	swait.ge [sflag:s29], $0x2800  }
0x4d: {  	[sflag:s29] =	ssyncset.done $0x0  }
0x4e: {  	s18 =	smin.u32 s12, $0x78;
	[sflag:s29] =	ssyncadd.s32 $0xFFFFD800  }
0x4f: {  	s10 =	sadd.s32 $0x4, s18;
	_ =	swait.ge [sflag:s29], $0x2800  }
0x50: {  	s8 =	smin.u32 s12, $0x77;
	s25 =	smul.u32 $0x50, s10;
	[sflag:s29] =	ssyncset.done $0x0  }
0x51: {  	s8 =	sadd.s32 $0x5, s8;
	s10 =	sshll.u32 s10, $0x7;
	[sflag:s29] =	ssyncadd.s32 $0xFFFFD800  }
0x52: {  	s11 =	sadd.s32 s4, s25;
	s12 =	smul.u32 $0x50, s8;
	_ =	swait.ge [sflag:s29], $0x2800  }
0x53: {  	s10 =	sadd.s32 $0x16780, s10;
	s11 =	sshrl.u32 s11, $0x3;
	[sflag:s29] =	ssyncset.done $0x0  }
0x54: {  	s11 =	sadd.s32 s6, s11;
	s12 =	sadd.s32 s4, s12;
	[sflag:s29] =	ssyncadd.s32 $0xFFFFD800  }
0x55: {  	[tilespmem:s22], [sflag:$0x1] =	stream.indirect.gather [hbm4b:s5+s30], $0x80, s23, s30, $0xb8;
	[tilespmem:$0x1F780] =	vst v63  }
0x56: {  	s8 =	sshll.u32 s8, $0x7;
	s12 =	sshrl.u32 s12, $0x3;
	[bflag:$0x0] =	sbarrier.arrive $0xFFFF  }
0x57: {  	[tilespmem:s10], [sflag:$0x4] =	stream.linear.gather [hbm4b:s11+s3], $0x50, $0x38;
	[tilespmem:$0x1F780] =	vst v63  }
0x58: {  	s8 =	sadd.s32 $0x16780, s8;
	s13 =	sadd.s32 s6, s12  }
0x59: {  	[tilespmem:s8], [sflag:$0x4] =	stream.linear.gather [hbm4b:s13+s3], $0x50, $0x38;
	[tilespmem:$0x1F780] =	vst v63  }
0x5a: {  	s14 =	simm.s32 $0x14050  }
0x5b: {  	[tilespmem:s31], [sflag:$0x2] =	stream.indirect.gather [hbm4b:s5+s30], $0x80, s14, s30, $0xb8;
	[tilespmem:$0x1F780] =	vst v63  }
0x5c: {  	_ =	swait.ge [sflag:s28], $0x2800  }
0x5d: {  	[sflag:s28] =	ssyncset.done $0x0  }
0x5e: {  	[sflag:s28] =	ssyncadd.s32 $0xFFFFD800  }
0x5f: {  	_ =	swait.ge [sflag:s0], $0x50  }
0x60: {  	[sflag:s0] =	ssyncset.done $0x0  }
0x61: {  	[sflag:s0] =	ssyncadd.s32 $0xFFFFFFB0  }
0x62: {  	[spmem:s2] =	stream.indirect.scatter.add.f32 [tilespmem:s22], [sflag:$0x5], $0x80, s9, s30, $0xb8;
	[tilespmem:$0x1F780] =	vst v63  }
0x63: {  	s25 =	simm.s32 $0x16880;
	s17 =	simm.s32 $0x2;
	_ =	swait.ge [sflag:s1], $0x2800  }
0x64: {  	s15 =	simm.s32 $0x140A0;
	s18 =	smin.u32 s17, $0x78;
	[sflag:s1] =	ssyncset.done $0x0  }
0x65: {  	s12 =	simm.s32 $0x16800;
	s8 =	sadd.s32 $0x4, s18;
	[sflag:s1] =	ssyncadd.s32 $0xFFFFD800  }
0x66: {  	[tilespmem:s22], [sflag:$0x1] =	stream.indirect.gather [hbm4b:s5+s30], $0x80, s15, s30, $0xb8;
	[tilespmem:$0x1F780] =	vst v63  }
0x67: {  	s11 =	simm.s32 $0x4;
	s10 =	sshll.u32 s8, $0x7;
	_ =	swait.ge [sflag:s24], $0x2800  }
0x68: {  	s14 =	smul.u32 $0x50, s8;
	s9 =	smin.u32 s17, $0x77;
	[sflag:s24] =	ssyncset.done $0x0  }
0x69: {  	s8 =	simm.s32 $0x14140;
	s13 =	sadd.s32 $0x5, s9;
	[sflag:s24] =	ssyncadd.s32 $0xFFFFD800  }
0x6a: {  	s9 =	sadd.s32 s4, s14;
	s14 =	smul.u32 $0x50, s13;
	_ =	swait.ge [sflag:s0], $0x50  }
.LBB2_4:
0x6b: {  	s15 =	sshrl.u32 s9, $0x3;
	s13 =	sshll.u32 s13, $0x7  }
0x6c: {  	[sflag:s0] =	ssyncset.done $0x0;
	s17 =	smov.u32 s11;
	s9 =	smov.u32 s25  }
0x6d: {  	s15 =	sadd.s32 s6, s15;
	s14 =	sadd.s32 s4, s14;
	[sflag:s0] =	ssyncadd.s32 $0xFFFFFFB0  }
0x6e: {  	[spmem:s2] =	stream.indirect.scatter.add.f32 [tilespmem:s31], [sflag:$0x5], $0x80, s12, s30, $0xb8;
	[tilespmem:$0x1F780] =	vst v63  }
0x6f: {  	s18 =	sadd.s32 $0x2, s11;
	s12 =	sshrl.u32 s14, $0x3;
	_ =	swait.ge [sflag:s1], $0x2800  }
0x70: {  	p0 =	sne.s32 s11, $0x7A;
	[sflag:s1] =	ssyncset.done $0x0  }
0x71: {  	s10 =	sadd.s32 $0x16780, s10;
	[sflag:s1] =	ssyncadd.s32 $0xFFFFD800  }
0x72: {  	[tilespmem:s10], [sflag:$0x4] =	stream.linear.gather [hbm4b:s15+s3], $0x50, $0x38;
	[tilespmem:$0x1F780] =	vst v63  }
0x73: {  	s11 =	sadd.s32 s6, s12;
	s10 =	sadd.s32 $0x16780, s13  }
0x74: {  	[tilespmem:s10], [sflag:$0x4] =	stream.linear.gather [hbm4b:s11+s3], $0x50, $0x38;
	[tilespmem:$0x1F780] =	vst v63  }
0x75: {  	s10 =	sadd.s32 $0xFFFFFFB0, s8  }
0x76: {  	[tilespmem:s31], [sflag:$0x2] =	stream.indirect.gather [hbm4b:s5+s30], $0x80, s10, s30, $0xb8;
	[tilespmem:$0x1F780] =	vst v63  }
0x77: {  	_ =	swait.ge [sflag:s28], $0x2800  }
0x78: {  	[sflag:s28] =	ssyncset.done $0x0  }
0x79: {  	[sflag:s28] =	ssyncadd.s32 $0xFFFFD800  }
0x7a: {  	_ =	swait.ge [sflag:s0], $0x50  }
0x7b: {  	[sflag:s0] =	ssyncset.done $0x0  }
0x7c: {  	[sflag:s0] =	ssyncadd.s32 $0xFFFFFFB0  }
0x7d: {  	[spmem:s2] =	stream.indirect.scatter.add.f32 [tilespmem:s22], [sflag:$0x5], $0x80, s25, s30, $0xb8;
	[tilespmem:$0x1F780] =	vst v63  }
0x7e: {  	_ =	swait.ge [sflag:s1], $0x2800  }
0x7f: {  	[sflag:s1] =	ssyncset.done $0x0  }
0x80: {  	s12 =	smin.u32 s17, $0x77;
	s10 =	smin.u32 s17, $0x78;
	[sflag:s1] =	ssyncadd.s32 $0xFFFFD800  }
0x81: {  	[tilespmem:s22], [sflag:$0x1] =	stream.indirect.gather [hbm4b:s5+s30], $0x80, s8, s30, $0xb8;
	[tilespmem:$0x1F780] =	vst v63  }
.Ltmp1:
0x82: {  	s25 =	sadd.s32 $0x100, s25;
	_ =	swait.ge [sflag:s24], $0x2800;
	(pc) =	sbr.rel @p0 .LBB2_4-.Ltmp1, $4  }
0x83: {  	s13 =	sadd.s32 $0x5, s12;
	s11 =	sadd.s32 $0x4, s10;
	[sflag:s24] =	ssyncset.done $0x0  }
0x84: {  	s10 =	sshll.u32 s11, $0x7;
	s11 =	smul.u32 $0x50, s11;
	[sflag:s24] =	ssyncadd.s32 $0xFFFFD800  }
0x85: {  	s12 =	sadd.s32 $0x80, s9;
	s14 =	smul.u32 $0x50, s13;
	s8 =	sadd.s32 $0xA0, s8  }
0x86: {  	s9 =	sadd.s32 s4, s11;
	s11 =	smov.u32 s18;
	_ =	swait.ge [sflag:s0], $0x50  }
0x87: {  	[sflag:s0] =	ssyncset.done $0x0  }
0x88: {  	[sflag:s0] =	ssyncadd.s32 $0xFFFFFFB0  }
0x89: {  	[spmem:s2] =	stream.indirect.scatter.add.f32 [tilespmem:s31], [sflag:$0x5], $0x80, s12, s30, $0xb8;
	[tilespmem:$0x1F780] =	vst v63  }
0x8a: {  	s9 =	sshrl.u32 s9, $0x3;
	s11 =	sshll.u32 s13, $0x7;
	_ =	swait.ge [sflag:s1], $0x2800  }
0x8b: {  	s18 =	sadd.s32 s4, s14;
	s10 =	sadd.s32 $0x16780, s10;
	[sflag:s1] =	ssyncset.done $0x0  }
0x8c: {  	s9 =	sadd.s32 s6, s9;
	s12 =	sshrl.u32 s18, $0x3;
	[sflag:s1] =	ssyncadd.s32 $0xFFFFD800  }
0x8d: {  	[tilespmem:s10], [sflag:$0x4] =	stream.linear.gather [hbm4b:s9+s3], $0x50, $0x38;
	[tilespmem:$0x1F780] =	vst v63  }
0x8e: {  	s11 =	sadd.s32 $0x16780, s11;
	s13 =	sadd.s32 s6, s12  }
0x8f: {  	[tilespmem:s11], [sflag:$0x4] =	stream.linear.gather [hbm4b:s13+s3], $0x50, $0x38;
	[tilespmem:$0x1F780] =	vst v63  }
0x90: {  	s14 =	sadd.s32 $0xFFFFFFB0, s8  }
0x91: {  	[tilespmem:s31], [sflag:$0x2] =	stream.indirect.gather [hbm4b:s5+s30], $0x80, s14, s30, $0xb8;
	[tilespmem:$0x1F780] =	vst v63  }
0x92: {  	_ =	swait.ge [sflag:s28], $0x2800  }
0x93: {  	[sflag:s28] =	ssyncset.done $0x0  }
0x94: {  	[sflag:s28] =	ssyncadd.s32 $0xFFFFD800  }
0x95: {  	_ =	swait.ge [sflag:s0], $0x50  }
0x96: {  	[sflag:s0] =	ssyncset.done $0x0  }
0x97: {  	[sflag:s0] =	ssyncadd.s32 $0xFFFFFFB0  }
0x98: {  	[spmem:s2] =	stream.indirect.scatter.add.f32 [tilespmem:s22], [sflag:$0x5], $0x80, s25, s30, $0xb8;
	[tilespmem:$0x1F780] =	vst v63  }
0x99: {  	_ =	swait.ge [sflag:s1], $0x2800  }
0x9a: {  	[sflag:s1] =	ssyncset.done $0x0  }
0x9b: {  	[sflag:s1] =	ssyncadd.s32 $0xFFFFD800  }
0x9c: {  	[tilespmem:s22], [sflag:$0x1] =	stream.indirect.gather [hbm4b:s5+s30], $0x80, s8, s30, $0xb8;
	[tilespmem:$0x1F780] =	vst v63  }
0x9d: {  	_ =	swait.ge [sflag:s24], $0x2800  }
0x9e: {  	[sflag:s24] =	ssyncset.done $0x0  }
0x9f: {  	[sflag:s24] =	ssyncadd.s32 $0xFFFFD800  }
0xa0: {  	_ =	swait.ge [sflag:s0], $0x50  }
0xa1: {  	[sflag:s0] =	ssyncset.done $0x0  }
0xa2: {  	s15 =	sadd.s32 $0x80, s25;
	[sflag:s0] =	ssyncadd.s32 $0xFFFFFFB0  }
0xa3: {  	[spmem:s2] =	stream.indirect.scatter.add.f32 [tilespmem:s31], [sflag:$0x5], $0x80, s15, s30, $0xb8;
	[tilespmem:$0x1F780] =	vst v63  }
0xa4: {  	_ =	swait.ge [sflag:s1], $0x2800  }
0xa5: {  	[sflag:s1] =	ssyncset.done $0x0  }
0xa6: {  	[sflag:s1] =	ssyncadd.s32 $0xFFFFD800  }
0xa7: {  	_ =	swait.ge [sflag:s28], $0x2800  }
0xa8: {  	[sflag:s28] =	ssyncset.done $0x0  }
0xa9: {  	[sflag:s28] =	ssyncadd.s32 $0xFFFFD800  }
0xaa: {  	_ =	swait.ge [sflag:s0], $0x50  }
0xab: {  	[sflag:s0] =	ssyncset.done $0x0  }
0xac: {  	[sflag:s0] =	ssyncadd.s32 $0xFFFFFFB0  }
0xad: {  	_ =	swait.ge [sflag:s0], $0x50  }
0xae: {  	[sflag:s0] =	ssyncset.done $0x0  }
0xaf: {  	[sflag:s0] =	ssyncadd.s32 $0xFFFFFFB0  }
0xb0: {  	_ =	swait.ge [sflag:s0], $0x50  }
0xb1: {  	[sflag:s0] =	ssyncset.done $0x0  }
0xb2: {  	[sflag:s0] =	ssyncadd.s32 $0xFFFFFFB0  }
0xb3: {  	_ =	swait.ge [sflag:s0], $0x50  }
0xb4: {  	[sflag:s0] =	ssyncset.done $0x0  }
0xb5: {  	s17 =	simm.s32 $0x1A580;
	[sflag:s0] =	ssyncadd.s32 $0xFFFFFFB0  }
0xb6: {  	[spmem:s2] =	stream.indirect.scatter.add.f32 [tilespmem:s22], [sflag:$0x5], $0x80, s17, s30, $0xb8;
	[tilespmem:$0x1F780] =	vst v63  }
0xb7: {  	s26 =	sadd.s32 $0x1, s26;
	_ =	swait.ge [sflag:s1], $0x2800  }
0xb8: {  	p0 =	sne.s32 s26, s20;
	s18 =	stileid.u32;
	[sflag:s1] =	ssyncset.done $0x0  }
0xb9: {  	s25 =	sshrl.u32 s7, $0x3;
	s8 =	sshll.u32 s18, $0x6;
	[sflag:s1] =	ssyncadd.s32 $0xFFFFD800  }
.Ltmp2:
0xba: {  	s8 =	sor.u32 $0x1C05, s8;
	[bflag:$0x0] =	sbarrier.arrive $0xFFFF;
	(pc) =	sbr.rel @p0 .LBB2_1-.Ltmp2, $4  }
0xbb: {  	[hbm:s21], [sflag:s8] =	dma.local [spmem:s25], $0x2800  }
0xbc: {  	_ =	swait.ge [sflag:s1], $0x2800  }
0xbd: {  	[sflag:s1] =	ssyncset.done $0x0  }
0xbe: {  	[sflag:s1] =	ssyncadd.s32 $0xFFFFD800  }
0xbf: {  	_ =	sfence.sel $0x180000  }
0xc0: {  	[bflag:$0x0] =	sbarrier.arrive $0xFFFF  }
0xc1: {  	_ =	strace $0x90000050  }
0xc2: {  	s0 =	stileid.u32;
	[bflag:$0x2] =	sbarrier.arrive $0xFFFF  }
0xc3: {  	p0 =	sne.s32 s0, $0x0;
	s0 =	rddreg [dreg:$0x2]  }
0xc4: {  	s0 =	sadd.s32 @!p0 $0x100000, s0  }
0xc5: {  	[sflag:s0] =	ssyncadd.tile.s32 @!p0 $0x1;
	_ =	shalt  }
.Lfunc_end2:
_tile_overlayer_lowered:
.L_overlay_start_2:
0xc6: {  	(tag) =	ssettag $0x2  }
0xc7: {  	s0 =	rddreg [dreg:$0x0];
	s2 =	stileid.u32  }
0xc8: {  	s1 =	rddreg [dreg:$0x1];
	p0 =	sne.s32 s2, $0x0  }
0xc9: {  	s3 =	rddreg [dreg:$0x2];
	[bflag:$0x3] =	sbarrier.arrive $0xFFFF;
	s2 =	simm.s32 @!p0 $0x1C05  }
0xca: {  	[timem:s3], [sflag:s2] =	dma.local @!p0 [hbm:s0], s1  }
0xcb: {  	s0 =	simm.s32 @!p0 $0x5  }
0xcc: {  	_ =	swait.ge @!p0 [sflag:s0], s1  }
0xcd: {  	s1 =	ssub.s32 @!p0 $0x0, s1;
	[sflag:s0] =	ssyncset.done @!p0 $0x0  }
0xce: {  	[sflag:s0] =	ssyncadd.s32 @!p0 s1  }
0xcf: {  	[bflag:$0x3] =	sbarrier.arrive $0xFFFF  }
0xd0: {  	_ =	shalt  }

// kernel: kernel.25.cloned.1.call-start
scs
__scs_entry_jumppad:
0x0: {  	(pc) =	sbr.rel $0x88, $3  }
0x1: {  	(tag) =	ssettag $0x0;
	lr =	simm.s32 $0x1  }
0x2: {  	[smem:$0x3F91] =	sst lr;
	_ =	strace $0xD0000000  }
0x3: {  	_ = 	snop  }
0x4: {  	_ = 	snop  }
0x5: {  	_ = 	snop  }
0x6: {  	_ = 	snop  }
0x7: {  	_ = 	snop  }
__scs_overlays_trampoline_lowered:
0x8: {  	[smem:$0x3FA0] =	sst s0  }
0x9: {  	[smem:$0x3FA1] =	sst s1  }
0xa: {  	[smem:$0x3FA2] =	sst s2  }
0xb: {  	[smem:$0x3FA3] =	sst s3  }
0xc: {  	[smem:$0x3FA4] =	sst s4  }
0xd: {  	[smem:$0x3FA5] =	sst s5  }
0xe: {  	[smem:$0x3FA6] =	sst s6  }
0xf: {  	[smem:$0x3FA7] =	sst s7  }
0x10: {  	[smem:$0x3FA8] =	sst s8  }
0x11: {  	[smem:$0x3FA9] =	sst s9;
	s0 =	simm.s32 @!p0 $0x0  }
0x12: {  	s1 =	sld [smem:$0x3F8F];
	s0 =	simm.s32 @p0 $0x1  }
0x13: {  	[smem:$0x3FAA] =	sst s0;
	s0 =	simm.s32 @!p1 $0x0  }
0x14: {  	s2 =	sld [smem:$0x3F8E];
	s0 =	simm.s32 @p1 $0x1  }
0x15: {  	[smem:$0x3FAB] =	sst s0;
	s0 =	simm.s32 @!p2 $0x0  }
0x16: {  	s3 =	sld [smem:$0x3FDB];
	s0 =	simm.s32 @p2 $0x1  }
0x17: {  	s4 =	simm.s32 $0x1BF5;
	[smem:$0x3FAD] =	sst s0  }
0x18: {  	s0 =	sld [smem:$0x3F90];
	_ =	swait.ge [sflag:s4], $0x0  }
0x19: {  	s7 =	sld [smem:$0x3F91]  }
0x1a: {  	s8 =	sadd.s32 $0xFFFFE003, lr  }
0x1b: {  	s9 =	sadd.s32 $0xFFFFFEF7, lr;
	s5 =	simm.s32 $0xFFFFFFFF;
	p2 =	slt.u32 s8, $0xFFFFF086  }
0x1c: {  	p1 =	slt.u32 s9, $0xF7A;
	s5 =	simm.s32 @!p2 $0x0  }
0x1d: {  	s5 =	simm.s32 @p1 $0x1;
	p0 =	seq.s32 s7, s2  }
0x1e: {  	s7 =	smul.u32 @!p0 $0xF7A, s2;
	p2 =	seq.s32 @!p0 s5, $0x0  }
0x1f: {  	s9 =	smul.u32 $0xF7A, s1;
	s8 =	simm.s32 @!p0 $0x1BF5;
	p2 =	por !p2, p0  }
0x20: {  	[sflag:s8] =	ssyncset.s32 @!p0 $0xFFFFF086;
	s6 =	sadd.s32 @!p0 s3, s7;
	s7 =	simm.s32 @!p0 $0x108  }
0x21: {  	s3 =	sadd.s32 s3, s9;
	s6 =	sadd.s32 @!p0 $0x88, s6;
	s7 =	simm.s32 @p2 $0x1082  }
0x22: {  	[simem:s7], [sflag:s8] =	dma.local @!p0 [hbm:s6], $0xF7A  }
0x23: {  	s9 =	sor.u32 $0xD0000000, s2;
	s6 =	simm.s32 $0x108;
	_ =	swait.ge @!p0 [sflag:s8], $0x0  }
0x24: {  	s3 =	sadd.s32 $0x88, s3;
	s6 =	simm.s32 @!p1 $0x1082;
	[sflag:s4] =	ssyncset.s32 $0xFFFFF086  }
0x25: {  	[simem:s6], [sflag:s4] =	dma.local [hbm:s3], $0xF7A  }
0x26: {  	[smem:$0x3F91] =	sst s1;
	(tag) =	ssettag s2;
	_ =	strace s9  }
0x27: {  	s1 =	sld [smem:$0x3FA1]  }
0x28: {  	s2 =	sld [smem:$0x3FA2]  }
0x29: {  	s4 =	sld [smem:$0x3FA4]  }
0x2a: {  	p0 =	seq.s32 s5, $0x0;
	s5 =	sld [smem:$0x3FA5]  }
0x2b: {  	s6 =	sld [smem:$0x3FA6]  }
0x2c: {  	s7 =	sld [smem:$0x3FA7]  }
0x2d: {  	s3 =	simm.s32 $0x108;
	s8 =	sld [smem:$0x3FA8]  }
0x2e: {  	s3 =	simm.s32 @!p0 $0x1082;
	s9 =	sld [smem:$0x3FA9]  }
0x2f: {  	lr =	sadd.s32 s0, s3;
	s0 =	sld [smem:$0x3FA0]  }
0x30: {  	s3 =	sld [smem:$0x3FA3]  }
0x31: {  	[smem:$0x3FAC] =	sst s10  }
0x32: {  	s10 =	sld [smem:$0x3FAA];
	_ =	sdelay $0x3  }
0x33: {  	p0 =	seq.s32 s10, $0x1;
	s10 =	sld [smem:$0x3FAC];
	_ =	sdelay $0x3  }
0x34: {  	[smem:$0x3FAC] =	sst s10  }
0x35: {  	s10 =	sld [smem:$0x3FAB];
	_ =	sdelay $0x3  }
0x36: {  	p1 =	seq.s32 s10, $0x1;
	s10 =	sld [smem:$0x3FAC];
	_ =	sdelay $0x3  }
0x37: {  	[smem:$0x3FAC] =	sst s10  }
0x38: {  	s10 =	sld [smem:$0x3FAD]  }
0x39: {  	_ = 	snop;
	(pc) =	sbr.ind lr, $3  }
0x3a: {  	_ = 	snop  }
0x3b: {  	_ = 	snop  }
0x3c: {  	p2 =	seq.s32 s10, $0x1;
	s10 =	sld [smem:$0x3FAC]  }
0x3d: {  	_ =	shalt  }
0x3e: {  	_ =	shalt  }
0x3f: {  	_ =	shalt  }
0x40: {  	_ =	shalt  }
0x41: {  	_ =	shalt  }
0x42: {  	_ =	shalt  }
0x43: {  	_ =	shalt  }
0x44: {  	_ =	shalt  }
0x45: {  	_ =	shalt  }
0x46: {  	_ =	shalt  }
0x47: {  	_ =	shalt  }
0x48: {  	_ =	shalt  }
0x49: {  	_ =	shalt  }
0x4a: {  	_ =	shalt  }
0x4b: {  	_ =	shalt  }
0x4c: {  	_ =	shalt  }
0x4d: {  	_ =	shalt  }
0x4e: {  	_ =	shalt  }
0x4f: {  	_ =	shalt  }
0x50: {  	_ =	shalt  }
0x51: {  	_ =	shalt  }
0x52: {  	_ =	shalt  }
0x53: {  	_ =	shalt  }
0x54: {  	_ =	shalt  }
0x55: {  	_ =	shalt  }
0x56: {  	_ =	shalt  }
0x57: {  	_ =	shalt  }
0x58: {  	_ =	shalt  }
0x59: {  	_ =	shalt  }
0x5a: {  	_ =	shalt  }
0x5b: {  	_ =	shalt  }
0x5c: {  	_ =	shalt  }
0x5d: {  	_ =	shalt  }
0x5e: {  	_ =	shalt  }
0x5f: {  	_ =	shalt  }
0x60: {  	_ =	shalt  }
0x61: {  	_ =	shalt  }
0x62: {  	_ =	shalt  }
0x63: {  	_ =	shalt  }
0x64: {  	_ =	shalt  }
0x65: {  	_ =	shalt  }
0x66: {  	_ =	shalt  }
0x67: {  	_ =	shalt  }
0x68: {  	_ =	shalt  }
0x69: {  	_ =	shalt  }
0x6a: {  	_ =	shalt  }
0x6b: {  	_ =	shalt  }
0x6c: {  	_ =	shalt  }
0x6d: {  	_ =	shalt  }
0x6e: {  	_ =	shalt  }
0x6f: {  	_ =	shalt  }
0x70: {  	_ =	shalt  }
0x71: {  	_ =	shalt  }
0x72: {  	_ =	shalt  }
0x73: {  	_ =	shalt  }
0x74: {  	_ =	shalt  }
0x75: {  	_ =	shalt  }
0x76: {  	_ =	shalt  }
0x77: {  	_ =	shalt  }
0x78: {  	_ =	shalt  }
0x79: {  	_ =	shalt  }
0x7a: {  	_ =	shalt  }
0x7b: {  	_ =	shalt  }
0x7c: {  	_ =	shalt  }
0x7d: {  	_ =	shalt  }
0x7e: {  	_ =	shalt  }
0x7f: {  	_ =	shalt  }
0x80: {  	_ =	shalt  }
0x81: {  	_ =	shalt  }
0x82: {  	_ =	shalt  }
0x83: {  	_ =	shalt  }
0x84: {  	_ =	shalt  }
0x85: {  	_ =	shalt  }
0x86: {  	_ =	shalt  }
0x87: {  	_ =	shalt  }
.Lfunc_end0:
.L_simem_size_0:
called_computation.4_lowered:
.L_overlay_start_0:
0x88: {  	s2 =	sld [smem:$0x3FD9]  }
0x89: {  	s3 =	sld [smem:$0x3FFE];
	_ =	sdelay $0x1  }
0x8a: {  	s1 =	srdreg.scid  }
0x8b: {  	s0 =	sand.u32 $0x1, s1  }
0x8c: {  	s16 =	sshll.u32 s0, $0xA;
	s2 =	sadd.s32 s3, s2  }
0x8d: {  	s2 =	sadd.s32 s2, s16  }
0x8e: {  	[smem:$0x3FB8] =	sst s2  }
0x8f: {  	_ = 	snop  }
0x90: {  	(tm) =	ssettm $0x1  }
0x91: {  	s17 =	sld [smem:$0x3FFB];
	_ =	sdelay $0x3  }
0x92: {  	_ =	strace s17  }
0x93: {  	s2 =	sld [smem:$0x3FFC];
	_ =	sdelay $0x3  }
0x94: {  	_ =	strace s2  }
0x95: {  	s2 =	sld [smem:$0x3FFD];
	_ =	sdelay $0x3  }
0x96: {  	_ =	strace s2  }
0x97: {  	_ =	strace $0x8FFFFFFF  }
0x98: {  	s18 =	sld [smem:$0x3FDB];
	_ =	sdelay $0x1  }
0x99: {  	s19 =	simm.s32 $_scs_section_size  }
0x9a: {  	s4 =	simm.s32 $_size__tile_overlayer_lowered;
	s5 =	simm.s32 $_tile_overlayer_lowered  }
0x9b: {  	s22 =	simm.s32 $0x1BFF;
	s21 =	sshll.u32 s5, $0x1;
	s2 =	sadd.s32 s19, s18  }
0x9c: {  	s6 =	simm.s32 $0x0;
	s20 =	sshll.u32 s4, $0x1;
	s4 =	sadd.s32 s21, s2  }
0x9d: {  	[timem:s6], [sflag:s22] =	dma.local [hbm:s4], s20  }
0x9e: {  	_ =	swait.ge [sflag:s22], s20  }
0x9f: {  	s3 =	ssub.s32 $0x0, s20;
	[sflag:s22] =	ssyncset.done $0x0  }
0xa0: {  	[sflag:s22] =	ssyncadd.s32 s3;
	_ =	sdelay $0x1  }
0xa1: {  	s23 =	simm.s32 $0x1B8B  }
0xa2: {  	_ =	swait.ge [sflag:s23], $0x1  }
0xa3: {  	[sflag:s23] =	ssyncset.done $0x0  }
0xa4: {  	s25 =	simm.s32 $0x1B8E;
	s24 =	sld [smem:$0x3FFE];
	[sflag:s23] =	ssyncadd.s32 $0xFFFFFFFF  }
0xa5: {  	s26 =	simm.s32 $execute0_lowered;
	[smem:$0x3FD2] =	sst s25  }
0xa6: {  	s4 =	sshll.u32 s26, $0x1;
	_ =	strace $0x80000052;
	[dreg:$0x1] =	wrdreg $0xFFFFFFFF  }
0xa7: {  	s28 =	simm.s32 $_size_execute0_lowered;
	s2 =	sadd.s32 s2, s4;
	[dreg:$0x0] =	wrdreg $0x0  }
0xa8: {  	s4 =	sshll.u32 s28, $0x1;
	[dreg:$0x2] =	wrdreg s2  }
0xa9: {  	[dreg:$0x3] =	wrdreg s4  }
0xaa: {  	[dreg:$0x4] =	wrdreg $0xC0  }
0xab: {  	_ =	task [dreg:s6], $0x5FFFF  }
0xac: {  	[dreg:$0x1] =	wrdreg $0xFFFFFFFF  }
0xad: {  	[dreg:$0x0] =	wrdreg $0x60  }
0xae: {  	[dreg:$0x2] =	wrdreg s24  }
0xaf: {  	[dreg:$0x3] =	wrdreg $0x0  }
0xb0: {  	[dreg:$0x4] =	wrdreg $0x9  }
0xb1: {  	_ =	task.clear_ibuf [dreg:s6], $0x5FFFF;
	_ =	strace $0x90000052  }
0xb2: {  	s29 =	simm.s32 $0x9;
	_ =	strace $0x80000054  }
0xb3: {  	_ =	swait.ge [sflag:s29], $0x1  }
0xb4: {  	[sflag:s29] =	ssyncadd.s32 $0xFFFFFFFF  }
0xb5: {  	_ =	strace $0x90000054  }
0xb6: {  	_ =	sfence  }
0xb7: {  	s30 =	sld [smem:$0x0];
	_ =	sdelay $0x2  }
0xb8: {  	s31 =	sshll.u32 s1, $0xD;
	s1 =	sshrl.u32 s1, $0x2  }
0xb9: {  	s3 =	sand.u32 $0x4000, s31;
	s1 =	sadd.s32 s1, s30  }
0xba: {  	s0 =	sor.u32 s3, s0;
	s1 =	sshll.u32 s1, $0x11  }
0xbb: {  	s0 =	sor.u32 s1, s0  }
0xbc: {  	s0 =	sadd.s32 $0x8F2B, s0  }
0xbd: {  	[sflag:s0] =	ssyncadd.remote.s32 $0x1  }
0xbe: {  	_ =	sfence.sel $0xFFFF  }
0xbf: {  	[dreg:$0x0] =	wrdreg $0xFFFFFFFF;
	(pc) =	sbr.abs _section_cstart, $3  }
0xc0: {  	[dreg:$0x1] =	wrdreg $0xFFFFFFFF  }
0xc1: {  	_ =	task.clear_ibuf [dreg:s6], $0x2FFFF;
	_ =	strace $0x9FFFFFFF  }
0xc2: {  	(tm) =	ssettm $0x7FFFFFFF  }
0xc3: {  	_ =	shalt  }
tec
execute0_lowered:
.L_overlay_start_1:
0x0: {  	(tag) =	ssettag $0x1  }
0x1: {  	s1 =	rddreg [dreg:$0x0]  }
0x2: {  	s0 =	srdreg.scid;
	s2 =	rddreg [dreg:$0x1]  }
0x3: {  	s12 =	stileid.u32;
	s3 =	simm.s32 $0x0;
	s28 =	simm.s32 $0x1  }
0x4: {  	s29 =	simm.s32 $0x3;
	s30 =	simm.s32 $0x50;
	s31 =	simm.s32 $0x1CF80  }
0x5: {  	s0 =	sand.u32 $0x1, s0;
	[smem:$0x7FF] =	sst s3;
	s6 =	smul.u32 $0x50000, s12  }
0x6: {  	s5 =	sadd.s32 $0x1B600, s1;
	s26 =	smul.u32 $0x2800, s12;
	s7 =	ssub.s32 $0x2, s0  }
0x7: {  	s4 =	sshll.u32 s0, $0x4;
	s10 =	sshrl.u32 s7, $0x1;
	s11 =	sshrl.u32 s6, $0x2  }
0x8: {  	_ =	strace $0x80000053;
	s10 =	ssub.s32 s7, s10;
	s7 =	sadd.s32 s11, s2  }
0x9: {  	p0 =	seq.s32 s0, $0x1;
	s0 =	simm.s32 $0x6A800;
	s11 =	sadd.s32 $0x2800, s7  }
0xa: {  	s4 =	sor.u32 s12, s4;
	s19 =	sadd.s32 $0x5000, s7;
	[dreg:$0x3] =	wrdreg s11  }
0xb: {  	s6 =	sadd.s32 $0x7A00, s1;
	s20 =	sadd.s32 $0x7800, s7;
	[dreg:$0x4] =	wrdreg s19  }
0xc: {  	s0 =	simm.s32 @!p0 $0x42800;
	s21 =	sadd.s32 $0xA000, s7;
	[dreg:$0x5] =	wrdreg s20  }
0xd: {  	s4 =	smul.u32 $0x2710, s4;
	s22 =	sadd.s32 $0xC800, s7;
	[dreg:$0x6] =	wrdreg s21  }
0xe: {  	s0 =	sadd.s32 s0, s1;
	s23 =	sadd.s32 $0xF000, s7;
	[dreg:$0x7] =	wrdreg s22  }
0xf: {  	s24 =	sadd.s32 $0x11800, s7;
	s8 =	sshrl.u32 s4, $0x3;
	[dreg:$0x8] =	wrdreg s23  }
0x10: {  	[dreg:$0x9] =	wrdreg s24;
	s20 =	smax.u32 s10, $0x1;
	s21 =	sadd.s32 s0, s26  }
0x11: {  	s22 =	simm.s32 $0x1A780;
	s23 =	simm.s32 $0x14000;
	s9 =	sadd.s32 s8, s1  }
0x12: {  	s0 =	simm.s32 $0x4;
	s16 =	sadd.s32 s6, s8;
	s9 =	sadd.s32 $0x11800, s9  }
0x13: {  	s24 =	simm.s32 $0x2;
	s8 =	sadd.s32 $0xA, s16;
	[dreg:$0xa] =	wrdreg s9  }
0x14: {  	s26 =	simm.s32 $0x0;
	s25 =	sadd.s32 $0x14, s16;
	[dreg:$0xb] =	wrdreg s8  }
0x15: {  	v0 =	vimm.f32 $0.0e+00;
	s1 =	simm.s32 $0x5;
	s19 =	sadd.s32 $0x1E, s16;
	[dreg:$0xc] =	wrdreg s25  }
.LBB2_1:
0x16: {  	s8 =	sand.u32 $0xFE00, s3  }
0x17: {  	s9 =	sand.u32 $0x70, s3;
	s10 =	sshrl.u32 s8, $0x2  }
0x18: {  	s8 =	simm.s32 $0x40;
	s10 =	sor.u32 s9, s10;
	s9 =	simm.s32 $0x0  }
.LBB2_2:
0x19: {  	p0 =	sne.s32 s8, $0x9FC0  }
0x1a: {  	[tilespmem:s10+$0x1A780] =	vst v0;
	s9 =	sadd.s32 $0x10, s9;
	s10 =	smov.u32 s8;
	s8 =	sadd.s32 $0x40, s8  }
.Ltmp0:
0x1b: {  	(pc) =	sbr.rel @p0 .LBB2_2-.Ltmp0, $4  }
0x1c: {  	_ = 	snop  }
0x1d: {  	s10 =	sand.u32 $0xFE00, s10  }
0x1e: {  	s11 =	sand.u32 $0x70, s9;
	s10 =	sshrl.u32 s10, $0x2  }
0x1f: {  	s10 =	sor.u32 s11, s10  }
0x20: {  	[tilespmem:s10+$0x1A780] =	vst v0  }
0x21: {  	[spmem:s7] =	stream.linear.scatter [tilespmem:s22], [sflag:$0x3], $0x2800, $0x38;
	[tilespmem:$0x1F780] =	vst v63  }
0x22: {  	s8 =	rddreg [dreg:$0x3]  }
0x23: {  	[spmem:s8] =	stream.linear.scatter [tilespmem:s22], [sflag:$0x3], $0x2800, $0x38;
	[tilespmem:$0x1F780] =	vst v63  }
0x24: {  	s17 =	rddreg [dreg:$0x4]  }
0x25: {  	[spmem:s17] =	stream.linear.scatter [tilespmem:s22], [sflag:$0x3], $0x2800, $0x38;
	[tilespmem:$0x1F780] =	vst v63  }
0x26: {  	s18 =	rddreg [dreg:$0x5]  }
0x27: {  	[spmem:s18] =	stream.linear.scatter [tilespmem:s22], [sflag:$0x3], $0x2800, $0x38;
	[tilespmem:$0x1F780] =	vst v63  }
0x28: {  	s25 =	rddreg [dreg:$0x6]  }
0x29: {  	[spmem:s25] =	stream.linear.scatter [tilespmem:s22], [sflag:$0x3], $0x2800, $0x38;
	[tilespmem:$0x1F780] =	vst v63  }
0x2a: {  	s9 =	rddreg [dreg:$0x7]  }
0x2b: {  	[spmem:s9] =	stream.linear.scatter [tilespmem:s22], [sflag:$0x3], $0x2800, $0x38;
	[tilespmem:$0x1F780] =	vst v63  }
0x2c: {  	s10 =	rddreg [dreg:$0x8]  }
0x2d: {  	[spmem:s10] =	stream.linear.scatter [tilespmem:s22], [sflag:$0x3], $0x2800, $0x38;
	[tilespmem:$0x1F780] =	vst v63  }
0x2e: {  	s11 =	rddreg [dreg:$0x9]  }
0x2f: {  	[spmem:s11] =	stream.linear.scatter [tilespmem:s22], [sflag:$0x3], $0x2800, $0x38;
	[tilespmem:$0x1F780] =	vst v63  }
0x30: {  	s12 =	simm.s32 $0x0;
	s9 =	rddreg [dreg:$0xa]  }
0x31: {  	[tilespmem:s23], [sflag:$0x1] =	stream.linear.gather [hbm4b:s9+s12], $0x2710, $0x38;
	[tilespmem:$0x1F780] =	vst v63  }
0x32: {  	s9 =	simm.s32 $0x16780  }
0x33: {  	[tilespmem:s9], [sflag:$0x4] =	stream.linear.gather [hbm4b:s16+s12], $0x50, $0x38;
	[tilespmem:$0x1F780] =	vst v63  }
0x34: {  	s13 =	rddreg [dreg:$0xb];
	s11 =	simm.s32 $0x16800  }
0x35: {  	[tilespmem:s11], [sflag:$0x4] =	stream.linear.gather [hbm4b:s13+s12], $0x50, $0x38;
	[tilespmem:$0x1F780] =	vst v63  }
0x36: {  	s14 =	rddreg [dreg:$0xc];
	s15 =	simm.s32 $0x16880  }
0x37: {  	[tilespmem:s15], [sflag:$0x4] =	stream.linear.gather [hbm4b:s14+s12], $0x50, $0x38;
	[tilespmem:$0x1F780] =	vst v63  }
0x38: {  	s17 =	simm.s32 $0x16900  }
0x39: {  	[tilespmem:s17], [sflag:$0x4] =	stream.linear.gather [hbm4b:s19+s12], $0x50, $0x38;
	[tilespmem:$0x1F780] =	vst v63  }
0x3a: {  	_ =	swait.ge [sflag:s28], $0x2710  }
0x3b: {  	[sflag:s28] =	ssyncset.done $0x0  }
0x3c: {  	[sflag:s28] =	ssyncadd.s32 $0xFFFFD8F0  }
0x3d: {  	_ =	swait.ge [sflag:s29], $0x2800  }
0x3e: {  	[sflag:s29] =	ssyncset.done $0x0  }
0x3f: {  	[sflag:s29] =	ssyncadd.s32 $0xFFFFD800  }
0x40: {  	_ =	swait.ge [sflag:s29], $0x2800  }
0x41: {  	[sflag:s29] =	ssyncset.done $0x0  }
0x42: {  	[sflag:s29] =	ssyncadd.s32 $0xFFFFD800  }
0x43: {  	_ =	swait.ge [sflag:s29], $0x2800  }
0x44: {  	[sflag:s29] =	ssyncset.done $0x0  }
0x45: {  	[sflag:s29] =	ssyncadd.s32 $0xFFFFD800  }
0x46: {  	_ =	swait.ge [sflag:s29], $0x2800  }
0x47: {  	[sflag:s29] =	ssyncset.done $0x0  }
0x48: {  	[sflag:s29] =	ssyncadd.s32 $0xFFFFD800  }
0x49: {  	_ =	swait.ge [sflag:s29], $0x2800  }
0x4a: {  	[sflag:s29] =	ssyncset.done $0x0  }
0x4b: {  	[sflag:s29] =	ssyncadd.s32 $0xFFFFD800  }
0x4c: {  	_ =	swait.ge [sflag:s29], $0x2800  }
0x4d: {  	[sflag:s29] =	ssyncset.done $0x0  }
0x4e: {  	s18 =	smin.u32 s12, $0x78;
	[sflag:s29] =	ssyncadd.s32 $0xFFFFD800  }
0x4f: {  	s10 =	sadd.s32 $0x4, s18;
	_ =	swait.ge [sflag:s29], $0x2800  }
0x50: {  	s8 =	smin.u32 s12, $0x77;
	s25 =	smul.u32 $0x50, s10;
	[sflag:s29] =	ssyncset.done $0x0  }
0x51: {  	s8 =	sadd.s32 $0x5, s8;
	s10 =	sshll.u32 s10, $0x7;
	[sflag:s29] =	ssyncadd.s32 $0xFFFFD800  }
0x52: {  	s11 =	sadd.s32 s4, s25;
	s12 =	smul.u32 $0x50, s8;
	_ =	swait.ge [sflag:s29], $0x2800  }
0x53: {  	s10 =	sadd.s32 $0x16780, s10;
	s11 =	sshrl.u32 s11, $0x3;
	[sflag:s29] =	ssyncset.done $0x0  }
0x54: {  	s11 =	sadd.s32 s6, s11;
	s12 =	sadd.s32 s4, s12;
	[sflag:s29] =	ssyncadd.s32 $0xFFFFD800  }
0x55: {  	[tilespmem:s22], [sflag:$0x1] =	stream.indirect.gather [hbm4b:s5+s30], $0x80, s23, s30, $0xb8;
	[tilespmem:$0x1F780] =	vst v63  }
0x56: {  	s8 =	sshll.u32 s8, $0x7;
	s12 =	sshrl.u32 s12, $0x3;
	[bflag:$0x0] =	sbarrier.arrive $0xFFFF  }
0x57: {  	[tilespmem:s10], [sflag:$0x4] =	stream.linear.gather [hbm4b:s11+s3], $0x50, $0x38;
	[tilespmem:$0x1F780] =	vst v63  }
0x58: {  	s8 =	sadd.s32 $0x16780, s8;
	s13 =	sadd.s32 s6, s12  }
0x59: {  	[tilespmem:s8], [sflag:$0x4] =	stream.linear.gather [hbm4b:s13+s3], $0x50, $0x38;
	[tilespmem:$0x1F780] =	vst v63  }
0x5a: {  	s14 =	simm.s32 $0x14050  }
0x5b: {  	[tilespmem:s31], [sflag:$0x2] =	stream.indirect.gather [hbm4b:s5+s30], $0x80, s14, s30, $0xb8;
	[tilespmem:$0x1F780] =	vst v63  }
0x5c: {  	_ =	swait.ge [sflag:s28], $0x2800  }
0x5d: {  	[sflag:s28] =	ssyncset.done $0x0  }
0x5e: {  	[sflag:s28] =	ssyncadd.s32 $0xFFFFD800  }
0x5f: {  	_ =	swait.ge [sflag:s0], $0x50  }
0x60: {  	[sflag:s0] =	ssyncset.done $0x0  }
0x61: {  	[sflag:s0] =	ssyncadd.s32 $0xFFFFFFB0  }
0x62: {  	[spmem:s2] =	stream.indirect.scatter.add.f32 [tilespmem:s22], [sflag:$0x5], $0x80, s9, s30, $0xb8;
	[tilespmem:$0x1F780] =	vst v63  }
0x63: {  	s25 =	simm.s32 $0x16880;
	s17 =	simm.s32 $0x2;
	_ =	swait.ge [sflag:s1], $0x2800  }
0x64: {  	s15 =	simm.s32 $0x140A0;
	s18 =	smin.u32 s17, $0x78;
	[sflag:s1] =	ssyncset.done $0x0  }
0x65: {  	s12 =	simm.s32 $0x16800;
	s8 =	sadd.s32 $0x4, s18;
	[sflag:s1] =	ssyncadd.s32 $0xFFFFD800  }
0x66: {  	[tilespmem:s22], [sflag:$0x1] =	stream.indirect.gather [hbm4b:s5+s30], $0x80, s15, s30, $0xb8;
	[tilespmem:$0x1F780] =	vst v63  }
0x67: {  	s11 =	simm.s32 $0x4;
	s10 =	sshll.u32 s8, $0x7;
	_ =	swait.ge [sflag:s24], $0x2800  }
0x68: {  	s14 =	smul.u32 $0x50, s8;
	s9 =	smin.u32 s17, $0x77;
	[sflag:s24] =	ssyncset.done $0x0  }
0x69: {  	s8 =	simm.s32 $0x14140;
	s13 =	sadd.s32 $0x5, s9;
	[sflag:s24] =	ssyncadd.s32 $0xFFFFD800  }
0x6a: {  	s9 =	sadd.s32 s4, s14;
	s14 =	smul.u32 $0x50, s13;
	_ =	swait.ge [sflag:s0], $0x50  }
.LBB2_4:
0x6b: {  	s15 =	sshrl.u32 s9, $0x3;
	s13 =	sshll.u32 s13, $0x7  }
0x6c: {  	[sflag:s0] =	ssyncset.done $0x0;
	s17 =	smov.u32 s11;
	s9 =	smov.u32 s25  }
0x6d: {  	s15 =	sadd.s32 s6, s15;
	s14 =	sadd.s32 s4, s14;
	[sflag:s0] =	ssyncadd.s32 $0xFFFFFFB0  }
0x6e: {  	[spmem:s2] =	stream.indirect.scatter.add.f32 [tilespmem:s31], [sflag:$0x5], $0x80, s12, s30, $0xb8;
	[tilespmem:$0x1F780] =	vst v63  }
0x6f: {  	s18 =	sadd.s32 $0x2, s11;
	s12 =	sshrl.u32 s14, $0x3;
	_ =	swait.ge [sflag:s1], $0x2800  }
0x70: {  	p0 =	sne.s32 s11, $0x7A;
	[sflag:s1] =	ssyncset.done $0x0  }
0x71: {  	s10 =	sadd.s32 $0x16780, s10;
	[sflag:s1] =	ssyncadd.s32 $0xFFFFD800  }
0x72: {  	[tilespmem:s10], [sflag:$0x4] =	stream.linear.gather [hbm4b:s15+s3], $0x50, $0x38;
	[tilespmem:$0x1F780] =	vst v63  }
0x73: {  	s11 =	sadd.s32 s6, s12;
	s10 =	sadd.s32 $0x16780, s13  }
0x74: {  	[tilespmem:s10], [sflag:$0x4] =	stream.linear.gather [hbm4b:s11+s3], $0x50, $0x38;
	[tilespmem:$0x1F780] =	vst v63  }
0x75: {  	s10 =	sadd.s32 $0xFFFFFFB0, s8  }
0x76: {  	[tilespmem:s31], [sflag:$0x2] =	stream.indirect.gather [hbm4b:s5+s30], $0x80, s10, s30, $0xb8;
	[tilespmem:$0x1F780] =	vst v63  }
0x77: {  	_ =	swait.ge [sflag:s28], $0x2800  }
0x78: {  	[sflag:s28] =	ssyncset.done $0x0  }
0x79: {  	[sflag:s28] =	ssyncadd.s32 $0xFFFFD800  }
0x7a: {  	_ =	swait.ge [sflag:s0], $0x50  }
0x7b: {  	[sflag:s0] =	ssyncset.done $0x0  }
0x7c: {  	[sflag:s0] =	ssyncadd.s32 $0xFFFFFFB0  }
0x7d: {  	[spmem:s2] =	stream.indirect.scatter.add.f32 [tilespmem:s22], [sflag:$0x5], $0x80, s25, s30, $0xb8;
	[tilespmem:$0x1F780] =	vst v63  }
0x7e: {  	_ =	swait.ge [sflag:s1], $0x2800  }
0x7f: {  	[sflag:s1] =	ssyncset.done $0x0  }
0x80: {  	s12 =	smin.u32 s17, $0x77;
	s10 =	smin.u32 s17, $0x78;
	[sflag:s1] =	ssyncadd.s32 $0xFFFFD800  }
0x81: {  	[tilespmem:s22], [sflag:$0x1] =	stream.indirect.gather [hbm4b:s5+s30], $0x80, s8, s30, $0xb8;
	[tilespmem:$0x1F780] =	vst v63  }
.Ltmp1:
0x82: {  	s25 =	sadd.s32 $0x100, s25;
	_ =	swait.ge [sflag:s24], $0x2800;
	(pc) =	sbr.rel @p0 .LBB2_4-.Ltmp1, $4  }
0x83: {  	s13 =	sadd.s32 $0x5, s12;
	s11 =	sadd.s32 $0x4, s10;
	[sflag:s24] =	ssyncset.done $0x0  }
0x84: {  	s10 =	sshll.u32 s11, $0x7;
	s11 =	smul.u32 $0x50, s11;
	[sflag:s24] =	ssyncadd.s32 $0xFFFFD800  }
0x85: {  	s12 =	sadd.s32 $0x80, s9;
	s14 =	smul.u32 $0x50, s13;
	s8 =	sadd.s32 $0xA0, s8  }
0x86: {  	s9 =	sadd.s32 s4, s11;
	s11 =	smov.u32 s18;
	_ =	swait.ge [sflag:s0], $0x50  }
0x87: {  	[sflag:s0] =	ssyncset.done $0x0  }
0x88: {  	[sflag:s0] =	ssyncadd.s32 $0xFFFFFFB0  }
0x89: {  	[spmem:s2] =	stream.indirect.scatter.add.f32 [tilespmem:s31], [sflag:$0x5], $0x80, s12, s30, $0xb8;
	[tilespmem:$0x1F780] =	vst v63  }
0x8a: {  	s9 =	sshrl.u32 s9, $0x3;
	s11 =	sshll.u32 s13, $0x7;
	_ =	swait.ge [sflag:s1], $0x2800  }
0x8b: {  	s18 =	sadd.s32 s4, s14;
	s10 =	sadd.s32 $0x16780, s10;
	[sflag:s1] =	ssyncset.done $0x0  }
0x8c: {  	s9 =	sadd.s32 s6, s9;
	s12 =	sshrl.u32 s18, $0x3;
	[sflag:s1] =	ssyncadd.s32 $0xFFFFD800  }
0x8d: {  	[tilespmem:s10], [sflag:$0x4] =	stream.linear.gather [hbm4b:s9+s3], $0x50, $0x38;
	[tilespmem:$0x1F780] =	vst v63  }
0x8e: {  	s11 =	sadd.s32 $0x16780, s11;
	s13 =	sadd.s32 s6, s12  }
0x8f: {  	[tilespmem:s11], [sflag:$0x4] =	stream.linear.gather [hbm4b:s13+s3], $0x50, $0x38;
	[tilespmem:$0x1F780] =	vst v63  }
0x90: {  	s14 =	sadd.s32 $0xFFFFFFB0, s8  }
0x91: {  	[tilespmem:s31], [sflag:$0x2] =	stream.indirect.gather [hbm4b:s5+s30], $0x80, s14, s30, $0xb8;
	[tilespmem:$0x1F780] =	vst v63  }
0x92: {  	_ =	swait.ge [sflag:s28], $0x2800  }
0x93: {  	[sflag:s28] =	ssyncset.done $0x0  }
0x94: {  	[sflag:s28] =	ssyncadd.s32 $0xFFFFD800  }
0x95: {  	_ =	swait.ge [sflag:s0], $0x50  }
0x96: {  	[sflag:s0] =	ssyncset.done $0x0  }
0x97: {  	[sflag:s0] =	ssyncadd.s32 $0xFFFFFFB0  }
0x98: {  	[spmem:s2] =	stream.indirect.scatter.add.f32 [tilespmem:s22], [sflag:$0x5], $0x80, s25, s30, $0xb8;
	[tilespmem:$0x1F780] =	vst v63  }
0x99: {  	_ =	swait.ge [sflag:s1], $0x2800  }
0x9a: {  	[sflag:s1] =	ssyncset.done $0x0  }
0x9b: {  	[sflag:s1] =	ssyncadd.s32 $0xFFFFD800  }
0x9c: {  	[tilespmem:s22], [sflag:$0x1] =	stream.indirect.gather [hbm4b:s5+s30], $0x80, s8, s30, $0xb8;
	[tilespmem:$0x1F780] =	vst v63  }
0x9d: {  	_ =	swait.ge [sflag:s24], $0x2800  }
0x9e: {  	[sflag:s24] =	ssyncset.done $0x0  }
0x9f: {  	[sflag:s24] =	ssyncadd.s32 $0xFFFFD800  }
0xa0: {  	_ =	swait.ge [sflag:s0], $0x50  }
0xa1: {  	[sflag:s0] =	ssyncset.done $0x0  }
0xa2: {  	s15 =	sadd.s32 $0x80, s25;
	[sflag:s0] =	ssyncadd.s32 $0xFFFFFFB0  }
0xa3: {  	[spmem:s2] =	stream.indirect.scatter.add.f32 [tilespmem:s31], [sflag:$0x5], $0x80, s15, s30, $0xb8;
	[tilespmem:$0x1F780] =	vst v63  }
0xa4: {  	_ =	swait.ge [sflag:s1], $0x2800  }
0xa5: {  	[sflag:s1] =	ssyncset.done $0x0  }
0xa6: {  	[sflag:s1] =	ssyncadd.s32 $0xFFFFD800  }
0xa7: {  	_ =	swait.ge [sflag:s28], $0x2800  }
0xa8: {  	[sflag:s28] =	ssyncset.done $0x0  }
0xa9: {  	[sflag:s28] =	ssyncadd.s32 $0xFFFFD800  }
0xaa: {  	_ =	swait.ge [sflag:s0], $0x50  }
0xab: {  	[sflag:s0] =	ssyncset.done $0x0  }
0xac: {  	[sflag:s0] =	ssyncadd.s32 $0xFFFFFFB0  }
0xad: {  	_ =	swait.ge [sflag:s0], $0x50  }
0xae: {  	[sflag:s0] =	ssyncset.done $0x0  }
0xaf: {  	[sflag:s0] =	ssyncadd.s32 $0xFFFFFFB0  }
0xb0: {  	_ =	swait.ge [sflag:s0], $0x50  }
0xb1: {  	[sflag:s0] =	ssyncset.done $0x0  }
0xb2: {  	[sflag:s0] =	ssyncadd.s32 $0xFFFFFFB0  }
0xb3: {  	_ =	swait.ge [sflag:s0], $0x50  }
0xb4: {  	[sflag:s0] =	ssyncset.done $0x0  }
0xb5: {  	s17 =	simm.s32 $0x1A580;
	[sflag:s0] =	ssyncadd.s32 $0xFFFFFFB0  }
0xb6: {  	[spmem:s2] =	stream.indirect.scatter.add.f32 [tilespmem:s22], [sflag:$0x5], $0x80, s17, s30, $0xb8;
	[tilespmem:$0x1F780] =	vst v63  }
0xb7: {  	s26 =	sadd.s32 $0x1, s26;
	_ =	swait.ge [sflag:s1], $0x2800  }
0xb8: {  	p0 =	sne.s32 s26, s20;
	s18 =	stileid.u32;
	[sflag:s1] =	ssyncset.done $0x0  }
0xb9: {  	s25 =	sshrl.u32 s7, $0x3;
	s8 =	sshll.u32 s18, $0x6;
	[sflag:s1] =	ssyncadd.s32 $0xFFFFD800  }
.Ltmp2:
0xba: {  	s8 =	sor.u32 $0x1C05, s8;
	[bflag:$0x0] =	sbarrier.arrive $0xFFFF;
	(pc) =	sbr.rel @p0 .LBB2_1-.Ltmp2, $4  }
0xbb: {  	[hbm:s21], [sflag:s8] =	dma.local [spmem:s25], $0x2800  }
0xbc: {  	_ =	swait.ge [sflag:s1], $0x2800  }
0xbd: {  	[sflag:s1] =	ssyncset.done $0x0  }
0xbe: {  	[sflag:s1] =	ssyncadd.s32 $0xFFFFD800  }
0xbf: {  	_ =	sfence.sel $0x180000  }
0xc0: {  	[bflag:$0x0] =	sbarrier.arrive $0xFFFF  }
0xc1: {  	_ =	strace $0x90000053  }
0xc2: {  	s0 =	stileid.u32;
	[bflag:$0x2] =	sbarrier.arrive $0xFFFF  }
0xc3: {  	p0 =	sne.s32 s0, $0x0;
	s0 =	rddreg [dreg:$0x2]  }
0xc4: {  	s0 =	sadd.s32 @!p0 $0x100000, s0  }
0xc5: {  	[sflag:s0] =	ssyncadd.tile.s32 @!p0 $0x1;
	_ =	shalt  }
.Lfunc_end2:
_tile_overlayer_lowered:
.L_overlay_start_2:
0xc6: {  	(tag) =	ssettag $0x2  }
0xc7: {  	s0 =	rddreg [dreg:$0x0];
	s2 =	stileid.u32  }
0xc8: {  	s1 =	rddreg [dreg:$0x1];
	p0 =	sne.s32 s2, $0x0  }
0xc9: {  	s3 =	rddreg [dreg:$0x2];
	[bflag:$0x3] =	sbarrier.arrive $0xFFFF;
	s2 =	simm.s32 @!p0 $0x1C05  }
0xca: {  	[timem:s3], [sflag:s2] =	dma.local @!p0 [hbm:s0], s1  }
0xcb: {  	s0 =	simm.s32 @!p0 $0x5  }
0xcc: {  	_ =	swait.ge @!p0 [sflag:s0], s1  }
0xcd: {  	s1 =	ssub.s32 @!p0 $0x0, s1;
	[sflag:s0] =	ssyncset.done @!p0 $0x0  }
0xce: {  	[sflag:s0] =	ssyncadd.s32 @!p0 s1  }
0xcf: {  	[bflag:$0x3] =	sbarrier.arrive $0xFFFF  }
0xd0: {  	_ =	shalt  }

</sc_bundles>
